<compile_context>
chip_gen: v7x
topology: tpu7x:2x2x1
jax: 0.10.2.dev20260603
libtpu: 0.0.44.dev20260713+nightly
codegen_flags: <defaults>
</compile_context>

<pallas_src>
import functools

import jax
import jax.numpy as jnp
from jax import lax
from jax.experimental import pallas as pl
from jax.experimental.pallas import tpu as pltpu
from jax.experimental.pallas import tpu_sc as plsc

_N = 10000
_E = 320000
_D = 128
_B = 64
_NC = 2
_NS = 16
_NW = _NC * _NS
_EPT = _E // _NW
_K = 125
_CH = _EPT // _K
_NP = 10240
_RPT = _NP // _NS
_ZK = 128
_ZC = _RPT // _ZK
_H = _D // 2
_NBUF = 2
_NBUF2 = 2 * _NBUF
_RBLK = 5000
_NB = _N // _RBLK



def _sc_body(with_deg, *refs):
    if with_deg:
        (tabA, tabB, src3, dst3, zrows, zdeg, ones_h,
         partA, partB, degp,
         src_v, dst_v, zr_v, ones_v, zd_v, acc, dacc) = refs[:17]
        bufs = refs[17:17 + _NBUF2]
        sg = refs[17 + _NBUF2:17 + 2 * _NBUF2]
        ss = refs[17 + 2 * _NBUF2:17 + 3 * _NBUF2]
    else:
        (tabA, tabB, src3, dst3, zrows,
         partA, partB,
         src_v, dst_v, zr_v, acc) = refs[:11]
        bufs = refs[11:11 + _NBUF2]
        sg = refs[11 + _NBUF2:11 + 2 * _NBUF2]
        ss = refs[11 + 2 * _NBUF2:11 + 3 * _NBUF2]
    c = lax.axis_index("c")
    s = lax.axis_index("s")
    wid = s * _NC + c

    ld_src = pltpu.async_copy(src3.at[wid], src_v, sg[0])
    ld_dst = pltpu.async_copy(dst3.at[wid], dst_v, sg[1])
    if with_deg:
        pltpu.sync_copy(ones_h, ones_v)
        pltpu.sync_copy(zdeg, zd_v)
        for j in range(_ZC):
            pltpu.async_copy(zd_v, dacc.at[pl.ds(s * _RPT + j * _ZK, _ZK)],
                             ss[j % _NBUF2])
        for j in range(_ZC):
            pltpu.make_async_copy(zd_v,
                                  dacc.at[pl.ds(s * _RPT + (j % _NBUF2) * _ZK,
                                                _ZK)],
                                  ss[j % _NBUF2]).wait()

    pltpu.sync_copy(zrows, zr_v)
    ld_src.wait()
    ld_dst.wait()

    for half, (tab, part) in enumerate(((tabA, partA), (tabB, partB))):
        for j in range(_ZC):
            pltpu.async_copy(zr_v, acc.at[pl.ds(s * _RPT + j * _ZK, _ZK)],
                             sg[j % _NBUF2])
        for j in range(_ZC):
            pltpu.make_async_copy(zr_v,
                                  acc.at[pl.ds(s * _RPT + (j % _NBUF2) * _ZK,
                                               _ZK)],
                                  sg[j % _NBUF2]).wait()
        plsc.subcore_barrier()

        for b in range(_NBUF):
            pltpu.async_copy(tab.at[src_v.at[b]], bufs[b], sg[b])

        def group(j, carry):
            for b in range(_NBUF2):
                i = j * _NBUF2 + b
                pltpu.make_async_copy(tab.at[src_v.at[i]], bufs[b],
                                      sg[b]).wait()
                pltpu.async_copy(bufs[b], acc.at[dst_v.at[i]], ss[b],
                                 add=True)
                if with_deg and half == 0:
                    pltpu.sync_copy(ones_v, dacc.at[dst_v.at[i]], add=True)
                b2 = (b + _NBUF) % _NBUF2

                @pl.when(i >= _NBUF)
                def _():
                    pltpu.make_async_copy(bufs[b2], acc.at[dst_v.at[i - _NBUF]],
                                          ss[b2]).wait()

                @pl.when(i + _NBUF < _CH)
                def _():
                    pltpu.async_copy(tab.at[src_v.at[i + _NBUF]], bufs[b2],
                                     sg[b2])
            return carry

        lax.fori_loop(0, _CH // _NBUF2, group, 0)
        for b in range(_NBUF, _NBUF2):
            pltpu.make_async_copy(bufs[b], acc.at[dst_v.at[0]],
                                  ss[b]).wait()
        plsc.subcore_barrier()

        pltpu.sync_copy(acc.at[pl.ds(s * _RPT, _RPT)],
                        part.at[pl.ds(c * _NP + s * _RPT, _RPT)])
        if with_deg and half == 0:
            pltpu.sync_copy(dacc.at[pl.ds(s * _RPT, _RPT)],
                            degp.at[pl.ds(c * _NP + s * _RPT, _RPT)])
        plsc.subcore_barrier()


def _make_sc_kernel(with_deg):
    mesh = plsc.VectorSubcoreMesh(core_axis_name="c", subcore_axis_name="s")
    if with_deg:
        out_type = (jax.ShapeDtypeStruct((_NC * _NP, _H), jnp.float32),
                    jax.ShapeDtypeStruct((_NC * _NP, _H), jnp.float32),
                    jax.ShapeDtypeStruct((_NC * _NP, 16), jnp.float32))
    else:
        out_type = (jax.ShapeDtypeStruct((_NC * _NP, _H), jnp.float32),
                    jax.ShapeDtypeStruct((_NC * _NP, _H), jnp.float32))
    scratch = [
        pltpu.VMEM((_CH, _K), jnp.int32),
        pltpu.VMEM((_CH, _K), jnp.int32),
        pltpu.VMEM((_ZK, _H), jnp.float32),
    ]
    if with_deg:
        scratch += [
            pltpu.VMEM((_K, 16), jnp.float32),
            pltpu.VMEM((_ZK, 16), jnp.float32),
        ]
    scratch += [
        pltpu.VMEM_SHARED((_NP, _H), jnp.float32),
    ]
    if with_deg:
        scratch += [pltpu.VMEM_SHARED((_NP, 16), jnp.float32)]
    scratch += [pltpu.VMEM((_K, _H), jnp.float32) for _ in range(_NBUF2)]
    scratch += [pltpu.SemaphoreType.DMA for _ in range(2 * _NBUF2)]
    return pl.kernel(
        functools.partial(_sc_body, with_deg),
        out_type=out_type,
        mesh=mesh,
        scratch_types=scratch,
        compiler_params=pltpu.CompilerParams(use_tc_tiling_on_sc=False),
        name="sc_segsum_deg" if with_deg else "sc_segsum",
    )



def _lin0_body(x, wt, b, nn1v, nn1b, nn2w, nn2b, o, wcol):
    i = pl.program_id(0)
    o[...] = jnp.maximum(jnp.dot(x[...], wt[...],
                                 preferred_element_type=jnp.float32) + b[...],
                         0.0)

    @pl.when(i == 0)
    def _():
        v = jnp.maximum(nn1v[...] + nn1b[...], 0.0)
        wcol[...] = jnp.dot(nn2w[...], v.reshape(_D, 1),
                            preferred_element_type=jnp.float32) + nn2b[...]


def _gru_body(pa0, pa1, pb0, pb1, d0, d1, h, w, cb, wih, whh, bih, bhh, o):
    deg = jnp.maximum(d0[:, 0:1] + d1[:, 0:1], 1.0)
    sa = (pa0[...] + pa1[...]) / deg
    sb = (pb0[...] + pb1[...]) / deg
    agg = (jnp.dot(sa, w[:_H, :], preferred_element_type=jnp.float32)
           + jnp.dot(sb, w[_H:, :], preferred_element_type=jnp.float32))
    m = jnp.maximum(agg + cb[...], 0.0)
    gi = jnp.dot(m, wih[...], preferred_element_type=jnp.float32) + bih[...]
    gh = jnp.dot(h[...], whh[...], preferred_element_type=jnp.float32) + bhh[...]
    r = jax.nn.sigmoid(gi[:, :_D] + gh[:, :_D])
    z = jax.nn.sigmoid(gi[:, _D:2 * _D] + gh[:, _D:2 * _D])
    n = jnp.tanh(gi[:, 2 * _D:] + r * gh[:, 2 * _D:])
    o[...] = (1.0 - z) * n + z * h[...]


def _s2s_body(h, bat2, wq, wr, whh, bsum, fwq, fwr, fb1, fw2, fb2,
              logp, hl_s, cl_s, rs_s, as_s):
    t = pl.program_id(0)
    f32 = jnp.float32

    @pl.when(t == 0)
    def _init():
        hl_s[...] = jnp.zeros((_B, _D), f32)
        cl_s[...] = jnp.zeros((_B, _D), f32)
        rs_s[...] = jnp.zeros((_B, _D), f32)
        as_s[...] = jnp.ones((_B, 1), f32)

    r_vec = rs_s[...] / (as_s[...] + 1e-16)
    gates = (jnp.dot(hl_s[...], wq[...], preferred_element_type=f32)
             + jnp.dot(r_vec, wr[...], preferred_element_type=f32)
             + jnp.dot(hl_s[...], whh[...], preferred_element_type=f32)
             + bsum[...])
    ig = jax.nn.sigmoid(gates[:, :_D])
    fg = jax.nn.sigmoid(gates[:, _D:2 * _D])
    gg = jnp.tanh(gates[:, 2 * _D:3 * _D])
    og = jax.nn.sigmoid(gates[:, 3 * _D:])
    c_new = fg * cl_s[...] + ig * gg
    q = og * jnp.tanh(c_new)
    cl_s[...] = c_new
    hl_s[...] = q

    bat = bat2[:, 0]
    oh = bat[:, None] == lax.broadcasted_iota(jnp.int32, (_N, _B), 1)
    ohf = oh.astype(f32)
    qg = jnp.dot(ohf, q, preferred_element_type=f32)
    e = jnp.sum(h[...] * qg, axis=1)
    emax = jnp.max(jnp.where(oh, e[:, None], -1e30), axis=0)
    a = jnp.exp(e - jnp.sum(ohf * emax[None, :], axis=1))
    oht = (lax.broadcasted_iota(jnp.int32, (_B, _N), 0)
           == bat[None, :]).astype(f32)
    cr = jnp.dot(oht, a[:, None] * h[...], preferred_element_type=f32)
    ca = jnp.dot(oht, a[:, None], preferred_element_type=f32)
    rs_s[...] = cr
    as_s[...] = ca

    @pl.when(t == 2)
    def _final():
        rv = cr / (ca + 1e-16)
        g = jnp.maximum(jnp.dot(q, fwq[...], preferred_element_type=f32)
                        + jnp.dot(rv, fwr[...], preferred_element_type=f32)
                        + fb1[...], 0.0)
        logits = jnp.dot(g, fw2[...], preferred_element_type=f32) + fb2[...]
        mx = jnp.max(logits, axis=1, keepdims=True)
        lse = mx + jnp.log(jnp.sum(jnp.exp(logits - mx), axis=1,
                                   keepdims=True))
        logp[...] = logits - lse


def _full(shape):
    return pl.BlockSpec(shape, lambda *_: tuple(0 for _ in shape))


def _rows(shape):
    nd = len(shape)
    return pl.BlockSpec(shape, lambda i: (i,) + tuple(0 for _ in range(nd - 1)))


def _rows2(shape):
    nd = len(shape)
    return pl.BlockSpec(shape, lambda p, b: (b,) + tuple(0 for _ in range(nd - 1)))


def _full2(shape):
    return pl.BlockSpec(shape, lambda p, b: tuple(0 for _ in shape))



def kernel(x, edge_index, batch, lin0_w, lin0_b, nn1_w, nn1_b, nn2_w, nn2_b,
           conv_b, gru_w_ih, gru_w_hh, gru_b_ih, gru_b_hh,
           lstm_w_ih, lstm_w_hh, lstm_b_ih, lstm_b_hh,
           fc1_w, fc1_b, fc2_w, fc2_b):
    f32 = jnp.float32
    src3 = edge_index[0].reshape(_NW, _CH, _K)
    dst3 = edge_index[1].reshape(_NW, _CH, _K)
    bat2 = batch.reshape(_N, 1)
    zrows = jnp.zeros((_ZK, _H), f32)
    zdeg = jnp.zeros((_ZK, 16), f32)
    ones_h = jnp.ones((_K, 16), f32)

    h, w_col = pl.pallas_call(
        _lin0_body,
        grid=(_NB,),
        in_specs=[_rows((_RBLK, _D)), _full((_D, _D)), _full((1, _D)),
                  _full((1, _D)), _full((1, _D)),
                  _full((_D * _D, _D)), _full((_D * _D, 1))],
        out_specs=[_rows((_RBLK, _D)), _full((_D * _D, 1))],
        out_shape=[jax.ShapeDtypeStruct((_N, _D), f32),
                   jax.ShapeDtypeStruct((_D * _D, 1), f32)],
    )(x, lin0_w.T, lin0_b.reshape(1, _D), nn1_w[:, 0].reshape(1, _D),
      nn1_b.reshape(1, _D), nn2_w, nn2_b.reshape(_D * _D, 1))
    W = w_col.reshape(_D, _D)

    sc_deg = _make_sc_kernel(True)
    sc_plain = _make_sc_kernel(False)

    gru_call = pl.pallas_call(
        _gru_body,
        grid=(_NB,),
        in_specs=[_rows((_RBLK, _H)), _rows((_RBLK, _H)),
                  _rows((_RBLK, _H)), _rows((_RBLK, _H)),
                  _rows((_RBLK, 16)), _rows((_RBLK, 16)),
                  _rows((_RBLK, _D)), _full((_D, _D)), _full((1, _D)),
                  _full((_D, 3 * _D)), _full((_D, 3 * _D)),
                  _full((1, 3 * _D)), _full((1, 3 * _D))],
        out_specs=_rows((_RBLK, _D)),
        out_shape=jax.ShapeDtypeStruct((_N, _D), f32),
    )
    wih_t = gru_w_ih.T
    whh_t = gru_w_hh.T
    bih2 = gru_b_ih.reshape(1, 3 * _D)
    bhh2 = gru_b_hh.reshape(1, 3 * _D)
    cb2 = conv_b.reshape(1, _D)

    pA, pB, degp = sc_deg(h[:, :_H], h[:, _H:], src3, dst3, zrows, zdeg,
                          ones_h)
    d0, d1 = degp[:_N], degp[_NP:_NP + _N]
    for it in range(3):
        if it > 0:
            pA, pB = sc_plain(h[:, :_H], h[:, _H:], src3, dst3, zrows)
        h = gru_call(pA[:_N], pA[_NP:_NP + _N], pB[:_N], pB[_NP:_NP + _N],
                     d0, d1, h, W, cb2, wih_t, whh_t, bih2, bhh2)

    lw = lstm_w_ih.T
    wq_l, wr_l = lw[:_D], lw[_D:]
    whh_l = lstm_w_hh.T
    bsum = (lstm_b_ih + lstm_b_hh).reshape(1, 4 * _D)
    fw = fc1_w.T

    g1 = lambda shape: pl.BlockSpec(shape, lambda t: tuple(0 for _ in shape))
    logp = pl.pallas_call(
        _s2s_body,
        grid=(3,),
        in_specs=[g1((_N, _D)), g1((_N, 1)),
                  g1((_D, 4 * _D)), g1((_D, 4 * _D)),
                  g1((_D, 4 * _D)), g1((1, 4 * _D)),
                  g1((_D, _D)), g1((_D, _D)), g1((1, _D)),
                  g1((_D, 2)), g1((1, 2))],
        out_specs=g1((_B, 2)),
        out_shape=jax.ShapeDtypeStruct((_B, 2), f32),
        scratch_shapes=[pltpu.VMEM((_B, _D), f32), pltpu.VMEM((_B, _D), f32),
                        pltpu.VMEM((_B, _D), f32), pltpu.VMEM((_B, 1), f32)],
    )(h, bat2, wq_l, wr_l, whh_l, bsum,
      fw[:_D], fw[_D:], fc1_b.reshape(1, _D), fc2_w.T, fc2_b.reshape(1, 2))
    return logp

# --- scband reference (transcript-rebuilt; emitter-appended) ---
"""Pipeline reference for scband-info-max-graphcl-79628693668031 (READ-ONLY COPY).

The authoritative reference and input builder live on the scoring server;
editing this copy changes nothing except your own understanding.
"""

import jax, jax.numpy as jnp
import numpy as np

N = 10000
E = 320000
F_IN = 128
D = 128
B = 64
C = 2


def _forward(x, edge_index, batch, lin0_w, lin0_b, nn1_w, nn1_b, nn2_w, nn2_b, conv_b,
             gru_w_ih, gru_w_hh, gru_b_ih, gru_b_hh,
             lstm_w_ih, lstm_w_hh, lstm_b_ih, lstm_b_hh,
             fc1_w, fc1_b, fc2_w, fc2_b):
    src = edge_index[0]
    dst = edge_index[1]
    out = jax.nn.relu(x @ lin0_w.T + lin0_b)
    h = out
    # NNConv edge network: edge_attr is all-ones [E,1] in the original forward, so the
    # per-edge weight matrix nn(edge_attr).reshape(D,D) is identical for every edge.
    # Compute it once and broadcast (mathematically identical to per-edge computation).
    ea = jnp.ones((1, 1), dtype=x.dtype)
    w_flat = jax.nn.relu(ea @ nn1_w.T + nn1_b) @ nn2_w.T + nn2_b
    W = w_flat.reshape(D, D)
    deg = jax.ops.segment_sum(jnp.ones((E,), dtype=x.dtype), dst, num_segments=N)
    deg = jnp.maximum(deg, 1.0)
    for _ in range(3):
        msg = out[src] @ W  # gather x_j and transform per-edge
        agg = jax.ops.segment_sum(msg, dst, num_segments=N) / deg[:, None]  # aggr='mean'
        m = jax.nn.relu(agg + conv_b)
        # GRU cell (PyTorch gate order: r, z, n)
        gi = m @ gru_w_ih.T + gru_b_ih
        gh = h @ gru_w_hh.T + gru_b_hh
        i_r, i_z, i_n = jnp.split(gi, 3, axis=1)
        h_r, h_z, h_n = jnp.split(gh, 3, axis=1)
        r = jax.nn.sigmoid(i_r + h_r)
        z = jax.nn.sigmoid(i_z + h_z)
        n = jnp.tanh(i_n + r * h_n)
        h = (1.0 - z) * n + z * h
        out = h
    # Set2Set with 3 processing steps (LSTM gate order: i, f, g, o)
    q_star = jnp.zeros((B, 2 * D), dtype=x.dtype)
    hl = jnp.zeros((B, D), dtype=x.dtype)
    cl = jnp.zeros((B, D), dtype=x.dtype)
    for _ in range(3):
        gates = q_star @ lstm_w_ih.T + lstm_b_ih + hl @ lstm_w_hh.T + lstm_b_hh
        gi_, gf_, gg_, go_ = jnp.split(gates, 4, axis=1)
        ig = jax.nn.sigmoid(gi_)
        fg = jax.nn.sigmoid(gf_)
        gg = jnp.tanh(gg_)
        og = jax.nn.sigmoid(go_)
        cl = fg * cl + ig * gg
        hl = og * jnp.tanh(cl)
        q = hl
        e = jnp.sum(out * q[batch], axis=1)
        emax = jax.ops.segment_max(e, batch, num_segments=B)
        emax = jax.lax.stop_gradient(jnp.where(jnp.isfinite(emax), emax, 0.0))
        a = jnp.exp(e - emax[batch])
        asum = jax.ops.segment_sum(a, batch, num_segments=B)
        a = a / (asum[batch] + 1e-16)
        r_vec = jax.ops.segment_sum(a[:, None] * out, batch, num_segments=B)
        q_star = jnp.concatenate([q, r_vec], axis=1)
    g = jax.nn.relu(q_star @ fc1_w.T + fc1_b)
    logits = g @ fc2_w.T + fc2_b
    return jax.nn.log_softmax(logits, axis=-1)


def setup_inputs(seed: int = 0):
    key = jax.random.key(seed)
    ks = jax.random.split(key, 16)
    def gp(k, shape, scale=0.05):
        return jax.random.normal(k, shape, dtype=jnp.float32) * scale
    inp = {}
    inp["x"] = jax.random.normal(ks[0], (N, F_IN), dtype=jnp.float32)
    inp["edge_index"] = jax.random.randint(ks[1], (2, E), 0, N)
    inp["batch"] = jnp.sort(jax.random.randint(ks[2], (N,), 0, B))
    inp["lin0_w"] = gp(ks[3], (D, F_IN))
    inp["lin0_b"] = jnp.zeros((D,), dtype=jnp.float32)
    inp["nn1_w"] = gp(ks[4], (D, 1))
    inp["nn1_b"] = jnp.zeros((D,), dtype=jnp.float32)
    inp["nn2_w"] = gp(ks[5], (D * D, D), 0.01)
    inp["nn2_b"] = jnp.zeros((D * D,), dtype=jnp.float32)
    inp["conv_b"] = jnp.zeros((D,), dtype=jnp.float32)
    inp["gru_w_ih"] = gp(ks[6], (3 * D, D))
    inp["gru_w_hh"] = gp(ks[7], (3 * D, D))
    inp["gru_b_ih"] = jnp.zeros((3 * D,), dtype=jnp.float32)
    inp["gru_b_hh"] = jnp.zeros((3 * D,), dtype=jnp.float32)
    inp["lstm_w_ih"] = gp(ks[8], (4 * D, 2 * D))
    inp["lstm_w_hh"] = gp(ks[9], (4 * D, D))
    inp["lstm_b_ih"] = jnp.zeros((4 * D,), dtype=jnp.float32)
    inp["lstm_b_hh"] = jnp.zeros((4 * D,), dtype=jnp.float32)
    inp["fc1_w"] = gp(ks[10], (D, 2 * D))
    inp["fc1_b"] = jnp.zeros((D,), dtype=jnp.float32)
    inp["fc2_w"] = gp(ks[11], (C, D))
    inp["fc2_b"] = jnp.zeros((C,), dtype=jnp.float32)
    return inp


def reference(x, edge_index, batch, lin0_w, lin0_b, nn1_w, nn1_b, nn2_w, nn2_b, conv_b,
              gru_w_ih, gru_w_hh, gru_b_ih, gru_b_hh,
              lstm_w_ih, lstm_w_hh, lstm_b_ih, lstm_b_hh,
              fc1_w, fc1_b, fc2_w, fc2_b):
    return _forward(x, edge_index, batch, lin0_w, lin0_b, nn1_w, nn1_b, nn2_w, nn2_b, conv_b,
                    gru_w_ih, gru_w_hh, gru_b_ih, gru_b_hh,
                    lstm_w_ih, lstm_w_hh, lstm_b_ih, lstm_b_hh,
                    fc1_w, fc1_b, fc2_w, fc2_b)

if __name__ == "__main__":
    import jax
    _d = setup_inputs()
    print(jax.jit(kernel)(*tuple(_d.values())))

</pallas_src>

<mosaic_0001>
#map = affine_map<(d0, d1) -> (0, 0)>
#map1 = affine_map<(d0, d1) -> (0, 0, 0)>
module attributes {stable_mosaic.version = 14 : i64} {
  func.func @sc_segsum_deg(%arg0: i32, %arg1: i32, %arg2: memref<10000x64xf32, #tpu.memory_space<hbm>>, %arg3: memref<10000x64xf32, #tpu.memory_space<hbm>>, %arg4: memref<32x80x125xi32, #tpu.memory_space<hbm>>, %arg5: memref<32x80x125xi32, #tpu.memory_space<hbm>>, %arg6: memref<128x64xf32, #tpu.memory_space<hbm>>, %arg7: memref<128x16xf32, #tpu.memory_space<hbm>>, %arg8: memref<125x16xf32, #tpu.memory_space<hbm>>, %arg9: memref<20480x64xf32, #tpu.memory_space<hbm>>, %arg10: memref<20480x64xf32, #tpu.memory_space<hbm>>, %arg11: memref<20480x16xf32, #tpu.memory_space<hbm>>, %arg12: memref<80x125xi32, #tpu.memory_space<vmem>>, %arg13: memref<80x125xi32, #tpu.memory_space<vmem>>, %arg14: memref<128x64xf32, #tpu.memory_space<vmem>>, %arg15: memref<125x16xf32, #tpu.memory_space<vmem>>, %arg16: memref<128x16xf32, #tpu.memory_space<vmem>>, %arg17: memref<10240x64xf32, #tpu.memory_space<vmem_shared>>, %arg18: memref<10240x16xf32, #tpu.memory_space<vmem_shared>>, %arg19: memref<125x64xf32, #tpu.memory_space<vmem>>, %arg20: memref<125x64xf32, #tpu.memory_space<vmem>>, %arg21: memref<125x64xf32, #tpu.memory_space<vmem>>, %arg22: memref<125x64xf32, #tpu.memory_space<vmem>>, %arg23: memref<!tpu.dma_semaphore, #tpu.memory_space<semaphore_mem>>, %arg24: memref<!tpu.dma_semaphore, #tpu.memory_space<semaphore_mem>>, %arg25: memref<!tpu.dma_semaphore, #tpu.memory_space<semaphore_mem>>, %arg26: memref<!tpu.dma_semaphore, #tpu.memory_space<semaphore_mem>>, %arg27: memref<!tpu.dma_semaphore, #tpu.memory_space<semaphore_mem>>, %arg28: memref<!tpu.dma_semaphore, #tpu.memory_space<semaphore_mem>>, %arg29: memref<!tpu.dma_semaphore, #tpu.memory_space<semaphore_mem>>, %arg30: memref<!tpu.dma_semaphore, #tpu.memory_space<semaphore_mem>>) attributes {dimension_semantics = [#tpu.dimension_semantics<core_parallel>, #tpu.dimension_semantics<subcore_parallel>], iteration_bounds = array<i64: 2, 16>, scalar_prefetch = 0 : i64, scratch_operands = 19 : i64, tpu.core_type = #tpu.core_type<sc_vector_subcore>, window_params = [{transform_indices = #map}, {transform_indices = #map}, {transform_indices = #map1}, {transform_indices = #map1}, {transform_indices = #map}, {transform_indices = #map}, {transform_indices = #map}, {transform_indices = #map}, {transform_indices = #map}, {transform_indices = #map}]} {
    %mul3A = arith.constant 2 : i32
    %mul3A_0 = arith.muli %arg1, %mul3A : i32
    %add3A = arith.addi %mul3A_0, %arg0 : i32
    %dma_start3A = arith.constant 0 : i32
    %dma_start3A_1 = arith.constant 0 : i32
    %dma_start3A_2 = tpu.memref_slice %arg4[%add3A, %dma_start3A, %dma_start3A_1] : memref<32x80x125xi32, #tpu.memory_space<hbm>> -> memref<1x80x125xi32, #tpu.memory_space<hbm>>
    %dma_start3A_3 = tpu.memref_squeeze %dma_start3A_2 : memref<1x80x125xi32, #tpu.memory_space<hbm>> -> memref<80x125xi32, #tpu.memory_space<hbm>>
    %dma_start3A_4 = arith.constant 0 : i32
    %dma_start3A_5 = arith.constant 0 : i32
    %dma_start3A_6 = tpu.memref_slice %arg4[%add3A, %dma_start3A_4, %dma_start3A_5] : memref<32x80x125xi32, #tpu.memory_space<hbm>> -> memref<1x80x125xi32, #tpu.memory_space<hbm>>
    %dma_start3A_7 = tpu.memref_squeeze %dma_start3A_6 : memref<1x80x125xi32, #tpu.memory_space<hbm>> -> memref<80x125xi32, #tpu.memory_space<hbm>>
    tpu.enqueue_dma source(%dma_start3A_7 : memref<80x125xi32, #tpu.memory_space<hbm>>) target(%arg12 : memref<80x125xi32, #tpu.memory_space<vmem>>) target_semaphore(%arg23 : memref<!tpu.dma_semaphore, #tpu.memory_space<semaphore_mem>>)
    %dma_start3A_8 = arith.constant 0 : i32
    %dma_start3A_9 = arith.constant 0 : i32
    %dma_start3A_10 = tpu.memref_slice %arg5[%add3A, %dma_start3A_8, %dma_start3A_9] : memref<32x80x125xi32, #tpu.memory_space<hbm>> -> memref<1x80x125xi32, #tpu.memory_space<hbm>>
    %dma_start3A_11 = tpu.memref_squeeze %dma_start3A_10 : memref<1x80x125xi32, #tpu.memory_space<hbm>> -> memref<80x125xi32, #tpu.memory_space<hbm>>
    %dma_start3A_12 = arith.constant 0 : i32
    %dma_start3A_13 = arith.constant 0 : i32
    %dma_start3A_14 = tpu.memref_slice %arg5[%add3A, %dma_start3A_12, %dma_start3A_13] : memref<32x80x125xi32, #tpu.memory_space<hbm>> -> memref<1x80x125xi32, #tpu.memory_space<hbm>>
    %dma_start3A_15 = tpu.memref_squeeze %dma_start3A_14 : memref<1x80x125xi32, #tpu.memory_space<hbm>> -> memref<80x125xi32, #tpu.memory_space<hbm>>
    tpu.enqueue_dma source(%dma_start3A_15 : memref<80x125xi32, #tpu.memory_space<hbm>>) target(%arg13 : memref<80x125xi32, #tpu.memory_space<vmem>>) target_semaphore(%arg24 : memref<!tpu.dma_semaphore, #tpu.memory_space<semaphore_mem>>)
    "tpu.region"() ({
      %run_scoped3A = tpu.sem_alloc : memref<!tpu.dma_semaphore, #tpu.memory_space<semaphore_mem>>
      tpu.enqueue_dma source(%arg8 : memref<125x16xf32, #tpu.memory_space<hbm>>) target(%arg15 : memref<125x16xf32, #tpu.memory_space<vmem>>) target_semaphore(%run_scoped3A : memref<!tpu.dma_semaphore, #tpu.memory_space<semaphore_mem>>)
      tpu.wait_dma2 semaphore(%run_scoped3A : memref<!tpu.dma_semaphore, #tpu.memory_space<semaphore_mem>>) src(%arg8 : memref<125x16xf32, #tpu.memory_space<hbm>>) dst(%arg15 : memref<125x16xf32, #tpu.memory_space<vmem>>)
      tpu.yield
    }) : () -> ()
    "tpu.region"() ({
      %run_scoped3A = tpu.sem_alloc : memref<!tpu.dma_semaphore, #tpu.memory_space<semaphore_mem>>
      tpu.enqueue_dma source(%arg7 : memref<128x16xf32, #tpu.memory_space<hbm>>) target(%arg16 : memref<128x16xf32, #tpu.memory_space<vmem>>) target_semaphore(%run_scoped3A : memref<!tpu.dma_semaphore, #tpu.memory_space<semaphore_mem>>)
      tpu.wait_dma2 semaphore(%run_scoped3A : memref<!tpu.dma_semaphore, #tpu.memory_space<semaphore_mem>>) src(%arg7 : memref<128x16xf32, #tpu.memory_space<hbm>>) dst(%arg16 : memref<128x16xf32, #tpu.memory_space<vmem>>)
      tpu.yield
    }) : () -> ()
    %mul3A_16 = arith.constant 640 : i32
    %mul3A_17 = arith.muli %arg1, %mul3A_16 : i32
    %add3A_18 = arith.constant 0 : i32
    %add3A_19 = arith.addi %mul3A_17, %add3A_18 : i32
    %dma_start3A_20 = arith.constant 0 : i32
    %dma_start3A_21 = tpu.memref_slice %arg18[%add3A_19, %dma_start3A_20] : memref<10240x16xf32, #tpu.memory_space<vmem_shared>> -> memref<128x16xf32, #tpu.memory_space<vmem_shared>>
    %dma_start3A_22 = arith.constant 0 : i32
    %dma_start3A_23 = tpu.memref_slice %arg18[%add3A_19, %dma_start3A_22] : memref<10240x16xf32, #tpu.memory_space<vmem_shared>> -> memref<128x16xf32, #tpu.memory_space<vmem_shared>>
    tpu.enqueue_dma source(%arg16 : memref<128x16xf32, #tpu.memory_space<vmem>>) target(%dma_start3A_23 : memref<128x16xf32, #tpu.memory_space<vmem_shared>>) target_semaphore(%arg27 : memref<!tpu.dma_semaphore, #tpu.memory_space<semaphore_mem>>)
    %mul3A_24 = arith.constant 640 : i32
    %mul3A_25 = arith.muli %arg1, %mul3A_24 : i32
    %add3A_26 = arith.constant 128 : i32
    %add3A_27 = arith.addi %mul3A_25, %add3A_26 : i32
    %dma_start3A_28 = arith.constant 0 : i32
    %dma_start3A_29 = tpu.memref_slice %arg18[%add3A_27, %dma_start3A_28] : memref<10240x16xf32, #tpu.memory_space<vmem_shared>> -> memref<128x16xf32, #tpu.memory_space<vmem_shared>>
    %dma_start3A_30 = arith.constant 0 : i32
    %dma_start3A_31 = tpu.memref_slice %arg18[%add3A_27, %dma_start3A_30] : memref<10240x16xf32, #tpu.memory_space<vmem_shared>> -> memref<128x16xf32, #tpu.memory_space<vmem_shared>>
    tpu.enqueue_dma source(%arg16 : memref<128x16xf32, #tpu.memory_space<vmem>>) target(%dma_start3A_31 : memref<128x16xf32, #tpu.memory_space<vmem_shared>>) target_semaphore(%arg28 : memref<!tpu.dma_semaphore, #tpu.memory_space<semaphore_mem>>)
    %mul3A_32 = arith.constant 640 : i32
    %mul3A_33 = arith.muli %arg1, %mul3A_32 : i32
    %add3A_34 = arith.constant 256 : i32
    %add3A_35 = arith.addi %mul3A_33, %add3A_34 : i32
    %dma_start3A_36 = arith.constant 0 : i32
    %dma_start3A_37 = tpu.memref_slice %arg18[%add3A_35, %dma_start3A_36] : memref<10240x16xf32, #tpu.memory_space<vmem_shared>> -> memref<128x16xf32, #tpu.memory_space<vmem_shared>>
    %dma_start3A_38 = arith.constant 0 : i32
    %dma_start3A_39 = tpu.memref_slice %arg18[%add3A_35, %dma_start3A_38] : memref<10240x16xf32, #tpu.memory_space<vmem_shared>> -> memref<128x16xf32, #tpu.memory_space<vmem_shared>>
    tpu.enqueue_dma source(%arg16 : memref<128x16xf32, #tpu.memory_space<vmem>>) target(%dma_start3A_39 : memref<128x16xf32, #tpu.memory_space<vmem_shared>>) target_semaphore(%arg29 : memref<!tpu.dma_semaphore, #tpu.memory_space<semaphore_mem>>)
    %mul3A_40 = arith.constant 640 : i32
    %mul3A_41 = arith.muli %arg1, %mul3A_40 : i32
    %add3A_42 = arith.constant 384 : i32
    %add3A_43 = arith.addi %mul3A_41, %add3A_42 : i32
    %dma_start3A_44 = arith.constant 0 : i32
    %dma_start3A_45 = tpu.memref_slice %arg18[%add3A_43, %dma_start3A_44] : memref<10240x16xf32, #tpu.memory_space<vmem_shared>> -> memref<128x16xf32, #tpu.memory_space<vmem_shared>>
    %dma_start3A_46 = arith.constant 0 : i32
    %dma_start3A_47 = tpu.memref_slice %arg18[%add3A_43, %dma_start3A_46] : memref<10240x16xf32, #tpu.memory_space<vmem_shared>> -> memref<128x16xf32, #tpu.memory_space<vmem_shared>>
    tpu.enqueue_dma source(%arg16 : memref<128x16xf32, #tpu.memory_space<vmem>>) target(%dma_start3A_47 : memref<128x16xf32, #tpu.memory_space<vmem_shared>>) target_semaphore(%arg30 : memref<!tpu.dma_semaphore, #tpu.memory_space<semaphore_mem>>)
    %mul3A_48 = arith.constant 640 : i32
    %mul3A_49 = arith.muli %arg1, %mul3A_48 : i32
    %add3A_50 = arith.constant 512 : i32
    %add3A_51 = arith.addi %mul3A_49, %add3A_50 : i32
    %dma_start3A_52 = arith.constant 0 : i32
    %dma_start3A_53 = tpu.memref_slice %arg18[%add3A_51, %dma_start3A_52] : memref<10240x16xf32, #tpu.memory_space<vmem_shared>> -> memref<128x16xf32, #tpu.memory_space<vmem_shared>>
    %dma_start3A_54 = arith.constant 0 : i32
    %dma_start3A_55 = tpu.memref_slice %arg18[%add3A_51, %dma_start3A_54] : memref<10240x16xf32, #tpu.memory_space<vmem_shared>> -> memref<128x16xf32, #tpu.memory_space<vmem_shared>>
    tpu.enqueue_dma source(%arg16 : memref<128x16xf32, #tpu.memory_space<vmem>>) target(%dma_start3A_55 : memref<128x16xf32, #tpu.memory_space<vmem_shared>>) target_semaphore(%arg27 : memref<!tpu.dma_semaphore, #tpu.memory_space<semaphore_mem>>)
    %mul3A_56 = arith.constant 640 : i32
    %mul3A_57 = arith.muli %arg1, %mul3A_56 : i32
    %add3A_58 = arith.constant 0 : i32
    %add3A_59 = arith.addi %mul3A_57, %add3A_58 : i32
    %dma_wait3A = arith.constant 0 : i32
    %dma_wait3A_60 = tpu.memref_slice %arg18[%add3A_59, %dma_wait3A] : memref<10240x16xf32, #tpu.memory_space<vmem_shared>> -> memref<128x16xf32, #tpu.memory_space<vmem_shared>>
    %dma_wait3A_61 = arith.constant 0 : i32
    %dma_wait3A_62 = tpu.memref_slice %arg18[%add3A_59, %dma_wait3A_61] : memref<10240x16xf32, #tpu.memory_space<vmem_shared>> -> memref<128x16xf32, #tpu.memory_space<vmem_shared>>
    tpu.wait_dma2 semaphore(%arg27 : memref<!tpu.dma_semaphore, #tpu.memory_space<semaphore_mem>>) src(%arg16 : memref<128x16xf32, #tpu.memory_space<vmem>>) dst(%dma_wait3A_62 : memref<128x16xf32, #tpu.memory_space<vmem_shared>>)
    %mul3A_63 = arith.constant 640 : i32
    %mul3A_64 = arith.muli %arg1, %mul3A_63 : i32
    %add3A_65 = arith.constant 128 : i32
    %add3A_66 = arith.addi %mul3A_64, %add3A_65 : i32
    %dma_wait3A_67 = arith.constant 0 : i32
    %dma_wait3A_68 = tpu.memref_slice %arg18[%add3A_66, %dma_wait3A_67] : memref<10240x16xf32, #tpu.memory_space<vmem_shared>> -> memref<128x16xf32, #tpu.memory_space<vmem_shared>>
    %dma_wait3A_69 = arith.constant 0 : i32
    %dma_wait3A_70 = tpu.memref_slice %arg18[%add3A_66, %dma_wait3A_69] : memref<10240x16xf32, #tpu.memory_space<vmem_shared>> -> memref<128x16xf32, #tpu.memory_space<vmem_shared>>
    tpu.wait_dma2 semaphore(%arg28 : memref<!tpu.dma_semaphore, #tpu.memory_space<semaphore_mem>>) src(%arg16 : memref<128x16xf32, #tpu.memory_space<vmem>>) dst(%dma_wait3A_70 : memref<128x16xf32, #tpu.memory_space<vmem_shared>>)
    %mul3A_71 = arith.constant 640 : i32
    %mul3A_72 = arith.muli %arg1, %mul3A_71 : i32
    %add3A_73 = arith.constant 256 : i32
    %add3A_74 = arith.addi %mul3A_72, %add3A_73 : i32
    %dma_wait3A_75 = arith.constant 0 : i32
    %dma_wait3A_76 = tpu.memref_slice %arg18[%add3A_74, %dma_wait3A_75] : memref<10240x16xf32, #tpu.memory_space<vmem_shared>> -> memref<128x16xf32, #tpu.memory_space<vmem_shared>>
    %dma_wait3A_77 = arith.constant 0 : i32
    %dma_wait3A_78 = tpu.memref_slice %arg18[%add3A_74, %dma_wait3A_77] : memref<10240x16xf32, #tpu.memory_space<vmem_shared>> -> memref<128x16xf32, #tpu.memory_space<vmem_shared>>
    tpu.wait_dma2 semaphore(%arg29 : memref<!tpu.dma_semaphore, #tpu.memory_space<semaphore_mem>>) src(%arg16 : memref<128x16xf32, #tpu.memory_space<vmem>>) dst(%dma_wait3A_78 : memref<128x16xf32, #tpu.memory_space<vmem_shared>>)
    %mul3A_79 = arith.constant 640 : i32
    %mul3A_80 = arith.muli %arg1, %mul3A_79 : i32
    %add3A_81 = arith.constant 384 : i32
    %add3A_82 = arith.addi %mul3A_80, %add3A_81 : i32
    %dma_wait3A_83 = arith.constant 0 : i32
    %dma_wait3A_84 = tpu.memref_slice %arg18[%add3A_82, %dma_wait3A_83] : memref<10240x16xf32, #tpu.memory_space<vmem_shared>> -> memref<128x16xf32, #tpu.memory_space<vmem_shared>>
    %dma_wait3A_85 = arith.constant 0 : i32
    %dma_wait3A_86 = tpu.memref_slice %arg18[%add3A_82, %dma_wait3A_85] : memref<10240x16xf32, #tpu.memory_space<vmem_shared>> -> memref<128x16xf32, #tpu.memory_space<vmem_shared>>
    tpu.wait_dma2 semaphore(%arg30 : memref<!tpu.dma_semaphore, #tpu.memory_space<semaphore_mem>>) src(%arg16 : memref<128x16xf32, #tpu.memory_space<vmem>>) dst(%dma_wait3A_86 : memref<128x16xf32, #tpu.memory_space<vmem_shared>>)
    %mul3A_87 = arith.constant 640 : i32
    %mul3A_88 = arith.muli %arg1, %mul3A_87 : i32
    %add3A_89 = arith.constant 0 : i32
    %add3A_90 = arith.addi %mul3A_88, %add3A_89 : i32
    %dma_wait3A_91 = arith.constant 0 : i32
    %dma_wait3A_92 = tpu.memref_slice %arg18[%add3A_90, %dma_wait3A_91] : memref<10240x16xf32, #tpu.memory_space<vmem_shared>> -> memref<128x16xf32, #tpu.memory_space<vmem_shared>>
    %dma_wait3A_93 = arith.constant 0 : i32
    %dma_wait3A_94 = tpu.memref_slice %arg18[%add3A_90, %dma_wait3A_93] : memref<10240x16xf32, #tpu.memory_space<vmem_shared>> -> memref<128x16xf32, #tpu.memory_space<vmem_shared>>
    tpu.wait_dma2 semaphore(%arg27 : memref<!tpu.dma_semaphore, #tpu.memory_space<semaphore_mem>>) src(%arg16 : memref<128x16xf32, #tpu.memory_space<vmem>>) dst(%dma_wait3A_94 : memref<128x16xf32, #tpu.memory_space<vmem_shared>>)
    "tpu.region"() ({
      %run_scoped3A = tpu.sem_alloc : memref<!tpu.dma_semaphore, #tpu.memory_space<semaphore_mem>>
      tpu.enqueue_dma source(%arg6 : memref<128x64xf32, #tpu.memory_space<hbm>>) target(%arg14 : memref<128x64xf32, #tpu.memory_space<vmem>>) target_semaphore(%run_scoped3A : memref<!tpu.dma_semaphore, #tpu.memory_space<semaphore_mem>>)
      tpu.wait_dma2 semaphore(%run_scoped3A : memref<!tpu.dma_semaphore, #tpu.memory_space<semaphore_mem>>) src(%arg6 : memref<128x64xf32, #tpu.memory_space<hbm>>) dst(%arg14 : memref<128x64xf32, #tpu.memory_space<vmem>>)
      tpu.yield
    }) : () -> ()
    %dma_wait3A_95 = arith.constant 0 : i32
    %dma_wait3A_96 = arith.constant 0 : i32
    %dma_wait3A_97 = tpu.memref_slice %arg4[%add3A, %dma_wait3A_95, %dma_wait3A_96] : memref<32x80x125xi32, #tpu.memory_space<hbm>> -> memref<1x80x125xi32, #tpu.memory_space<hbm>>
    %dma_wait3A_98 = tpu.memref_squeeze %dma_wait3A_97 : memref<1x80x125xi32, #tpu.memory_space<hbm>> -> memref<80x125xi32, #tpu.memory_space<hbm>>
    %dma_wait3A_99 = arith.constant 0 : i32
    %dma_wait3A_100 = arith.constant 0 : i32
    %dma_wait3A_101 = tpu.memref_slice %arg4[%add3A, %dma_wait3A_99, %dma_wait3A_100] : memref<32x80x125xi32, #tpu.memory_space<hbm>> -> memref<1x80x125xi32, #tpu.memory_space<hbm>>
    %dma_wait3A_102 = tpu.memref_squeeze %dma_wait3A_101 : memref<1x80x125xi32, #tpu.memory_space<hbm>> -> memref<80x125xi32, #tpu.memory_space<hbm>>
    tpu.wait_dma2 semaphore(%arg23 : memref<!tpu.dma_semaphore, #tpu.memory_space<semaphore_mem>>) src(%dma_wait3A_102 : memref<80x125xi32, #tpu.memory_space<hbm>>) dst(%arg12 : memref<80x125xi32, #tpu.memory_space<vmem>>)
    %dma_wait3A_103 = arith.constant 0 : i32
    %dma_wait3A_104 = arith.constant 0 : i32
    %dma_wait3A_105 = tpu.memref_slice %arg5[%add3A, %dma_wait3A_103, %dma_wait3A_104] : memref<32x80x125xi32, #tpu.memory_space<hbm>> -> memref<1x80x125xi32, #tpu.memory_space<hbm>>
    %dma_wait3A_106 = tpu.memref_squeeze %dma_wait3A_105 : memref<1x80x125xi32, #tpu.memory_space<hbm>> -> memref<80x125xi32, #tpu.memory_space<hbm>>
    %dma_wait3A_107 = arith.constant 0 : i32
    %dma_wait3A_108 = arith.constant 0 : i32
    %dma_wait3A_109 = tpu.memref_slice %arg5[%add3A, %dma_wait3A_107, %dma_wait3A_108] : memref<32x80x125xi32, #tpu.memory_space<hbm>> -> memref<1x80x125xi32, #tpu.memory_space<hbm>>
    %dma_wait3A_110 = tpu.memref_squeeze %dma_wait3A_109 : memref<1x80x125xi32, #tpu.memory_space<hbm>> -> memref<80x125xi32, #tpu.memory_space<hbm>>
    tpu.wait_dma2 semaphore(%arg24 : memref<!tpu.dma_semaphore, #tpu.memory_space<semaphore_mem>>) src(%dma_wait3A_110 : memref<80x125xi32, #tpu.memory_space<hbm>>) dst(%arg13 : memref<80x125xi32, #tpu.memory_space<vmem>>)
    %mul3A_111 = arith.constant 640 : i32
    %mul3A_112 = arith.muli %arg1, %mul3A_111 : i32
    %add3A_113 = arith.constant 0 : i32
    %add3A_114 = arith.addi %mul3A_112, %add3A_113 : i32
    %dma_start3A_115 = arith.constant 0 : i32
    %dma_start3A_116 = tpu.memref_slice %arg17[%add3A_114, %dma_start3A_115] : memref<10240x64xf32, #tpu.memory_space<vmem_shared>> -> memref<128x64xf32, #tpu.memory_space<vmem_shared>>
    %dma_start3A_117 = arith.constant 0 : i32
    %dma_start3A_118 = tpu.memref_slice %arg17[%add3A_114, %dma_start3A_117] : memref<10240x64xf32, #tpu.memory_space<vmem_shared>> -> memref<128x64xf32, #tpu.memory_space<vmem_shared>>
    tpu.enqueue_dma source(%arg14 : memref<128x64xf32, #tpu.memory_space<vmem>>) target(%dma_start3A_118 : memref<128x64xf32, #tpu.memory_space<vmem_shared>>) target_semaphore(%arg23 : memref<!tpu.dma_semaphore, #tpu.memory_space<semaphore_mem>>)
    %mul3A_119 = arith.constant 640 : i32
    %mul3A_120 = arith.muli %arg1, %mul3A_119 : i32
    %add3A_121 = arith.constant 128 : i32
    %add3A_122 = arith.addi %mul3A_120, %add3A_121 : i32
    %dma_start3A_123 = arith.constant 0 : i32
    %dma_start3A_124 = tpu.memref_slice %arg17[%add3A_122, %dma_start3A_123] : memref<10240x64xf32, #tpu.memory_space<vmem_shared>> -> memref<128x64xf32, #tpu.memory_space<vmem_shared>>
    %dma_start3A_125 = arith.constant 0 : i32
    %dma_start3A_126 = tpu.memref_slice %arg17[%add3A_122, %dma_start3A_125] : memref<10240x64xf32, #tpu.memory_space<vmem_shared>> -> memref<128x64xf32, #tpu.memory_space<vmem_shared>>
    tpu.enqueue_dma source(%arg14 : memref<128x64xf32, #tpu.memory_space<vmem>>) target(%dma_start3A_126 : memref<128x64xf32, #tpu.memory_space<vmem_shared>>) target_semaphore(%arg24 : memref<!tpu.dma_semaphore, #tpu.memory_space<semaphore_mem>>)
    %mul3A_127 = arith.constant 640 : i32
    %mul3A_128 = arith.muli %arg1, %mul3A_127 : i32
    %add3A_129 = arith.constant 256 : i32
    %add3A_130 = arith.addi %mul3A_128, %add3A_129 : i32
    %dma_start3A_131 = arith.constant 0 : i32
    %dma_start3A_132 = tpu.memref_slice %arg17[%add3A_130, %dma_start3A_131] : memref<10240x64xf32, #tpu.memory_space<vmem_shared>> -> memref<128x64xf32, #tpu.memory_space<vmem_shared>>
    %dma_start3A_133 = arith.constant 0 : i32
    %dma_start3A_134 = tpu.memref_slice %arg17[%add3A_130, %dma_start3A_133] : memref<10240x64xf32, #tpu.memory_space<vmem_shared>> -> memref<128x64xf32, #tpu.memory_space<vmem_shared>>
    tpu.enqueue_dma source(%arg14 : memref<128x64xf32, #tpu.memory_space<vmem>>) target(%dma_start3A_134 : memref<128x64xf32, #tpu.memory_space<vmem_shared>>) target_semaphore(%arg25 : memref<!tpu.dma_semaphore, #tpu.memory_space<semaphore_mem>>)
    %mul3A_135 = arith.constant 640 : i32
    %mul3A_136 = arith.muli %arg1, %mul3A_135 : i32
    %add3A_137 = arith.constant 384 : i32
    %add3A_138 = arith.addi %mul3A_136, %add3A_137 : i32
    %dma_start3A_139 = arith.constant 0 : i32
    %dma_start3A_140 = tpu.memref_slice %arg17[%add3A_138, %dma_start3A_139] : memref<10240x64xf32, #tpu.memory_space<vmem_shared>> -> memref<128x64xf32, #tpu.memory_space<vmem_shared>>
    %dma_start3A_141 = arith.constant 0 : i32
    %dma_start3A_142 = tpu.memref_slice %arg17[%add3A_138, %dma_start3A_141] : memref<10240x64xf32, #tpu.memory_space<vmem_shared>> -> memref<128x64xf32, #tpu.memory_space<vmem_shared>>
    tpu.enqueue_dma source(%arg14 : memref<128x64xf32, #tpu.memory_space<vmem>>) target(%dma_start3A_142 : memref<128x64xf32, #tpu.memory_space<vmem_shared>>) target_semaphore(%arg26 : memref<!tpu.dma_semaphore, #tpu.memory_space<semaphore_mem>>)
    %mul3A_143 = arith.constant 640 : i32
    %mul3A_144 = arith.muli %arg1, %mul3A_143 : i32
    %add3A_145 = arith.constant 512 : i32
    %add3A_146 = arith.addi %mul3A_144, %add3A_145 : i32
    %dma_start3A_147 = arith.constant 0 : i32
    %dma_start3A_148 = tpu.memref_slice %arg17[%add3A_146, %dma_start3A_147] : memref<10240x64xf32, #tpu.memory_space<vmem_shared>> -> memref<128x64xf32, #tpu.memory_space<vmem_shared>>
    %dma_start3A_149 = arith.constant 0 : i32
    %dma_start3A_150 = tpu.memref_slice %arg17[%add3A_146, %dma_start3A_149] : memref<10240x64xf32, #tpu.memory_space<vmem_shared>> -> memref<128x64xf32, #tpu.memory_space<vmem_shared>>
    tpu.enqueue_dma source(%arg14 : memref<128x64xf32, #tpu.memory_space<vmem>>) target(%dma_start3A_150 : memref<128x64xf32, #tpu.memory_space<vmem_shared>>) target_semaphore(%arg23 : memref<!tpu.dma_semaphore, #tpu.memory_space<semaphore_mem>>)
    %mul3A_151 = arith.constant 640 : i32
    %mul3A_152 = arith.muli %arg1, %mul3A_151 : i32
    %add3A_153 = arith.constant 0 : i32
    %add3A_154 = arith.addi %mul3A_152, %add3A_153 : i32
    %dma_wait3A_155 = arith.constant 0 : i32
    %dma_wait3A_156 = tpu.memref_slice %arg17[%add3A_154, %dma_wait3A_155] : memref<10240x64xf32, #tpu.memory_space<vmem_shared>> -> memref<128x64xf32, #tpu.memory_space<vmem_shared>>
    %dma_wait3A_157 = arith.constant 0 : i32
    %dma_wait3A_158 = tpu.memref_slice %arg17[%add3A_154, %dma_wait3A_157] : memref<10240x64xf32, #tpu.memory_space<vmem_shared>> -> memref<128x64xf32, #tpu.memory_space<vmem_shared>>
    tpu.wait_dma2 semaphore(%arg23 : memref<!tpu.dma_semaphore, #tpu.memory_space<semaphore_mem>>) src(%arg14 : memref<128x64xf32, #tpu.memory_space<vmem>>) dst(%dma_wait3A_158 : memref<128x64xf32, #tpu.memory_space<vmem_shared>>)
    %mul3A_159 = arith.constant 640 : i32
    %mul3A_160 = arith.muli %arg1, %mul3A_159 : i32
    %add3A_161 = arith.constant 128 : i32
    %add3A_162 = arith.addi %mul3A_160, %add3A_161 : i32
    %dma_wait3A_163 = arith.constant 0 : i32
    %dma_wait3A_164 = tpu.memref_slice %arg17[%add3A_162, %dma_wait3A_163] : memref<10240x64xf32, #tpu.memory_space<vmem_shared>> -> memref<128x64xf32, #tpu.memory_space<vmem_shared>>
    %dma_wait3A_165 = arith.constant 0 : i32
    %dma_wait3A_166 = tpu.memref_slice %arg17[%add3A_162, %dma_wait3A_165] : memref<10240x64xf32, #tpu.memory_space<vmem_shared>> -> memref<128x64xf32, #tpu.memory_space<vmem_shared>>
    tpu.wait_dma2 semaphore(%arg24 : memref<!tpu.dma_semaphore, #tpu.memory_space<semaphore_mem>>) src(%arg14 : memref<128x64xf32, #tpu.memory_space<vmem>>) dst(%dma_wait3A_166 : memref<128x64xf32, #tpu.memory_space<vmem_shared>>)
    %mul3A_167 = arith.constant 640 : i32
    %mul3A_168 = arith.muli %arg1, %mul3A_167 : i32
    %add3A_169 = arith.constant 256 : i32
    %add3A_170 = arith.addi %mul3A_168, %add3A_169 : i32
    %dma_wait3A_171 = arith.constant 0 : i32
    %dma_wait3A_172 = tpu.memref_slice %arg17[%add3A_170, %dma_wait3A_171] : memref<10240x64xf32, #tpu.memory_space<vmem_shared>> -> memref<128x64xf32, #tpu.memory_space<vmem_shared>>
    %dma_wait3A_173 = arith.constant 0 : i32
    %dma_wait3A_174 = tpu.memref_slice %arg17[%add3A_170, %dma_wait3A_173] : memref<10240x64xf32, #tpu.memory_space<vmem_shared>> -> memref<128x64xf32, #tpu.memory_space<vmem_shared>>
    tpu.wait_dma2 semaphore(%arg25 : memref<!tpu.dma_semaphore, #tpu.memory_space<semaphore_mem>>) src(%arg14 : memref<128x64xf32, #tpu.memory_space<vmem>>) dst(%dma_wait3A_174 : memref<128x64xf32, #tpu.memory_space<vmem_shared>>)
    %mul3A_175 = arith.constant 640 : i32
    %mul3A_176 = arith.muli %arg1, %mul3A_175 : i32
    %add3A_177 = arith.constant 384 : i32
    %add3A_178 = arith.addi %mul3A_176, %add3A_177 : i32
    %dma_wait3A_179 = arith.constant 0 : i32
    %dma_wait3A_180 = tpu.memref_slice %arg17[%add3A_178, %dma_wait3A_179] : memref<10240x64xf32, #tpu.memory_space<vmem_shared>> -> memref<128x64xf32, #tpu.memory_space<vmem_shared>>
    %dma_wait3A_181 = arith.constant 0 : i32
    %dma_wait3A_182 = tpu.memref_slice %arg17[%add3A_178, %dma_wait3A_181] : memref<10240x64xf32, #tpu.memory_space<vmem_shared>> -> memref<128x64xf32, #tpu.memory_space<vmem_shared>>
    tpu.wait_dma2 semaphore(%arg26 : memref<!tpu.dma_semaphore, #tpu.memory_space<semaphore_mem>>) src(%arg14 : memref<128x64xf32, #tpu.memory_space<vmem>>) dst(%dma_wait3A_182 : memref<128x64xf32, #tpu.memory_space<vmem_shared>>)
    %mul3A_183 = arith.constant 640 : i32
    %mul3A_184 = arith.muli %arg1, %mul3A_183 : i32
    %add3A_185 = arith.constant 0 : i32
    %add3A_186 = arith.addi %mul3A_184, %add3A_185 : i32
    %dma_wait3A_187 = arith.constant 0 : i32
    %dma_wait3A_188 = tpu.memref_slice %arg17[%add3A_186, %dma_wait3A_187] : memref<10240x64xf32, #tpu.memory_space<vmem_shared>> -> memref<128x64xf32, #tpu.memory_space<vmem_shared>>
    %dma_wait3A_189 = arith.constant 0 : i32
    %dma_wait3A_190 = tpu.memref_slice %arg17[%add3A_186, %dma_wait3A_189] : memref<10240x64xf32, #tpu.memory_space<vmem_shared>> -> memref<128x64xf32, #tpu.memory_space<vmem_shared>>
    tpu.wait_dma2 semaphore(%arg23 : memref<!tpu.dma_semaphore, #tpu.memory_space<semaphore_mem>>) src(%arg14 : memref<128x64xf32, #tpu.memory_space<vmem>>) dst(%dma_wait3A_190 : memref<128x64xf32, #tpu.memory_space<vmem_shared>>)
    %barrier3A = arith.constant 0 : index
    tpu.barrier barrier_id(%barrier3A)
    %dma_start3A_191 = arith.constant 0 : i32
    %dma_start3A_192 = arith.constant 0 : i32
    %dma_start3A_193 = tpu.memref_slice %arg12[%dma_start3A_191, %dma_start3A_192] : memref<80x125xi32, #tpu.memory_space<vmem>> -> memref<1x125xi32, #tpu.memory_space<vmem>>
    %dma_start3A_194 = tpu.memref_squeeze %dma_start3A_193 : memref<1x125xi32, #tpu.memory_space<vmem>> -> memref<125xi32, #tpu.memory_space<vmem>>
    %dma_start3A_195 = arith.constant 0 : i32
    %dma_start3A_196 = arith.constant 0 : i32
    %dma_start3A_197 = tpu.memref_slice %arg2[%dma_start3A_195, %dma_start3A_196] : memref<10000x64xf32, #tpu.memory_space<hbm>> -> memref<10000x64xf32, #tpu.memory_space<hbm>>
    tpu.enqueue_indirect_dma source(%dma_start3A_197 : memref<10000x64xf32, #tpu.memory_space<hbm>>) target(%arg19 : memref<125x64xf32, #tpu.memory_space<vmem>>) offsets(%dma_start3A_194 : memref<125xi32, #tpu.memory_space<vmem>>) semaphore(%arg23 : memref<!tpu.dma_semaphore, #tpu.memory_space<semaphore_mem>>)
    %dma_start3A_198 = arith.constant 1 : i32
    %dma_start3A_199 = arith.constant 0 : i32
    %dma_start3A_200 = tpu.memref_slice %arg12[%dma_start3A_198, %dma_start3A_199] : memref<80x125xi32, #tpu.memory_space<vmem>> -> memref<1x125xi32, #tpu.memory_space<vmem>>
    %dma_start3A_201 = tpu.memref_squeeze %dma_start3A_200 : memref<1x125xi32, #tpu.memory_space<vmem>> -> memref<125xi32, #tpu.memory_space<vmem>>
    %dma_start3A_202 = arith.constant 0 : i32
    %dma_start3A_203 = arith.constant 0 : i32
    %dma_start3A_204 = tpu.memref_slice %arg2[%dma_start3A_202, %dma_start3A_203] : memref<10000x64xf32, #tpu.memory_space<hbm>> -> memref<10000x64xf32, #tpu.memory_space<hbm>>
    tpu.enqueue_indirect_dma source(%dma_start3A_204 : memref<10000x64xf32, #tpu.memory_space<hbm>>) target(%arg20 : memref<125x64xf32, #tpu.memory_space<vmem>>) offsets(%dma_start3A_201 : memref<125xi32, #tpu.memory_space<vmem>>) semaphore(%arg24 : memref<!tpu.dma_semaphore, #tpu.memory_space<semaphore_mem>>)
    %scan3A = arith.constant 0 : i32
    %scan3A_205 = arith.constant 0 : i32
    %scan3A_206 = arith.constant 20 : i32
    %scan3A_207 = arith.addi %scan3A_205, %scan3A_206 : i32
    %scan3A_208 = arith.constant 1 : i32
    scf.for %scan3A_364 = %scan3A_205 to %scan3A_207 step %scan3A_208  : i32 {
      %mul3A_365 = arith.constant 4 : i32
      %mul3A_366 = arith.muli %scan3A_364, %mul3A_365 : i32
      %add3A_367 = arith.constant 0 : i32
      %add3A_368 = arith.addi %mul3A_366, %add3A_367 : i32
      %dma_wait3A_369 = arith.constant 0 : i32
      %dma_wait3A_370 = tpu.memref_slice %arg12[%add3A_368, %dma_wait3A_369] : memref<80x125xi32, #tpu.memory_space<vmem>> -> memref<1x125xi32, #tpu.memory_space<vmem>>
      %dma_wait3A_371 = tpu.memref_squeeze %dma_wait3A_370 : memref<1x125xi32, #tpu.memory_space<vmem>> -> memref<125xi32, #tpu.memory_space<vmem>>
      %dma_wait3A_372 = arith.constant 0 : i32
      %dma_wait3A_373 = arith.constant 0 : i32
      %dma_wait3A_374 = tpu.memref_slice %arg2[%dma_wait3A_372, %dma_wait3A_373] : memref<10000x64xf32, #tpu.memory_space<hbm>> -> memref<10000x64xf32, #tpu.memory_space<hbm>>
      tpu.wait_indirect_dma semaphore(%arg23 : memref<!tpu.dma_semaphore, #tpu.memory_space<semaphore_mem>>) src(%dma_wait3A_374 : memref<10000x64xf32, #tpu.memory_space<hbm>>) dst(%arg19 : memref<125x64xf32, #tpu.memory_space<vmem>>)
      %dma_start3A_375 = arith.constant 0 : i32
      %dma_start3A_376 = tpu.memref_slice %arg13[%add3A_368, %dma_start3A_375] : memref<80x125xi32, #tpu.memory_space<vmem>> -> memref<1x125xi32, #tpu.memory_space<vmem>>
      %dma_start3A_377 = tpu.memref_squeeze %dma_start3A_376 : memref<1x125xi32, #tpu.memory_space<vmem>> -> memref<125xi32, #tpu.memory_space<vmem>>
      %dma_start3A_378 = arith.constant 0 : i32
      %dma_start3A_379 = arith.constant 0 : i32
      %dma_start3A_380 = tpu.memref_slice %arg17[%dma_start3A_378, %dma_start3A_379] : memref<10240x64xf32, #tpu.memory_space<vmem_shared>> -> memref<10240x64xf32, #tpu.memory_space<vmem_shared>>
      tpu.enqueue_indirect_dma source(%arg19 : memref<125x64xf32, #tpu.memory_space<vmem>>) target(%dma_start3A_380 : memref<10240x64xf32, #tpu.memory_space<vmem_shared>>) offsets(%dma_start3A_377 : memref<125xi32, #tpu.memory_space<vmem>>) semaphore(%arg27 : memref<!tpu.dma_semaphore, #tpu.memory_space<semaphore_mem>>) {add = true}
      "tpu.region"() ({
        %run_scoped3A = tpu.sem_alloc : memref<!tpu.dma_semaphore, #tpu.memory_space<semaphore_mem>>
        %dma_start3A_473 = arith.constant 0 : i32
        %dma_start3A_474 = tpu.memref_slice %arg13[%add3A_368, %dma_start3A_473] : memref<80x125xi32, #tpu.memory_space<vmem>> -> memref<1x125xi32, #tpu.memory_space<vmem>>
        %dma_start3A_475 = tpu.memref_squeeze %dma_start3A_474 : memref<1x125xi32, #tpu.memory_space<vmem>> -> memref<125xi32, #tpu.memory_space<vmem>>
        %dma_start3A_476 = arith.constant 0 : i32
        %dma_start3A_477 = arith.constant 0 : i32
        %dma_start3A_478 = tpu.memref_slice %arg18[%dma_start3A_476, %dma_start3A_477] : memref<10240x16xf32, #tpu.memory_space<vmem_shared>> -> memref<10240x16xf32, #tpu.memory_space<vmem_shared>>
        tpu.enqueue_indirect_dma source(%arg15 : memref<125x16xf32, #tpu.memory_space<vmem>>) target(%dma_start3A_478 : memref<10240x16xf32, #tpu.memory_space<vmem_shared>>) offsets(%dma_start3A_475 : memref<125xi32, #tpu.memory_space<vmem>>) semaphore(%run_scoped3A : memref<!tpu.dma_semaphore, #tpu.memory_space<semaphore_mem>>) {add = true}
        %dma_wait3A_479 = arith.constant 0 : i32
        %dma_wait3A_480 = tpu.memref_slice %arg13[%add3A_368, %dma_wait3A_479] : memref<80x125xi32, #tpu.memory_space<vmem>> -> memref<1x125xi32, #tpu.memory_space<vmem>>
        %dma_wait3A_481 = tpu.memref_squeeze %dma_wait3A_480 : memref<1x125xi32, #tpu.memory_space<vmem>> -> memref<125xi32, #tpu.memory_space<vmem>>
        %dma_wait3A_482 = arith.constant 0 : i32
        %dma_wait3A_483 = arith.constant 0 : i32
        %dma_wait3A_484 = tpu.memref_slice %arg18[%dma_wait3A_482, %dma_wait3A_483] : memref<10240x16xf32, #tpu.memory_space<vmem_shared>> -> memref<10240x16xf32, #tpu.memory_space<vmem_shared>>
        tpu.wait_indirect_dma semaphore(%run_scoped3A : memref<!tpu.dma_semaphore, #tpu.memory_space<semaphore_mem>>) src(%arg15 : memref<125x16xf32, #tpu.memory_space<vmem>>) dst(%dma_wait3A_484 : memref<10240x16xf32, #tpu.memory_space<vmem_shared>>)
        tpu.yield
      }) : () -> ()
      %ge3A = arith.constant 2 : i32
      %ge3A_381 = arith.cmpi sge, %add3A_368, %ge3A : i32
      %convert_element_type3A = arith.extui %ge3A_381 : i1 to i32
      %cond3A = arith.constant 0 : i32
      %cond3A_382 = arith.cmpi ne, %convert_element_type3A, %cond3A : i32
      scf.if %cond3A_382 {
        %sub3A = arith.constant 2 : i32
        %sub3A_473 = arith.subi %add3A_368, %sub3A : i32
        %dma_wait3A_474 = arith.constant 0 : i32
        %dma_wait3A_475 = tpu.memref_slice %arg13[%sub3A_473, %dma_wait3A_474] : memref<80x125xi32, #tpu.memory_space<vmem>> -> memref<1x125xi32, #tpu.memory_space<vmem>>
        %dma_wait3A_476 = tpu.memref_squeeze %dma_wait3A_475 : memref<1x125xi32, #tpu.memory_space<vmem>> -> memref<125xi32, #tpu.memory_space<vmem>>
        %dma_wait3A_477 = arith.constant 0 : i32
        %dma_wait3A_478 = arith.constant 0 : i32
        %dma_wait3A_479 = tpu.memref_slice %arg17[%dma_wait3A_477, %dma_wait3A_478] : memref<10240x64xf32, #tpu.memory_space<vmem_shared>> -> memref<10240x64xf32, #tpu.memory_space<vmem_shared>>
        tpu.wait_indirect_dma semaphore(%arg29 : memref<!tpu.dma_semaphore, #tpu.memory_space<semaphore_mem>>) src(%arg21 : memref<125x64xf32, #tpu.memory_space<vmem>>) dst(%dma_wait3A_479 : memref<10240x64xf32, #tpu.memory_space<vmem_shared>>)
      } else {
      }
      %add3A_383 = arith.constant 2 : i32
      %add3A_384 = arith.addi %add3A_368, %add3A_383 : i32
      %lt3A = arith.constant 80 : i32
      %lt3A_385 = arith.cmpi slt, %add3A_384, %lt3A : i32
      %convert_element_type3A_386 = arith.extui %lt3A_385 : i1 to i32
      %cond3A_387 = arith.constant 0 : i32
      %cond3A_388 = arith.cmpi ne, %convert_element_type3A_386, %cond3A_387 : i32
      scf.if %cond3A_388 {
        %add3A_473 = arith.constant 2 : i32
        %add3A_474 = arith.addi %add3A_368, %add3A_473 : i32
        %dma_start3A_475 = arith.constant 0 : i32
        %dma_start3A_476 = tpu.memref_slice %arg12[%add3A_474, %dma_start3A_475] : memref<80x125xi32, #tpu.memory_space<vmem>> -> memref<1x125xi32, #tpu.memory_space<vmem>>
        %dma_start3A_477 = tpu.memref_squeeze %dma_start3A_476 : memref<1x125xi32, #tpu.memory_space<vmem>> -> memref<125xi32, #tpu.memory_space<vmem>>
        %dma_start3A_478 = arith.constant 0 : i32
        %dma_start3A_479 = arith.constant 0 : i32
        %dma_start3A_480 = tpu.memref_slice %arg2[%dma_start3A_478, %dma_start3A_479] : memref<10000x64xf32, #tpu.memory_space<hbm>> -> memref<10000x64xf32, #tpu.memory_space<hbm>>
        tpu.enqueue_indirect_dma source(%dma_start3A_480 : memref<10000x64xf32, #tpu.memory_space<hbm>>) target(%arg21 : memref<125x64xf32, #tpu.memory_space<vmem>>) offsets(%dma_start3A_477 : memref<125xi32, #tpu.memory_space<vmem>>) semaphore(%arg25 : memref<!tpu.dma_semaphore, #tpu.memory_space<semaphore_mem>>)
      } else {
      }
      %mul3A_389 = arith.constant 4 : i32
      %mul3A_390 = arith.muli %scan3A_364, %mul3A_389 : i32
      %add3A_391 = arith.constant 1 : i32
      %add3A_392 = arith.addi %mul3A_390, %add3A_391 : i32
      %dma_wait3A_393 = arith.constant 0 : i32
      %dma_wait3A_394 = tpu.memref_slice %arg12[%add3A_392, %dma_wait3A_393] : memref<80x125xi32, #tpu.memory_space<vmem>> -> memref<1x125xi32, #tpu.memory_space<vmem>>
      %dma_wait3A_395 = tpu.memref_squeeze %dma_wait3A_394 : memref<1x125xi32, #tpu.memory_space<vmem>> -> memref<125xi32, #tpu.memory_space<vmem>>
      %dma_wait3A_396 = arith.constant 0 : i32
      %dma_wait3A_397 = arith.constant 0 : i32
      %dma_wait3A_398 = tpu.memref_slice %arg2[%dma_wait3A_396, %dma_wait3A_397] : memref<10000x64xf32, #tpu.memory_space<hbm>> -> memref<10000x64xf32, #tpu.memory_space<hbm>>
      tpu.wait_indirect_dma semaphore(%arg24 : memref<!tpu.dma_semaphore, #tpu.memory_space<semaphore_mem>>) src(%dma_wait3A_398 : memref<10000x64xf32, #tpu.memory_space<hbm>>) dst(%arg20 : memref<125x64xf32, #tpu.memory_space<vmem>>)
      %dma_start3A_399 = arith.constant 0 : i32
      %dma_start3A_400 = tpu.memref_slice %arg13[%add3A_392, %dma_start3A_399] : memref<80x125xi32, #tpu.memory_space<vmem>> -> memref<1x125xi32, #tpu.memory_space<vmem>>
      %dma_start3A_401 = tpu.memref_squeeze %dma_start3A_400 : memref<1x125xi32, #tpu.memory_space<vmem>> -> memref<125xi32, #tpu.memory_space<vmem>>
      %dma_start3A_402 = arith.constant 0 : i32
      %dma_start3A_403 = arith.constant 0 : i32
      %dma_start3A_404 = tpu.memref_slice %arg17[%dma_start3A_402, %dma_start3A_403] : memref<10240x64xf32, #tpu.memory_space<vmem_shared>> -> memref<10240x64xf32, #tpu.memory_space<vmem_shared>>
      tpu.enqueue_indirect_dma source(%arg20 : memref<125x64xf32, #tpu.memory_space<vmem>>) target(%dma_start3A_404 : memref<10240x64xf32, #tpu.memory_space<vmem_shared>>) offsets(%dma_start3A_401 : memref<125xi32, #tpu.memory_space<vmem>>) semaphore(%arg28 : memref<!tpu.dma_semaphore, #tpu.memory_space<semaphore_mem>>) {add = true}
      "tpu.region"() ({
        %run_scoped3A = tpu.sem_alloc : memref<!tpu.dma_semaphore, #tpu.memory_space<semaphore_mem>>
        %dma_start3A_473 = arith.constant 0 : i32
        %dma_start3A_474 = tpu.memref_slice %arg13[%add3A_392, %dma_start3A_473] : memref<80x125xi32, #tpu.memory_space<vmem>> -> memref<1x125xi32, #tpu.memory_space<vmem>>
        %dma_start3A_475 = tpu.memref_squeeze %dma_start3A_474 : memref<1x125xi32, #tpu.memory_space<vmem>> -> memref<125xi32, #tpu.memory_space<vmem>>
        %dma_start3A_476 = arith.constant 0 : i32
        %dma_start3A_477 = arith.constant 0 : i32
        %dma_start3A_478 = tpu.memref_slice %arg18[%dma_start3A_476, %dma_start3A_477] : memref<10240x16xf32, #tpu.memory_space<vmem_shared>> -> memref<10240x16xf32, #tpu.memory_space<vmem_shared>>
        tpu.enqueue_indirect_dma source(%arg15 : memref<125x16xf32, #tpu.memory_space<vmem>>) target(%dma_start3A_478 : memref<10240x16xf32, #tpu.memory_space<vmem_shared>>) offsets(%dma_start3A_475 : memref<125xi32, #tpu.memory_space<vmem>>) semaphore(%run_scoped3A : memref<!tpu.dma_semaphore, #tpu.memory_space<semaphore_mem>>) {add = true}
        %dma_wait3A_479 = arith.constant 0 : i32
        %dma_wait3A_480 = tpu.memref_slice %arg13[%add3A_392, %dma_wait3A_479] : memref<80x125xi32, #tpu.memory_space<vmem>> -> memref<1x125xi32, #tpu.memory_space<vmem>>
        %dma_wait3A_481 = tpu.memref_squeeze %dma_wait3A_480 : memref<1x125xi32, #tpu.memory_space<vmem>> -> memref<125xi32, #tpu.memory_space<vmem>>
        %dma_wait3A_482 = arith.constant 0 : i32
        %dma_wait3A_483 = arith.constant 0 : i32
        %dma_wait3A_484 = tpu.memref_slice %arg18[%dma_wait3A_482, %dma_wait3A_483] : memref<10240x16xf32, #tpu.memory_space<vmem_shared>> -> memref<10240x16xf32, #tpu.memory_space<vmem_shared>>
        tpu.wait_indirect_dma semaphore(%run_scoped3A : memref<!tpu.dma_semaphore, #tpu.memory_space<semaphore_mem>>) src(%arg15 : memref<125x16xf32, #tpu.memory_space<vmem>>) dst(%dma_wait3A_484 : memref<10240x16xf32, #tpu.memory_space<vmem_shared>>)
        tpu.yield
      }) : () -> ()
      %ge3A_405 = arith.constant 2 : i32
      %ge3A_406 = arith.cmpi sge, %add3A_392, %ge3A_405 : i32
      %convert_element_type3A_407 = arith.extui %ge3A_406 : i1 to i32
      %cond3A_408 = arith.constant 0 : i32
      %cond3A_409 = arith.cmpi ne, %convert_element_type3A_407, %cond3A_408 : i32
      scf.if %cond3A_409 {
        %sub3A = arith.constant 2 : i32
        %sub3A_473 = arith.subi %add3A_392, %sub3A : i32
        %dma_wait3A_474 = arith.constant 0 : i32
        %dma_wait3A_475 = tpu.memref_slice %arg13[%sub3A_473, %dma_wait3A_474] : memref<80x125xi32, #tpu.memory_space<vmem>> -> memref<1x125xi32, #tpu.memory_space<vmem>>
        %dma_wait3A_476 = tpu.memref_squeeze %dma_wait3A_475 : memref<1x125xi32, #tpu.memory_space<vmem>> -> memref<125xi32, #tpu.memory_space<vmem>>
        %dma_wait3A_477 = arith.constant 0 : i32
        %dma_wait3A_478 = arith.constant 0 : i32
        %dma_wait3A_479 = tpu.memref_slice %arg17[%dma_wait3A_477, %dma_wait3A_478] : memref<10240x64xf32, #tpu.memory_space<vmem_shared>> -> memref<10240x64xf32, #tpu.memory_space<vmem_shared>>
        tpu.wait_indirect_dma semaphore(%arg30 : memref<!tpu.dma_semaphore, #tpu.memory_space<semaphore_mem>>) src(%arg22 : memref<125x64xf32, #tpu.memory_space<vmem>>) dst(%dma_wait3A_479 : memref<10240x64xf32, #tpu.memory_space<vmem_shared>>)
      } else {
      }
      %add3A_410 = arith.constant 2 : i32
      %add3A_411 = arith.addi %add3A_392, %add3A_410 : i32
      %lt3A_412 = arith.constant 80 : i32
      %lt3A_413 = arith.cmpi slt, %add3A_411, %lt3A_412 : i32
      %convert_element_type3A_414 = arith.extui %lt3A_413 : i1 to i32
      %cond3A_415 = arith.constant 0 : i32
      %cond3A_416 = arith.cmpi ne, %convert_element_type3A_414, %cond3A_415 : i32
      scf.if %cond3A_416 {
        %add3A_473 = arith.constant 2 : i32
        %add3A_474 = arith.addi %add3A_392, %add3A_473 : i32
        %dma_start3A_475 = arith.constant 0 : i32
        %dma_start3A_476 = tpu.memref_slice %arg12[%add3A_474, %dma_start3A_475] : memref<80x125xi32, #tpu.memory_space<vmem>> -> memref<1x125xi32, #tpu.memory_space<vmem>>
        %dma_start3A_477 = tpu.memref_squeeze %dma_start3A_476 : memref<1x125xi32, #tpu.memory_space<vmem>> -> memref<125xi32, #tpu.memory_space<vmem>>
        %dma_start3A_478 = arith.constant 0 : i32
        %dma_start3A_479 = arith.constant 0 : i32
        %dma_start3A_480 = tpu.memref_slice %arg2[%dma_start3A_478, %dma_start3A_479] : memref<10000x64xf32, #tpu.memory_space<hbm>> -> memref<10000x64xf32, #tpu.memory_space<hbm>>
        tpu.enqueue_indirect_dma source(%dma_start3A_480 : memref<10000x64xf32, #tpu.memory_space<hbm>>) target(%arg22 : memref<125x64xf32, #tpu.memory_space<vmem>>) offsets(%dma_start3A_477 : memref<125xi32, #tpu.memory_space<vmem>>) semaphore(%arg26 : memref<!tpu.dma_semaphore, #tpu.memory_space<semaphore_mem>>)
      } else {
      }
      %mul3A_417 = arith.constant 4 : i32
      %mul3A_418 = arith.muli %scan3A_364, %mul3A_417 : i32
      %add3A_419 = arith.constant 2 : i32
      %add3A_420 = arith.addi %mul3A_418, %add3A_419 : i32
      %dma_wait3A_421 = arith.constant 0 : i32
      %dma_wait3A_422 = tpu.memref_slice %arg12[%add3A_420, %dma_wait3A_421] : memref<80x125xi32, #tpu.memory_space<vmem>> -> memref<1x125xi32, #tpu.memory_space<vmem>>
      %dma_wait3A_423 = tpu.memref_squeeze %dma_wait3A_422 : memref<1x125xi32, #tpu.memory_space<vmem>> -> memref<125xi32, #tpu.memory_space<vmem>>
      %dma_wait3A_424 = arith.constant 0 : i32
      %dma_wait3A_425 = arith.constant 0 : i32
      %dma_wait3A_426 = tpu.memref_slice %arg2[%dma_wait3A_424, %dma_wait3A_425] : memref<10000x64xf32, #tpu.memory_space<hbm>> -> memref<10000x64xf32, #tpu.memory_space<hbm>>
      tpu.wait_indirect_dma semaphore(%arg25 : memref<!tpu.dma_semaphore, #tpu.memory_space<semaphore_mem>>) src(%dma_wait3A_426 : memref<10000x64xf32, #tpu.memory_space<hbm>>) dst(%arg21 : memref<125x64xf32, #tpu.memory_space<vmem>>)
      %dma_start3A_427 = arith.constant 0 : i32
      %dma_start3A_428 = tpu.memref_slice %arg13[%add3A_420, %dma_start3A_427] : memref<80x125xi32, #tpu.memory_space<vmem>> -> memref<1x125xi32, #tpu.memory_space<vmem>>
      %dma_start3A_429 = tpu.memref_squeeze %dma_start3A_428 : memref<1x125xi32, #tpu.memory_space<vmem>> -> memref<125xi32, #tpu.memory_space<vmem>>
      %dma_start3A_430 = arith.constant 0 : i32
      %dma_start3A_431 = arith.constant 0 : i32
      %dma_start3A_432 = tpu.memref_slice %arg17[%dma_start3A_430, %dma_start3A_431] : memref<10240x64xf32, #tpu.memory_space<vmem_shared>> -> memref<10240x64xf32, #tpu.memory_space<vmem_shared>>
      tpu.enqueue_indirect_dma source(%arg21 : memref<125x64xf32, #tpu.memory_space<vmem>>) target(%dma_start3A_432 : memref<10240x64xf32, #tpu.memory_space<vmem_shared>>) offsets(%dma_start3A_429 : memref<125xi32, #tpu.memory_space<vmem>>) semaphore(%arg29 : memref<!tpu.dma_semaphore, #tpu.memory_space<semaphore_mem>>) {add = true}
      "tpu.region"() ({
        %run_scoped3A = tpu.sem_alloc : memref<!tpu.dma_semaphore, #tpu.memory_space<semaphore_mem>>
        %dma_start3A_473 = arith.constant 0 : i32
        %dma_start3A_474 = tpu.memref_slice %arg13[%add3A_420, %dma_start3A_473] : memref<80x125xi32, #tpu.memory_space<vmem>> -> memref<1x125xi32, #tpu.memory_space<vmem>>
        %dma_start3A_475 = tpu.memref_squeeze %dma_start3A_474 : memref<1x125xi32, #tpu.memory_space<vmem>> -> memref<125xi32, #tpu.memory_space<vmem>>
        %dma_start3A_476 = arith.constant 0 : i32
        %dma_start3A_477 = arith.constant 0 : i32
        %dma_start3A_478 = tpu.memref_slice %arg18[%dma_start3A_476, %dma_start3A_477] : memref<10240x16xf32, #tpu.memory_space<vmem_shared>> -> memref<10240x16xf32, #tpu.memory_space<vmem_shared>>
        tpu.enqueue_indirect_dma source(%arg15 : memref<125x16xf32, #tpu.memory_space<vmem>>) target(%dma_start3A_478 : memref<10240x16xf32, #tpu.memory_space<vmem_shared>>) offsets(%dma_start3A_475 : memref<125xi32, #tpu.memory_space<vmem>>) semaphore(%run_scoped3A : memref<!tpu.dma_semaphore, #tpu.memory_space<semaphore_mem>>) {add = true}
        %dma_wait3A_479 = arith.constant 0 : i32
        %dma_wait3A_480 = tpu.memref_slice %arg13[%add3A_420, %dma_wait3A_479] : memref<80x125xi32, #tpu.memory_space<vmem>> -> memref<1x125xi32, #tpu.memory_space<vmem>>
        %dma_wait3A_481 = tpu.memref_squeeze %dma_wait3A_480 : memref<1x125xi32, #tpu.memory_space<vmem>> -> memref<125xi32, #tpu.memory_space<vmem>>
        %dma_wait3A_482 = arith.constant 0 : i32
        %dma_wait3A_483 = arith.constant 0 : i32
        %dma_wait3A_484 = tpu.memref_slice %arg18[%dma_wait3A_482, %dma_wait3A_483] : memref<10240x16xf32, #tpu.memory_space<vmem_shared>> -> memref<10240x16xf32, #tpu.memory_space<vmem_shared>>
        tpu.wait_indirect_dma semaphore(%run_scoped3A : memref<!tpu.dma_semaphore, #tpu.memory_space<semaphore_mem>>) src(%arg15 : memref<125x16xf32, #tpu.memory_space<vmem>>) dst(%dma_wait3A_484 : memref<10240x16xf32, #tpu.memory_space<vmem_shared>>)
        tpu.yield
      }) : () -> ()
      %ge3A_433 = arith.constant 2 : i32
      %ge3A_434 = arith.cmpi sge, %add3A_420, %ge3A_433 : i32
      %convert_element_type3A_435 = arith.extui %ge3A_434 : i1 to i32
      %cond3A_436 = arith.constant 0 : i32
      %cond3A_437 = arith.cmpi ne, %convert_element_type3A_435, %cond3A_436 : i32
      scf.if %cond3A_437 {
        %sub3A = arith.constant 2 : i32
        %sub3A_473 = arith.subi %add3A_420, %sub3A : i32
        %dma_wait3A_474 = arith.constant 0 : i32
        %dma_wait3A_475 = tpu.memref_slice %arg13[%sub3A_473, %dma_wait3A_474] : memref<80x125xi32, #tpu.memory_space<vmem>> -> memref<1x125xi32, #tpu.memory_space<vmem>>
        %dma_wait3A_476 = tpu.memref_squeeze %dma_wait3A_475 : memref<1x125xi32, #tpu.memory_space<vmem>> -> memref<125xi32, #tpu.memory_space<vmem>>
        %dma_wait3A_477 = arith.constant 0 : i32
        %dma_wait3A_478 = arith.constant 0 : i32
        %dma_wait3A_479 = tpu.memref_slice %arg17[%dma_wait3A_477, %dma_wait3A_478] : memref<10240x64xf32, #tpu.memory_space<vmem_shared>> -> memref<10240x64xf32, #tpu.memory_space<vmem_shared>>
        tpu.wait_indirect_dma semaphore(%arg27 : memref<!tpu.dma_semaphore, #tpu.memory_space<semaphore_mem>>) src(%arg19 : memref<125x64xf32, #tpu.memory_space<vmem>>) dst(%dma_wait3A_479 : memref<10240x64xf32, #tpu.memory_space<vmem_shared>>)
      } else {
      }
      %add3A_438 = arith.constant 2 : i32
      %add3A_439 = arith.addi %add3A_420, %add3A_438 : i32
      %lt3A_440 = arith.constant 80 : i32
      %lt3A_441 = arith.cmpi slt, %add3A_439, %lt3A_440 : i32
      %convert_element_type3A_442 = arith.extui %lt3A_441 : i1 to i32
      %cond3A_443 = arith.constant 0 : i32
      %cond3A_444 = arith.cmpi ne, %convert_element_type3A_442, %cond3A_443 : i32
      scf.if %cond3A_444 {
        %add3A_473 = arith.constant 2 : i32
        %add3A_474 = arith.addi %add3A_420, %add3A_473 : i32
        %dma_start3A_475 = arith.constant 0 : i32
        %dma_start3A_476 = tpu.memref_slice %arg12[%add3A_474, %dma_start3A_475] : memref<80x125xi32, #tpu.memory_space<vmem>> -> memref<1x125xi32, #tpu.memory_space<vmem>>
        %dma_start3A_477 = tpu.memref_squeeze %dma_start3A_476 : memref<1x125xi32, #tpu.memory_space<vmem>> -> memref<125xi32, #tpu.memory_space<vmem>>
        %dma_start3A_478 = arith.constant 0 : i32
        %dma_start3A_479 = arith.constant 0 : i32
        %dma_start3A_480 = tpu.memref_slice %arg2[%dma_start3A_478, %dma_start3A_479] : memref<10000x64xf32, #tpu.memory_space<hbm>> -> memref<10000x64xf32, #tpu.memory_space<hbm>>
        tpu.enqueue_indirect_dma source(%dma_start3A_480 : memref<10000x64xf32, #tpu.memory_space<hbm>>) target(%arg19 : memref<125x64xf32, #tpu.memory_space<vmem>>) offsets(%dma_start3A_477 : memref<125xi32, #tpu.memory_space<vmem>>) semaphore(%arg23 : memref<!tpu.dma_semaphore, #tpu.memory_space<semaphore_mem>>)
      } else {
      }
      %mul3A_445 = arith.constant 4 : i32
      %mul3A_446 = arith.muli %scan3A_364, %mul3A_445 : i32
      %add3A_447 = arith.constant 3 : i32
      %add3A_448 = arith.addi %mul3A_446, %add3A_447 : i32
      %dma_wait3A_449 = arith.constant 0 : i32
      %dma_wait3A_450 = tpu.memref_slice %arg12[%add3A_448, %dma_wait3A_449] : memref<80x125xi32, #tpu.memory_space<vmem>> -> memref<1x125xi32, #tpu.memory_space<vmem>>
      %dma_wait3A_451 = tpu.memref_squeeze %dma_wait3A_450 : memref<1x125xi32, #tpu.memory_space<vmem>> -> memref<125xi32, #tpu.memory_space<vmem>>
      %dma_wait3A_452 = arith.constant 0 : i32
      %dma_wait3A_453 = arith.constant 0 : i32
      %dma_wait3A_454 = tpu.memref_slice %arg2[%dma_wait3A_452, %dma_wait3A_453] : memref<10000x64xf32, #tpu.memory_space<hbm>> -> memref<10000x64xf32, #tpu.memory_space<hbm>>
      tpu.wait_indirect_dma semaphore(%arg26 : memref<!tpu.dma_semaphore, #tpu.memory_space<semaphore_mem>>) src(%dma_wait3A_454 : memref<10000x64xf32, #tpu.memory_space<hbm>>) dst(%arg22 : memref<125x64xf32, #tpu.memory_space<vmem>>)
      %dma_start3A_455 = arith.constant 0 : i32
      %dma_start3A_456 = tpu.memref_slice %arg13[%add3A_448, %dma_start3A_455] : memref<80x125xi32, #tpu.memory_space<vmem>> -> memref<1x125xi32, #tpu.memory_space<vmem>>
      %dma_start3A_457 = tpu.memref_squeeze %dma_start3A_456 : memref<1x125xi32, #tpu.memory_space<vmem>> -> memref<125xi32, #tpu.memory_space<vmem>>
      %dma_start3A_458 = arith.constant 0 : i32
      %dma_start3A_459 = arith.constant 0 : i32
      %dma_start3A_460 = tpu.memref_slice %arg17[%dma_start3A_458, %dma_start3A_459] : memref<10240x64xf32, #tpu.memory_space<vmem_shared>> -> memref<10240x64xf32, #tpu.memory_space<vmem_shared>>
      tpu.enqueue_indirect_dma source(%arg22 : memref<125x64xf32, #tpu.memory_space<vmem>>) target(%dma_start3A_460 : memref<10240x64xf32, #tpu.memory_space<vmem_shared>>) offsets(%dma_start3A_457 : memref<125xi32, #tpu.memory_space<vmem>>) semaphore(%arg30 : memref<!tpu.dma_semaphore, #tpu.memory_space<semaphore_mem>>) {add = true}
      "tpu.region"() ({
        %run_scoped3A = tpu.sem_alloc : memref<!tpu.dma_semaphore, #tpu.memory_space<semaphore_mem>>
        %dma_start3A_473 = arith.constant 0 : i32
        %dma_start3A_474 = tpu.memref_slice %arg13[%add3A_448, %dma_start3A_473] : memref<80x125xi32, #tpu.memory_space<vmem>> -> memref<1x125xi32, #tpu.memory_space<vmem>>
        %dma_start3A_475 = tpu.memref_squeeze %dma_start3A_474 : memref<1x125xi32, #tpu.memory_space<vmem>> -> memref<125xi32, #tpu.memory_space<vmem>>
        %dma_start3A_476 = arith.constant 0 : i32
        %dma_start3A_477 = arith.constant 0 : i32
        %dma_start3A_478 = tpu.memref_slice %arg18[%dma_start3A_476, %dma_start3A_477] : memref<10240x16xf32, #tpu.memory_space<vmem_shared>> -> memref<10240x16xf32, #tpu.memory_space<vmem_shared>>
        tpu.enqueue_indirect_dma source(%arg15 : memref<125x16xf32, #tpu.memory_space<vmem>>) target(%dma_start3A_478 : memref<10240x16xf32, #tpu.memory_space<vmem_shared>>) offsets(%dma_start3A_475 : memref<125xi32, #tpu.memory_space<vmem>>) semaphore(%run_scoped3A : memref<!tpu.dma_semaphore, #tpu.memory_space<semaphore_mem>>) {add = true}
        %dma_wait3A_479 = arith.constant 0 : i32
        %dma_wait3A_480 = tpu.memref_slice %arg13[%add3A_448, %dma_wait3A_479] : memref<80x125xi32, #tpu.memory_space<vmem>> -> memref<1x125xi32, #tpu.memory_space<vmem>>
        %dma_wait3A_481 = tpu.memref_squeeze %dma_wait3A_480 : memref<1x125xi32, #tpu.memory_space<vmem>> -> memref<125xi32, #tpu.memory_space<vmem>>
        %dma_wait3A_482 = arith.constant 0 : i32
        %dma_wait3A_483 = arith.constant 0 : i32
        %dma_wait3A_484 = tpu.memref_slice %arg18[%dma_wait3A_482, %dma_wait3A_483] : memref<10240x16xf32, #tpu.memory_space<vmem_shared>> -> memref<10240x16xf32, #tpu.memory_space<vmem_shared>>
        tpu.wait_indirect_dma semaphore(%run_scoped3A : memref<!tpu.dma_semaphore, #tpu.memory_space<semaphore_mem>>) src(%arg15 : memref<125x16xf32, #tpu.memory_space<vmem>>) dst(%dma_wait3A_484 : memref<10240x16xf32, #tpu.memory_space<vmem_shared>>)
        tpu.yield
      }) : () -> ()
      %ge3A_461 = arith.constant 2 : i32
      %ge3A_462 = arith.cmpi sge, %add3A_448, %ge3A_461 : i32
      %convert_element_type3A_463 = arith.extui %ge3A_462 : i1 to i32
      %cond3A_464 = arith.constant 0 : i32
      %cond3A_465 = arith.cmpi ne, %convert_element_type3A_463, %cond3A_464 : i32
      scf.if %cond3A_465 {
        %sub3A = arith.constant 2 : i32
        %sub3A_473 = arith.subi %add3A_448, %sub3A : i32
        %dma_wait3A_474 = arith.constant 0 : i32
        %dma_wait3A_475 = tpu.memref_slice %arg13[%sub3A_473, %dma_wait3A_474] : memref<80x125xi32, #tpu.memory_space<vmem>> -> memref<1x125xi32, #tpu.memory_space<vmem>>
        %dma_wait3A_476 = tpu.memref_squeeze %dma_wait3A_475 : memref<1x125xi32, #tpu.memory_space<vmem>> -> memref<125xi32, #tpu.memory_space<vmem>>
        %dma_wait3A_477 = arith.constant 0 : i32
        %dma_wait3A_478 = arith.constant 0 : i32
        %dma_wait3A_479 = tpu.memref_slice %arg17[%dma_wait3A_477, %dma_wait3A_478] : memref<10240x64xf32, #tpu.memory_space<vmem_shared>> -> memref<10240x64xf32, #tpu.memory_space<vmem_shared>>
        tpu.wait_indirect_dma semaphore(%arg28 : memref<!tpu.dma_semaphore, #tpu.memory_space<semaphore_mem>>) src(%arg20 : memref<125x64xf32, #tpu.memory_space<vmem>>) dst(%dma_wait3A_479 : memref<10240x64xf32, #tpu.memory_space<vmem_shared>>)
      } else {
      }
      %add3A_466 = arith.constant 2 : i32
      %add3A_467 = arith.addi %add3A_448, %add3A_466 : i32
      %lt3A_468 = arith.constant 80 : i32
      %lt3A_469 = arith.cmpi slt, %add3A_467, %lt3A_468 : i32
      %convert_element_type3A_470 = arith.extui %lt3A_469 : i1 to i32
      %cond3A_471 = arith.constant 0 : i32
      %cond3A_472 = arith.cmpi ne, %convert_element_type3A_470, %cond3A_471 : i32
      scf.if %cond3A_472 {
        %add3A_473 = arith.constant 2 : i32
        %add3A_474 = arith.addi %add3A_448, %add3A_473 : i32
        %dma_start3A_475 = arith.constant 0 : i32
        %dma_start3A_476 = tpu.memref_slice %arg12[%add3A_474, %dma_start3A_475] : memref<80x125xi32, #tpu.memory_space<vmem>> -> memref<1x125xi32, #tpu.memory_space<vmem>>
        %dma_start3A_477 = tpu.memref_squeeze %dma_start3A_476 : memref<1x125xi32, #tpu.memory_space<vmem>> -> memref<125xi32, #tpu.memory_space<vmem>>
        %dma_start3A_478 = arith.constant 0 : i32
        %dma_start3A_479 = arith.constant 0 : i32
        %dma_start3A_480 = tpu.memref_slice %arg2[%dma_start3A_478, %dma_start3A_479] : memref<10000x64xf32, #tpu.memory_space<hbm>> -> memref<10000x64xf32, #tpu.memory_space<hbm>>
        tpu.enqueue_indirect_dma source(%dma_start3A_480 : memref<10000x64xf32, #tpu.memory_space<hbm>>) target(%arg20 : memref<125x64xf32, #tpu.memory_space<vmem>>) offsets(%dma_start3A_477 : memref<125xi32, #tpu.memory_space<vmem>>) semaphore(%arg24 : memref<!tpu.dma_semaphore, #tpu.memory_space<semaphore_mem>>)
      } else {
      }
    }
    %scan3A_209 = arith.constant 20 : i32
    %dma_wait3A_210 = arith.constant 0 : i32
    %dma_wait3A_211 = arith.constant 0 : i32
    %dma_wait3A_212 = tpu.memref_slice %arg13[%dma_wait3A_210, %dma_wait3A_211] : memref<80x125xi32, #tpu.memory_space<vmem>> -> memref<1x125xi32, #tpu.memory_space<vmem>>
    %dma_wait3A_213 = tpu.memref_squeeze %dma_wait3A_212 : memref<1x125xi32, #tpu.memory_space<vmem>> -> memref<125xi32, #tpu.memory_space<vmem>>
    %dma_wait3A_214 = arith.constant 0 : i32
    %dma_wait3A_215 = arith.constant 0 : i32
    %dma_wait3A_216 = tpu.memref_slice %arg17[%dma_wait3A_214, %dma_wait3A_215] : memref<10240x64xf32, #tpu.memory_space<vmem_shared>> -> memref<10240x64xf32, #tpu.memory_space<vmem_shared>>
    tpu.wait_indirect_dma semaphore(%arg29 : memref<!tpu.dma_semaphore, #tpu.memory_space<semaphore_mem>>) src(%arg21 : memref<125x64xf32, #tpu.memory_space<vmem>>) dst(%dma_wait3A_216 : memref<10240x64xf32, #tpu.memory_space<vmem_shared>>)
    %dma_wait3A_217 = arith.constant 0 : i32
    %dma_wait3A_218 = arith.constant 0 : i32
    %dma_wait3A_219 = tpu.memref_slice %arg13[%dma_wait3A_217, %dma_wait3A_218] : memref<80x125xi32, #tpu.memory_space<vmem>> -> memref<1x125xi32, #tpu.memory_space<vmem>>
    %dma_wait3A_220 = tpu.memref_squeeze %dma_wait3A_219 : memref<1x125xi32, #tpu.memory_space<vmem>> -> memref<125xi32, #tpu.memory_space<vmem>>
    %dma_wait3A_221 = arith.constant 0 : i32
    %dma_wait3A_222 = arith.constant 0 : i32
    %dma_wait3A_223 = tpu.memref_slice %arg17[%dma_wait3A_221, %dma_wait3A_222] : memref<10240x64xf32, #tpu.memory_space<vmem_shared>> -> memref<10240x64xf32, #tpu.memory_space<vmem_shared>>
    tpu.wait_indirect_dma semaphore(%arg30 : memref<!tpu.dma_semaphore, #tpu.memory_space<semaphore_mem>>) src(%arg22 : memref<125x64xf32, #tpu.memory_space<vmem>>) dst(%dma_wait3A_223 : memref<10240x64xf32, #tpu.memory_space<vmem_shared>>)
    %barrier3A_224 = arith.constant 0 : index
    tpu.barrier barrier_id(%barrier3A_224)
    %mul3A_225 = arith.constant 640 : i32
    %mul3A_226 = arith.muli %arg1, %mul3A_225 : i32
    %mul3A_227 = arith.constant 10240 : i32
    %mul3A_228 = arith.muli %arg0, %mul3A_227 : i32
    %mul3A_229 = arith.constant 640 : i32
    %mul3A_230 = arith.muli %arg1, %mul3A_229 : i32
    %add3A_231 = arith.addi %mul3A_228, %mul3A_230 : i32
    "tpu.region"() ({
      %run_scoped3A = tpu.sem_alloc : memref<!tpu.dma_semaphore, #tpu.memory_space<semaphore_mem>>
      %dma_start3A_364 = arith.constant 0 : i32
      %dma_start3A_365 = tpu.memref_slice %arg9[%add3A_231, %dma_start3A_364] : memref<20480x64xf32, #tpu.memory_space<hbm>> -> memref<640x64xf32, #tpu.memory_space<hbm>>
      %dma_start3A_366 = arith.constant 0 : i32
      %dma_start3A_367 = tpu.memref_slice %arg17[%mul3A_226, %dma_start3A_366] : memref<10240x64xf32, #tpu.memory_space<vmem_shared>> -> memref<640x64xf32, #tpu.memory_space<vmem_shared>>
      tpu.enqueue_dma source(%dma_start3A_367 : memref<640x64xf32, #tpu.memory_space<vmem_shared>>) target(%dma_start3A_365 : memref<640x64xf32, #tpu.memory_space<hbm>>) target_semaphore(%run_scoped3A : memref<!tpu.dma_semaphore, #tpu.memory_space<semaphore_mem>>)
      %dma_wait3A_368 = arith.constant 0 : i32
      %dma_wait3A_369 = tpu.memref_slice %arg9[%add3A_231, %dma_wait3A_368] : memref<20480x64xf32, #tpu.memory_space<hbm>> -> memref<640x64xf32, #tpu.memory_space<hbm>>
      %dma_wait3A_370 = arith.constant 0 : i32
      %dma_wait3A_371 = tpu.memref_slice %arg17[%mul3A_226, %dma_wait3A_370] : memref<10240x64xf32, #tpu.memory_space<vmem_shared>> -> memref<640x64xf32, #tpu.memory_space<vmem_shared>>
      tpu.wait_dma2 semaphore(%run_scoped3A : memref<!tpu.dma_semaphore, #tpu.memory_space<semaphore_mem>>) src(%dma_wait3A_371 : memref<640x64xf32, #tpu.memory_space<vmem_shared>>) dst(%dma_wait3A_369 : memref<640x64xf32, #tpu.memory_space<hbm>>)
      tpu.yield
    }) : () -> ()
    %mul3A_232 = arith.constant 640 : i32
    %mul3A_233 = arith.muli %arg1, %mul3A_232 : i32
    %mul3A_234 = arith.constant 10240 : i32
    %mul3A_235 = arith.muli %arg0, %mul3A_234 : i32
    %mul3A_236 = arith.constant 640 : i32
    %mul3A_237 = arith.muli %arg1, %mul3A_236 : i32
    %add3A_238 = arith.addi %mul3A_235, %mul3A_237 : i32
    "tpu.region"() ({
      %run_scoped3A = tpu.sem_alloc : memref<!tpu.dma_semaphore, #tpu.memory_space<semaphore_mem>>
      %dma_start3A_364 = arith.constant 0 : i32
      %dma_start3A_365 = tpu.memref_slice %arg11[%add3A_238, %dma_start3A_364] : memref<20480x16xf32, #tpu.memory_space<hbm>> -> memref<640x16xf32, #tpu.memory_space<hbm>>
      %dma_start3A_366 = arith.constant 0 : i32
      %dma_start3A_367 = tpu.memref_slice %arg18[%mul3A_233, %dma_start3A_366] : memref<10240x16xf32, #tpu.memory_space<vmem_shared>> -> memref<640x16xf32, #tpu.memory_space<vmem_shared>>
      tpu.enqueue_dma source(%dma_start3A_367 : memref<640x16xf32, #tpu.memory_space<vmem_shared>>) target(%dma_start3A_365 : memref<640x16xf32, #tpu.memory_space<hbm>>) target_semaphore(%run_scoped3A : memref<!tpu.dma_semaphore, #tpu.memory_space<semaphore_mem>>)
      %dma_wait3A_368 = arith.constant 0 : i32
      %dma_wait3A_369 = tpu.memref_slice %arg11[%add3A_238, %dma_wait3A_368] : memref<20480x16xf32, #tpu.memory_space<hbm>> -> memref<640x16xf32, #tpu.memory_space<hbm>>
      %dma_wait3A_370 = arith.constant 0 : i32
      %dma_wait3A_371 = tpu.memref_slice %arg18[%mul3A_233, %dma_wait3A_370] : memref<10240x16xf32, #tpu.memory_space<vmem_shared>> -> memref<640x16xf32, #tpu.memory_space<vmem_shared>>
      tpu.wait_dma2 semaphore(%run_scoped3A : memref<!tpu.dma_semaphore, #tpu.memory_space<semaphore_mem>>) src(%dma_wait3A_371 : memref<640x16xf32, #tpu.memory_space<vmem_shared>>) dst(%dma_wait3A_369 : memref<640x16xf32, #tpu.memory_space<hbm>>)
      tpu.yield
    }) : () -> ()
    %barrier3A_239 = arith.constant 0 : index
    tpu.barrier barrier_id(%barrier3A_239)
    %mul3A_240 = arith.constant 640 : i32
    %mul3A_241 = arith.muli %arg1, %mul3A_240 : i32
    %add3A_242 = arith.constant 0 : i32
    %add3A_243 = arith.addi %mul3A_241, %add3A_242 : i32
    %dma_start3A_244 = arith.constant 0 : i32
    %dma_start3A_245 = tpu.memref_slice %arg17[%add3A_243, %dma_start3A_244] : memref<10240x64xf32, #tpu.memory_space<vmem_shared>> -> memref<128x64xf32, #tpu.memory_space<vmem_shared>>
    %dma_start3A_246 = arith.constant 0 : i32
    %dma_start3A_247 = tpu.memref_slice %arg17[%add3A_243, %dma_start3A_246] : memref<10240x64xf32, #tpu.memory_space<vmem_shared>> -> memref<128x64xf32, #tpu.memory_space<vmem_shared>>
    tpu.enqueue_dma source(%arg14 : memref<128x64xf32, #tpu.memory_space<vmem>>) target(%dma_start3A_247 : memref<128x64xf32, #tpu.memory_space<vmem_shared>>) target_semaphore(%arg23 : memref<!tpu.dma_semaphore, #tpu.memory_space<semaphore_mem>>)
    %mul3A_248 = arith.constant 640 : i32
    %mul3A_249 = arith.muli %arg1, %mul3A_248 : i32
    %add3A_250 = arith.constant 128 : i32
    %add3A_251 = arith.addi %mul3A_249, %add3A_250 : i32
    %dma_start3A_252 = arith.constant 0 : i32
    %dma_start3A_253 = tpu.memref_slice %arg17[%add3A_251, %dma_start3A_252] : memref<10240x64xf32, #tpu.memory_space<vmem_shared>> -> memref<128x64xf32, #tpu.memory_space<vmem_shared>>
    %dma_start3A_254 = arith.constant 0 : i32
    %dma_start3A_255 = tpu.memref_slice %arg17[%add3A_251, %dma_start3A_254] : memref<10240x64xf32, #tpu.memory_space<vmem_shared>> -> memref<128x64xf32, #tpu.memory_space<vmem_shared>>
    tpu.enqueue_dma source(%arg14 : memref<128x64xf32, #tpu.memory_space<vmem>>) target(%dma_start3A_255 : memref<128x64xf32, #tpu.memory_space<vmem_shared>>) target_semaphore(%arg24 : memref<!tpu.dma_semaphore, #tpu.memory_space<semaphore_mem>>)
    %mul3A_256 = arith.constant 640 : i32
    %mul3A_257 = arith.muli %arg1, %mul3A_256 : i32
    %add3A_258 = arith.constant 256 : i32
    %add3A_259 = arith.addi %mul3A_257, %add3A_258 : i32
    %dma_start3A_260 = arith.constant 0 : i32
    %dma_start3A_261 = tpu.memref_slice %arg17[%add3A_259, %dma_start3A_260] : memref<10240x64xf32, #tpu.memory_space<vmem_shared>> -> memref<128x64xf32, #tpu.memory_space<vmem_shared>>
    %dma_start3A_262 = arith.constant 0 : i32
    %dma_start3A_263 = tpu.memref_slice %arg17[%add3A_259, %dma_start3A_262] : memref<10240x64xf32, #tpu.memory_space<vmem_shared>> -> memref<128x64xf32, #tpu.memory_space<vmem_shared>>
    tpu.enqueue_dma source(%arg14 : memref<128x64xf32, #tpu.memory_space<vmem>>) target(%dma_start3A_263 : memref<128x64xf32, #tpu.memory_space<vmem_shared>>) target_semaphore(%arg25 : memref<!tpu.dma_semaphore, #tpu.memory_space<semaphore_mem>>)
    %mul3A_264 = arith.constant 640 : i32
    %mul3A_265 = arith.muli %arg1, %mul3A_264 : i32
    %add3A_266 = arith.constant 384 : i32
    %add3A_267 = arith.addi %mul3A_265, %add3A_266 : i32
    %dma_start3A_268 = arith.constant 0 : i32
    %dma_start3A_269 = tpu.memref_slice %arg17[%add3A_267, %dma_start3A_268] : memref<10240x64xf32, #tpu.memory_space<vmem_shared>> -> memref<128x64xf32, #tpu.memory_space<vmem_shared>>
    %dma_start3A_270 = arith.constant 0 : i32
    %dma_start3A_271 = tpu.memref_slice %arg17[%add3A_267, %dma_start3A_270] : memref<10240x64xf32, #tpu.memory_space<vmem_shared>> -> memref<128x64xf32, #tpu.memory_space<vmem_shared>>
    tpu.enqueue_dma source(%arg14 : memref<128x64xf32, #tpu.memory_space<vmem>>) target(%dma_start3A_271 : memref<128x64xf32, #tpu.memory_space<vmem_shared>>) target_semaphore(%arg26 : memref<!tpu.dma_semaphore, #tpu.memory_space<semaphore_mem>>)
    %mul3A_272 = arith.constant 640 : i32
    %mul3A_273 = arith.muli %arg1, %mul3A_272 : i32
    %add3A_274 = arith.constant 512 : i32
    %add3A_275 = arith.addi %mul3A_273, %add3A_274 : i32
    %dma_start3A_276 = arith.constant 0 : i32
    %dma_start3A_277 = tpu.memref_slice %arg17[%add3A_275, %dma_start3A_276] : memref<10240x64xf32, #tpu.memory_space<vmem_shared>> -> memref<128x64xf32, #tpu.memory_space<vmem_shared>>
    %dma_start3A_278 = arith.constant 0 : i32
    %dma_start3A_279 = tpu.memref_slice %arg17[%add3A_275, %dma_start3A_278] : memref<10240x64xf32, #tpu.memory_space<vmem_shared>> -> memref<128x64xf32, #tpu.memory_space<vmem_shared>>
    tpu.enqueue_dma source(%arg14 : memref<128x64xf32, #tpu.memory_space<vmem>>) target(%dma_start3A_279 : memref<128x64xf32, #tpu.memory_space<vmem_shared>>) target_semaphore(%arg23 : memref<!tpu.dma_semaphore, #tpu.memory_space<semaphore_mem>>)
    %mul3A_280 = arith.constant 640 : i32
    %mul3A_281 = arith.muli %arg1, %mul3A_280 : i32
    %add3A_282 = arith.constant 0 : i32
    %add3A_283 = arith.addi %mul3A_281, %add3A_282 : i32
    %dma_wait3A_284 = arith.constant 0 : i32
    %dma_wait3A_285 = tpu.memref_slice %arg17[%add3A_283, %dma_wait3A_284] : memref<10240x64xf32, #tpu.memory_space<vmem_shared>> -> memref<128x64xf32, #tpu.memory_space<vmem_shared>>
    %dma_wait3A_286 = arith.constant 0 : i32
    %dma_wait3A_287 = tpu.memref_slice %arg17[%add3A_283, %dma_wait3A_286] : memref<10240x64xf32, #tpu.memory_space<vmem_shared>> -> memref<128x64xf32, #tpu.memory_space<vmem_shared>>
    tpu.wait_dma2 semaphore(%arg23 : memref<!tpu.dma_semaphore, #tpu.memory_space<semaphore_mem>>) src(%arg14 : memref<128x64xf32, #tpu.memory_space<vmem>>) dst(%dma_wait3A_287 : memref<128x64xf32, #tpu.memory_space<vmem_shared>>)
    %mul3A_288 = arith.constant 640 : i32
    %mul3A_289 = arith.muli %arg1, %mul3A_288 : i32
    %add3A_290 = arith.constant 128 : i32
    %add3A_291 = arith.addi %mul3A_289, %add3A_290 : i32
    %dma_wait3A_292 = arith.constant 0 : i32
    %dma_wait3A_293 = tpu.memref_slice %arg17[%add3A_291, %dma_wait3A_292] : memref<10240x64xf32, #tpu.memory_space<vmem_shared>> -> memref<128x64xf32, #tpu.memory_space<vmem_shared>>
    %dma_wait3A_294 = arith.constant 0 : i32
    %dma_wait3A_295 = tpu.memref_slice %arg17[%add3A_291, %dma_wait3A_294] : memref<10240x64xf32, #tpu.memory_space<vmem_shared>> -> memref<128x64xf32, #tpu.memory_space<vmem_shared>>
    tpu.wait_dma2 semaphore(%arg24 : memref<!tpu.dma_semaphore, #tpu.memory_space<semaphore_mem>>) src(%arg14 : memref<128x64xf32, #tpu.memory_space<vmem>>) dst(%dma_wait3A_295 : memref<128x64xf32, #tpu.memory_space<vmem_shared>>)
    %mul3A_296 = arith.constant 640 : i32
    %mul3A_297 = arith.muli %arg1, %mul3A_296 : i32
    %add3A_298 = arith.constant 256 : i32
    %add3A_299 = arith.addi %mul3A_297, %add3A_298 : i32
    %dma_wait3A_300 = arith.constant 0 : i32
    %dma_wait3A_301 = tpu.memref_slice %arg17[%add3A_299, %dma_wait3A_300] : memref<10240x64xf32, #tpu.memory_space<vmem_shared>> -> memref<128x64xf32, #tpu.memory_space<vmem_shared>>
    %dma_wait3A_302 = arith.constant 0 : i32
    %dma_wait3A_303 = tpu.memref_slice %arg17[%add3A_299, %dma_wait3A_302] : memref<10240x64xf32, #tpu.memory_space<vmem_shared>> -> memref<128x64xf32, #tpu.memory_space<vmem_shared>>
    tpu.wait_dma2 semaphore(%arg25 : memref<!tpu.dma_semaphore, #tpu.memory_space<semaphore_mem>>) src(%arg14 : memref<128x64xf32, #tpu.memory_space<vmem>>) dst(%dma_wait3A_303 : memref<128x64xf32, #tpu.memory_space<vmem_shared>>)
    %mul3A_304 = arith.constant 640 : i32
    %mul3A_305 = arith.muli %arg1, %mul3A_304 : i32
    %add3A_306 = arith.constant 384 : i32
    %add3A_307 = arith.addi %mul3A_305, %add3A_306 : i32
    %dma_wait3A_308 = arith.constant 0 : i32
    %dma_wait3A_309 = tpu.memref_slice %arg17[%add3A_307, %dma_wait3A_308] : memref<10240x64xf32, #tpu.memory_space<vmem_shared>> -> memref<128x64xf32, #tpu.memory_space<vmem_shared>>
    %dma_wait3A_310 = arith.constant 0 : i32
    %dma_wait3A_311 = tpu.memref_slice %arg17[%add3A_307, %dma_wait3A_310] : memref<10240x64xf32, #tpu.memory_space<vmem_shared>> -> memref<128x64xf32, #tpu.memory_space<vmem_shared>>
    tpu.wait_dma2 semaphore(%arg26 : memref<!tpu.dma_semaphore, #tpu.memory_space<semaphore_mem>>) src(%arg14 : memref<128x64xf32, #tpu.memory_space<vmem>>) dst(%dma_wait3A_311 : memref<128x64xf32, #tpu.memory_space<vmem_shared>>)
    %mul3A_312 = arith.constant 640 : i32
    %mul3A_313 = arith.muli %arg1, %mul3A_312 : i32
    %add3A_314 = arith.constant 0 : i32
    %add3A_315 = arith.addi %mul3A_313, %add3A_314 : i32
    %dma_wait3A_316 = arith.constant 0 : i32
    %dma_wait3A_317 = tpu.memref_slice %arg17[%add3A_315, %dma_wait3A_316] : memref<10240x64xf32, #tpu.memory_space<vmem_shared>> -> memref<128x64xf32, #tpu.memory_space<vmem_shared>>
    %dma_wait3A_318 = arith.constant 0 : i32
    %dma_wait3A_319 = tpu.memref_slice %arg17[%add3A_315, %dma_wait3A_318] : memref<10240x64xf32, #tpu.memory_space<vmem_shared>> -> memref<128x64xf32, #tpu.memory_space<vmem_shared>>
    tpu.wait_dma2 semaphore(%arg23 : memref<!tpu.dma_semaphore, #tpu.memory_space<semaphore_mem>>) src(%arg14 : memref<128x64xf32, #tpu.memory_space<vmem>>) dst(%dma_wait3A_319 : memref<128x64xf32, #tpu.memory_space<vmem_shared>>)
    %barrier3A_320 = arith.constant 0 : index
    tpu.barrier barrier_id(%barrier3A_320)
    %dma_start3A_321 = arith.constant 0 : i32
    %dma_start3A_322 = arith.constant 0 : i32
    %dma_start3A_323 = tpu.memref_slice %arg12[%dma_start3A_321, %dma_start3A_322] : memref<80x125xi32, #tpu.memory_space<vmem>> -> memref<1x125xi32, #tpu.memory_space<vmem>>
    %dma_start3A_324 = tpu.memref_squeeze %dma_start3A_323 : memref<1x125xi32, #tpu.memory_space<vmem>> -> memref<125xi32, #tpu.memory_space<vmem>>
    %dma_start3A_325 = arith.constant 0 : i32
    %dma_start3A_326 = arith.constant 0 : i32
    %dma_start3A_327 = tpu.memref_slice %arg3[%dma_start3A_325, %dma_start3A_326] : memref<10000x64xf32, #tpu.memory_space<hbm>> -> memref<10000x64xf32, #tpu.memory_space<hbm>>
    tpu.enqueue_indirect_dma source(%dma_start3A_327 : memref<10000x64xf32, #tpu.memory_space<hbm>>) target(%arg19 : memref<125x64xf32, #tpu.memory_space<vmem>>) offsets(%dma_start3A_324 : memref<125xi32, #tpu.memory_space<vmem>>) semaphore(%arg23 : memref<!tpu.dma_semaphore, #tpu.memory_space<semaphore_mem>>)
    %dma_start3A_328 = arith.constant 1 : i32
    %dma_start3A_329 = arith.constant 0 : i32
    %dma_start3A_330 = tpu.memref_slice %arg12[%dma_start3A_328, %dma_start3A_329] : memref<80x125xi32, #tpu.memory_space<vmem>> -> memref<1x125xi32, #tpu.memory_space<vmem>>
    %dma_start3A_331 = tpu.memref_squeeze %dma_start3A_330 : memref<1x125xi32, #tpu.memory_space<vmem>> -> memref<125xi32, #tpu.memory_space<vmem>>
    %dma_start3A_332 = arith.constant 0 : i32
    %dma_start3A_333 = arith.constant 0 : i32
    %dma_start3A_334 = tpu.memref_slice %arg3[%dma_start3A_332, %dma_start3A_333] : memref<10000x64xf32, #tpu.memory_space<hbm>> -> memref<10000x64xf32, #tpu.memory_space<hbm>>
    tpu.enqueue_indirect_dma source(%dma_start3A_334 : memref<10000x64xf32, #tpu.memory_space<hbm>>) target(%arg20 : memref<125x64xf32, #tpu.memory_space<vmem>>) offsets(%dma_start3A_331 : memref<125xi32, #tpu.memory_space<vmem>>) semaphore(%arg24 : memref<!tpu.dma_semaphore, #tpu.memory_space<semaphore_mem>>)
    %scan3A_335 = arith.constant 0 : i32
    %scan3A_336 = arith.constant 0 : i32
    %scan3A_337 = arith.constant 20 : i32
    %scan3A_338 = arith.addi %scan3A_336, %scan3A_337 : i32
    %scan3A_339 = arith.constant 1 : i32
    scf.for %scan3A_364 = %scan3A_336 to %scan3A_338 step %scan3A_339  : i32 {
      %mul3A_365 = arith.constant 4 : i32
      %mul3A_366 = arith.muli %scan3A_364, %mul3A_365 : i32
      %add3A_367 = arith.constant 0 : i32
      %add3A_368 = arith.addi %mul3A_366, %add3A_367 : i32
      %dma_wait3A_369 = arith.constant 0 : i32
      %dma_wait3A_370 = tpu.memref_slice %arg12[%add3A_368, %dma_wait3A_369] : memref<80x125xi32, #tpu.memory_space<vmem>> -> memref<1x125xi32, #tpu.memory_space<vmem>>
      %dma_wait3A_371 = tpu.memref_squeeze %dma_wait3A_370 : memref<1x125xi32, #tpu.memory_space<vmem>> -> memref<125xi32, #tpu.memory_space<vmem>>
      %dma_wait3A_372 = arith.constant 0 : i32
      %dma_wait3A_373 = arith.constant 0 : i32
      %dma_wait3A_374 = tpu.memref_slice %arg3[%dma_wait3A_372, %dma_wait3A_373] : memref<10000x64xf32, #tpu.memory_space<hbm>> -> memref<10000x64xf32, #tpu.memory_space<hbm>>
      tpu.wait_indirect_dma semaphore(%arg23 : memref<!tpu.dma_semaphore, #tpu.memory_space<semaphore_mem>>) src(%dma_wait3A_374 : memref<10000x64xf32, #tpu.memory_space<hbm>>) dst(%arg19 : memref<125x64xf32, #tpu.memory_space<vmem>>)
      %dma_start3A_375 = arith.constant 0 : i32
      %dma_start3A_376 = tpu.memref_slice %arg13[%add3A_368, %dma_start3A_375] : memref<80x125xi32, #tpu.memory_space<vmem>> -> memref<1x125xi32, #tpu.memory_space<vmem>>
      %dma_start3A_377 = tpu.memref_squeeze %dma_start3A_376 : memref<1x125xi32, #tpu.memory_space<vmem>> -> memref<125xi32, #tpu.memory_space<vmem>>
      %dma_start3A_378 = arith.constant 0 : i32
      %dma_start3A_379 = arith.constant 0 : i32
      %dma_start3A_380 = tpu.memref_slice %arg17[%dma_start3A_378, %dma_start3A_379] : memref<10240x64xf32, #tpu.memory_space<vmem_shared>> -> memref<10240x64xf32, #tpu.memory_space<vmem_shared>>
      tpu.enqueue_indirect_dma source(%arg19 : memref<125x64xf32, #tpu.memory_space<vmem>>) target(%dma_start3A_380 : memref<10240x64xf32, #tpu.memory_space<vmem_shared>>) offsets(%dma_start3A_377 : memref<125xi32, #tpu.memory_space<vmem>>) semaphore(%arg27 : memref<!tpu.dma_semaphore, #tpu.memory_space<semaphore_mem>>) {add = true}
      %ge3A = arith.constant 2 : i32
      %ge3A_381 = arith.cmpi sge, %add3A_368, %ge3A : i32
      %convert_element_type3A = arith.extui %ge3A_381 : i1 to i32
      %cond3A = arith.constant 0 : i32
      %cond3A_382 = arith.cmpi ne, %convert_element_type3A, %cond3A : i32
      scf.if %cond3A_382 {
        %sub3A = arith.constant 2 : i32
        %sub3A_473 = arith.subi %add3A_368, %sub3A : i32
        %dma_wait3A_474 = arith.constant 0 : i32
        %dma_wait3A_475 = tpu.memref_slice %arg13[%sub3A_473, %dma_wait3A_474] : memref<80x125xi32, #tpu.memory_space<vmem>> -> memref<1x125xi32, #tpu.memory_space<vmem>>
        %dma_wait3A_476 = tpu.memref_squeeze %dma_wait3A_475 : memref<1x125xi32, #tpu.memory_space<vmem>> -> memref<125xi32, #tpu.memory_space<vmem>>
        %dma_wait3A_477 = arith.constant 0 : i32
        %dma_wait3A_478 = arith.constant 0 : i32
        %dma_wait3A_479 = tpu.memref_slice %arg17[%dma_wait3A_477, %dma_wait3A_478] : memref<10240x64xf32, #tpu.memory_space<vmem_shared>> -> memref<10240x64xf32, #tpu.memory_space<vmem_shared>>
        tpu.wait_indirect_dma semaphore(%arg29 : memref<!tpu.dma_semaphore, #tpu.memory_space<semaphore_mem>>) src(%arg21 : memref<125x64xf32, #tpu.memory_space<vmem>>) dst(%dma_wait3A_479 : memref<10240x64xf32, #tpu.memory_space<vmem_shared>>)
      } else {
      }
      %add3A_383 = arith.constant 2 : i32
      %add3A_384 = arith.addi %add3A_368, %add3A_383 : i32
      %lt3A = arith.constant 80 : i32
      %lt3A_385 = arith.cmpi slt, %add3A_384, %lt3A : i32
      %convert_element_type3A_386 = arith.extui %lt3A_385 : i1 to i32
      %cond3A_387 = arith.constant 0 : i32
      %cond3A_388 = arith.cmpi ne, %convert_element_type3A_386, %cond3A_387 : i32
      scf.if %cond3A_388 {
        %add3A_473 = arith.constant 2 : i32
        %add3A_474 = arith.addi %add3A_368, %add3A_473 : i32
        %dma_start3A_475 = arith.constant 0 : i32
        %dma_start3A_476 = tpu.memref_slice %arg12[%add3A_474, %dma_start3A_475] : memref<80x125xi32, #tpu.memory_space<vmem>> -> memref<1x125xi32, #tpu.memory_space<vmem>>
        %dma_start3A_477 = tpu.memref_squeeze %dma_start3A_476 : memref<1x125xi32, #tpu.memory_space<vmem>> -> memref<125xi32, #tpu.memory_space<vmem>>
        %dma_start3A_478 = arith.constant 0 : i32
        %dma_start3A_479 = arith.constant 0 : i32
        %dma_start3A_480 = tpu.memref_slice %arg3[%dma_start3A_478, %dma_start3A_479] : memref<10000x64xf32, #tpu.memory_space<hbm>> -> memref<10000x64xf32, #tpu.memory_space<hbm>>
        tpu.enqueue_indirect_dma source(%dma_start3A_480 : memref<10000x64xf32, #tpu.memory_space<hbm>>) target(%arg21 : memref<125x64xf32, #tpu.memory_space<vmem>>) offsets(%dma_start3A_477 : memref<125xi32, #tpu.memory_space<vmem>>) semaphore(%arg25 : memref<!tpu.dma_semaphore, #tpu.memory_space<semaphore_mem>>)
      } else {
      }
      %mul3A_389 = arith.constant 4 : i32
      %mul3A_390 = arith.muli %scan3A_364, %mul3A_389 : i32
      %add3A_391 = arith.constant 1 : i32
      %add3A_392 = arith.addi %mul3A_390, %add3A_391 : i32
      %dma_wait3A_393 = arith.constant 0 : i32
      %dma_wait3A_394 = tpu.memref_slice %arg12[%add3A_392, %dma_wait3A_393] : memref<80x125xi32, #tpu.memory_space<vmem>> -> memref<1x125xi32, #tpu.memory_space<vmem>>
      %dma_wait3A_395 = tpu.memref_squeeze %dma_wait3A_394 : memref<1x125xi32, #tpu.memory_space<vmem>> -> memref<125xi32, #tpu.memory_space<vmem>>
      %dma_wait3A_396 = arith.constant 0 : i32
      %dma_wait3A_397 = arith.constant 0 : i32
      %dma_wait3A_398 = tpu.memref_slice %arg3[%dma_wait3A_396, %dma_wait3A_397] : memref<10000x64xf32, #tpu.memory_space<hbm>> -> memref<10000x64xf32, #tpu.memory_space<hbm>>
      tpu.wait_indirect_dma semaphore(%arg24 : memref<!tpu.dma_semaphore, #tpu.memory_space<semaphore_mem>>) src(%dma_wait3A_398 : memref<10000x64xf32, #tpu.memory_space<hbm>>) dst(%arg20 : memref<125x64xf32, #tpu.memory_space<vmem>>)
      %dma_start3A_399 = arith.constant 0 : i32
      %dma_start3A_400 = tpu.memref_slice %arg13[%add3A_392, %dma_start3A_399] : memref<80x125xi32, #tpu.memory_space<vmem>> -> memref<1x125xi32, #tpu.memory_space<vmem>>
      %dma_start3A_401 = tpu.memref_squeeze %dma_start3A_400 : memref<1x125xi32, #tpu.memory_space<vmem>> -> memref<125xi32, #tpu.memory_space<vmem>>
      %dma_start3A_402 = arith.constant 0 : i32
      %dma_start3A_403 = arith.constant 0 : i32
      %dma_start3A_404 = tpu.memref_slice %arg17[%dma_start3A_402, %dma_start3A_403] : memref<10240x64xf32, #tpu.memory_space<vmem_shared>> -> memref<10240x64xf32, #tpu.memory_space<vmem_shared>>
      tpu.enqueue_indirect_dma source(%arg20 : memref<125x64xf32, #tpu.memory_space<vmem>>) target(%dma_start3A_404 : memref<10240x64xf32, #tpu.memory_space<vmem_shared>>) offsets(%dma_start3A_401 : memref<125xi32, #tpu.memory_space<vmem>>) semaphore(%arg28 : memref<!tpu.dma_semaphore, #tpu.memory_space<semaphore_mem>>) {add = true}
      %ge3A_405 = arith.constant 2 : i32
      %ge3A_406 = arith.cmpi sge, %add3A_392, %ge3A_405 : i32
      %convert_element_type3A_407 = arith.extui %ge3A_406 : i1 to i32
      %cond3A_408 = arith.constant 0 : i32
      %cond3A_409 = arith.cmpi ne, %convert_element_type3A_407, %cond3A_408 : i32
      scf.if %cond3A_409 {
        %sub3A = arith.constant 2 : i32
        %sub3A_473 = arith.subi %add3A_392, %sub3A : i32
        %dma_wait3A_474 = arith.constant 0 : i32
        %dma_wait3A_475 = tpu.memref_slice %arg13[%sub3A_473, %dma_wait3A_474] : memref<80x125xi32, #tpu.memory_space<vmem>> -> memref<1x125xi32, #tpu.memory_space<vmem>>
        %dma_wait3A_476 = tpu.memref_squeeze %dma_wait3A_475 : memref<1x125xi32, #tpu.memory_space<vmem>> -> memref<125xi32, #tpu.memory_space<vmem>>
        %dma_wait3A_477 = arith.constant 0 : i32
        %dma_wait3A_478 = arith.constant 0 : i32
        %dma_wait3A_479 = tpu.memref_slice %arg17[%dma_wait3A_477, %dma_wait3A_478] : memref<10240x64xf32, #tpu.memory_space<vmem_shared>> -> memref<10240x64xf32, #tpu.memory_space<vmem_shared>>
        tpu.wait_indirect_dma semaphore(%arg30 : memref<!tpu.dma_semaphore, #tpu.memory_space<semaphore_mem>>) src(%arg22 : memref<125x64xf32, #tpu.memory_space<vmem>>) dst(%dma_wait3A_479 : memref<10240x64xf32, #tpu.memory_space<vmem_shared>>)
      } else {
      }
      %add3A_410 = arith.constant 2 : i32
      %add3A_411 = arith.addi %add3A_392, %add3A_410 : i32
      %lt3A_412 = arith.constant 80 : i32
      %lt3A_413 = arith.cmpi slt, %add3A_411, %lt3A_412 : i32
      %convert_element_type3A_414 = arith.extui %lt3A_413 : i1 to i32
      %cond3A_415 = arith.constant 0 : i32
      %cond3A_416 = arith.cmpi ne, %convert_element_type3A_414, %cond3A_415 : i32
      scf.if %cond3A_416 {
        %add3A_473 = arith.constant 2 : i32
        %add3A_474 = arith.addi %add3A_392, %add3A_473 : i32
        %dma_start3A_475 = arith.constant 0 : i32
        %dma_start3A_476 = tpu.memref_slice %arg12[%add3A_474, %dma_start3A_475] : memref<80x125xi32, #tpu.memory_space<vmem>> -> memref<1x125xi32, #tpu.memory_space<vmem>>
        %dma_start3A_477 = tpu.memref_squeeze %dma_start3A_476 : memref<1x125xi32, #tpu.memory_space<vmem>> -> memref<125xi32, #tpu.memory_space<vmem>>
        %dma_start3A_478 = arith.constant 0 : i32
        %dma_start3A_479 = arith.constant 0 : i32
        %dma_start3A_480 = tpu.memref_slice %arg3[%dma_start3A_478, %dma_start3A_479] : memref<10000x64xf32, #tpu.memory_space<hbm>> -> memref<10000x64xf32, #tpu.memory_space<hbm>>
        tpu.enqueue_indirect_dma source(%dma_start3A_480 : memref<10000x64xf32, #tpu.memory_space<hbm>>) target(%arg22 : memref<125x64xf32, #tpu.memory_space<vmem>>) offsets(%dma_start3A_477 : memref<125xi32, #tpu.memory_space<vmem>>) semaphore(%arg26 : memref<!tpu.dma_semaphore, #tpu.memory_space<semaphore_mem>>)
      } else {
      }
      %mul3A_417 = arith.constant 4 : i32
      %mul3A_418 = arith.muli %scan3A_364, %mul3A_417 : i32
      %add3A_419 = arith.constant 2 : i32
      %add3A_420 = arith.addi %mul3A_418, %add3A_419 : i32
      %dma_wait3A_421 = arith.constant 0 : i32
      %dma_wait3A_422 = tpu.memref_slice %arg12[%add3A_420, %dma_wait3A_421] : memref<80x125xi32, #tpu.memory_space<vmem>> -> memref<1x125xi32, #tpu.memory_space<vmem>>
      %dma_wait3A_423 = tpu.memref_squeeze %dma_wait3A_422 : memref<1x125xi32, #tpu.memory_space<vmem>> -> memref<125xi32, #tpu.memory_space<vmem>>
      %dma_wait3A_424 = arith.constant 0 : i32
      %dma_wait3A_425 = arith.constant 0 : i32
      %dma_wait3A_426 = tpu.memref_slice %arg3[%dma_wait3A_424, %dma_wait3A_425] : memref<10000x64xf32, #tpu.memory_space<hbm>> -> memref<10000x64xf32, #tpu.memory_space<hbm>>
      tpu.wait_indirect_dma semaphore(%arg25 : memref<!tpu.dma_semaphore, #tpu.memory_space<semaphore_mem>>) src(%dma_wait3A_426 : memref<10000x64xf32, #tpu.memory_space<hbm>>) dst(%arg21 : memref<125x64xf32, #tpu.memory_space<vmem>>)
      %dma_start3A_427 = arith.constant 0 : i32
      %dma_start3A_428 = tpu.memref_slice %arg13[%add3A_420, %dma_start3A_427] : memref<80x125xi32, #tpu.memory_space<vmem>> -> memref<1x125xi32, #tpu.memory_space<vmem>>
      %dma_start3A_429 = tpu.memref_squeeze %dma_start3A_428 : memref<1x125xi32, #tpu.memory_space<vmem>> -> memref<125xi32, #tpu.memory_space<vmem>>
      %dma_start3A_430 = arith.constant 0 : i32
      %dma_start3A_431 = arith.constant 0 : i32
      %dma_start3A_432 = tpu.memref_slice %arg17[%dma_start3A_430, %dma_start3A_431] : memref<10240x64xf32, #tpu.memory_space<vmem_shared>> -> memref<10240x64xf32, #tpu.memory_space<vmem_shared>>
      tpu.enqueue_indirect_dma source(%arg21 : memref<125x64xf32, #tpu.memory_space<vmem>>) target(%dma_start3A_432 : memref<10240x64xf32, #tpu.memory_space<vmem_shared>>) offsets(%dma_start3A_429 : memref<125xi32, #tpu.memory_space<vmem>>) semaphore(%arg29 : memref<!tpu.dma_semaphore, #tpu.memory_space<semaphore_mem>>) {add = true}
      %ge3A_433 = arith.constant 2 : i32
      %ge3A_434 = arith.cmpi sge, %add3A_420, %ge3A_433 : i32
      %convert_element_type3A_435 = arith.extui %ge3A_434 : i1 to i32
      %cond3A_436 = arith.constant 0 : i32
      %cond3A_437 = arith.cmpi ne, %convert_element_type3A_435, %cond3A_436 : i32
      scf.if %cond3A_437 {
        %sub3A = arith.constant 2 : i32
        %sub3A_473 = arith.subi %add3A_420, %sub3A : i32
        %dma_wait3A_474 = arith.constant 0 : i32
        %dma_wait3A_475 = tpu.memref_slice %arg13[%sub3A_473, %dma_wait3A_474] : memref<80x125xi32, #tpu.memory_space<vmem>> -> memref<1x125xi32, #tpu.memory_space<vmem>>
        %dma_wait3A_476 = tpu.memref_squeeze %dma_wait3A_475 : memref<1x125xi32, #tpu.memory_space<vmem>> -> memref<125xi32, #tpu.memory_space<vmem>>
        %dma_wait3A_477 = arith.constant 0 : i32
        %dma_wait3A_478 = arith.constant 0 : i32
        %dma_wait3A_479 = tpu.memref_slice %arg17[%dma_wait3A_477, %dma_wait3A_478] : memref<10240x64xf32, #tpu.memory_space<vmem_shared>> -> memref<10240x64xf32, #tpu.memory_space<vmem_shared>>
        tpu.wait_indirect_dma semaphore(%arg27 : memref<!tpu.dma_semaphore, #tpu.memory_space<semaphore_mem>>) src(%arg19 : memref<125x64xf32, #tpu.memory_space<vmem>>) dst(%dma_wait3A_479 : memref<10240x64xf32, #tpu.memory_space<vmem_shared>>)
      } else {
      }
      %add3A_438 = arith.constant 2 : i32
      %add3A_439 = arith.addi %add3A_420, %add3A_438 : i32
      %lt3A_440 = arith.constant 80 : i32
      %lt3A_441 = arith.cmpi slt, %add3A_439, %lt3A_440 : i32
      %convert_element_type3A_442 = arith.extui %lt3A_441 : i1 to i32
      %cond3A_443 = arith.constant 0 : i32
      %cond3A_444 = arith.cmpi ne, %convert_element_type3A_442, %cond3A_443 : i32
      scf.if %cond3A_444 {
        %add3A_473 = arith.constant 2 : i32
        %add3A_474 = arith.addi %add3A_420, %add3A_473 : i32
        %dma_start3A_475 = arith.constant 0 : i32
        %dma_start3A_476 = tpu.memref_slice %arg12[%add3A_474, %dma_start3A_475] : memref<80x125xi32, #tpu.memory_space<vmem>> -> memref<1x125xi32, #tpu.memory_space<vmem>>
        %dma_start3A_477 = tpu.memref_squeeze %dma_start3A_476 : memref<1x125xi32, #tpu.memory_space<vmem>> -> memref<125xi32, #tpu.memory_space<vmem>>
        %dma_start3A_478 = arith.constant 0 : i32
        %dma_start3A_479 = arith.constant 0 : i32
        %dma_start3A_480 = tpu.memref_slice %arg3[%dma_start3A_478, %dma_start3A_479] : memref<10000x64xf32, #tpu.memory_space<hbm>> -> memref<10000x64xf32, #tpu.memory_space<hbm>>
        tpu.enqueue_indirect_dma source(%dma_start3A_480 : memref<10000x64xf32, #tpu.memory_space<hbm>>) target(%arg19 : memref<125x64xf32, #tpu.memory_space<vmem>>) offsets(%dma_start3A_477 : memref<125xi32, #tpu.memory_space<vmem>>) semaphore(%arg23 : memref<!tpu.dma_semaphore, #tpu.memory_space<semaphore_mem>>)
      } else {
      }
      %mul3A_445 = arith.constant 4 : i32
      %mul3A_446 = arith.muli %scan3A_364, %mul3A_445 : i32
      %add3A_447 = arith.constant 3 : i32
      %add3A_448 = arith.addi %mul3A_446, %add3A_447 : i32
      %dma_wait3A_449 = arith.constant 0 : i32
      %dma_wait3A_450 = tpu.memref_slice %arg12[%add3A_448, %dma_wait3A_449] : memref<80x125xi32, #tpu.memory_space<vmem>> -> memref<1x125xi32, #tpu.memory_space<vmem>>
      %dma_wait3A_451 = tpu.memref_squeeze %dma_wait3A_450 : memref<1x125xi32, #tpu.memory_space<vmem>> -> memref<125xi32, #tpu.memory_space<vmem>>
      %dma_wait3A_452 = arith.constant 0 : i32
      %dma_wait3A_453 = arith.constant 0 : i32
      %dma_wait3A_454 = tpu.memref_slice %arg3[%dma_wait3A_452, %dma_wait3A_453] : memref<10000x64xf32, #tpu.memory_space<hbm>> -> memref<10000x64xf32, #tpu.memory_space<hbm>>
      tpu.wait_indirect_dma semaphore(%arg26 : memref<!tpu.dma_semaphore, #tpu.memory_space<semaphore_mem>>) src(%dma_wait3A_454 : memref<10000x64xf32, #tpu.memory_space<hbm>>) dst(%arg22 : memref<125x64xf32, #tpu.memory_space<vmem>>)
      %dma_start3A_455 = arith.constant 0 : i32
      %dma_start3A_456 = tpu.memref_slice %arg13[%add3A_448, %dma_start3A_455] : memref<80x125xi32, #tpu.memory_space<vmem>> -> memref<1x125xi32, #tpu.memory_space<vmem>>
      %dma_start3A_457 = tpu.memref_squeeze %dma_start3A_456 : memref<1x125xi32, #tpu.memory_space<vmem>> -> memref<125xi32, #tpu.memory_space<vmem>>
      %dma_start3A_458 = arith.constant 0 : i32
      %dma_start3A_459 = arith.constant 0 : i32
      %dma_start3A_460 = tpu.memref_slice %arg17[%dma_start3A_458, %dma_start3A_459] : memref<10240x64xf32, #tpu.memory_space<vmem_shared>> -> memref<10240x64xf32, #tpu.memory_space<vmem_shared>>
      tpu.enqueue_indirect_dma source(%arg22 : memref<125x64xf32, #tpu.memory_space<vmem>>) target(%dma_start3A_460 : memref<10240x64xf32, #tpu.memory_space<vmem_shared>>) offsets(%dma_start3A_457 : memref<125xi32, #tpu.memory_space<vmem>>) semaphore(%arg30 : memref<!tpu.dma_semaphore, #tpu.memory_space<semaphore_mem>>) {add = true}
      %ge3A_461 = arith.constant 2 : i32
      %ge3A_462 = arith.cmpi sge, %add3A_448, %ge3A_461 : i32
      %convert_element_type3A_463 = arith.extui %ge3A_462 : i1 to i32
      %cond3A_464 = arith.constant 0 : i32
      %cond3A_465 = arith.cmpi ne, %convert_element_type3A_463, %cond3A_464 : i32
      scf.if %cond3A_465 {
        %sub3A = arith.constant 2 : i32
        %sub3A_473 = arith.subi %add3A_448, %sub3A : i32
        %dma_wait3A_474 = arith.constant 0 : i32
        %dma_wait3A_475 = tpu.memref_slice %arg13[%sub3A_473, %dma_wait3A_474] : memref<80x125xi32, #tpu.memory_space<vmem>> -> memref<1x125xi32, #tpu.memory_space<vmem>>
        %dma_wait3A_476 = tpu.memref_squeeze %dma_wait3A_475 : memref<1x125xi32, #tpu.memory_space<vmem>> -> memref<125xi32, #tpu.memory_space<vmem>>
        %dma_wait3A_477 = arith.constant 0 : i32
        %dma_wait3A_478 = arith.constant 0 : i32
        %dma_wait3A_479 = tpu.memref_slice %arg17[%dma_wait3A_477, %dma_wait3A_478] : memref<10240x64xf32, #tpu.memory_space<vmem_shared>> -> memref<10240x64xf32, #tpu.memory_space<vmem_shared>>
        tpu.wait_indirect_dma semaphore(%arg28 : memref<!tpu.dma_semaphore, #tpu.memory_space<semaphore_mem>>) src(%arg20 : memref<125x64xf32, #tpu.memory_space<vmem>>) dst(%dma_wait3A_479 : memref<10240x64xf32, #tpu.memory_space<vmem_shared>>)
      } else {
      }
      %add3A_466 = arith.constant 2 : i32
      %add3A_467 = arith.addi %add3A_448, %add3A_466 : i32
      %lt3A_468 = arith.constant 80 : i32
      %lt3A_469 = arith.cmpi slt, %add3A_467, %lt3A_468 : i32
      %convert_element_type3A_470 = arith.extui %lt3A_469 : i1 to i32
      %cond3A_471 = arith.constant 0 : i32
      %cond3A_472 = arith.cmpi ne, %convert_element_type3A_470, %cond3A_471 : i32
      scf.if %cond3A_472 {
        %add3A_473 = arith.constant 2 : i32
        %add3A_474 = arith.addi %add3A_448, %add3A_473 : i32
        %dma_start3A_475 = arith.constant 0 : i32
        %dma_start3A_476 = tpu.memref_slice %arg12[%add3A_474, %dma_start3A_475] : memref<80x125xi32, #tpu.memory_space<vmem>> -> memref<1x125xi32, #tpu.memory_space<vmem>>
        %dma_start3A_477 = tpu.memref_squeeze %dma_start3A_476 : memref<1x125xi32, #tpu.memory_space<vmem>> -> memref<125xi32, #tpu.memory_space<vmem>>
        %dma_start3A_478 = arith.constant 0 : i32
        %dma_start3A_479 = arith.constant 0 : i32
        %dma_start3A_480 = tpu.memref_slice %arg3[%dma_start3A_478, %dma_start3A_479] : memref<10000x64xf32, #tpu.memory_space<hbm>> -> memref<10000x64xf32, #tpu.memory_space<hbm>>
        tpu.enqueue_indirect_dma source(%dma_start3A_480 : memref<10000x64xf32, #tpu.memory_space<hbm>>) target(%arg20 : memref<125x64xf32, #tpu.memory_space<vmem>>) offsets(%dma_start3A_477 : memref<125xi32, #tpu.memory_space<vmem>>) semaphore(%arg24 : memref<!tpu.dma_semaphore, #tpu.memory_space<semaphore_mem>>)
      } else {
      }
    }
    %scan3A_340 = arith.constant 20 : i32
    %dma_wait3A_341 = arith.constant 0 : i32
    %dma_wait3A_342 = arith.constant 0 : i32
    %dma_wait3A_343 = tpu.memref_slice %arg13[%dma_wait3A_341, %dma_wait3A_342] : memref<80x125xi32, #tpu.memory_space<vmem>> -> memref<1x125xi32, #tpu.memory_space<vmem>>
    %dma_wait3A_344 = tpu.memref_squeeze %dma_wait3A_343 : memref<1x125xi32, #tpu.memory_space<vmem>> -> memref<125xi32, #tpu.memory_space<vmem>>
    %dma_wait3A_345 = arith.constant 0 : i32
    %dma_wait3A_346 = arith.constant 0 : i32
    %dma_wait3A_347 = tpu.memref_slice %arg17[%dma_wait3A_345, %dma_wait3A_346] : memref<10240x64xf32, #tpu.memory_space<vmem_shared>> -> memref<10240x64xf32, #tpu.memory_space<vmem_shared>>
    tpu.wait_indirect_dma semaphore(%arg29 : memref<!tpu.dma_semaphore, #tpu.memory_space<semaphore_mem>>) src(%arg21 : memref<125x64xf32, #tpu.memory_space<vmem>>) dst(%dma_wait3A_347 : memref<10240x64xf32, #tpu.memory_space<vmem_shared>>)
    %dma_wait3A_348 = arith.constant 0 : i32
    %dma_wait3A_349 = arith.constant 0 : i32
    %dma_wait3A_350 = tpu.memref_slice %arg13[%dma_wait3A_348, %dma_wait3A_349] : memref<80x125xi32, #tpu.memory_space<vmem>> -> memref<1x125xi32, #tpu.memory_space<vmem>>
    %dma_wait3A_351 = tpu.memref_squeeze %dma_wait3A_350 : memref<1x125xi32, #tpu.memory_space<vmem>> -> memref<125xi32, #tpu.memory_space<vmem>>
    %dma_wait3A_352 = arith.constant 0 : i32
    %dma_wait3A_353 = arith.constant 0 : i32
    %dma_wait3A_354 = tpu.memref_slice %arg17[%dma_wait3A_352, %dma_wait3A_353] : memref<10240x64xf32, #tpu.memory_space<vmem_shared>> -> memref<10240x64xf32, #tpu.memory_space<vmem_shared>>
    tpu.wait_indirect_dma semaphore(%arg30 : memref<!tpu.dma_semaphore, #tpu.memory_space<semaphore_mem>>) src(%arg22 : memref<125x64xf32, #tpu.memory_space<vmem>>) dst(%dma_wait3A_354 : memref<10240x64xf32, #tpu.memory_space<vmem_shared>>)
    %barrier3A_355 = arith.constant 0 : index
    tpu.barrier barrier_id(%barrier3A_355)
    %mul3A_356 = arith.constant 640 : i32
    %mul3A_357 = arith.muli %arg1, %mul3A_356 : i32
    %mul3A_358 = arith.constant 10240 : i32
    %mul3A_359 = arith.muli %arg0, %mul3A_358 : i32
    %mul3A_360 = arith.constant 640 : i32
    %mul3A_361 = arith.muli %arg1, %mul3A_360 : i32
    %add3A_362 = arith.addi %mul3A_359, %mul3A_361 : i32
    "tpu.region"() ({
      %run_scoped3A = tpu.sem_alloc : memref<!tpu.dma_semaphore, #tpu.memory_space<semaphore_mem>>
      %dma_start3A_364 = arith.constant 0 : i32
      %dma_start3A_365 = tpu.memref_slice %arg10[%add3A_362, %dma_start3A_364] : memref<20480x64xf32, #tpu.memory_space<hbm>> -> memref<640x64xf32, #tpu.memory_space<hbm>>
      %dma_start3A_366 = arith.constant 0 : i32
      %dma_start3A_367 = tpu.memref_slice %arg17[%mul3A_357, %dma_start3A_366] : memref<10240x64xf32, #tpu.memory_space<vmem_shared>> -> memref<640x64xf32, #tpu.memory_space<vmem_shared>>
      tpu.enqueue_dma source(%dma_start3A_367 : memref<640x64xf32, #tpu.memory_space<vmem_shared>>) target(%dma_start3A_365 : memref<640x64xf32, #tpu.memory_space<hbm>>) target_semaphore(%run_scoped3A : memref<!tpu.dma_semaphore, #tpu.memory_space<semaphore_mem>>)
      %dma_wait3A_368 = arith.constant 0 : i32
      %dma_wait3A_369 = tpu.memref_slice %arg10[%add3A_362, %dma_wait3A_368] : memref<20480x64xf32, #tpu.memory_space<hbm>> -> memref<640x64xf32, #tpu.memory_space<hbm>>
      %dma_wait3A_370 = arith.constant 0 : i32
      %dma_wait3A_371 = tpu.memref_slice %arg17[%mul3A_357, %dma_wait3A_370] : memref<10240x64xf32, #tpu.memory_space<vmem_shared>> -> memref<640x64xf32, #tpu.memory_space<vmem_shared>>
      tpu.wait_dma2 semaphore(%run_scoped3A : memref<!tpu.dma_semaphore, #tpu.memory_space<semaphore_mem>>) src(%dma_wait3A_371 : memref<640x64xf32, #tpu.memory_space<vmem_shared>>) dst(%dma_wait3A_369 : memref<640x64xf32, #tpu.memory_space<hbm>>)
      tpu.yield
    }) : () -> ()
    %barrier3A_363 = arith.constant 0 : index
    tpu.barrier barrier_id(%barrier3A_363)
    return
  }
}

#map = affine_map<(d0, d1) -> (0, 0)>
#map1 = affine_map<(d0, d1) -> (0, 0, 0)>
module attributes {stable_mosaic.version = 14 : i64} {
  func.func @sc_segsum(%arg0: i32, %arg1: i32, %arg2: memref<10000x64xf32, #tpu.memory_space<hbm>>, %arg3: memref<10000x64xf32, #tpu.memory_space<hbm>>, %arg4: memref<32x80x125xi32, #tpu.memory_space<hbm>>, %arg5: memref<32x80x125xi32, #tpu.memory_space<hbm>>, %arg6: memref<128x64xf32, #tpu.memory_space<hbm>>, %arg7: memref<20480x64xf32, #tpu.memory_space<hbm>>, %arg8: memref<20480x64xf32, #tpu.memory_space<hbm>>, %arg9: memref<80x125xi32, #tpu.memory_space<vmem>>, %arg10: memref<80x125xi32, #tpu.memory_space<vmem>>, %arg11: memref<128x64xf32, #tpu.memory_space<vmem>>, %arg12: memref<10240x64xf32, #tpu.memory_space<vmem_shared>>, %arg13: memref<125x64xf32, #tpu.memory_space<vmem>>, %arg14: memref<125x64xf32, #tpu.memory_space<vmem>>, %arg15: memref<125x64xf32, #tpu.memory_space<vmem>>, %arg16: memref<125x64xf32, #tpu.memory_space<vmem>>, %arg17: memref<!tpu.dma_semaphore, #tpu.memory_space<semaphore_mem>>, %arg18: memref<!tpu.dma_semaphore, #tpu.memory_space<semaphore_mem>>, %arg19: memref<!tpu.dma_semaphore, #tpu.memory_space<semaphore_mem>>, %arg20: memref<!tpu.dma_semaphore, #tpu.memory_space<semaphore_mem>>, %arg21: memref<!tpu.dma_semaphore, #tpu.memory_space<semaphore_mem>>, %arg22: memref<!tpu.dma_semaphore, #tpu.memory_space<semaphore_mem>>, %arg23: memref<!tpu.dma_semaphore, #tpu.memory_space<semaphore_mem>>, %arg24: memref<!tpu.dma_semaphore, #tpu.memory_space<semaphore_mem>>) attributes {dimension_semantics = [#tpu.dimension_semantics<core_parallel>, #tpu.dimension_semantics<subcore_parallel>], iteration_bounds = array<i64: 2, 16>, scalar_prefetch = 0 : i64, scratch_operands = 16 : i64, tpu.core_type = #tpu.core_type<sc_vector_subcore>, window_params = [{transform_indices = #map}, {transform_indices = #map}, {transform_indices = #map1}, {transform_indices = #map1}, {transform_indices = #map}, {transform_indices = #map}, {transform_indices = #map}]} {
    %mul3A = arith.constant 2 : i32
    %mul3A_0 = arith.muli %arg1, %mul3A : i32
    %add3A = arith.addi %mul3A_0, %arg0 : i32
    %dma_start3A = arith.constant 0 : i32
    %dma_start3A_1 = arith.constant 0 : i32
    %dma_start3A_2 = tpu.memref_slice %arg4[%add3A, %dma_start3A, %dma_start3A_1] : memref<32x80x125xi32, #tpu.memory_space<hbm>> -> memref<1x80x125xi32, #tpu.memory_space<hbm>>
    %dma_start3A_3 = tpu.memref_squeeze %dma_start3A_2 : memref<1x80x125xi32, #tpu.memory_space<hbm>> -> memref<80x125xi32, #tpu.memory_space<hbm>>
    %dma_start3A_4 = arith.constant 0 : i32
    %dma_start3A_5 = arith.constant 0 : i32
    %dma_start3A_6 = tpu.memref_slice %arg4[%add3A, %dma_start3A_4, %dma_start3A_5] : memref<32x80x125xi32, #tpu.memory_space<hbm>> -> memref<1x80x125xi32, #tpu.memory_space<hbm>>
    %dma_start3A_7 = tpu.memref_squeeze %dma_start3A_6 : memref<1x80x125xi32, #tpu.memory_space<hbm>> -> memref<80x125xi32, #tpu.memory_space<hbm>>
    tpu.enqueue_dma source(%dma_start3A_7 : memref<80x125xi32, #tpu.memory_space<hbm>>) target(%arg9 : memref<80x125xi32, #tpu.memory_space<vmem>>) target_semaphore(%arg17 : memref<!tpu.dma_semaphore, #tpu.memory_space<semaphore_mem>>)
    %dma_start3A_8 = arith.constant 0 : i32
    %dma_start3A_9 = arith.constant 0 : i32
    %dma_start3A_10 = tpu.memref_slice %arg5[%add3A, %dma_start3A_8, %dma_start3A_9] : memref<32x80x125xi32, #tpu.memory_space<hbm>> -> memref<1x80x125xi32, #tpu.memory_space<hbm>>
    %dma_start3A_11 = tpu.memref_squeeze %dma_start3A_10 : memref<1x80x125xi32, #tpu.memory_space<hbm>> -> memref<80x125xi32, #tpu.memory_space<hbm>>
    %dma_start3A_12 = arith.constant 0 : i32
    %dma_start3A_13 = arith.constant 0 : i32
    %dma_start3A_14 = tpu.memref_slice %arg5[%add3A, %dma_start3A_12, %dma_start3A_13] : memref<32x80x125xi32, #tpu.memory_space<hbm>> -> memref<1x80x125xi32, #tpu.memory_space<hbm>>
    %dma_start3A_15 = tpu.memref_squeeze %dma_start3A_14 : memref<1x80x125xi32, #tpu.memory_space<hbm>> -> memref<80x125xi32, #tpu.memory_space<hbm>>
    tpu.enqueue_dma source(%dma_start3A_15 : memref<80x125xi32, #tpu.memory_space<hbm>>) target(%arg10 : memref<80x125xi32, #tpu.memory_space<vmem>>) target_semaphore(%arg18 : memref<!tpu.dma_semaphore, #tpu.memory_space<semaphore_mem>>)
    "tpu.region"() ({
      %run_scoped3A = tpu.sem_alloc : memref<!tpu.dma_semaphore, #tpu.memory_space<semaphore_mem>>
      tpu.enqueue_dma source(%arg6 : memref<128x64xf32, #tpu.memory_space<hbm>>) target(%arg11 : memref<128x64xf32, #tpu.memory_space<vmem>>) target_semaphore(%run_scoped3A : memref<!tpu.dma_semaphore, #tpu.memory_space<semaphore_mem>>)
      tpu.wait_dma2 semaphore(%run_scoped3A : memref<!tpu.dma_semaphore, #tpu.memory_space<semaphore_mem>>) src(%arg6 : memref<128x64xf32, #tpu.memory_space<hbm>>) dst(%arg11 : memref<128x64xf32, #tpu.memory_space<vmem>>)
      tpu.yield
    }) : () -> ()
    %dma_wait3A = arith.constant 0 : i32
    %dma_wait3A_16 = arith.constant 0 : i32
    %dma_wait3A_17 = tpu.memref_slice %arg4[%add3A, %dma_wait3A, %dma_wait3A_16] : memref<32x80x125xi32, #tpu.memory_space<hbm>> -> memref<1x80x125xi32, #tpu.memory_space<hbm>>
    %dma_wait3A_18 = tpu.memref_squeeze %dma_wait3A_17 : memref<1x80x125xi32, #tpu.memory_space<hbm>> -> memref<80x125xi32, #tpu.memory_space<hbm>>
    %dma_wait3A_19 = arith.constant 0 : i32
    %dma_wait3A_20 = arith.constant 0 : i32
    %dma_wait3A_21 = tpu.memref_slice %arg4[%add3A, %dma_wait3A_19, %dma_wait3A_20] : memref<32x80x125xi32, #tpu.memory_space<hbm>> -> memref<1x80x125xi32, #tpu.memory_space<hbm>>
    %dma_wait3A_22 = tpu.memref_squeeze %dma_wait3A_21 : memref<1x80x125xi32, #tpu.memory_space<hbm>> -> memref<80x125xi32, #tpu.memory_space<hbm>>
    tpu.wait_dma2 semaphore(%arg17 : memref<!tpu.dma_semaphore, #tpu.memory_space<semaphore_mem>>) src(%dma_wait3A_22 : memref<80x125xi32, #tpu.memory_space<hbm>>) dst(%arg9 : memref<80x125xi32, #tpu.memory_space<vmem>>)
    %dma_wait3A_23 = arith.constant 0 : i32
    %dma_wait3A_24 = arith.constant 0 : i32
    %dma_wait3A_25 = tpu.memref_slice %arg5[%add3A, %dma_wait3A_23, %dma_wait3A_24] : memref<32x80x125xi32, #tpu.memory_space<hbm>> -> memref<1x80x125xi32, #tpu.memory_space<hbm>>
    %dma_wait3A_26 = tpu.memref_squeeze %dma_wait3A_25 : memref<1x80x125xi32, #tpu.memory_space<hbm>> -> memref<80x125xi32, #tpu.memory_space<hbm>>
    %dma_wait3A_27 = arith.constant 0 : i32
    %dma_wait3A_28 = arith.constant 0 : i32
    %dma_wait3A_29 = tpu.memref_slice %arg5[%add3A, %dma_wait3A_27, %dma_wait3A_28] : memref<32x80x125xi32, #tpu.memory_space<hbm>> -> memref<1x80x125xi32, #tpu.memory_space<hbm>>
    %dma_wait3A_30 = tpu.memref_squeeze %dma_wait3A_29 : memref<1x80x125xi32, #tpu.memory_space<hbm>> -> memref<80x125xi32, #tpu.memory_space<hbm>>
    tpu.wait_dma2 semaphore(%arg18 : memref<!tpu.dma_semaphore, #tpu.memory_space<semaphore_mem>>) src(%dma_wait3A_30 : memref<80x125xi32, #tpu.memory_space<hbm>>) dst(%arg10 : memref<80x125xi32, #tpu.memory_space<vmem>>)
    %mul3A_31 = arith.constant 640 : i32
    %mul3A_32 = arith.muli %arg1, %mul3A_31 : i32
    %add3A_33 = arith.constant 0 : i32
    %add3A_34 = arith.addi %mul3A_32, %add3A_33 : i32
    %dma_start3A_35 = arith.constant 0 : i32
    %dma_start3A_36 = tpu.memref_slice %arg12[%add3A_34, %dma_start3A_35] : memref<10240x64xf32, #tpu.memory_space<vmem_shared>> -> memref<128x64xf32, #tpu.memory_space<vmem_shared>>
    %dma_start3A_37 = arith.constant 0 : i32
    %dma_start3A_38 = tpu.memref_slice %arg12[%add3A_34, %dma_start3A_37] : memref<10240x64xf32, #tpu.memory_space<vmem_shared>> -> memref<128x64xf32, #tpu.memory_space<vmem_shared>>
    tpu.enqueue_dma source(%arg11 : memref<128x64xf32, #tpu.memory_space<vmem>>) target(%dma_start3A_38 : memref<128x64xf32, #tpu.memory_space<vmem_shared>>) target_semaphore(%arg17 : memref<!tpu.dma_semaphore, #tpu.memory_space<semaphore_mem>>)
    %mul3A_39 = arith.constant 640 : i32
    %mul3A_40 = arith.muli %arg1, %mul3A_39 : i32
    %add3A_41 = arith.constant 128 : i32
    %add3A_42 = arith.addi %mul3A_40, %add3A_41 : i32
    %dma_start3A_43 = arith.constant 0 : i32
    %dma_start3A_44 = tpu.memref_slice %arg12[%add3A_42, %dma_start3A_43] : memref<10240x64xf32, #tpu.memory_space<vmem_shared>> -> memref<128x64xf32, #tpu.memory_space<vmem_shared>>
    %dma_start3A_45 = arith.constant 0 : i32
    %dma_start3A_46 = tpu.memref_slice %arg12[%add3A_42, %dma_start3A_45] : memref<10240x64xf32, #tpu.memory_space<vmem_shared>> -> memref<128x64xf32, #tpu.memory_space<vmem_shared>>
    tpu.enqueue_dma source(%arg11 : memref<128x64xf32, #tpu.memory_space<vmem>>) target(%dma_start3A_46 : memref<128x64xf32, #tpu.memory_space<vmem_shared>>) target_semaphore(%arg18 : memref<!tpu.dma_semaphore, #tpu.memory_space<semaphore_mem>>)
    %mul3A_47 = arith.constant 640 : i32
    %mul3A_48 = arith.muli %arg1, %mul3A_47 : i32
    %add3A_49 = arith.constant 256 : i32
    %add3A_50 = arith.addi %mul3A_48, %add3A_49 : i32
    %dma_start3A_51 = arith.constant 0 : i32
    %dma_start3A_52 = tpu.memref_slice %arg12[%add3A_50, %dma_start3A_51] : memref<10240x64xf32, #tpu.memory_space<vmem_shared>> -> memref<128x64xf32, #tpu.memory_space<vmem_shared>>
    %dma_start3A_53 = arith.constant 0 : i32
    %dma_start3A_54 = tpu.memref_slice %arg12[%add3A_50, %dma_start3A_53] : memref<10240x64xf32, #tpu.memory_space<vmem_shared>> -> memref<128x64xf32, #tpu.memory_space<vmem_shared>>
    tpu.enqueue_dma source(%arg11 : memref<128x64xf32, #tpu.memory_space<vmem>>) target(%dma_start3A_54 : memref<128x64xf32, #tpu.memory_space<vmem_shared>>) target_semaphore(%arg19 : memref<!tpu.dma_semaphore, #tpu.memory_space<semaphore_mem>>)
    %mul3A_55 = arith.constant 640 : i32
    %mul3A_56 = arith.muli %arg1, %mul3A_55 : i32
    %add3A_57 = arith.constant 384 : i32
    %add3A_58 = arith.addi %mul3A_56, %add3A_57 : i32
    %dma_start3A_59 = arith.constant 0 : i32
    %dma_start3A_60 = tpu.memref_slice %arg12[%add3A_58, %dma_start3A_59] : memref<10240x64xf32, #tpu.memory_space<vmem_shared>> -> memref<128x64xf32, #tpu.memory_space<vmem_shared>>
    %dma_start3A_61 = arith.constant 0 : i32
    %dma_start3A_62 = tpu.memref_slice %arg12[%add3A_58, %dma_start3A_61] : memref<10240x64xf32, #tpu.memory_space<vmem_shared>> -> memref<128x64xf32, #tpu.memory_space<vmem_shared>>
    tpu.enqueue_dma source(%arg11 : memref<128x64xf32, #tpu.memory_space<vmem>>) target(%dma_start3A_62 : memref<128x64xf32, #tpu.memory_space<vmem_shared>>) target_semaphore(%arg20 : memref<!tpu.dma_semaphore, #tpu.memory_space<semaphore_mem>>)
    %mul3A_63 = arith.constant 640 : i32
    %mul3A_64 = arith.muli %arg1, %mul3A_63 : i32
    %add3A_65 = arith.constant 512 : i32
    %add3A_66 = arith.addi %mul3A_64, %add3A_65 : i32
    %dma_start3A_67 = arith.constant 0 : i32
    %dma_start3A_68 = tpu.memref_slice %arg12[%add3A_66, %dma_start3A_67] : memref<10240x64xf32, #tpu.memory_space<vmem_shared>> -> memref<128x64xf32, #tpu.memory_space<vmem_shared>>
    %dma_start3A_69 = arith.constant 0 : i32
    %dma_start3A_70 = tpu.memref_slice %arg12[%add3A_66, %dma_start3A_69] : memref<10240x64xf32, #tpu.memory_space<vmem_shared>> -> memref<128x64xf32, #tpu.memory_space<vmem_shared>>
    tpu.enqueue_dma source(%arg11 : memref<128x64xf32, #tpu.memory_space<vmem>>) target(%dma_start3A_70 : memref<128x64xf32, #tpu.memory_space<vmem_shared>>) target_semaphore(%arg17 : memref<!tpu.dma_semaphore, #tpu.memory_space<semaphore_mem>>)
    %mul3A_71 = arith.constant 640 : i32
    %mul3A_72 = arith.muli %arg1, %mul3A_71 : i32
    %add3A_73 = arith.constant 0 : i32
    %add3A_74 = arith.addi %mul3A_72, %add3A_73 : i32
    %dma_wait3A_75 = arith.constant 0 : i32
    %dma_wait3A_76 = tpu.memref_slice %arg12[%add3A_74, %dma_wait3A_75] : memref<10240x64xf32, #tpu.memory_space<vmem_shared>> -> memref<128x64xf32, #tpu.memory_space<vmem_shared>>
    %dma_wait3A_77 = arith.constant 0 : i32
    %dma_wait3A_78 = tpu.memref_slice %arg12[%add3A_74, %dma_wait3A_77] : memref<10240x64xf32, #tpu.memory_space<vmem_shared>> -> memref<128x64xf32, #tpu.memory_space<vmem_shared>>
    tpu.wait_dma2 semaphore(%arg17 : memref<!tpu.dma_semaphore, #tpu.memory_space<semaphore_mem>>) src(%arg11 : memref<128x64xf32, #tpu.memory_space<vmem>>) dst(%dma_wait3A_78 : memref<128x64xf32, #tpu.memory_space<vmem_shared>>)
    %mul3A_79 = arith.constant 640 : i32
    %mul3A_80 = arith.muli %arg1, %mul3A_79 : i32
    %add3A_81 = arith.constant 128 : i32
    %add3A_82 = arith.addi %mul3A_80, %add3A_81 : i32
    %dma_wait3A_83 = arith.constant 0 : i32
    %dma_wait3A_84 = tpu.memref_slice %arg12[%add3A_82, %dma_wait3A_83] : memref<10240x64xf32, #tpu.memory_space<vmem_shared>> -> memref<128x64xf32, #tpu.memory_space<vmem_shared>>
    %dma_wait3A_85 = arith.constant 0 : i32
    %dma_wait3A_86 = tpu.memref_slice %arg12[%add3A_82, %dma_wait3A_85] : memref<10240x64xf32, #tpu.memory_space<vmem_shared>> -> memref<128x64xf32, #tpu.memory_space<vmem_shared>>
    tpu.wait_dma2 semaphore(%arg18 : memref<!tpu.dma_semaphore, #tpu.memory_space<semaphore_mem>>) src(%arg11 : memref<128x64xf32, #tpu.memory_space<vmem>>) dst(%dma_wait3A_86 : memref<128x64xf32, #tpu.memory_space<vmem_shared>>)
    %mul3A_87 = arith.constant 640 : i32
    %mul3A_88 = arith.muli %arg1, %mul3A_87 : i32
    %add3A_89 = arith.constant 256 : i32
    %add3A_90 = arith.addi %mul3A_88, %add3A_89 : i32
    %dma_wait3A_91 = arith.constant 0 : i32
    %dma_wait3A_92 = tpu.memref_slice %arg12[%add3A_90, %dma_wait3A_91] : memref<10240x64xf32, #tpu.memory_space<vmem_shared>> -> memref<128x64xf32, #tpu.memory_space<vmem_shared>>
    %dma_wait3A_93 = arith.constant 0 : i32
    %dma_wait3A_94 = tpu.memref_slice %arg12[%add3A_90, %dma_wait3A_93] : memref<10240x64xf32, #tpu.memory_space<vmem_shared>> -> memref<128x64xf32, #tpu.memory_space<vmem_shared>>
    tpu.wait_dma2 semaphore(%arg19 : memref<!tpu.dma_semaphore, #tpu.memory_space<semaphore_mem>>) src(%arg11 : memref<128x64xf32, #tpu.memory_space<vmem>>) dst(%dma_wait3A_94 : memref<128x64xf32, #tpu.memory_space<vmem_shared>>)
    %mul3A_95 = arith.constant 640 : i32
    %mul3A_96 = arith.muli %arg1, %mul3A_95 : i32
    %add3A_97 = arith.constant 384 : i32
    %add3A_98 = arith.addi %mul3A_96, %add3A_97 : i32
    %dma_wait3A_99 = arith.constant 0 : i32
    %dma_wait3A_100 = tpu.memref_slice %arg12[%add3A_98, %dma_wait3A_99] : memref<10240x64xf32, #tpu.memory_space<vmem_shared>> -> memref<128x64xf32, #tpu.memory_space<vmem_shared>>
    %dma_wait3A_101 = arith.constant 0 : i32
    %dma_wait3A_102 = tpu.memref_slice %arg12[%add3A_98, %dma_wait3A_101] : memref<10240x64xf32, #tpu.memory_space<vmem_shared>> -> memref<128x64xf32, #tpu.memory_space<vmem_shared>>
    tpu.wait_dma2 semaphore(%arg20 : memref<!tpu.dma_semaphore, #tpu.memory_space<semaphore_mem>>) src(%arg11 : memref<128x64xf32, #tpu.memory_space<vmem>>) dst(%dma_wait3A_102 : memref<128x64xf32, #tpu.memory_space<vmem_shared>>)
    %mul3A_103 = arith.constant 640 : i32
    %mul3A_104 = arith.muli %arg1, %mul3A_103 : i32
    %add3A_105 = arith.constant 0 : i32
    %add3A_106 = arith.addi %mul3A_104, %add3A_105 : i32
    %dma_wait3A_107 = arith.constant 0 : i32
    %dma_wait3A_108 = tpu.memref_slice %arg12[%add3A_106, %dma_wait3A_107] : memref<10240x64xf32, #tpu.memory_space<vmem_shared>> -> memref<128x64xf32, #tpu.memory_space<vmem_shared>>
    %dma_wait3A_109 = arith.constant 0 : i32
    %dma_wait3A_110 = tpu.memref_slice %arg12[%add3A_106, %dma_wait3A_109] : memref<10240x64xf32, #tpu.memory_space<vmem_shared>> -> memref<128x64xf32, #tpu.memory_space<vmem_shared>>
    tpu.wait_dma2 semaphore(%arg17 : memref<!tpu.dma_semaphore, #tpu.memory_space<semaphore_mem>>) src(%arg11 : memref<128x64xf32, #tpu.memory_space<vmem>>) dst(%dma_wait3A_110 : memref<128x64xf32, #tpu.memory_space<vmem_shared>>)
    %barrier3A = arith.constant 0 : index
    tpu.barrier barrier_id(%barrier3A)
    %dma_start3A_111 = arith.constant 0 : i32
    %dma_start3A_112 = arith.constant 0 : i32
    %dma_start3A_113 = tpu.memref_slice %arg9[%dma_start3A_111, %dma_start3A_112] : memref<80x125xi32, #tpu.memory_space<vmem>> -> memref<1x125xi32, #tpu.memory_space<vmem>>
    %dma_start3A_114 = tpu.memref_squeeze %dma_start3A_113 : memref<1x125xi32, #tpu.memory_space<vmem>> -> memref<125xi32, #tpu.memory_space<vmem>>
    %dma_start3A_115 = arith.constant 0 : i32
    %dma_start3A_116 = arith.constant 0 : i32
    %dma_start3A_117 = tpu.memref_slice %arg2[%dma_start3A_115, %dma_start3A_116] : memref<10000x64xf32, #tpu.memory_space<hbm>> -> memref<10000x64xf32, #tpu.memory_space<hbm>>
    tpu.enqueue_indirect_dma source(%dma_start3A_117 : memref<10000x64xf32, #tpu.memory_space<hbm>>) target(%arg13 : memref<125x64xf32, #tpu.memory_space<vmem>>) offsets(%dma_start3A_114 : memref<125xi32, #tpu.memory_space<vmem>>) semaphore(%arg17 : memref<!tpu.dma_semaphore, #tpu.memory_space<semaphore_mem>>)
    %dma_start3A_118 = arith.constant 1 : i32
    %dma_start3A_119 = arith.constant 0 : i32
    %dma_start3A_120 = tpu.memref_slice %arg9[%dma_start3A_118, %dma_start3A_119] : memref<80x125xi32, #tpu.memory_space<vmem>> -> memref<1x125xi32, #tpu.memory_space<vmem>>
    %dma_start3A_121 = tpu.memref_squeeze %dma_start3A_120 : memref<1x125xi32, #tpu.memory_space<vmem>> -> memref<125xi32, #tpu.memory_space<vmem>>
    %dma_start3A_122 = arith.constant 0 : i32
    %dma_start3A_123 = arith.constant 0 : i32
    %dma_start3A_124 = tpu.memref_slice %arg2[%dma_start3A_122, %dma_start3A_123] : memref<10000x64xf32, #tpu.memory_space<hbm>> -> memref<10000x64xf32, #tpu.memory_space<hbm>>
    tpu.enqueue_indirect_dma source(%dma_start3A_124 : memref<10000x64xf32, #tpu.memory_space<hbm>>) target(%arg14 : memref<125x64xf32, #tpu.memory_space<vmem>>) offsets(%dma_start3A_121 : memref<125xi32, #tpu.memory_space<vmem>>) semaphore(%arg18 : memref<!tpu.dma_semaphore, #tpu.memory_space<semaphore_mem>>)
    %scan3A = arith.constant 0 : i32
    %scan3A_125 = arith.constant 0 : i32
    %scan3A_126 = arith.constant 20 : i32
    %scan3A_127 = arith.addi %scan3A_125, %scan3A_126 : i32
    %scan3A_128 = arith.constant 1 : i32
    scf.for %scan3A_277 = %scan3A_125 to %scan3A_127 step %scan3A_128  : i32 {
      %mul3A_278 = arith.constant 4 : i32
      %mul3A_279 = arith.muli %scan3A_277, %mul3A_278 : i32
      %add3A_280 = arith.constant 0 : i32
      %add3A_281 = arith.addi %mul3A_279, %add3A_280 : i32
      %dma_wait3A_282 = arith.constant 0 : i32
      %dma_wait3A_283 = tpu.memref_slice %arg9[%add3A_281, %dma_wait3A_282] : memref<80x125xi32, #tpu.memory_space<vmem>> -> memref<1x125xi32, #tpu.memory_space<vmem>>
      %dma_wait3A_284 = tpu.memref_squeeze %dma_wait3A_283 : memref<1x125xi32, #tpu.memory_space<vmem>> -> memref<125xi32, #tpu.memory_space<vmem>>
      %dma_wait3A_285 = arith.constant 0 : i32
      %dma_wait3A_286 = arith.constant 0 : i32
      %dma_wait3A_287 = tpu.memref_slice %arg2[%dma_wait3A_285, %dma_wait3A_286] : memref<10000x64xf32, #tpu.memory_space<hbm>> -> memref<10000x64xf32, #tpu.memory_space<hbm>>
      tpu.wait_indirect_dma semaphore(%arg17 : memref<!tpu.dma_semaphore, #tpu.memory_space<semaphore_mem>>) src(%dma_wait3A_287 : memref<10000x64xf32, #tpu.memory_space<hbm>>) dst(%arg13 : memref<125x64xf32, #tpu.memory_space<vmem>>)
      %dma_start3A_288 = arith.constant 0 : i32
      %dma_start3A_289 = tpu.memref_slice %arg10[%add3A_281, %dma_start3A_288] : memref<80x125xi32, #tpu.memory_space<vmem>> -> memref<1x125xi32, #tpu.memory_space<vmem>>
      %dma_start3A_290 = tpu.memref_squeeze %dma_start3A_289 : memref<1x125xi32, #tpu.memory_space<vmem>> -> memref<125xi32, #tpu.memory_space<vmem>>
      %dma_start3A_291 = arith.constant 0 : i32
      %dma_start3A_292 = arith.constant 0 : i32
      %dma_start3A_293 = tpu.memref_slice %arg12[%dma_start3A_291, %dma_start3A_292] : memref<10240x64xf32, #tpu.memory_space<vmem_shared>> -> memref<10240x64xf32, #tpu.memory_space<vmem_shared>>
      tpu.enqueue_indirect_dma source(%arg13 : memref<125x64xf32, #tpu.memory_space<vmem>>) target(%dma_start3A_293 : memref<10240x64xf32, #tpu.memory_space<vmem_shared>>) offsets(%dma_start3A_290 : memref<125xi32, #tpu.memory_space<vmem>>) semaphore(%arg21 : memref<!tpu.dma_semaphore, #tpu.memory_space<semaphore_mem>>) {add = true}
      %ge3A = arith.constant 2 : i32
      %ge3A_294 = arith.cmpi sge, %add3A_281, %ge3A : i32
      %convert_element_type3A = arith.extui %ge3A_294 : i1 to i32
      %cond3A = arith.constant 0 : i32
      %cond3A_295 = arith.cmpi ne, %convert_element_type3A, %cond3A : i32
      scf.if %cond3A_295 {
        %sub3A = arith.constant 2 : i32
        %sub3A_386 = arith.subi %add3A_281, %sub3A : i32
        %dma_wait3A_387 = arith.constant 0 : i32
        %dma_wait3A_388 = tpu.memref_slice %arg10[%sub3A_386, %dma_wait3A_387] : memref<80x125xi32, #tpu.memory_space<vmem>> -> memref<1x125xi32, #tpu.memory_space<vmem>>
        %dma_wait3A_389 = tpu.memref_squeeze %dma_wait3A_388 : memref<1x125xi32, #tpu.memory_space<vmem>> -> memref<125xi32, #tpu.memory_space<vmem>>
        %dma_wait3A_390 = arith.constant 0 : i32
        %dma_wait3A_391 = arith.constant 0 : i32
        %dma_wait3A_392 = tpu.memref_slice %arg12[%dma_wait3A_390, %dma_wait3A_391] : memref<10240x64xf32, #tpu.memory_space<vmem_shared>> -> memref<10240x64xf32, #tpu.memory_space<vmem_shared>>
        tpu.wait_indirect_dma semaphore(%arg23 : memref<!tpu.dma_semaphore, #tpu.memory_space<semaphore_mem>>) src(%arg15 : memref<125x64xf32, #tpu.memory_space<vmem>>) dst(%dma_wait3A_392 : memref<10240x64xf32, #tpu.memory_space<vmem_shared>>)
      } else {
      }
      %add3A_296 = arith.constant 2 : i32
      %add3A_297 = arith.addi %add3A_281, %add3A_296 : i32
      %lt3A = arith.constant 80 : i32
      %lt3A_298 = arith.cmpi slt, %add3A_297, %lt3A : i32
      %convert_element_type3A_299 = arith.extui %lt3A_298 : i1 to i32
      %cond3A_300 = arith.constant 0 : i32
      %cond3A_301 = arith.cmpi ne, %convert_element_type3A_299, %cond3A_300 : i32
      scf.if %cond3A_301 {
        %add3A_386 = arith.constant 2 : i32
        %add3A_387 = arith.addi %add3A_281, %add3A_386 : i32
        %dma_start3A_388 = arith.constant 0 : i32
        %dma_start3A_389 = tpu.memref_slice %arg9[%add3A_387, %dma_start3A_388] : memref<80x125xi32, #tpu.memory_space<vmem>> -> memref<1x125xi32, #tpu.memory_space<vmem>>
        %dma_start3A_390 = tpu.memref_squeeze %dma_start3A_389 : memref<1x125xi32, #tpu.memory_space<vmem>> -> memref<125xi32, #tpu.memory_space<vmem>>
        %dma_start3A_391 = arith.constant 0 : i32
        %dma_start3A_392 = arith.constant 0 : i32
        %dma_start3A_393 = tpu.memref_slice %arg2[%dma_start3A_391, %dma_start3A_392] : memref<10000x64xf32, #tpu.memory_space<hbm>> -> memref<10000x64xf32, #tpu.memory_space<hbm>>
        tpu.enqueue_indirect_dma source(%dma_start3A_393 : memref<10000x64xf32, #tpu.memory_space<hbm>>) target(%arg15 : memref<125x64xf32, #tpu.memory_space<vmem>>) offsets(%dma_start3A_390 : memref<125xi32, #tpu.memory_space<vmem>>) semaphore(%arg19 : memref<!tpu.dma_semaphore, #tpu.memory_space<semaphore_mem>>)
      } else {
      }
      %mul3A_302 = arith.constant 4 : i32
      %mul3A_303 = arith.muli %scan3A_277, %mul3A_302 : i32
      %add3A_304 = arith.constant 1 : i32
      %add3A_305 = arith.addi %mul3A_303, %add3A_304 : i32
      %dma_wait3A_306 = arith.constant 0 : i32
      %dma_wait3A_307 = tpu.memref_slice %arg9[%add3A_305, %dma_wait3A_306] : memref<80x125xi32, #tpu.memory_space<vmem>> -> memref<1x125xi32, #tpu.memory_space<vmem>>
      %dma_wait3A_308 = tpu.memref_squeeze %dma_wait3A_307 : memref<1x125xi32, #tpu.memory_space<vmem>> -> memref<125xi32, #tpu.memory_space<vmem>>
      %dma_wait3A_309 = arith.constant 0 : i32
      %dma_wait3A_310 = arith.constant 0 : i32
      %dma_wait3A_311 = tpu.memref_slice %arg2[%dma_wait3A_309, %dma_wait3A_310] : memref<10000x64xf32, #tpu.memory_space<hbm>> -> memref<10000x64xf32, #tpu.memory_space<hbm>>
      tpu.wait_indirect_dma semaphore(%arg18 : memref<!tpu.dma_semaphore, #tpu.memory_space<semaphore_mem>>) src(%dma_wait3A_311 : memref<10000x64xf32, #tpu.memory_space<hbm>>) dst(%arg14 : memref<125x64xf32, #tpu.memory_space<vmem>>)
      %dma_start3A_312 = arith.constant 0 : i32
      %dma_start3A_313 = tpu.memref_slice %arg10[%add3A_305, %dma_start3A_312] : memref<80x125xi32, #tpu.memory_space<vmem>> -> memref<1x125xi32, #tpu.memory_space<vmem>>
      %dma_start3A_314 = tpu.memref_squeeze %dma_start3A_313 : memref<1x125xi32, #tpu.memory_space<vmem>> -> memref<125xi32, #tpu.memory_space<vmem>>
      %dma_start3A_315 = arith.constant 0 : i32
      %dma_start3A_316 = arith.constant 0 : i32
      %dma_start3A_317 = tpu.memref_slice %arg12[%dma_start3A_315, %dma_start3A_316] : memref<10240x64xf32, #tpu.memory_space<vmem_shared>> -> memref<10240x64xf32, #tpu.memory_space<vmem_shared>>
      tpu.enqueue_indirect_dma source(%arg14 : memref<125x64xf32, #tpu.memory_space<vmem>>) target(%dma_start3A_317 : memref<10240x64xf32, #tpu.memory_space<vmem_shared>>) offsets(%dma_start3A_314 : memref<125xi32, #tpu.memory_space<vmem>>) semaphore(%arg22 : memref<!tpu.dma_semaphore, #tpu.memory_space<semaphore_mem>>) {add = true}
      %ge3A_318 = arith.constant 2 : i32
      %ge3A_319 = arith.cmpi sge, %add3A_305, %ge3A_318 : i32
      %convert_element_type3A_320 = arith.extui %ge3A_319 : i1 to i32
      %cond3A_321 = arith.constant 0 : i32
      %cond3A_322 = arith.cmpi ne, %convert_element_type3A_320, %cond3A_321 : i32
      scf.if %cond3A_322 {
        %sub3A = arith.constant 2 : i32
        %sub3A_386 = arith.subi %add3A_305, %sub3A : i32
        %dma_wait3A_387 = arith.constant 0 : i32
        %dma_wait3A_388 = tpu.memref_slice %arg10[%sub3A_386, %dma_wait3A_387] : memref<80x125xi32, #tpu.memory_space<vmem>> -> memref<1x125xi32, #tpu.memory_space<vmem>>
        %dma_wait3A_389 = tpu.memref_squeeze %dma_wait3A_388 : memref<1x125xi32, #tpu.memory_space<vmem>> -> memref<125xi32, #tpu.memory_space<vmem>>
        %dma_wait3A_390 = arith.constant 0 : i32
        %dma_wait3A_391 = arith.constant 0 : i32
        %dma_wait3A_392 = tpu.memref_slice %arg12[%dma_wait3A_390, %dma_wait3A_391] : memref<10240x64xf32, #tpu.memory_space<vmem_shared>> -> memref<10240x64xf32, #tpu.memory_space<vmem_shared>>
        tpu.wait_indirect_dma semaphore(%arg24 : memref<!tpu.dma_semaphore, #tpu.memory_space<semaphore_mem>>) src(%arg16 : memref<125x64xf32, #tpu.memory_space<vmem>>) dst(%dma_wait3A_392 : memref<10240x64xf32, #tpu.memory_space<vmem_shared>>)
      } else {
      }
      %add3A_323 = arith.constant 2 : i32
      %add3A_324 = arith.addi %add3A_305, %add3A_323 : i32
      %lt3A_325 = arith.constant 80 : i32
      %lt3A_326 = arith.cmpi slt, %add3A_324, %lt3A_325 : i32
      %convert_element_type3A_327 = arith.extui %lt3A_326 : i1 to i32
      %cond3A_328 = arith.constant 0 : i32
      %cond3A_329 = arith.cmpi ne, %convert_element_type3A_327, %cond3A_328 : i32
      scf.if %cond3A_329 {
        %add3A_386 = arith.constant 2 : i32
        %add3A_387 = arith.addi %add3A_305, %add3A_386 : i32
        %dma_start3A_388 = arith.constant 0 : i32
        %dma_start3A_389 = tpu.memref_slice %arg9[%add3A_387, %dma_start3A_388] : memref<80x125xi32, #tpu.memory_space<vmem>> -> memref<1x125xi32, #tpu.memory_space<vmem>>
        %dma_start3A_390 = tpu.memref_squeeze %dma_start3A_389 : memref<1x125xi32, #tpu.memory_space<vmem>> -> memref<125xi32, #tpu.memory_space<vmem>>
        %dma_start3A_391 = arith.constant 0 : i32
        %dma_start3A_392 = arith.constant 0 : i32
        %dma_start3A_393 = tpu.memref_slice %arg2[%dma_start3A_391, %dma_start3A_392] : memref<10000x64xf32, #tpu.memory_space<hbm>> -> memref<10000x64xf32, #tpu.memory_space<hbm>>
        tpu.enqueue_indirect_dma source(%dma_start3A_393 : memref<10000x64xf32, #tpu.memory_space<hbm>>) target(%arg16 : memref<125x64xf32, #tpu.memory_space<vmem>>) offsets(%dma_start3A_390 : memref<125xi32, #tpu.memory_space<vmem>>) semaphore(%arg20 : memref<!tpu.dma_semaphore, #tpu.memory_space<semaphore_mem>>)
      } else {
      }
      %mul3A_330 = arith.constant 4 : i32
      %mul3A_331 = arith.muli %scan3A_277, %mul3A_330 : i32
      %add3A_332 = arith.constant 2 : i32
      %add3A_333 = arith.addi %mul3A_331, %add3A_332 : i32
      %dma_wait3A_334 = arith.constant 0 : i32
      %dma_wait3A_335 = tpu.memref_slice %arg9[%add3A_333, %dma_wait3A_334] : memref<80x125xi32, #tpu.memory_space<vmem>> -> memref<1x125xi32, #tpu.memory_space<vmem>>
      %dma_wait3A_336 = tpu.memref_squeeze %dma_wait3A_335 : memref<1x125xi32, #tpu.memory_space<vmem>> -> memref<125xi32, #tpu.memory_space<vmem>>
      %dma_wait3A_337 = arith.constant 0 : i32
      %dma_wait3A_338 = arith.constant 0 : i32
      %dma_wait3A_339 = tpu.memref_slice %arg2[%dma_wait3A_337, %dma_wait3A_338] : memref<10000x64xf32, #tpu.memory_space<hbm>> -> memref<10000x64xf32, #tpu.memory_space<hbm>>
      tpu.wait_indirect_dma semaphore(%arg19 : memref<!tpu.dma_semaphore, #tpu.memory_space<semaphore_mem>>) src(%dma_wait3A_339 : memref<10000x64xf32, #tpu.memory_space<hbm>>) dst(%arg15 : memref<125x64xf32, #tpu.memory_space<vmem>>)
      %dma_start3A_340 = arith.constant 0 : i32
      %dma_start3A_341 = tpu.memref_slice %arg10[%add3A_333, %dma_start3A_340] : memref<80x125xi32, #tpu.memory_space<vmem>> -> memref<1x125xi32, #tpu.memory_space<vmem>>
      %dma_start3A_342 = tpu.memref_squeeze %dma_start3A_341 : memref<1x125xi32, #tpu.memory_space<vmem>> -> memref<125xi32, #tpu.memory_space<vmem>>
      %dma_start3A_343 = arith.constant 0 : i32
      %dma_start3A_344 = arith.constant 0 : i32
      %dma_start3A_345 = tpu.memref_slice %arg12[%dma_start3A_343, %dma_start3A_344] : memref<10240x64xf32, #tpu.memory_space<vmem_shared>> -> memref<10240x64xf32, #tpu.memory_space<vmem_shared>>
      tpu.enqueue_indirect_dma source(%arg15 : memref<125x64xf32, #tpu.memory_space<vmem>>) target(%dma_start3A_345 : memref<10240x64xf32, #tpu.memory_space<vmem_shared>>) offsets(%dma_start3A_342 : memref<125xi32, #tpu.memory_space<vmem>>) semaphore(%arg23 : memref<!tpu.dma_semaphore, #tpu.memory_space<semaphore_mem>>) {add = true}
      %ge3A_346 = arith.constant 2 : i32
      %ge3A_347 = arith.cmpi sge, %add3A_333, %ge3A_346 : i32
      %convert_element_type3A_348 = arith.extui %ge3A_347 : i1 to i32
      %cond3A_349 = arith.constant 0 : i32
      %cond3A_350 = arith.cmpi ne, %convert_element_type3A_348, %cond3A_349 : i32
      scf.if %cond3A_350 {
        %sub3A = arith.constant 2 : i32
        %sub3A_386 = arith.subi %add3A_333, %sub3A : i32
        %dma_wait3A_387 = arith.constant 0 : i32
        %dma_wait3A_388 = tpu.memref_slice %arg10[%sub3A_386, %dma_wait3A_387] : memref<80x125xi32, #tpu.memory_space<vmem>> -> memref<1x125xi32, #tpu.memory_space<vmem>>
        %dma_wait3A_389 = tpu.memref_squeeze %dma_wait3A_388 : memref<1x125xi32, #tpu.memory_space<vmem>> -> memref<125xi32, #tpu.memory_space<vmem>>
        %dma_wait3A_390 = arith.constant 0 : i32
        %dma_wait3A_391 = arith.constant 0 : i32
        %dma_wait3A_392 = tpu.memref_slice %arg12[%dma_wait3A_390, %dma_wait3A_391] : memref<10240x64xf32, #tpu.memory_space<vmem_shared>> -> memref<10240x64xf32, #tpu.memory_space<vmem_shared>>
        tpu.wait_indirect_dma semaphore(%arg21 : memref<!tpu.dma_semaphore, #tpu.memory_space<semaphore_mem>>) src(%arg13 : memref<125x64xf32, #tpu.memory_space<vmem>>) dst(%dma_wait3A_392 : memref<10240x64xf32, #tpu.memory_space<vmem_shared>>)
      } else {
      }
      %add3A_351 = arith.constant 2 : i32
      %add3A_352 = arith.addi %add3A_333, %add3A_351 : i32
      %lt3A_353 = arith.constant 80 : i32
      %lt3A_354 = arith.cmpi slt, %add3A_352, %lt3A_353 : i32
      %convert_element_type3A_355 = arith.extui %lt3A_354 : i1 to i32
      %cond3A_356 = arith.constant 0 : i32
      %cond3A_357 = arith.cmpi ne, %convert_element_type3A_355, %cond3A_356 : i32
      scf.if %cond3A_357 {
        %add3A_386 = arith.constant 2 : i32
        %add3A_387 = arith.addi %add3A_333, %add3A_386 : i32
        %dma_start3A_388 = arith.constant 0 : i32
        %dma_start3A_389 = tpu.memref_slice %arg9[%add3A_387, %dma_start3A_388] : memref<80x125xi32, #tpu.memory_space<vmem>> -> memref<1x125xi32, #tpu.memory_space<vmem>>
        %dma_start3A_390 = tpu.memref_squeeze %dma_start3A_389 : memref<1x125xi32, #tpu.memory_space<vmem>> -> memref<125xi32, #tpu.memory_space<vmem>>
        %dma_start3A_391 = arith.constant 0 : i32
        %dma_start3A_392 = arith.constant 0 : i32
        %dma_start3A_393 = tpu.memref_slice %arg2[%dma_start3A_391, %dma_start3A_392] : memref<10000x64xf32, #tpu.memory_space<hbm>> -> memref<10000x64xf32, #tpu.memory_space<hbm>>
        tpu.enqueue_indirect_dma source(%dma_start3A_393 : memref<10000x64xf32, #tpu.memory_space<hbm>>) target(%arg13 : memref<125x64xf32, #tpu.memory_space<vmem>>) offsets(%dma_start3A_390 : memref<125xi32, #tpu.memory_space<vmem>>) semaphore(%arg17 : memref<!tpu.dma_semaphore, #tpu.memory_space<semaphore_mem>>)
      } else {
      }
      %mul3A_358 = arith.constant 4 : i32
      %mul3A_359 = arith.muli %scan3A_277, %mul3A_358 : i32
      %add3A_360 = arith.constant 3 : i32
      %add3A_361 = arith.addi %mul3A_359, %add3A_360 : i32
      %dma_wait3A_362 = arith.constant 0 : i32
      %dma_wait3A_363 = tpu.memref_slice %arg9[%add3A_361, %dma_wait3A_362] : memref<80x125xi32, #tpu.memory_space<vmem>> -> memref<1x125xi32, #tpu.memory_space<vmem>>
      %dma_wait3A_364 = tpu.memref_squeeze %dma_wait3A_363 : memref<1x125xi32, #tpu.memory_space<vmem>> -> memref<125xi32, #tpu.memory_space<vmem>>
      %dma_wait3A_365 = arith.constant 0 : i32
      %dma_wait3A_366 = arith.constant 0 : i32
      %dma_wait3A_367 = tpu.memref_slice %arg2[%dma_wait3A_365, %dma_wait3A_366] : memref<10000x64xf32, #tpu.memory_space<hbm>> -> memref<10000x64xf32, #tpu.memory_space<hbm>>
      tpu.wait_indirect_dma semaphore(%arg20 : memref<!tpu.dma_semaphore, #tpu.memory_space<semaphore_mem>>) src(%dma_wait3A_367 : memref<10000x64xf32, #tpu.memory_space<hbm>>) dst(%arg16 : memref<125x64xf32, #tpu.memory_space<vmem>>)
      %dma_start3A_368 = arith.constant 0 : i32
      %dma_start3A_369 = tpu.memref_slice %arg10[%add3A_361, %dma_start3A_368] : memref<80x125xi32, #tpu.memory_space<vmem>> -> memref<1x125xi32, #tpu.memory_space<vmem>>
      %dma_start3A_370 = tpu.memref_squeeze %dma_start3A_369 : memref<1x125xi32, #tpu.memory_space<vmem>> -> memref<125xi32, #tpu.memory_space<vmem>>
      %dma_start3A_371 = arith.constant 0 : i32
      %dma_start3A_372 = arith.constant 0 : i32
      %dma_start3A_373 = tpu.memref_slice %arg12[%dma_start3A_371, %dma_start3A_372] : memref<10240x64xf32, #tpu.memory_space<vmem_shared>> -> memref<10240x64xf32, #tpu.memory_space<vmem_shared>>
      tpu.enqueue_indirect_dma source(%arg16 : memref<125x64xf32, #tpu.memory_space<vmem>>) target(%dma_start3A_373 : memref<10240x64xf32, #tpu.memory_space<vmem_shared>>) offsets(%dma_start3A_370 : memref<125xi32, #tpu.memory_space<vmem>>) semaphore(%arg24 : memref<!tpu.dma_semaphore, #tpu.memory_space<semaphore_mem>>) {add = true}
      %ge3A_374 = arith.constant 2 : i32
      %ge3A_375 = arith.cmpi sge, %add3A_361, %ge3A_374 : i32
      %convert_element_type3A_376 = arith.extui %ge3A_375 : i1 to i32
      %cond3A_377 = arith.constant 0 : i32
      %cond3A_378 = arith.cmpi ne, %convert_element_type3A_376, %cond3A_377 : i32
      scf.if %cond3A_378 {
        %sub3A = arith.constant 2 : i32
        %sub3A_386 = arith.subi %add3A_361, %sub3A : i32
        %dma_wait3A_387 = arith.constant 0 : i32
        %dma_wait3A_388 = tpu.memref_slice %arg10[%sub3A_386, %dma_wait3A_387] : memref<80x125xi32, #tpu.memory_space<vmem>> -> memref<1x125xi32, #tpu.memory_space<vmem>>
        %dma_wait3A_389 = tpu.memref_squeeze %dma_wait3A_388 : memref<1x125xi32, #tpu.memory_space<vmem>> -> memref<125xi32, #tpu.memory_space<vmem>>
        %dma_wait3A_390 = arith.constant 0 : i32
        %dma_wait3A_391 = arith.constant 0 : i32
        %dma_wait3A_392 = tpu.memref_slice %arg12[%dma_wait3A_390, %dma_wait3A_391] : memref<10240x64xf32, #tpu.memory_space<vmem_shared>> -> memref<10240x64xf32, #tpu.memory_space<vmem_shared>>
        tpu.wait_indirect_dma semaphore(%arg22 : memref<!tpu.dma_semaphore, #tpu.memory_space<semaphore_mem>>) src(%arg14 : memref<125x64xf32, #tpu.memory_space<vmem>>) dst(%dma_wait3A_392 : memref<10240x64xf32, #tpu.memory_space<vmem_shared>>)
      } else {
      }
      %add3A_379 = arith.constant 2 : i32
      %add3A_380 = arith.addi %add3A_361, %add3A_379 : i32
      %lt3A_381 = arith.constant 80 : i32
      %lt3A_382 = arith.cmpi slt, %add3A_380, %lt3A_381 : i32
      %convert_element_type3A_383 = arith.extui %lt3A_382 : i1 to i32
      %cond3A_384 = arith.constant 0 : i32
      %cond3A_385 = arith.cmpi ne, %convert_element_type3A_383, %cond3A_384 : i32
      scf.if %cond3A_385 {
        %add3A_386 = arith.constant 2 : i32
        %add3A_387 = arith.addi %add3A_361, %add3A_386 : i32
        %dma_start3A_388 = arith.constant 0 : i32
        %dma_start3A_389 = tpu.memref_slice %arg9[%add3A_387, %dma_start3A_388] : memref<80x125xi32, #tpu.memory_space<vmem>> -> memref<1x125xi32, #tpu.memory_space<vmem>>
        %dma_start3A_390 = tpu.memref_squeeze %dma_start3A_389 : memref<1x125xi32, #tpu.memory_space<vmem>> -> memref<125xi32, #tpu.memory_space<vmem>>
        %dma_start3A_391 = arith.constant 0 : i32
        %dma_start3A_392 = arith.constant 0 : i32
        %dma_start3A_393 = tpu.memref_slice %arg2[%dma_start3A_391, %dma_start3A_392] : memref<10000x64xf32, #tpu.memory_space<hbm>> -> memref<10000x64xf32, #tpu.memory_space<hbm>>
        tpu.enqueue_indirect_dma source(%dma_start3A_393 : memref<10000x64xf32, #tpu.memory_space<hbm>>) target(%arg14 : memref<125x64xf32, #tpu.memory_space<vmem>>) offsets(%dma_start3A_390 : memref<125xi32, #tpu.memory_space<vmem>>) semaphore(%arg18 : memref<!tpu.dma_semaphore, #tpu.memory_space<semaphore_mem>>)
      } else {
      }
    }
    %scan3A_129 = arith.constant 20 : i32
    %dma_wait3A_130 = arith.constant 0 : i32
    %dma_wait3A_131 = arith.constant 0 : i32
    %dma_wait3A_132 = tpu.memref_slice %arg10[%dma_wait3A_130, %dma_wait3A_131] : memref<80x125xi32, #tpu.memory_space<vmem>> -> memref<1x125xi32, #tpu.memory_space<vmem>>
    %dma_wait3A_133 = tpu.memref_squeeze %dma_wait3A_132 : memref<1x125xi32, #tpu.memory_space<vmem>> -> memref<125xi32, #tpu.memory_space<vmem>>
    %dma_wait3A_134 = arith.constant 0 : i32
    %dma_wait3A_135 = arith.constant 0 : i32
    %dma_wait3A_136 = tpu.memref_slice %arg12[%dma_wait3A_134, %dma_wait3A_135] : memref<10240x64xf32, #tpu.memory_space<vmem_shared>> -> memref<10240x64xf32, #tpu.memory_space<vmem_shared>>
    tpu.wait_indirect_dma semaphore(%arg23 : memref<!tpu.dma_semaphore, #tpu.memory_space<semaphore_mem>>) src(%arg15 : memref<125x64xf32, #tpu.memory_space<vmem>>) dst(%dma_wait3A_136 : memref<10240x64xf32, #tpu.memory_space<vmem_shared>>)
    %dma_wait3A_137 = arith.constant 0 : i32
    %dma_wait3A_138 = arith.constant 0 : i32
    %dma_wait3A_139 = tpu.memref_slice %arg10[%dma_wait3A_137, %dma_wait3A_138] : memref<80x125xi32, #tpu.memory_space<vmem>> -> memref<1x125xi32, #tpu.memory_space<vmem>>
    %dma_wait3A_140 = tpu.memref_squeeze %dma_wait3A_139 : memref<1x125xi32, #tpu.memory_space<vmem>> -> memref<125xi32, #tpu.memory_space<vmem>>
    %dma_wait3A_141 = arith.constant 0 : i32
    %dma_wait3A_142 = arith.constant 0 : i32
    %dma_wait3A_143 = tpu.memref_slice %arg12[%dma_wait3A_141, %dma_wait3A_142] : memref<10240x64xf32, #tpu.memory_space<vmem_shared>> -> memref<10240x64xf32, #tpu.memory_space<vmem_shared>>
    tpu.wait_indirect_dma semaphore(%arg24 : memref<!tpu.dma_semaphore, #tpu.memory_space<semaphore_mem>>) src(%arg16 : memref<125x64xf32, #tpu.memory_space<vmem>>) dst(%dma_wait3A_143 : memref<10240x64xf32, #tpu.memory_space<vmem_shared>>)
    %barrier3A_144 = arith.constant 0 : index
    tpu.barrier barrier_id(%barrier3A_144)
    %mul3A_145 = arith.constant 640 : i32
    %mul3A_146 = arith.muli %arg1, %mul3A_145 : i32
    %mul3A_147 = arith.constant 10240 : i32
    %mul3A_148 = arith.muli %arg0, %mul3A_147 : i32
    %mul3A_149 = arith.constant 640 : i32
    %mul3A_150 = arith.muli %arg1, %mul3A_149 : i32
    %add3A_151 = arith.addi %mul3A_148, %mul3A_150 : i32
    "tpu.region"() ({
      %run_scoped3A = tpu.sem_alloc : memref<!tpu.dma_semaphore, #tpu.memory_space<semaphore_mem>>
      %dma_start3A_277 = arith.constant 0 : i32
      %dma_start3A_278 = tpu.memref_slice %arg7[%add3A_151, %dma_start3A_277] : memref<20480x64xf32, #tpu.memory_space<hbm>> -> memref<640x64xf32, #tpu.memory_space<hbm>>
      %dma_start3A_279 = arith.constant 0 : i32
      %dma_start3A_280 = tpu.memref_slice %arg12[%mul3A_146, %dma_start3A_279] : memref<10240x64xf32, #tpu.memory_space<vmem_shared>> -> memref<640x64xf32, #tpu.memory_space<vmem_shared>>
      tpu.enqueue_dma source(%dma_start3A_280 : memref<640x64xf32, #tpu.memory_space<vmem_shared>>) target(%dma_start3A_278 : memref<640x64xf32, #tpu.memory_space<hbm>>) target_semaphore(%run_scoped3A : memref<!tpu.dma_semaphore, #tpu.memory_space<semaphore_mem>>)
      %dma_wait3A_281 = arith.constant 0 : i32
      %dma_wait3A_282 = tpu.memref_slice %arg7[%add3A_151, %dma_wait3A_281] : memref<20480x64xf32, #tpu.memory_space<hbm>> -> memref<640x64xf32, #tpu.memory_space<hbm>>
      %dma_wait3A_283 = arith.constant 0 : i32
      %dma_wait3A_284 = tpu.memref_slice %arg12[%mul3A_146, %dma_wait3A_283] : memref<10240x64xf32, #tpu.memory_space<vmem_shared>> -> memref<640x64xf32, #tpu.memory_space<vmem_shared>>
      tpu.wait_dma2 semaphore(%run_scoped3A : memref<!tpu.dma_semaphore, #tpu.memory_space<semaphore_mem>>) src(%dma_wait3A_284 : memref<640x64xf32, #tpu.memory_space<vmem_shared>>) dst(%dma_wait3A_282 : memref<640x64xf32, #tpu.memory_space<hbm>>)
      tpu.yield
    }) : () -> ()
    %barrier3A_152 = arith.constant 0 : index
    tpu.barrier barrier_id(%barrier3A_152)
    %mul3A_153 = arith.constant 640 : i32
    %mul3A_154 = arith.muli %arg1, %mul3A_153 : i32
    %add3A_155 = arith.constant 0 : i32
    %add3A_156 = arith.addi %mul3A_154, %add3A_155 : i32
    %dma_start3A_157 = arith.constant 0 : i32
    %dma_start3A_158 = tpu.memref_slice %arg12[%add3A_156, %dma_start3A_157] : memref<10240x64xf32, #tpu.memory_space<vmem_shared>> -> memref<128x64xf32, #tpu.memory_space<vmem_shared>>
    %dma_start3A_159 = arith.constant 0 : i32
    %dma_start3A_160 = tpu.memref_slice %arg12[%add3A_156, %dma_start3A_159] : memref<10240x64xf32, #tpu.memory_space<vmem_shared>> -> memref<128x64xf32, #tpu.memory_space<vmem_shared>>
    tpu.enqueue_dma source(%arg11 : memref<128x64xf32, #tpu.memory_space<vmem>>) target(%dma_start3A_160 : memref<128x64xf32, #tpu.memory_space<vmem_shared>>) target_semaphore(%arg17 : memref<!tpu.dma_semaphore, #tpu.memory_space<semaphore_mem>>)
    %mul3A_161 = arith.constant 640 : i32
    %mul3A_162 = arith.muli %arg1, %mul3A_161 : i32
    %add3A_163 = arith.constant 128 : i32
    %add3A_164 = arith.addi %mul3A_162, %add3A_163 : i32
    %dma_start3A_165 = arith.constant 0 : i32
    %dma_start3A_166 = tpu.memref_slice %arg12[%add3A_164, %dma_start3A_165] : memref<10240x64xf32, #tpu.memory_space<vmem_shared>> -> memref<128x64xf32, #tpu.memory_space<vmem_shared>>
    %dma_start3A_167 = arith.constant 0 : i32
    %dma_start3A_168 = tpu.memref_slice %arg12[%add3A_164, %dma_start3A_167] : memref<10240x64xf32, #tpu.memory_space<vmem_shared>> -> memref<128x64xf32, #tpu.memory_space<vmem_shared>>
    tpu.enqueue_dma source(%arg11 : memref<128x64xf32, #tpu.memory_space<vmem>>) target(%dma_start3A_168 : memref<128x64xf32, #tpu.memory_space<vmem_shared>>) target_semaphore(%arg18 : memref<!tpu.dma_semaphore, #tpu.memory_space<semaphore_mem>>)
    %mul3A_169 = arith.constant 640 : i32
    %mul3A_170 = arith.muli %arg1, %mul3A_169 : i32
    %add3A_171 = arith.constant 256 : i32
    %add3A_172 = arith.addi %mul3A_170, %add3A_171 : i32
    %dma_start3A_173 = arith.constant 0 : i32
    %dma_start3A_174 = tpu.memref_slice %arg12[%add3A_172, %dma_start3A_173] : memref<10240x64xf32, #tpu.memory_space<vmem_shared>> -> memref<128x64xf32, #tpu.memory_space<vmem_shared>>
    %dma_start3A_175 = arith.constant 0 : i32
    %dma_start3A_176 = tpu.memref_slice %arg12[%add3A_172, %dma_start3A_175] : memref<10240x64xf32, #tpu.memory_space<vmem_shared>> -> memref<128x64xf32, #tpu.memory_space<vmem_shared>>
    tpu.enqueue_dma source(%arg11 : memref<128x64xf32, #tpu.memory_space<vmem>>) target(%dma_start3A_176 : memref<128x64xf32, #tpu.memory_space<vmem_shared>>) target_semaphore(%arg19 : memref<!tpu.dma_semaphore, #tpu.memory_space<semaphore_mem>>)
    %mul3A_177 = arith.constant 640 : i32
    %mul3A_178 = arith.muli %arg1, %mul3A_177 : i32
    %add3A_179 = arith.constant 384 : i32
    %add3A_180 = arith.addi %mul3A_178, %add3A_179 : i32
    %dma_start3A_181 = arith.constant 0 : i32
    %dma_start3A_182 = tpu.memref_slice %arg12[%add3A_180, %dma_start3A_181] : memref<10240x64xf32, #tpu.memory_space<vmem_shared>> -> memref<128x64xf32, #tpu.memory_space<vmem_shared>>
    %dma_start3A_183 = arith.constant 0 : i32
    %dma_start3A_184 = tpu.memref_slice %arg12[%add3A_180, %dma_start3A_183] : memref<10240x64xf32, #tpu.memory_space<vmem_shared>> -> memref<128x64xf32, #tpu.memory_space<vmem_shared>>
    tpu.enqueue_dma source(%arg11 : memref<128x64xf32, #tpu.memory_space<vmem>>) target(%dma_start3A_184 : memref<128x64xf32, #tpu.memory_space<vmem_shared>>) target_semaphore(%arg20 : memref<!tpu.dma_semaphore, #tpu.memory_space<semaphore_mem>>)
    %mul3A_185 = arith.constant 640 : i32
    %mul3A_186 = arith.muli %arg1, %mul3A_185 : i32
    %add3A_187 = arith.constant 512 : i32
    %add3A_188 = arith.addi %mul3A_186, %add3A_187 : i32
    %dma_start3A_189 = arith.constant 0 : i32
    %dma_start3A_190 = tpu.memref_slice %arg12[%add3A_188, %dma_start3A_189] : memref<10240x64xf32, #tpu.memory_space<vmem_shared>> -> memref<128x64xf32, #tpu.memory_space<vmem_shared>>
    %dma_start3A_191 = arith.constant 0 : i32
    %dma_start3A_192 = tpu.memref_slice %arg12[%add3A_188, %dma_start3A_191] : memref<10240x64xf32, #tpu.memory_space<vmem_shared>> -> memref<128x64xf32, #tpu.memory_space<vmem_shared>>
    tpu.enqueue_dma source(%arg11 : memref<128x64xf32, #tpu.memory_space<vmem>>) target(%dma_start3A_192 : memref<128x64xf32, #tpu.memory_space<vmem_shared>>) target_semaphore(%arg17 : memref<!tpu.dma_semaphore, #tpu.memory_space<semaphore_mem>>)
    %mul3A_193 = arith.constant 640 : i32
    %mul3A_194 = arith.muli %arg1, %mul3A_193 : i32
    %add3A_195 = arith.constant 0 : i32
    %add3A_196 = arith.addi %mul3A_194, %add3A_195 : i32
    %dma_wait3A_197 = arith.constant 0 : i32
    %dma_wait3A_198 = tpu.memref_slice %arg12[%add3A_196, %dma_wait3A_197] : memref<10240x64xf32, #tpu.memory_space<vmem_shared>> -> memref<128x64xf32, #tpu.memory_space<vmem_shared>>
    %dma_wait3A_199 = arith.constant 0 : i32
    %dma_wait3A_200 = tpu.memref_slice %arg12[%add3A_196, %dma_wait3A_199] : memref<10240x64xf32, #tpu.memory_space<vmem_shared>> -> memref<128x64xf32, #tpu.memory_space<vmem_shared>>
    tpu.wait_dma2 semaphore(%arg17 : memref<!tpu.dma_semaphore, #tpu.memory_space<semaphore_mem>>) src(%arg11 : memref<128x64xf32, #tpu.memory_space<vmem>>) dst(%dma_wait3A_200 : memref<128x64xf32, #tpu.memory_space<vmem_shared>>)
    %mul3A_201 = arith.constant 640 : i32
    %mul3A_202 = arith.muli %arg1, %mul3A_201 : i32
    %add3A_203 = arith.constant 128 : i32
    %add3A_204 = arith.addi %mul3A_202, %add3A_203 : i32
    %dma_wait3A_205 = arith.constant 0 : i32
    %dma_wait3A_206 = tpu.memref_slice %arg12[%add3A_204, %dma_wait3A_205] : memref<10240x64xf32, #tpu.memory_space<vmem_shared>> -> memref<128x64xf32, #tpu.memory_space<vmem_shared>>
    %dma_wait3A_207 = arith.constant 0 : i32
    %dma_wait3A_208 = tpu.memref_slice %arg12[%add3A_204, %dma_wait3A_207] : memref<10240x64xf32, #tpu.memory_space<vmem_shared>> -> memref<128x64xf32, #tpu.memory_space<vmem_shared>>
    tpu.wait_dma2 semaphore(%arg18 : memref<!tpu.dma_semaphore, #tpu.memory_space<semaphore_mem>>) src(%arg11 : memref<128x64xf32, #tpu.memory_space<vmem>>) dst(%dma_wait3A_208 : memref<128x64xf32, #tpu.memory_space<vmem_shared>>)
    %mul3A_209 = arith.constant 640 : i32
    %mul3A_210 = arith.muli %arg1, %mul3A_209 : i32
    %add3A_211 = arith.constant 256 : i32
    %add3A_212 = arith.addi %mul3A_210, %add3A_211 : i32
    %dma_wait3A_213 = arith.constant 0 : i32
    %dma_wait3A_214 = tpu.memref_slice %arg12[%add3A_212, %dma_wait3A_213] : memref<10240x64xf32, #tpu.memory_space<vmem_shared>> -> memref<128x64xf32, #tpu.memory_space<vmem_shared>>
    %dma_wait3A_215 = arith.constant 0 : i32
    %dma_wait3A_216 = tpu.memref_slice %arg12[%add3A_212, %dma_wait3A_215] : memref<10240x64xf32, #tpu.memory_space<vmem_shared>> -> memref<128x64xf32, #tpu.memory_space<vmem_shared>>
    tpu.wait_dma2 semaphore(%arg19 : memref<!tpu.dma_semaphore, #tpu.memory_space<semaphore_mem>>) src(%arg11 : memref<128x64xf32, #tpu.memory_space<vmem>>) dst(%dma_wait3A_216 : memref<128x64xf32, #tpu.memory_space<vmem_shared>>)
    %mul3A_217 = arith.constant 640 : i32
    %mul3A_218 = arith.muli %arg1, %mul3A_217 : i32
    %add3A_219 = arith.constant 384 : i32
    %add3A_220 = arith.addi %mul3A_218, %add3A_219 : i32
    %dma_wait3A_221 = arith.constant 0 : i32
    %dma_wait3A_222 = tpu.memref_slice %arg12[%add3A_220, %dma_wait3A_221] : memref<10240x64xf32, #tpu.memory_space<vmem_shared>> -> memref<128x64xf32, #tpu.memory_space<vmem_shared>>
    %dma_wait3A_223 = arith.constant 0 : i32
    %dma_wait3A_224 = tpu.memref_slice %arg12[%add3A_220, %dma_wait3A_223] : memref<10240x64xf32, #tpu.memory_space<vmem_shared>> -> memref<128x64xf32, #tpu.memory_space<vmem_shared>>
    tpu.wait_dma2 semaphore(%arg20 : memref<!tpu.dma_semaphore, #tpu.memory_space<semaphore_mem>>) src(%arg11 : memref<128x64xf32, #tpu.memory_space<vmem>>) dst(%dma_wait3A_224 : memref<128x64xf32, #tpu.memory_space<vmem_shared>>)
    %mul3A_225 = arith.constant 640 : i32
    %mul3A_226 = arith.muli %arg1, %mul3A_225 : i32
    %add3A_227 = arith.constant 0 : i32
    %add3A_228 = arith.addi %mul3A_226, %add3A_227 : i32
    %dma_wait3A_229 = arith.constant 0 : i32
    %dma_wait3A_230 = tpu.memref_slice %arg12[%add3A_228, %dma_wait3A_229] : memref<10240x64xf32, #tpu.memory_space<vmem_shared>> -> memref<128x64xf32, #tpu.memory_space<vmem_shared>>
    %dma_wait3A_231 = arith.constant 0 : i32
    %dma_wait3A_232 = tpu.memref_slice %arg12[%add3A_228, %dma_wait3A_231] : memref<10240x64xf32, #tpu.memory_space<vmem_shared>> -> memref<128x64xf32, #tpu.memory_space<vmem_shared>>
    tpu.wait_dma2 semaphore(%arg17 : memref<!tpu.dma_semaphore, #tpu.memory_space<semaphore_mem>>) src(%arg11 : memref<128x64xf32, #tpu.memory_space<vmem>>) dst(%dma_wait3A_232 : memref<128x64xf32, #tpu.memory_space<vmem_shared>>)
    %barrier3A_233 = arith.constant 0 : index
    tpu.barrier barrier_id(%barrier3A_233)
    %dma_start3A_234 = arith.constant 0 : i32
    %dma_start3A_235 = arith.constant 0 : i32
    %dma_start3A_236 = tpu.memref_slice %arg9[%dma_start3A_234, %dma_start3A_235] : memref<80x125xi32, #tpu.memory_space<vmem>> -> memref<1x125xi32, #tpu.memory_space<vmem>>
    %dma_start3A_237 = tpu.memref_squeeze %dma_start3A_236 : memref<1x125xi32, #tpu.memory_space<vmem>> -> memref<125xi32, #tpu.memory_space<vmem>>
    %dma_start3A_238 = arith.constant 0 : i32
    %dma_start3A_239 = arith.constant 0 : i32
    %dma_start3A_240 = tpu.memref_slice %arg3[%dma_start3A_238, %dma_start3A_239] : memref<10000x64xf32, #tpu.memory_space<hbm>> -> memref<10000x64xf32, #tpu.memory_space<hbm>>
    tpu.enqueue_indirect_dma source(%dma_start3A_240 : memref<10000x64xf32, #tpu.memory_space<hbm>>) target(%arg13 : memref<125x64xf32, #tpu.memory_space<vmem>>) offsets(%dma_start3A_237 : memref<125xi32, #tpu.memory_space<vmem>>) semaphore(%arg17 : memref<!tpu.dma_semaphore, #tpu.memory_space<semaphore_mem>>)
    %dma_start3A_241 = arith.constant 1 : i32
    %dma_start3A_242 = arith.constant 0 : i32
    %dma_start3A_243 = tpu.memref_slice %arg9[%dma_start3A_241, %dma_start3A_242] : memref<80x125xi32, #tpu.memory_space<vmem>> -> memref<1x125xi32, #tpu.memory_space<vmem>>
    %dma_start3A_244 = tpu.memref_squeeze %dma_start3A_243 : memref<1x125xi32, #tpu.memory_space<vmem>> -> memref<125xi32, #tpu.memory_space<vmem>>
    %dma_start3A_245 = arith.constant 0 : i32
    %dma_start3A_246 = arith.constant 0 : i32
    %dma_start3A_247 = tpu.memref_slice %arg3[%dma_start3A_245, %dma_start3A_246] : memref<10000x64xf32, #tpu.memory_space<hbm>> -> memref<10000x64xf32, #tpu.memory_space<hbm>>
    tpu.enqueue_indirect_dma source(%dma_start3A_247 : memref<10000x64xf32, #tpu.memory_space<hbm>>) target(%arg14 : memref<125x64xf32, #tpu.memory_space<vmem>>) offsets(%dma_start3A_244 : memref<125xi32, #tpu.memory_space<vmem>>) semaphore(%arg18 : memref<!tpu.dma_semaphore, #tpu.memory_space<semaphore_mem>>)
    %scan3A_248 = arith.constant 0 : i32
    %scan3A_249 = arith.constant 0 : i32
    %scan3A_250 = arith.constant 20 : i32
    %scan3A_251 = arith.addi %scan3A_249, %scan3A_250 : i32
    %scan3A_252 = arith.constant 1 : i32
    scf.for %scan3A_277 = %scan3A_249 to %scan3A_251 step %scan3A_252  : i32 {
      %mul3A_278 = arith.constant 4 : i32
      %mul3A_279 = arith.muli %scan3A_277, %mul3A_278 : i32
      %add3A_280 = arith.constant 0 : i32
      %add3A_281 = arith.addi %mul3A_279, %add3A_280 : i32
      %dma_wait3A_282 = arith.constant 0 : i32
      %dma_wait3A_283 = tpu.memref_slice %arg9[%add3A_281, %dma_wait3A_282] : memref<80x125xi32, #tpu.memory_space<vmem>> -> memref<1x125xi32, #tpu.memory_space<vmem>>
      %dma_wait3A_284 = tpu.memref_squeeze %dma_wait3A_283 : memref<1x125xi32, #tpu.memory_space<vmem>> -> memref<125xi32, #tpu.memory_space<vmem>>
      %dma_wait3A_285 = arith.constant 0 : i32
      %dma_wait3A_286 = arith.constant 0 : i32
      %dma_wait3A_287 = tpu.memref_slice %arg3[%dma_wait3A_285, %dma_wait3A_286] : memref<10000x64xf32, #tpu.memory_space<hbm>> -> memref<10000x64xf32, #tpu.memory_space<hbm>>
      tpu.wait_indirect_dma semaphore(%arg17 : memref<!tpu.dma_semaphore, #tpu.memory_space<semaphore_mem>>) src(%dma_wait3A_287 : memref<10000x64xf32, #tpu.memory_space<hbm>>) dst(%arg13 : memref<125x64xf32, #tpu.memory_space<vmem>>)
      %dma_start3A_288 = arith.constant 0 : i32
      %dma_start3A_289 = tpu.memref_slice %arg10[%add3A_281, %dma_start3A_288] : memref<80x125xi32, #tpu.memory_space<vmem>> -> memref<1x125xi32, #tpu.memory_space<vmem>>
      %dma_start3A_290 = tpu.memref_squeeze %dma_start3A_289 : memref<1x125xi32, #tpu.memory_space<vmem>> -> memref<125xi32, #tpu.memory_space<vmem>>
      %dma_start3A_291 = arith.constant 0 : i32
      %dma_start3A_292 = arith.constant 0 : i32
      %dma_start3A_293 = tpu.memref_slice %arg12[%dma_start3A_291, %dma_start3A_292] : memref<10240x64xf32, #tpu.memory_space<vmem_shared>> -> memref<10240x64xf32, #tpu.memory_space<vmem_shared>>
      tpu.enqueue_indirect_dma source(%arg13 : memref<125x64xf32, #tpu.memory_space<vmem>>) target(%dma_start3A_293 : memref<10240x64xf32, #tpu.memory_space<vmem_shared>>) offsets(%dma_start3A_290 : memref<125xi32, #tpu.memory_space<vmem>>) semaphore(%arg21 : memref<!tpu.dma_semaphore, #tpu.memory_space<semaphore_mem>>) {add = true}
      %ge3A = arith.constant 2 : i32
      %ge3A_294 = arith.cmpi sge, %add3A_281, %ge3A : i32
      %convert_element_type3A = arith.extui %ge3A_294 : i1 to i32
      %cond3A = arith.constant 0 : i32
      %cond3A_295 = arith.cmpi ne, %convert_element_type3A, %cond3A : i32
      scf.if %cond3A_295 {
        %sub3A = arith.constant 2 : i32
        %sub3A_386 = arith.subi %add3A_281, %sub3A : i32
        %dma_wait3A_387 = arith.constant 0 : i32
        %dma_wait3A_388 = tpu.memref_slice %arg10[%sub3A_386, %dma_wait3A_387] : memref<80x125xi32, #tpu.memory_space<vmem>> -> memref<1x125xi32, #tpu.memory_space<vmem>>
        %dma_wait3A_389 = tpu.memref_squeeze %dma_wait3A_388 : memref<1x125xi32, #tpu.memory_space<vmem>> -> memref<125xi32, #tpu.memory_space<vmem>>
        %dma_wait3A_390 = arith.constant 0 : i32
        %dma_wait3A_391 = arith.constant 0 : i32
        %dma_wait3A_392 = tpu.memref_slice %arg12[%dma_wait3A_390, %dma_wait3A_391] : memref<10240x64xf32, #tpu.memory_space<vmem_shared>> -> memref<10240x64xf32, #tpu.memory_space<vmem_shared>>
        tpu.wait_indirect_dma semaphore(%arg23 : memref<!tpu.dma_semaphore, #tpu.memory_space<semaphore_mem>>) src(%arg15 : memref<125x64xf32, #tpu.memory_space<vmem>>) dst(%dma_wait3A_392 : memref<10240x64xf32, #tpu.memory_space<vmem_shared>>)
      } else {
      }
      %add3A_296 = arith.constant 2 : i32
      %add3A_297 = arith.addi %add3A_281, %add3A_296 : i32
      %lt3A = arith.constant 80 : i32
      %lt3A_298 = arith.cmpi slt, %add3A_297, %lt3A : i32
      %convert_element_type3A_299 = arith.extui %lt3A_298 : i1 to i32
      %cond3A_300 = arith.constant 0 : i32
      %cond3A_301 = arith.cmpi ne, %convert_element_type3A_299, %cond3A_300 : i32
      scf.if %cond3A_301 {
        %add3A_386 = arith.constant 2 : i32
        %add3A_387 = arith.addi %add3A_281, %add3A_386 : i32
        %dma_start3A_388 = arith.constant 0 : i32
        %dma_start3A_389 = tpu.memref_slice %arg9[%add3A_387, %dma_start3A_388] : memref<80x125xi32, #tpu.memory_space<vmem>> -> memref<1x125xi32, #tpu.memory_space<vmem>>
        %dma_start3A_390 = tpu.memref_squeeze %dma_start3A_389 : memref<1x125xi32, #tpu.memory_space<vmem>> -> memref<125xi32, #tpu.memory_space<vmem>>
        %dma_start3A_391 = arith.constant 0 : i32
        %dma_start3A_392 = arith.constant 0 : i32
        %dma_start3A_393 = tpu.memref_slice %arg3[%dma_start3A_391, %dma_start3A_392] : memref<10000x64xf32, #tpu.memory_space<hbm>> -> memref<10000x64xf32, #tpu.memory_space<hbm>>
        tpu.enqueue_indirect_dma source(%dma_start3A_393 : memref<10000x64xf32, #tpu.memory_space<hbm>>) target(%arg15 : memref<125x64xf32, #tpu.memory_space<vmem>>) offsets(%dma_start3A_390 : memref<125xi32, #tpu.memory_space<vmem>>) semaphore(%arg19 : memref<!tpu.dma_semaphore, #tpu.memory_space<semaphore_mem>>)
      } else {
      }
      %mul3A_302 = arith.constant 4 : i32
      %mul3A_303 = arith.muli %scan3A_277, %mul3A_302 : i32
      %add3A_304 = arith.constant 1 : i32
      %add3A_305 = arith.addi %mul3A_303, %add3A_304 : i32
      %dma_wait3A_306 = arith.constant 0 : i32
      %dma_wait3A_307 = tpu.memref_slice %arg9[%add3A_305, %dma_wait3A_306] : memref<80x125xi32, #tpu.memory_space<vmem>> -> memref<1x125xi32, #tpu.memory_space<vmem>>
      %dma_wait3A_308 = tpu.memref_squeeze %dma_wait3A_307 : memref<1x125xi32, #tpu.memory_space<vmem>> -> memref<125xi32, #tpu.memory_space<vmem>>
      %dma_wait3A_309 = arith.constant 0 : i32
      %dma_wait3A_310 = arith.constant 0 : i32
      %dma_wait3A_311 = tpu.memref_slice %arg3[%dma_wait3A_309, %dma_wait3A_310] : memref<10000x64xf32, #tpu.memory_space<hbm>> -> memref<10000x64xf32, #tpu.memory_space<hbm>>
      tpu.wait_indirect_dma semaphore(%arg18 : memref<!tpu.dma_semaphore, #tpu.memory_space<semaphore_mem>>) src(%dma_wait3A_311 : memref<10000x64xf32, #tpu.memory_space<hbm>>) dst(%arg14 : memref<125x64xf32, #tpu.memory_space<vmem>>)
      %dma_start3A_312 = arith.constant 0 : i32
      %dma_start3A_313 = tpu.memref_slice %arg10[%add3A_305, %dma_start3A_312] : memref<80x125xi32, #tpu.memory_space<vmem>> -> memref<1x125xi32, #tpu.memory_space<vmem>>
      %dma_start3A_314 = tpu.memref_squeeze %dma_start3A_313 : memref<1x125xi32, #tpu.memory_space<vmem>> -> memref<125xi32, #tpu.memory_space<vmem>>
      %dma_start3A_315 = arith.constant 0 : i32
      %dma_start3A_316 = arith.constant 0 : i32
      %dma_start3A_317 = tpu.memref_slice %arg12[%dma_start3A_315, %dma_start3A_316] : memref<10240x64xf32, #tpu.memory_space<vmem_shared>> -> memref<10240x64xf32, #tpu.memory_space<vmem_shared>>
      tpu.enqueue_indirect_dma source(%arg14 : memref<125x64xf32, #tpu.memory_space<vmem>>) target(%dma_start3A_317 : memref<10240x64xf32, #tpu.memory_space<vmem_shared>>) offsets(%dma_start3A_314 : memref<125xi32, #tpu.memory_space<vmem>>) semaphore(%arg22 : memref<!tpu.dma_semaphore, #tpu.memory_space<semaphore_mem>>) {add = true}
      %ge3A_318 = arith.constant 2 : i32
      %ge3A_319 = arith.cmpi sge, %add3A_305, %ge3A_318 : i32
      %convert_element_type3A_320 = arith.extui %ge3A_319 : i1 to i32
      %cond3A_321 = arith.constant 0 : i32
      %cond3A_322 = arith.cmpi ne, %convert_element_type3A_320, %cond3A_321 : i32
      scf.if %cond3A_322 {
        %sub3A = arith.constant 2 : i32
        %sub3A_386 = arith.subi %add3A_305, %sub3A : i32
        %dma_wait3A_387 = arith.constant 0 : i32
        %dma_wait3A_388 = tpu.memref_slice %arg10[%sub3A_386, %dma_wait3A_387] : memref<80x125xi32, #tpu.memory_space<vmem>> -> memref<1x125xi32, #tpu.memory_space<vmem>>
        %dma_wait3A_389 = tpu.memref_squeeze %dma_wait3A_388 : memref<1x125xi32, #tpu.memory_space<vmem>> -> memref<125xi32, #tpu.memory_space<vmem>>
        %dma_wait3A_390 = arith.constant 0 : i32
        %dma_wait3A_391 = arith.constant 0 : i32
        %dma_wait3A_392 = tpu.memref_slice %arg12[%dma_wait3A_390, %dma_wait3A_391] : memref<10240x64xf32, #tpu.memory_space<vmem_shared>> -> memref<10240x64xf32, #tpu.memory_space<vmem_shared>>
        tpu.wait_indirect_dma semaphore(%arg24 : memref<!tpu.dma_semaphore, #tpu.memory_space<semaphore_mem>>) src(%arg16 : memref<125x64xf32, #tpu.memory_space<vmem>>) dst(%dma_wait3A_392 : memref<10240x64xf32, #tpu.memory_space<vmem_shared>>)
      } else {
      }
      %add3A_323 = arith.constant 2 : i32
      %add3A_324 = arith.addi %add3A_305, %add3A_323 : i32
      %lt3A_325 = arith.constant 80 : i32
      %lt3A_326 = arith.cmpi slt, %add3A_324, %lt3A_325 : i32
      %convert_element_type3A_327 = arith.extui %lt3A_326 : i1 to i32
      %cond3A_328 = arith.constant 0 : i32
      %cond3A_329 = arith.cmpi ne, %convert_element_type3A_327, %cond3A_328 : i32
      scf.if %cond3A_329 {
        %add3A_386 = arith.constant 2 : i32
        %add3A_387 = arith.addi %add3A_305, %add3A_386 : i32
        %dma_start3A_388 = arith.constant 0 : i32
        %dma_start3A_389 = tpu.memref_slice %arg9[%add3A_387, %dma_start3A_388] : memref<80x125xi32, #tpu.memory_space<vmem>> -> memref<1x125xi32, #tpu.memory_space<vmem>>
        %dma_start3A_390 = tpu.memref_squeeze %dma_start3A_389 : memref<1x125xi32, #tpu.memory_space<vmem>> -> memref<125xi32, #tpu.memory_space<vmem>>
        %dma_start3A_391 = arith.constant 0 : i32
        %dma_start3A_392 = arith.constant 0 : i32
        %dma_start3A_393 = tpu.memref_slice %arg3[%dma_start3A_391, %dma_start3A_392] : memref<10000x64xf32, #tpu.memory_space<hbm>> -> memref<10000x64xf32, #tpu.memory_space<hbm>>
        tpu.enqueue_indirect_dma source(%dma_start3A_393 : memref<10000x64xf32, #tpu.memory_space<hbm>>) target(%arg16 : memref<125x64xf32, #tpu.memory_space<vmem>>) offsets(%dma_start3A_390 : memref<125xi32, #tpu.memory_space<vmem>>) semaphore(%arg20 : memref<!tpu.dma_semaphore, #tpu.memory_space<semaphore_mem>>)
      } else {
      }
      %mul3A_330 = arith.constant 4 : i32
      %mul3A_331 = arith.muli %scan3A_277, %mul3A_330 : i32
      %add3A_332 = arith.constant 2 : i32
      %add3A_333 = arith.addi %mul3A_331, %add3A_332 : i32
      %dma_wait3A_334 = arith.constant 0 : i32
      %dma_wait3A_335 = tpu.memref_slice %arg9[%add3A_333, %dma_wait3A_334] : memref<80x125xi32, #tpu.memory_space<vmem>> -> memref<1x125xi32, #tpu.memory_space<vmem>>
      %dma_wait3A_336 = tpu.memref_squeeze %dma_wait3A_335 : memref<1x125xi32, #tpu.memory_space<vmem>> -> memref<125xi32, #tpu.memory_space<vmem>>
      %dma_wait3A_337 = arith.constant 0 : i32
      %dma_wait3A_338 = arith.constant 0 : i32
      %dma_wait3A_339 = tpu.memref_slice %arg3[%dma_wait3A_337, %dma_wait3A_338] : memref<10000x64xf32, #tpu.memory_space<hbm>> -> memref<10000x64xf32, #tpu.memory_space<hbm>>
      tpu.wait_indirect_dma semaphore(%arg19 : memref<!tpu.dma_semaphore, #tpu.memory_space<semaphore_mem>>) src(%dma_wait3A_339 : memref<10000x64xf32, #tpu.memory_space<hbm>>) dst(%arg15 : memref<125x64xf32, #tpu.memory_space<vmem>>)
      %dma_start3A_340 = arith.constant 0 : i32
      %dma_start3A_341 = tpu.memref_slice %arg10[%add3A_333, %dma_start3A_340] : memref<80x125xi32, #tpu.memory_space<vmem>> -> memref<1x125xi32, #tpu.memory_space<vmem>>
      %dma_start3A_342 = tpu.memref_squeeze %dma_start3A_341 : memref<1x125xi32, #tpu.memory_space<vmem>> -> memref<125xi32, #tpu.memory_space<vmem>>
      %dma_start3A_343 = arith.constant 0 : i32
      %dma_start3A_344 = arith.constant 0 : i32
      %dma_start3A_345 = tpu.memref_slice %arg12[%dma_start3A_343, %dma_start3A_344] : memref<10240x64xf32, #tpu.memory_space<vmem_shared>> -> memref<10240x64xf32, #tpu.memory_space<vmem_shared>>
      tpu.enqueue_indirect_dma source(%arg15 : memref<125x64xf32, #tpu.memory_space<vmem>>) target(%dma_start3A_345 : memref<10240x64xf32, #tpu.memory_space<vmem_shared>>) offsets(%dma_start3A_342 : memref<125xi32, #tpu.memory_space<vmem>>) semaphore(%arg23 : memref<!tpu.dma_semaphore, #tpu.memory_space<semaphore_mem>>) {add = true}
      %ge3A_346 = arith.constant 2 : i32
      %ge3A_347 = arith.cmpi sge, %add3A_333, %ge3A_346 : i32
      %convert_element_type3A_348 = arith.extui %ge3A_347 : i1 to i32
      %cond3A_349 = arith.constant 0 : i32
      %cond3A_350 = arith.cmpi ne, %convert_element_type3A_348, %cond3A_349 : i32
      scf.if %cond3A_350 {
        %sub3A = arith.constant 2 : i32
        %sub3A_386 = arith.subi %add3A_333, %sub3A : i32
        %dma_wait3A_387 = arith.constant 0 : i32
        %dma_wait3A_388 = tpu.memref_slice %arg10[%sub3A_386, %dma_wait3A_387] : memref<80x125xi32, #tpu.memory_space<vmem>> -> memref<1x125xi32, #tpu.memory_space<vmem>>
        %dma_wait3A_389 = tpu.memref_squeeze %dma_wait3A_388 : memref<1x125xi32, #tpu.memory_space<vmem>> -> memref<125xi32, #tpu.memory_space<vmem>>
        %dma_wait3A_390 = arith.constant 0 : i32
        %dma_wait3A_391 = arith.constant 0 : i32
        %dma_wait3A_392 = tpu.memref_slice %arg12[%dma_wait3A_390, %dma_wait3A_391] : memref<10240x64xf32, #tpu.memory_space<vmem_shared>> -> memref<10240x64xf32, #tpu.memory_space<vmem_shared>>
        tpu.wait_indirect_dma semaphore(%arg21 : memref<!tpu.dma_semaphore, #tpu.memory_space<semaphore_mem>>) src(%arg13 : memref<125x64xf32, #tpu.memory_space<vmem>>) dst(%dma_wait3A_392 : memref<10240x64xf32, #tpu.memory_space<vmem_shared>>)
      } else {
      }
      %add3A_351 = arith.constant 2 : i32
      %add3A_352 = arith.addi %add3A_333, %add3A_351 : i32
      %lt3A_353 = arith.constant 80 : i32
      %lt3A_354 = arith.cmpi slt, %add3A_352, %lt3A_353 : i32
      %convert_element_type3A_355 = arith.extui %lt3A_354 : i1 to i32
      %cond3A_356 = arith.constant 0 : i32
      %cond3A_357 = arith.cmpi ne, %convert_element_type3A_355, %cond3A_356 : i32
      scf.if %cond3A_357 {
        %add3A_386 = arith.constant 2 : i32
        %add3A_387 = arith.addi %add3A_333, %add3A_386 : i32
        %dma_start3A_388 = arith.constant 0 : i32
        %dma_start3A_389 = tpu.memref_slice %arg9[%add3A_387, %dma_start3A_388] : memref<80x125xi32, #tpu.memory_space<vmem>> -> memref<1x125xi32, #tpu.memory_space<vmem>>
        %dma_start3A_390 = tpu.memref_squeeze %dma_start3A_389 : memref<1x125xi32, #tpu.memory_space<vmem>> -> memref<125xi32, #tpu.memory_space<vmem>>
        %dma_start3A_391 = arith.constant 0 : i32
        %dma_start3A_392 = arith.constant 0 : i32
        %dma_start3A_393 = tpu.memref_slice %arg3[%dma_start3A_391, %dma_start3A_392] : memref<10000x64xf32, #tpu.memory_space<hbm>> -> memref<10000x64xf32, #tpu.memory_space<hbm>>
        tpu.enqueue_indirect_dma source(%dma_start3A_393 : memref<10000x64xf32, #tpu.memory_space<hbm>>) target(%arg13 : memref<125x64xf32, #tpu.memory_space<vmem>>) offsets(%dma_start3A_390 : memref<125xi32, #tpu.memory_space<vmem>>) semaphore(%arg17 : memref<!tpu.dma_semaphore, #tpu.memory_space<semaphore_mem>>)
      } else {
      }
      %mul3A_358 = arith.constant 4 : i32
      %mul3A_359 = arith.muli %scan3A_277, %mul3A_358 : i32
      %add3A_360 = arith.constant 3 : i32
      %add3A_361 = arith.addi %mul3A_359, %add3A_360 : i32
      %dma_wait3A_362 = arith.constant 0 : i32
      %dma_wait3A_363 = tpu.memref_slice %arg9[%add3A_361, %dma_wait3A_362] : memref<80x125xi32, #tpu.memory_space<vmem>> -> memref<1x125xi32, #tpu.memory_space<vmem>>
      %dma_wait3A_364 = tpu.memref_squeeze %dma_wait3A_363 : memref<1x125xi32, #tpu.memory_space<vmem>> -> memref<125xi32, #tpu.memory_space<vmem>>
      %dma_wait3A_365 = arith.constant 0 : i32
      %dma_wait3A_366 = arith.constant 0 : i32
      %dma_wait3A_367 = tpu.memref_slice %arg3[%dma_wait3A_365, %dma_wait3A_366] : memref<10000x64xf32, #tpu.memory_space<hbm>> -> memref<10000x64xf32, #tpu.memory_space<hbm>>
      tpu.wait_indirect_dma semaphore(%arg20 : memref<!tpu.dma_semaphore, #tpu.memory_space<semaphore_mem>>) src(%dma_wait3A_367 : memref<10000x64xf32, #tpu.memory_space<hbm>>) dst(%arg16 : memref<125x64xf32, #tpu.memory_space<vmem>>)
      %dma_start3A_368 = arith.constant 0 : i32
      %dma_start3A_369 = tpu.memref_slice %arg10[%add3A_361, %dma_start3A_368] : memref<80x125xi32, #tpu.memory_space<vmem>> -> memref<1x125xi32, #tpu.memory_space<vmem>>
      %dma_start3A_370 = tpu.memref_squeeze %dma_start3A_369 : memref<1x125xi32, #tpu.memory_space<vmem>> -> memref<125xi32, #tpu.memory_space<vmem>>
      %dma_start3A_371 = arith.constant 0 : i32
      %dma_start3A_372 = arith.constant 0 : i32
      %dma_start3A_373 = tpu.memref_slice %arg12[%dma_start3A_371, %dma_start3A_372] : memref<10240x64xf32, #tpu.memory_space<vmem_shared>> -> memref<10240x64xf32, #tpu.memory_space<vmem_shared>>
      tpu.enqueue_indirect_dma source(%arg16 : memref<125x64xf32, #tpu.memory_space<vmem>>) target(%dma_start3A_373 : memref<10240x64xf32, #tpu.memory_space<vmem_shared>>) offsets(%dma_start3A_370 : memref<125xi32, #tpu.memory_space<vmem>>) semaphore(%arg24 : memref<!tpu.dma_semaphore, #tpu.memory_space<semaphore_mem>>) {add = true}
      %ge3A_374 = arith.constant 2 : i32
      %ge3A_375 = arith.cmpi sge, %add3A_361, %ge3A_374 : i32
      %convert_element_type3A_376 = arith.extui %ge3A_375 : i1 to i32
      %cond3A_377 = arith.constant 0 : i32
      %cond3A_378 = arith.cmpi ne, %convert_element_type3A_376, %cond3A_377 : i32
      scf.if %cond3A_378 {
        %sub3A = arith.constant 2 : i32
        %sub3A_386 = arith.subi %add3A_361, %sub3A : i32
        %dma_wait3A_387 = arith.constant 0 : i32
        %dma_wait3A_388 = tpu.memref_slice %arg10[%sub3A_386, %dma_wait3A_387] : memref<80x125xi32, #tpu.memory_space<vmem>> -> memref<1x125xi32, #tpu.memory_space<vmem>>
        %dma_wait3A_389 = tpu.memref_squeeze %dma_wait3A_388 : memref<1x125xi32, #tpu.memory_space<vmem>> -> memref<125xi32, #tpu.memory_space<vmem>>
        %dma_wait3A_390 = arith.constant 0 : i32
        %dma_wait3A_391 = arith.constant 0 : i32
        %dma_wait3A_392 = tpu.memref_slice %arg12[%dma_wait3A_390, %dma_wait3A_391] : memref<10240x64xf32, #tpu.memory_space<vmem_shared>> -> memref<10240x64xf32, #tpu.memory_space<vmem_shared>>
        tpu.wait_indirect_dma semaphore(%arg22 : memref<!tpu.dma_semaphore, #tpu.memory_space<semaphore_mem>>) src(%arg14 : memref<125x64xf32, #tpu.memory_space<vmem>>) dst(%dma_wait3A_392 : memref<10240x64xf32, #tpu.memory_space<vmem_shared>>)
      } else {
      }
      %add3A_379 = arith.constant 2 : i32
      %add3A_380 = arith.addi %add3A_361, %add3A_379 : i32
      %lt3A_381 = arith.constant 80 : i32
      %lt3A_382 = arith.cmpi slt, %add3A_380, %lt3A_381 : i32
      %convert_element_type3A_383 = arith.extui %lt3A_382 : i1 to i32
      %cond3A_384 = arith.constant 0 : i32
      %cond3A_385 = arith.cmpi ne, %convert_element_type3A_383, %cond3A_384 : i32
      scf.if %cond3A_385 {
        %add3A_386 = arith.constant 2 : i32
        %add3A_387 = arith.addi %add3A_361, %add3A_386 : i32
        %dma_start3A_388 = arith.constant 0 : i32
        %dma_start3A_389 = tpu.memref_slice %arg9[%add3A_387, %dma_start3A_388] : memref<80x125xi32, #tpu.memory_space<vmem>> -> memref<1x125xi32, #tpu.memory_space<vmem>>
        %dma_start3A_390 = tpu.memref_squeeze %dma_start3A_389 : memref<1x125xi32, #tpu.memory_space<vmem>> -> memref<125xi32, #tpu.memory_space<vmem>>
        %dma_start3A_391 = arith.constant 0 : i32
        %dma_start3A_392 = arith.constant 0 : i32
        %dma_start3A_393 = tpu.memref_slice %arg3[%dma_start3A_391, %dma_start3A_392] : memref<10000x64xf32, #tpu.memory_space<hbm>> -> memref<10000x64xf32, #tpu.memory_space<hbm>>
        tpu.enqueue_indirect_dma source(%dma_start3A_393 : memref<10000x64xf32, #tpu.memory_space<hbm>>) target(%arg14 : memref<125x64xf32, #tpu.memory_space<vmem>>) offsets(%dma_start3A_390 : memref<125xi32, #tpu.memory_space<vmem>>) semaphore(%arg18 : memref<!tpu.dma_semaphore, #tpu.memory_space<semaphore_mem>>)
      } else {
      }
    }
    %scan3A_253 = arith.constant 20 : i32
    %dma_wait3A_254 = arith.constant 0 : i32
    %dma_wait3A_255 = arith.constant 0 : i32
    %dma_wait3A_256 = tpu.memref_slice %arg10[%dma_wait3A_254, %dma_wait3A_255] : memref<80x125xi32, #tpu.memory_space<vmem>> -> memref<1x125xi32, #tpu.memory_space<vmem>>
    %dma_wait3A_257 = tpu.memref_squeeze %dma_wait3A_256 : memref<1x125xi32, #tpu.memory_space<vmem>> -> memref<125xi32, #tpu.memory_space<vmem>>
    %dma_wait3A_258 = arith.constant 0 : i32
    %dma_wait3A_259 = arith.constant 0 : i32
    %dma_wait3A_260 = tpu.memref_slice %arg12[%dma_wait3A_258, %dma_wait3A_259] : memref<10240x64xf32, #tpu.memory_space<vmem_shared>> -> memref<10240x64xf32, #tpu.memory_space<vmem_shared>>
    tpu.wait_indirect_dma semaphore(%arg23 : memref<!tpu.dma_semaphore, #tpu.memory_space<semaphore_mem>>) src(%arg15 : memref<125x64xf32, #tpu.memory_space<vmem>>) dst(%dma_wait3A_260 : memref<10240x64xf32, #tpu.memory_space<vmem_shared>>)
    %dma_wait3A_261 = arith.constant 0 : i32
    %dma_wait3A_262 = arith.constant 0 : i32
    %dma_wait3A_263 = tpu.memref_slice %arg10[%dma_wait3A_261, %dma_wait3A_262] : memref<80x125xi32, #tpu.memory_space<vmem>> -> memref<1x125xi32, #tpu.memory_space<vmem>>
    %dma_wait3A_264 = tpu.memref_squeeze %dma_wait3A_263 : memref<1x125xi32, #tpu.memory_space<vmem>> -> memref<125xi32, #tpu.memory_space<vmem>>
    %dma_wait3A_265 = arith.constant 0 : i32
    %dma_wait3A_266 = arith.constant 0 : i32
    %dma_wait3A_267 = tpu.memref_slice %arg12[%dma_wait3A_265, %dma_wait3A_266] : memref<10240x64xf32, #tpu.memory_space<vmem_shared>> -> memref<10240x64xf32, #tpu.memory_space<vmem_shared>>
    tpu.wait_indirect_dma semaphore(%arg24 : memref<!tpu.dma_semaphore, #tpu.memory_space<semaphore_mem>>) src(%arg16 : memref<125x64xf32, #tpu.memory_space<vmem>>) dst(%dma_wait3A_267 : memref<10240x64xf32, #tpu.memory_space<vmem_shared>>)
    %barrier3A_268 = arith.constant 0 : index
    tpu.barrier barrier_id(%barrier3A_268)
    %mul3A_269 = arith.constant 640 : i32
    %mul3A_270 = arith.muli %arg1, %mul3A_269 : i32
    %mul3A_271 = arith.constant 10240 : i32
    %mul3A_272 = arith.muli %arg0, %mul3A_271 : i32
    %mul3A_273 = arith.constant 640 : i32
    %mul3A_274 = arith.muli %arg1, %mul3A_273 : i32
    %add3A_275 = arith.addi %mul3A_272, %mul3A_274 : i32
    "tpu.region"() ({
      %run_scoped3A = tpu.sem_alloc : memref<!tpu.dma_semaphore, #tpu.memory_space<semaphore_mem>>
      %dma_start3A_277 = arith.constant 0 : i32
      %dma_start3A_278 = tpu.memref_slice %arg8[%add3A_275, %dma_start3A_277] : memref<20480x64xf32, #tpu.memory_space<hbm>> -> memref<640x64xf32, #tpu.memory_space<hbm>>
      %dma_start3A_279 = arith.constant 0 : i32
      %dma_start3A_280 = tpu.memref_slice %arg12[%mul3A_270, %dma_start3A_279] : memref<10240x64xf32, #tpu.memory_space<vmem_shared>> -> memref<640x64xf32, #tpu.memory_space<vmem_shared>>
      tpu.enqueue_dma source(%dma_start3A_280 : memref<640x64xf32, #tpu.memory_space<vmem_shared>>) target(%dma_start3A_278 : memref<640x64xf32, #tpu.memory_space<hbm>>) target_semaphore(%run_scoped3A : memref<!tpu.dma_semaphore, #tpu.memory_space<semaphore_mem>>)
      %dma_wait3A_281 = arith.constant 0 : i32
      %dma_wait3A_282 = tpu.memref_slice %arg8[%add3A_275, %dma_wait3A_281] : memref<20480x64xf32, #tpu.memory_space<hbm>> -> memref<640x64xf32, #tpu.memory_space<hbm>>
      %dma_wait3A_283 = arith.constant 0 : i32
      %dma_wait3A_284 = tpu.memref_slice %arg12[%mul3A_270, %dma_wait3A_283] : memref<10240x64xf32, #tpu.memory_space<vmem_shared>> -> memref<640x64xf32, #tpu.memory_space<vmem_shared>>
      tpu.wait_dma2 semaphore(%run_scoped3A : memref<!tpu.dma_semaphore, #tpu.memory_space<semaphore_mem>>) src(%dma_wait3A_284 : memref<640x64xf32, #tpu.memory_space<vmem_shared>>) dst(%dma_wait3A_282 : memref<640x64xf32, #tpu.memory_space<hbm>>)
      tpu.yield
    }) : () -> ()
    %barrier3A_276 = arith.constant 0 : index
    tpu.barrier barrier_id(%barrier3A_276)
    return
  }
}

#map = affine_map<(d0, d1) -> (0, 0)>
#map1 = affine_map<(d0, d1) -> (0, 0, 0)>
module attributes {stable_mosaic.version = 14 : i64} {
  func.func @sc_segsum(%arg0: i32, %arg1: i32, %arg2: memref<10000x64xf32, #tpu.memory_space<hbm>>, %arg3: memref<10000x64xf32, #tpu.memory_space<hbm>>, %arg4: memref<32x80x125xi32, #tpu.memory_space<hbm>>, %arg5: memref<32x80x125xi32, #tpu.memory_space<hbm>>, %arg6: memref<128x64xf32, #tpu.memory_space<hbm>>, %arg7: memref<20480x64xf32, #tpu.memory_space<hbm>>, %arg8: memref<20480x64xf32, #tpu.memory_space<hbm>>, %arg9: memref<80x125xi32, #tpu.memory_space<vmem>>, %arg10: memref<80x125xi32, #tpu.memory_space<vmem>>, %arg11: memref<128x64xf32, #tpu.memory_space<vmem>>, %arg12: memref<10240x64xf32, #tpu.memory_space<vmem_shared>>, %arg13: memref<125x64xf32, #tpu.memory_space<vmem>>, %arg14: memref<125x64xf32, #tpu.memory_space<vmem>>, %arg15: memref<125x64xf32, #tpu.memory_space<vmem>>, %arg16: memref<125x64xf32, #tpu.memory_space<vmem>>, %arg17: memref<!tpu.dma_semaphore, #tpu.memory_space<semaphore_mem>>, %arg18: memref<!tpu.dma_semaphore, #tpu.memory_space<semaphore_mem>>, %arg19: memref<!tpu.dma_semaphore, #tpu.memory_space<semaphore_mem>>, %arg20: memref<!tpu.dma_semaphore, #tpu.memory_space<semaphore_mem>>, %arg21: memref<!tpu.dma_semaphore, #tpu.memory_space<semaphore_mem>>, %arg22: memref<!tpu.dma_semaphore, #tpu.memory_space<semaphore_mem>>, %arg23: memref<!tpu.dma_semaphore, #tpu.memory_space<semaphore_mem>>, %arg24: memref<!tpu.dma_semaphore, #tpu.memory_space<semaphore_mem>>) attributes {dimension_semantics = [#tpu.dimension_semantics<core_parallel>, #tpu.dimension_semantics<subcore_parallel>], iteration_bounds = array<i64: 2, 16>, scalar_prefetch = 0 : i64, scratch_operands = 16 : i64, tpu.core_type = #tpu.core_type<sc_vector_subcore>, window_params = [{transform_indices = #map}, {transform_indices = #map}, {transform_indices = #map1}, {transform_indices = #map1}, {transform_indices = #map}, {transform_indices = #map}, {transform_indices = #map}]} {
    %mul3A = arith.constant 2 : i32
    %mul3A_0 = arith.muli %arg1, %mul3A : i32
    %add3A = arith.addi %mul3A_0, %arg0 : i32
    %dma_start3A = arith.constant 0 : i32
    %dma_start3A_1 = arith.constant 0 : i32
    %dma_start3A_2 = tpu.memref_slice %arg4[%add3A, %dma_start3A, %dma_start3A_1] : memref<32x80x125xi32, #tpu.memory_space<hbm>> -> memref<1x80x125xi32, #tpu.memory_space<hbm>>
    %dma_start3A_3 = tpu.memref_squeeze %dma_start3A_2 : memref<1x80x125xi32, #tpu.memory_space<hbm>> -> memref<80x125xi32, #tpu.memory_space<hbm>>
    %dma_start3A_4 = arith.constant 0 : i32
    %dma_start3A_5 = arith.constant 0 : i32
    %dma_start3A_6 = tpu.memref_slice %arg4[%add3A, %dma_start3A_4, %dma_start3A_5] : memref<32x80x125xi32, #tpu.memory_space<hbm>> -> memref<1x80x125xi32, #tpu.memory_space<hbm>>
    %dma_start3A_7 = tpu.memref_squeeze %dma_start3A_6 : memref<1x80x125xi32, #tpu.memory_space<hbm>> -> memref<80x125xi32, #tpu.memory_space<hbm>>
    tpu.enqueue_dma source(%dma_start3A_7 : memref<80x125xi32, #tpu.memory_space<hbm>>) target(%arg9 : memref<80x125xi32, #tpu.memory_space<vmem>>) target_semaphore(%arg17 : memref<!tpu.dma_semaphore, #tpu.memory_space<semaphore_mem>>)
    %dma_start3A_8 = arith.constant 0 : i32
    %dma_start3A_9 = arith.constant 0 : i32
    %dma_start3A_10 = tpu.memref_slice %arg5[%add3A, %dma_start3A_8, %dma_start3A_9] : memref<32x80x125xi32, #tpu.memory_space<hbm>> -> memref<1x80x125xi32, #tpu.memory_space<hbm>>
    %dma_start3A_11 = tpu.memref_squeeze %dma_start3A_10 : memref<1x80x125xi32, #tpu.memory_space<hbm>> -> memref<80x125xi32, #tpu.memory_space<hbm>>
    %dma_start3A_12 = arith.constant 0 : i32
    %dma_start3A_13 = arith.constant 0 : i32
    %dma_start3A_14 = tpu.memref_slice %arg5[%add3A, %dma_start3A_12, %dma_start3A_13] : memref<32x80x125xi32, #tpu.memory_space<hbm>> -> memref<1x80x125xi32, #tpu.memory_space<hbm>>
    %dma_start3A_15 = tpu.memref_squeeze %dma_start3A_14 : memref<1x80x125xi32, #tpu.memory_space<hbm>> -> memref<80x125xi32, #tpu.memory_space<hbm>>
    tpu.enqueue_dma source(%dma_start3A_15 : memref<80x125xi32, #tpu.memory_space<hbm>>) target(%arg10 : memref<80x125xi32, #tpu.memory_space<vmem>>) target_semaphore(%arg18 : memref<!tpu.dma_semaphore, #tpu.memory_space<semaphore_mem>>)
    "tpu.region"() ({
      %run_scoped3A = tpu.sem_alloc : memref<!tpu.dma_semaphore, #tpu.memory_space<semaphore_mem>>
      tpu.enqueue_dma source(%arg6 : memref<128x64xf32, #tpu.memory_space<hbm>>) target(%arg11 : memref<128x64xf32, #tpu.memory_space<vmem>>) target_semaphore(%run_scoped3A : memref<!tpu.dma_semaphore, #tpu.memory_space<semaphore_mem>>)
      tpu.wait_dma2 semaphore(%run_scoped3A : memref<!tpu.dma_semaphore, #tpu.memory_space<semaphore_mem>>) src(%arg6 : memref<128x64xf32, #tpu.memory_space<hbm>>) dst(%arg11 : memref<128x64xf32, #tpu.memory_space<vmem>>)
      tpu.yield
    }) : () -> ()
    %dma_wait3A = arith.constant 0 : i32
    %dma_wait3A_16 = arith.constant 0 : i32
    %dma_wait3A_17 = tpu.memref_slice %arg4[%add3A, %dma_wait3A, %dma_wait3A_16] : memref<32x80x125xi32, #tpu.memory_space<hbm>> -> memref<1x80x125xi32, #tpu.memory_space<hbm>>
    %dma_wait3A_18 = tpu.memref_squeeze %dma_wait3A_17 : memref<1x80x125xi32, #tpu.memory_space<hbm>> -> memref<80x125xi32, #tpu.memory_space<hbm>>
    %dma_wait3A_19 = arith.constant 0 : i32
    %dma_wait3A_20 = arith.constant 0 : i32
    %dma_wait3A_21 = tpu.memref_slice %arg4[%add3A, %dma_wait3A_19, %dma_wait3A_20] : memref<32x80x125xi32, #tpu.memory_space<hbm>> -> memref<1x80x125xi32, #tpu.memory_space<hbm>>
    %dma_wait3A_22 = tpu.memref_squeeze %dma_wait3A_21 : memref<1x80x125xi32, #tpu.memory_space<hbm>> -> memref<80x125xi32, #tpu.memory_space<hbm>>
    tpu.wait_dma2 semaphore(%arg17 : memref<!tpu.dma_semaphore, #tpu.memory_space<semaphore_mem>>) src(%dma_wait3A_22 : memref<80x125xi32, #tpu.memory_space<hbm>>) dst(%arg9 : memref<80x125xi32, #tpu.memory_space<vmem>>)
    %dma_wait3A_23 = arith.constant 0 : i32
    %dma_wait3A_24 = arith.constant 0 : i32
    %dma_wait3A_25 = tpu.memref_slice %arg5[%add3A, %dma_wait3A_23, %dma_wait3A_24] : memref<32x80x125xi32, #tpu.memory_space<hbm>> -> memref<1x80x125xi32, #tpu.memory_space<hbm>>
    %dma_wait3A_26 = tpu.memref_squeeze %dma_wait3A_25 : memref<1x80x125xi32, #tpu.memory_space<hbm>> -> memref<80x125xi32, #tpu.memory_space<hbm>>
    %dma_wait3A_27 = arith.constant 0 : i32
    %dma_wait3A_28 = arith.constant 0 : i32
    %dma_wait3A_29 = tpu.memref_slice %arg5[%add3A, %dma_wait3A_27, %dma_wait3A_28] : memref<32x80x125xi32, #tpu.memory_space<hbm>> -> memref<1x80x125xi32, #tpu.memory_space<hbm>>
    %dma_wait3A_30 = tpu.memref_squeeze %dma_wait3A_29 : memref<1x80x125xi32, #tpu.memory_space<hbm>> -> memref<80x125xi32, #tpu.memory_space<hbm>>
    tpu.wait_dma2 semaphore(%arg18 : memref<!tpu.dma_semaphore, #tpu.memory_space<semaphore_mem>>) src(%dma_wait3A_30 : memref<80x125xi32, #tpu.memory_space<hbm>>) dst(%arg10 : memref<80x125xi32, #tpu.memory_space<vmem>>)
    %mul3A_31 = arith.constant 640 : i32
    %mul3A_32 = arith.muli %arg1, %mul3A_31 : i32
    %add3A_33 = arith.constant 0 : i32
    %add3A_34 = arith.addi %mul3A_32, %add3A_33 : i32
    %dma_start3A_35 = arith.constant 0 : i32
    %dma_start3A_36 = tpu.memref_slice %arg12[%add3A_34, %dma_start3A_35] : memref<10240x64xf32, #tpu.memory_space<vmem_shared>> -> memref<128x64xf32, #tpu.memory_space<vmem_shared>>
    %dma_start3A_37 = arith.constant 0 : i32
    %dma_start3A_38 = tpu.memref_slice %arg12[%add3A_34, %dma_start3A_37] : memref<10240x64xf32, #tpu.memory_space<vmem_shared>> -> memref<128x64xf32, #tpu.memory_space<vmem_shared>>
    tpu.enqueue_dma source(%arg11 : memref<128x64xf32, #tpu.memory_space<vmem>>) target(%dma_start3A_38 : memref<128x64xf32, #tpu.memory_space<vmem_shared>>) target_semaphore(%arg17 : memref<!tpu.dma_semaphore, #tpu.memory_space<semaphore_mem>>)
    %mul3A_39 = arith.constant 640 : i32
    %mul3A_40 = arith.muli %arg1, %mul3A_39 : i32
    %add3A_41 = arith.constant 128 : i32
    %add3A_42 = arith.addi %mul3A_40, %add3A_41 : i32
    %dma_start3A_43 = arith.constant 0 : i32
    %dma_start3A_44 = tpu.memref_slice %arg12[%add3A_42, %dma_start3A_43] : memref<10240x64xf32, #tpu.memory_space<vmem_shared>> -> memref<128x64xf32, #tpu.memory_space<vmem_shared>>
    %dma_start3A_45 = arith.constant 0 : i32
    %dma_start3A_46 = tpu.memref_slice %arg12[%add3A_42, %dma_start3A_45] : memref<10240x64xf32, #tpu.memory_space<vmem_shared>> -> memref<128x64xf32, #tpu.memory_space<vmem_shared>>
    tpu.enqueue_dma source(%arg11 : memref<128x64xf32, #tpu.memory_space<vmem>>) target(%dma_start3A_46 : memref<128x64xf32, #tpu.memory_space<vmem_shared>>) target_semaphore(%arg18 : memref<!tpu.dma_semaphore, #tpu.memory_space<semaphore_mem>>)
    %mul3A_47 = arith.constant 640 : i32
    %mul3A_48 = arith.muli %arg1, %mul3A_47 : i32
    %add3A_49 = arith.constant 256 : i32
    %add3A_50 = arith.addi %mul3A_48, %add3A_49 : i32
    %dma_start3A_51 = arith.constant 0 : i32
    %dma_start3A_52 = tpu.memref_slice %arg12[%add3A_50, %dma_start3A_51] : memref<10240x64xf32, #tpu.memory_space<vmem_shared>> -> memref<128x64xf32, #tpu.memory_space<vmem_shared>>
    %dma_start3A_53 = arith.constant 0 : i32
    %dma_start3A_54 = tpu.memref_slice %arg12[%add3A_50, %dma_start3A_53] : memref<10240x64xf32, #tpu.memory_space<vmem_shared>> -> memref<128x64xf32, #tpu.memory_space<vmem_shared>>
    tpu.enqueue_dma source(%arg11 : memref<128x64xf32, #tpu.memory_space<vmem>>) target(%dma_start3A_54 : memref<128x64xf32, #tpu.memory_space<vmem_shared>>) target_semaphore(%arg19 : memref<!tpu.dma_semaphore, #tpu.memory_space<semaphore_mem>>)
    %mul3A_55 = arith.constant 640 : i32
    %mul3A_56 = arith.muli %arg1, %mul3A_55 : i32
    %add3A_57 = arith.constant 384 : i32
    %add3A_58 = arith.addi %mul3A_56, %add3A_57 : i32
    %dma_start3A_59 = arith.constant 0 : i32
    %dma_start3A_60 = tpu.memref_slice %arg12[%add3A_58, %dma_start3A_59] : memref<10240x64xf32, #tpu.memory_space<vmem_shared>> -> memref<128x64xf32, #tpu.memory_space<vmem_shared>>
    %dma_start3A_61 = arith.constant 0 : i32
    %dma_start3A_62 = tpu.memref_slice %arg12[%add3A_58, %dma_start3A_61] : memref<10240x64xf32, #tpu.memory_space<vmem_shared>> -> memref<128x64xf32, #tpu.memory_space<vmem_shared>>
    tpu.enqueue_dma source(%arg11 : memref<128x64xf32, #tpu.memory_space<vmem>>) target(%dma_start3A_62 : memref<128x64xf32, #tpu.memory_space<vmem_shared>>) target_semaphore(%arg20 : memref<!tpu.dma_semaphore, #tpu.memory_space<semaphore_mem>>)
    %mul3A_63 = arith.constant 640 : i32
    %mul3A_64 = arith.muli %arg1, %mul3A_63 : i32
    %add3A_65 = arith.constant 512 : i32
    %add3A_66 = arith.addi %mul3A_64, %add3A_65 : i32
    %dma_start3A_67 = arith.constant 0 : i32
    %dma_start3A_68 = tpu.memref_slice %arg12[%add3A_66, %dma_start3A_67] : memref<10240x64xf32, #tpu.memory_space<vmem_shared>> -> memref<128x64xf32, #tpu.memory_space<vmem_shared>>
    %dma_start3A_69 = arith.constant 0 : i32
    %dma_start3A_70 = tpu.memref_slice %arg12[%add3A_66, %dma_start3A_69] : memref<10240x64xf32, #tpu.memory_space<vmem_shared>> -> memref<128x64xf32, #tpu.memory_space<vmem_shared>>
    tpu.enqueue_dma source(%arg11 : memref<128x64xf32, #tpu.memory_space<vmem>>) target(%dma_start3A_70 : memref<128x64xf32, #tpu.memory_space<vmem_shared>>) target_semaphore(%arg17 : memref<!tpu.dma_semaphore, #tpu.memory_space<semaphore_mem>>)
    %mul3A_71 = arith.constant 640 : i32
    %mul3A_72 = arith.muli %arg1, %mul3A_71 : i32
    %add3A_73 = arith.constant 0 : i32
    %add3A_74 = arith.addi %mul3A_72, %add3A_73 : i32
    %dma_wait3A_75 = arith.constant 0 : i32
    %dma_wait3A_76 = tpu.memref_slice %arg12[%add3A_74, %dma_wait3A_75] : memref<10240x64xf32, #tpu.memory_space<vmem_shared>> -> memref<128x64xf32, #tpu.memory_space<vmem_shared>>
    %dma_wait3A_77 = arith.constant 0 : i32
    %dma_wait3A_78 = tpu.memref_slice %arg12[%add3A_74, %dma_wait3A_77] : memref<10240x64xf32, #tpu.memory_space<vmem_shared>> -> memref<128x64xf32, #tpu.memory_space<vmem_shared>>
    tpu.wait_dma2 semaphore(%arg17 : memref<!tpu.dma_semaphore, #tpu.memory_space<semaphore_mem>>) src(%arg11 : memref<128x64xf32, #tpu.memory_space<vmem>>) dst(%dma_wait3A_78 : memref<128x64xf32, #tpu.memory_space<vmem_shared>>)
    %mul3A_79 = arith.constant 640 : i32
    %mul3A_80 = arith.muli %arg1, %mul3A_79 : i32
    %add3A_81 = arith.constant 128 : i32
    %add3A_82 = arith.addi %mul3A_80, %add3A_81 : i32
    %dma_wait3A_83 = arith.constant 0 : i32
    %dma_wait3A_84 = tpu.memref_slice %arg12[%add3A_82, %dma_wait3A_83] : memref<10240x64xf32, #tpu.memory_space<vmem_shared>> -> memref<128x64xf32, #tpu.memory_space<vmem_shared>>
    %dma_wait3A_85 = arith.constant 0 : i32
    %dma_wait3A_86 = tpu.memref_slice %arg12[%add3A_82, %dma_wait3A_85] : memref<10240x64xf32, #tpu.memory_space<vmem_shared>> -> memref<128x64xf32, #tpu.memory_space<vmem_shared>>
    tpu.wait_dma2 semaphore(%arg18 : memref<!tpu.dma_semaphore, #tpu.memory_space<semaphore_mem>>) src(%arg11 : memref<128x64xf32, #tpu.memory_space<vmem>>) dst(%dma_wait3A_86 : memref<128x64xf32, #tpu.memory_space<vmem_shared>>)
    %mul3A_87 = arith.constant 640 : i32
    %mul3A_88 = arith.muli %arg1, %mul3A_87 : i32
    %add3A_89 = arith.constant 256 : i32
    %add3A_90 = arith.addi %mul3A_88, %add3A_89 : i32
    %dma_wait3A_91 = arith.constant 0 : i32
    %dma_wait3A_92 = tpu.memref_slice %arg12[%add3A_90, %dma_wait3A_91] : memref<10240x64xf32, #tpu.memory_space<vmem_shared>> -> memref<128x64xf32, #tpu.memory_space<vmem_shared>>
    %dma_wait3A_93 = arith.constant 0 : i32
    %dma_wait3A_94 = tpu.memref_slice %arg12[%add3A_90, %dma_wait3A_93] : memref<10240x64xf32, #tpu.memory_space<vmem_shared>> -> memref<128x64xf32, #tpu.memory_space<vmem_shared>>
    tpu.wait_dma2 semaphore(%arg19 : memref<!tpu.dma_semaphore, #tpu.memory_space<semaphore_mem>>) src(%arg11 : memref<128x64xf32, #tpu.memory_space<vmem>>) dst(%dma_wait3A_94 : memref<128x64xf32, #tpu.memory_space<vmem_shared>>)
    %mul3A_95 = arith.constant 640 : i32
    %mul3A_96 = arith.muli %arg1, %mul3A_95 : i32
    %add3A_97 = arith.constant 384 : i32
    %add3A_98 = arith.addi %mul3A_96, %add3A_97 : i32
    %dma_wait3A_99 = arith.constant 0 : i32
    %dma_wait3A_100 = tpu.memref_slice %arg12[%add3A_98, %dma_wait3A_99] : memref<10240x64xf32, #tpu.memory_space<vmem_shared>> -> memref<128x64xf32, #tpu.memory_space<vmem_shared>>
    %dma_wait3A_101 = arith.constant 0 : i32
    %dma_wait3A_102 = tpu.memref_slice %arg12[%add3A_98, %dma_wait3A_101] : memref<10240x64xf32, #tpu.memory_space<vmem_shared>> -> memref<128x64xf32, #tpu.memory_space<vmem_shared>>
    tpu.wait_dma2 semaphore(%arg20 : memref<!tpu.dma_semaphore, #tpu.memory_space<semaphore_mem>>) src(%arg11 : memref<128x64xf32, #tpu.memory_space<vmem>>) dst(%dma_wait3A_102 : memref<128x64xf32, #tpu.memory_space<vmem_shared>>)
    %mul3A_103 = arith.constant 640 : i32
    %mul3A_104 = arith.muli %arg1, %mul3A_103 : i32
    %add3A_105 = arith.constant 0 : i32
    %add3A_106 = arith.addi %mul3A_104, %add3A_105 : i32
    %dma_wait3A_107 = arith.constant 0 : i32
    %dma_wait3A_108 = tpu.memref_slice %arg12[%add3A_106, %dma_wait3A_107] : memref<10240x64xf32, #tpu.memory_space<vmem_shared>> -> memref<128x64xf32, #tpu.memory_space<vmem_shared>>
    %dma_wait3A_109 = arith.constant 0 : i32
    %dma_wait3A_110 = tpu.memref_slice %arg12[%add3A_106, %dma_wait3A_109] : memref<10240x64xf32, #tpu.memory_space<vmem_shared>> -> memref<128x64xf32, #tpu.memory_space<vmem_shared>>
    tpu.wait_dma2 semaphore(%arg17 : memref<!tpu.dma_semaphore, #tpu.memory_space<semaphore_mem>>) src(%arg11 : memref<128x64xf32, #tpu.memory_space<vmem>>) dst(%dma_wait3A_110 : memref<128x64xf32, #tpu.memory_space<vmem_shared>>)
    %barrier3A = arith.constant 0 : index
    tpu.barrier barrier_id(%barrier3A)
    %dma_start3A_111 = arith.constant 0 : i32
    %dma_start3A_112 = arith.constant 0 : i32
    %dma_start3A_113 = tpu.memref_slice %arg9[%dma_start3A_111, %dma_start3A_112] : memref<80x125xi32, #tpu.memory_space<vmem>> -> memref<1x125xi32, #tpu.memory_space<vmem>>
    %dma_start3A_114 = tpu.memref_squeeze %dma_start3A_113 : memref<1x125xi32, #tpu.memory_space<vmem>> -> memref<125xi32, #tpu.memory_space<vmem>>
    %dma_start3A_115 = arith.constant 0 : i32
    %dma_start3A_116 = arith.constant 0 : i32
    %dma_start3A_117 = tpu.memref_slice %arg2[%dma_start3A_115, %dma_start3A_116] : memref<10000x64xf32, #tpu.memory_space<hbm>> -> memref<10000x64xf32, #tpu.memory_space<hbm>>
    tpu.enqueue_indirect_dma source(%dma_start3A_117 : memref<10000x64xf32, #tpu.memory_space<hbm>>) target(%arg13 : memref<125x64xf32, #tpu.memory_space<vmem>>) offsets(%dma_start3A_114 : memref<125xi32, #tpu.memory_space<vmem>>) semaphore(%arg17 : memref<!tpu.dma_semaphore, #tpu.memory_space<semaphore_mem>>)
    %dma_start3A_118 = arith.constant 1 : i32
    %dma_start3A_119 = arith.constant 0 : i32
    %dma_start3A_120 = tpu.memref_slice %arg9[%dma_start3A_118, %dma_start3A_119] : memref<80x125xi32, #tpu.memory_space<vmem>> -> memref<1x125xi32, #tpu.memory_space<vmem>>
    %dma_start3A_121 = tpu.memref_squeeze %dma_start3A_120 : memref<1x125xi32, #tpu.memory_space<vmem>> -> memref<125xi32, #tpu.memory_space<vmem>>
    %dma_start3A_122 = arith.constant 0 : i32
    %dma_start3A_123 = arith.constant 0 : i32
    %dma_start3A_124 = tpu.memref_slice %arg2[%dma_start3A_122, %dma_start3A_123] : memref<10000x64xf32, #tpu.memory_space<hbm>> -> memref<10000x64xf32, #tpu.memory_space<hbm>>
    tpu.enqueue_indirect_dma source(%dma_start3A_124 : memref<10000x64xf32, #tpu.memory_space<hbm>>) target(%arg14 : memref<125x64xf32, #tpu.memory_space<vmem>>) offsets(%dma_start3A_121 : memref<125xi32, #tpu.memory_space<vmem>>) semaphore(%arg18 : memref<!tpu.dma_semaphore, #tpu.memory_space<semaphore_mem>>)
    %scan3A = arith.constant 0 : i32
    %scan3A_125 = arith.constant 0 : i32
    %scan3A_126 = arith.constant 20 : i32
    %scan3A_127 = arith.addi %scan3A_125, %scan3A_126 : i32
    %scan3A_128 = arith.constant 1 : i32
    scf.for %scan3A_277 = %scan3A_125 to %scan3A_127 step %scan3A_128  : i32 {
      %mul3A_278 = arith.constant 4 : i32
      %mul3A_279 = arith.muli %scan3A_277, %mul3A_278 : i32
      %add3A_280 = arith.constant 0 : i32
      %add3A_281 = arith.addi %mul3A_279, %add3A_280 : i32
      %dma_wait3A_282 = arith.constant 0 : i32
      %dma_wait3A_283 = tpu.memref_slice %arg9[%add3A_281, %dma_wait3A_282] : memref<80x125xi32, #tpu.memory_space<vmem>> -> memref<1x125xi32, #tpu.memory_space<vmem>>
      %dma_wait3A_284 = tpu.memref_squeeze %dma_wait3A_283 : memref<1x125xi32, #tpu.memory_space<vmem>> -> memref<125xi32, #tpu.memory_space<vmem>>
      %dma_wait3A_285 = arith.constant 0 : i32
      %dma_wait3A_286 = arith.constant 0 : i32
      %dma_wait3A_287 = tpu.memref_slice %arg2[%dma_wait3A_285, %dma_wait3A_286] : memref<10000x64xf32, #tpu.memory_space<hbm>> -> memref<10000x64xf32, #tpu.memory_space<hbm>>
      tpu.wait_indirect_dma semaphore(%arg17 : memref<!tpu.dma_semaphore, #tpu.memory_space<semaphore_mem>>) src(%dma_wait3A_287 : memref<10000x64xf32, #tpu.memory_space<hbm>>) dst(%arg13 : memref<125x64xf32, #tpu.memory_space<vmem>>)
      %dma_start3A_288 = arith.constant 0 : i32
      %dma_start3A_289 = tpu.memref_slice %arg10[%add3A_281, %dma_start3A_288] : memref<80x125xi32, #tpu.memory_space<vmem>> -> memref<1x125xi32, #tpu.memory_space<vmem>>
      %dma_start3A_290 = tpu.memref_squeeze %dma_start3A_289 : memref<1x125xi32, #tpu.memory_space<vmem>> -> memref<125xi32, #tpu.memory_space<vmem>>
      %dma_start3A_291 = arith.constant 0 : i32
      %dma_start3A_292 = arith.constant 0 : i32
      %dma_start3A_293 = tpu.memref_slice %arg12[%dma_start3A_291, %dma_start3A_292] : memref<10240x64xf32, #tpu.memory_space<vmem_shared>> -> memref<10240x64xf32, #tpu.memory_space<vmem_shared>>
      tpu.enqueue_indirect_dma source(%arg13 : memref<125x64xf32, #tpu.memory_space<vmem>>) target(%dma_start3A_293 : memref<10240x64xf32, #tpu.memory_space<vmem_shared>>) offsets(%dma_start3A_290 : memref<125xi32, #tpu.memory_space<vmem>>) semaphore(%arg21 : memref<!tpu.dma_semaphore, #tpu.memory_space<semaphore_mem>>) {add = true}
      %ge3A = arith.constant 2 : i32
      %ge3A_294 = arith.cmpi sge, %add3A_281, %ge3A : i32
      %convert_element_type3A = arith.extui %ge3A_294 : i1 to i32
      %cond3A = arith.constant 0 : i32
      %cond3A_295 = arith.cmpi ne, %convert_element_type3A, %cond3A : i32
      scf.if %cond3A_295 {
        %sub3A = arith.constant 2 : i32
        %sub3A_386 = arith.subi %add3A_281, %sub3A : i32
        %dma_wait3A_387 = arith.constant 0 : i32
        %dma_wait3A_388 = tpu.memref_slice %arg10[%sub3A_386, %dma_wait3A_387] : memref<80x125xi32, #tpu.memory_space<vmem>> -> memref<1x125xi32, #tpu.memory_space<vmem>>
        %dma_wait3A_389 = tpu.memref_squeeze %dma_wait3A_388 : memref<1x125xi32, #tpu.memory_space<vmem>> -> memref<125xi32, #tpu.memory_space<vmem>>
        %dma_wait3A_390 = arith.constant 0 : i32
        %dma_wait3A_391 = arith.constant 0 : i32
        %dma_wait3A_392 = tpu.memref_slice %arg12[%dma_wait3A_390, %dma_wait3A_391] : memref<10240x64xf32, #tpu.memory_space<vmem_shared>> -> memref<10240x64xf32, #tpu.memory_space<vmem_shared>>
        tpu.wait_indirect_dma semaphore(%arg23 : memref<!tpu.dma_semaphore, #tpu.memory_space<semaphore_mem>>) src(%arg15 : memref<125x64xf32, #tpu.memory_space<vmem>>) dst(%dma_wait3A_392 : memref<10240x64xf32, #tpu.memory_space<vmem_shared>>)
      } else {
      }
      %add3A_296 = arith.constant 2 : i32
      %add3A_297 = arith.addi %add3A_281, %add3A_296 : i32
      %lt3A = arith.constant 80 : i32
      %lt3A_298 = arith.cmpi slt, %add3A_297, %lt3A : i32
      %convert_element_type3A_299 = arith.extui %lt3A_298 : i1 to i32
      %cond3A_300 = arith.constant 0 : i32
      %cond3A_301 = arith.cmpi ne, %convert_element_type3A_299, %cond3A_300 : i32
      scf.if %cond3A_301 {
        %add3A_386 = arith.constant 2 : i32
        %add3A_387 = arith.addi %add3A_281, %add3A_386 : i32
        %dma_start3A_388 = arith.constant 0 : i32
        %dma_start3A_389 = tpu.memref_slice %arg9[%add3A_387, %dma_start3A_388] : memref<80x125xi32, #tpu.memory_space<vmem>> -> memref<1x125xi32, #tpu.memory_space<vmem>>
        %dma_start3A_390 = tpu.memref_squeeze %dma_start3A_389 : memref<1x125xi32, #tpu.memory_space<vmem>> -> memref<125xi32, #tpu.memory_space<vmem>>
        %dma_start3A_391 = arith.constant 0 : i32
        %dma_start3A_392 = arith.constant 0 : i32
        %dma_start3A_393 = tpu.memref_slice %arg2[%dma_start3A_391, %dma_start3A_392] : memref<10000x64xf32, #tpu.memory_space<hbm>> -> memref<10000x64xf32, #tpu.memory_space<hbm>>
        tpu.enqueue_indirect_dma source(%dma_start3A_393 : memref<10000x64xf32, #tpu.memory_space<hbm>>) target(%arg15 : memref<125x64xf32, #tpu.memory_space<vmem>>) offsets(%dma_start3A_390 : memref<125xi32, #tpu.memory_space<vmem>>) semaphore(%arg19 : memref<!tpu.dma_semaphore, #tpu.memory_space<semaphore_mem>>)
      } else {
      }
      %mul3A_302 = arith.constant 4 : i32
      %mul3A_303 = arith.muli %scan3A_277, %mul3A_302 : i32
      %add3A_304 = arith.constant 1 : i32
      %add3A_305 = arith.addi %mul3A_303, %add3A_304 : i32
      %dma_wait3A_306 = arith.constant 0 : i32
      %dma_wait3A_307 = tpu.memref_slice %arg9[%add3A_305, %dma_wait3A_306] : memref<80x125xi32, #tpu.memory_space<vmem>> -> memref<1x125xi32, #tpu.memory_space<vmem>>
      %dma_wait3A_308 = tpu.memref_squeeze %dma_wait3A_307 : memref<1x125xi32, #tpu.memory_space<vmem>> -> memref<125xi32, #tpu.memory_space<vmem>>
      %dma_wait3A_309 = arith.constant 0 : i32
      %dma_wait3A_310 = arith.constant 0 : i32
      %dma_wait3A_311 = tpu.memref_slice %arg2[%dma_wait3A_309, %dma_wait3A_310] : memref<10000x64xf32, #tpu.memory_space<hbm>> -> memref<10000x64xf32, #tpu.memory_space<hbm>>
      tpu.wait_indirect_dma semaphore(%arg18 : memref<!tpu.dma_semaphore, #tpu.memory_space<semaphore_mem>>) src(%dma_wait3A_311 : memref<10000x64xf32, #tpu.memory_space<hbm>>) dst(%arg14 : memref<125x64xf32, #tpu.memory_space<vmem>>)
      %dma_start3A_312 = arith.constant 0 : i32
      %dma_start3A_313 = tpu.memref_slice %arg10[%add3A_305, %dma_start3A_312] : memref<80x125xi32, #tpu.memory_space<vmem>> -> memref<1x125xi32, #tpu.memory_space<vmem>>
      %dma_start3A_314 = tpu.memref_squeeze %dma_start3A_313 : memref<1x125xi32, #tpu.memory_space<vmem>> -> memref<125xi32, #tpu.memory_space<vmem>>
      %dma_start3A_315 = arith.constant 0 : i32
      %dma_start3A_316 = arith.constant 0 : i32
      %dma_start3A_317 = tpu.memref_slice %arg12[%dma_start3A_315, %dma_start3A_316] : memref<10240x64xf32, #tpu.memory_space<vmem_shared>> -> memref<10240x64xf32, #tpu.memory_space<vmem_shared>>
      tpu.enqueue_indirect_dma source(%arg14 : memref<125x64xf32, #tpu.memory_space<vmem>>) target(%dma_start3A_317 : memref<10240x64xf32, #tpu.memory_space<vmem_shared>>) offsets(%dma_start3A_314 : memref<125xi32, #tpu.memory_space<vmem>>) semaphore(%arg22 : memref<!tpu.dma_semaphore, #tpu.memory_space<semaphore_mem>>) {add = true}
      %ge3A_318 = arith.constant 2 : i32
      %ge3A_319 = arith.cmpi sge, %add3A_305, %ge3A_318 : i32
      %convert_element_type3A_320 = arith.extui %ge3A_319 : i1 to i32
      %cond3A_321 = arith.constant 0 : i32
      %cond3A_322 = arith.cmpi ne, %convert_element_type3A_320, %cond3A_321 : i32
      scf.if %cond3A_322 {
        %sub3A = arith.constant 2 : i32
        %sub3A_386 = arith.subi %add3A_305, %sub3A : i32
        %dma_wait3A_387 = arith.constant 0 : i32
        %dma_wait3A_388 = tpu.memref_slice %arg10[%sub3A_386, %dma_wait3A_387] : memref<80x125xi32, #tpu.memory_space<vmem>> -> memref<1x125xi32, #tpu.memory_space<vmem>>
        %dma_wait3A_389 = tpu.memref_squeeze %dma_wait3A_388 : memref<1x125xi32, #tpu.memory_space<vmem>> -> memref<125xi32, #tpu.memory_space<vmem>>
        %dma_wait3A_390 = arith.constant 0 : i32
        %dma_wait3A_391 = arith.constant 0 : i32
        %dma_wait3A_392 = tpu.memref_slice %arg12[%dma_wait3A_390, %dma_wait3A_391] : memref<10240x64xf32, #tpu.memory_space<vmem_shared>> -> memref<10240x64xf32, #tpu.memory_space<vmem_shared>>
        tpu.wait_indirect_dma semaphore(%arg24 : memref<!tpu.dma_semaphore, #tpu.memory_space<semaphore_mem>>) src(%arg16 : memref<125x64xf32, #tpu.memory_space<vmem>>) dst(%dma_wait3A_392 : memref<10240x64xf32, #tpu.memory_space<vmem_shared>>)
      } else {
      }
      %add3A_323 = arith.constant 2 : i32
      %add3A_324 = arith.addi %add3A_305, %add3A_323 : i32
      %lt3A_325 = arith.constant 80 : i32
      %lt3A_326 = arith.cmpi slt, %add3A_324, %lt3A_325 : i32
      %convert_element_type3A_327 = arith.extui %lt3A_326 : i1 to i32
      %cond3A_328 = arith.constant 0 : i32
      %cond3A_329 = arith.cmpi ne, %convert_element_type3A_327, %cond3A_328 : i32
      scf.if %cond3A_329 {
        %add3A_386 = arith.constant 2 : i32
        %add3A_387 = arith.addi %add3A_305, %add3A_386 : i32
        %dma_start3A_388 = arith.constant 0 : i32
        %dma_start3A_389 = tpu.memref_slice %arg9[%add3A_387, %dma_start3A_388] : memref<80x125xi32, #tpu.memory_space<vmem>> -> memref<1x125xi32, #tpu.memory_space<vmem>>
        %dma_start3A_390 = tpu.memref_squeeze %dma_start3A_389 : memref<1x125xi32, #tpu.memory_space<vmem>> -> memref<125xi32, #tpu.memory_space<vmem>>
        %dma_start3A_391 = arith.constant 0 : i32
        %dma_start3A_392 = arith.constant 0 : i32
        %dma_start3A_393 = tpu.memref_slice %arg2[%dma_start3A_391, %dma_start3A_392] : memref<10000x64xf32, #tpu.memory_space<hbm>> -> memref<10000x64xf32, #tpu.memory_space<hbm>>
        tpu.enqueue_indirect_dma source(%dma_start3A_393 : memref<10000x64xf32, #tpu.memory_space<hbm>>) target(%arg16 : memref<125x64xf32, #tpu.memory_space<vmem>>) offsets(%dma_start3A_390 : memref<125xi32, #tpu.memory_space<vmem>>) semaphore(%arg20 : memref<!tpu.dma_semaphore, #tpu.memory_space<semaphore_mem>>)
      } else {
      }
      %mul3A_330 = arith.constant 4 : i32
      %mul3A_331 = arith.muli %scan3A_277, %mul3A_330 : i32
      %add3A_332 = arith.constant 2 : i32
      %add3A_333 = arith.addi %mul3A_331, %add3A_332 : i32
      %dma_wait3A_334 = arith.constant 0 : i32
      %dma_wait3A_335 = tpu.memref_slice %arg9[%add3A_333, %dma_wait3A_334] : memref<80x125xi32, #tpu.memory_space<vmem>> -> memref<1x125xi32, #tpu.memory_space<vmem>>
      %dma_wait3A_336 = tpu.memref_squeeze %dma_wait3A_335 : memref<1x125xi32, #tpu.memory_space<vmem>> -> memref<125xi32, #tpu.memory_space<vmem>>
      %dma_wait3A_337 = arith.constant 0 : i32
      %dma_wait3A_338 = arith.constant 0 : i32
      %dma_wait3A_339 = tpu.memref_slice %arg2[%dma_wait3A_337, %dma_wait3A_338] : memref<10000x64xf32, #tpu.memory_space<hbm>> -> memref<10000x64xf32, #tpu.memory_space<hbm>>
      tpu.wait_indirect_dma semaphore(%arg19 : memref<!tpu.dma_semaphore, #tpu.memory_space<semaphore_mem>>) src(%dma_wait3A_339 : memref<10000x64xf32, #tpu.memory_space<hbm>>) dst(%arg15 : memref<125x64xf32, #tpu.memory_space<vmem>>)
      %dma_start3A_340 = arith.constant 0 : i32
      %dma_start3A_341 = tpu.memref_slice %arg10[%add3A_333, %dma_start3A_340] : memref<80x125xi32, #tpu.memory_space<vmem>> -> memref<1x125xi32, #tpu.memory_space<vmem>>
      %dma_start3A_342 = tpu.memref_squeeze %dma_start3A_341 : memref<1x125xi32, #tpu.memory_space<vmem>> -> memref<125xi32, #tpu.memory_space<vmem>>
      %dma_start3A_343 = arith.constant 0 : i32
      %dma_start3A_344 = arith.constant 0 : i32
      %dma_start3A_345 = tpu.memref_slice %arg12[%dma_start3A_343, %dma_start3A_344] : memref<10240x64xf32, #tpu.memory_space<vmem_shared>> -> memref<10240x64xf32, #tpu.memory_space<vmem_shared>>
      tpu.enqueue_indirect_dma source(%arg15 : memref<125x64xf32, #tpu.memory_space<vmem>>) target(%dma_start3A_345 : memref<10240x64xf32, #tpu.memory_space<vmem_shared>>) offsets(%dma_start3A_342 : memref<125xi32, #tpu.memory_space<vmem>>) semaphore(%arg23 : memref<!tpu.dma_semaphore, #tpu.memory_space<semaphore_mem>>) {add = true}
      %ge3A_346 = arith.constant 2 : i32
      %ge3A_347 = arith.cmpi sge, %add3A_333, %ge3A_346 : i32
      %convert_element_type3A_348 = arith.extui %ge3A_347 : i1 to i32
      %cond3A_349 = arith.constant 0 : i32
      %cond3A_350 = arith.cmpi ne, %convert_element_type3A_348, %cond3A_349 : i32
      scf.if %cond3A_350 {
        %sub3A = arith.constant 2 : i32
        %sub3A_386 = arith.subi %add3A_333, %sub3A : i32
        %dma_wait3A_387 = arith.constant 0 : i32
        %dma_wait3A_388 = tpu.memref_slice %arg10[%sub3A_386, %dma_wait3A_387] : memref<80x125xi32, #tpu.memory_space<vmem>> -> memref<1x125xi32, #tpu.memory_space<vmem>>
        %dma_wait3A_389 = tpu.memref_squeeze %dma_wait3A_388 : memref<1x125xi32, #tpu.memory_space<vmem>> -> memref<125xi32, #tpu.memory_space<vmem>>
        %dma_wait3A_390 = arith.constant 0 : i32
        %dma_wait3A_391 = arith.constant 0 : i32
        %dma_wait3A_392 = tpu.memref_slice %arg12[%dma_wait3A_390, %dma_wait3A_391] : memref<10240x64xf32, #tpu.memory_space<vmem_shared>> -> memref<10240x64xf32, #tpu.memory_space<vmem_shared>>
        tpu.wait_indirect_dma semaphore(%arg21 : memref<!tpu.dma_semaphore, #tpu.memory_space<semaphore_mem>>) src(%arg13 : memref<125x64xf32, #tpu.memory_space<vmem>>) dst(%dma_wait3A_392 : memref<10240x64xf32, #tpu.memory_space<vmem_shared>>)
      } else {
      }
      %add3A_351 = arith.constant 2 : i32
      %add3A_352 = arith.addi %add3A_333, %add3A_351 : i32
      %lt3A_353 = arith.constant 80 : i32
      %lt3A_354 = arith.cmpi slt, %add3A_352, %lt3A_353 : i32
      %convert_element_type3A_355 = arith.extui %lt3A_354 : i1 to i32
      %cond3A_356 = arith.constant 0 : i32
      %cond3A_357 = arith.cmpi ne, %convert_element_type3A_355, %cond3A_356 : i32
      scf.if %cond3A_357 {
        %add3A_386 = arith.constant 2 : i32
        %add3A_387 = arith.addi %add3A_333, %add3A_386 : i32
        %dma_start3A_388 = arith.constant 0 : i32
        %dma_start3A_389 = tpu.memref_slice %arg9[%add3A_387, %dma_start3A_388] : memref<80x125xi32, #tpu.memory_space<vmem>> -> memref<1x125xi32, #tpu.memory_space<vmem>>
        %dma_start3A_390 = tpu.memref_squeeze %dma_start3A_389 : memref<1x125xi32, #tpu.memory_space<vmem>> -> memref<125xi32, #tpu.memory_space<vmem>>
        %dma_start3A_391 = arith.constant 0 : i32
        %dma_start3A_392 = arith.constant 0 : i32
        %dma_start3A_393 = tpu.memref_slice %arg2[%dma_start3A_391, %dma_start3A_392] : memref<10000x64xf32, #tpu.memory_space<hbm>> -> memref<10000x64xf32, #tpu.memory_space<hbm>>
        tpu.enqueue_indirect_dma source(%dma_start3A_393 : memref<10000x64xf32, #tpu.memory_space<hbm>>) target(%arg13 : memref<125x64xf32, #tpu.memory_space<vmem>>) offsets(%dma_start3A_390 : memref<125xi32, #tpu.memory_space<vmem>>) semaphore(%arg17 : memref<!tpu.dma_semaphore, #tpu.memory_space<semaphore_mem>>)
      } else {
      }
      %mul3A_358 = arith.constant 4 : i32
      %mul3A_359 = arith.muli %scan3A_277, %mul3A_358 : i32
      %add3A_360 = arith.constant 3 : i32
      %add3A_361 = arith.addi %mul3A_359, %add3A_360 : i32
      %dma_wait3A_362 = arith.constant 0 : i32
      %dma_wait3A_363 = tpu.memref_slice %arg9[%add3A_361, %dma_wait3A_362] : memref<80x125xi32, #tpu.memory_space<vmem>> -> memref<1x125xi32, #tpu.memory_space<vmem>>
      %dma_wait3A_364 = tpu.memref_squeeze %dma_wait3A_363 : memref<1x125xi32, #tpu.memory_space<vmem>> -> memref<125xi32, #tpu.memory_space<vmem>>
      %dma_wait3A_365 = arith.constant 0 : i32
      %dma_wait3A_366 = arith.constant 0 : i32
      %dma_wait3A_367 = tpu.memref_slice %arg2[%dma_wait3A_365, %dma_wait3A_366] : memref<10000x64xf32, #tpu.memory_space<hbm>> -> memref<10000x64xf32, #tpu.memory_space<hbm>>
      tpu.wait_indirect_dma semaphore(%arg20 : memref<!tpu.dma_semaphore, #tpu.memory_space<semaphore_mem>>) src(%dma_wait3A_367 : memref<10000x64xf32, #tpu.memory_space<hbm>>) dst(%arg16 : memref<125x64xf32, #tpu.memory_space<vmem>>)
      %dma_start3A_368 = arith.constant 0 : i32
      %dma_start3A_369 = tpu.memref_slice %arg10[%add3A_361, %dma_start3A_368] : memref<80x125xi32, #tpu.memory_space<vmem>> -> memref<1x125xi32, #tpu.memory_space<vmem>>
      %dma_start3A_370 = tpu.memref_squeeze %dma_start3A_369 : memref<1x125xi32, #tpu.memory_space<vmem>> -> memref<125xi32, #tpu.memory_space<vmem>>
      %dma_start3A_371 = arith.constant 0 : i32
      %dma_start3A_372 = arith.constant 0 : i32
      %dma_start3A_373 = tpu.memref_slice %arg12[%dma_start3A_371, %dma_start3A_372] : memref<10240x64xf32, #tpu.memory_space<vmem_shared>> -> memref<10240x64xf32, #tpu.memory_space<vmem_shared>>
      tpu.enqueue_indirect_dma source(%arg16 : memref<125x64xf32, #tpu.memory_space<vmem>>) target(%dma_start3A_373 : memref<10240x64xf32, #tpu.memory_space<vmem_shared>>) offsets(%dma_start3A_370 : memref<125xi32, #tpu.memory_space<vmem>>) semaphore(%arg24 : memref<!tpu.dma_semaphore, #tpu.memory_space<semaphore_mem>>) {add = true}
      %ge3A_374 = arith.constant 2 : i32
      %ge3A_375 = arith.cmpi sge, %add3A_361, %ge3A_374 : i32
      %convert_element_type3A_376 = arith.extui %ge3A_375 : i1 to i32
      %cond3A_377 = arith.constant 0 : i32
      %cond3A_378 = arith.cmpi ne, %convert_element_type3A_376, %cond3A_377 : i32
      scf.if %cond3A_378 {
        %sub3A = arith.constant 2 : i32
        %sub3A_386 = arith.subi %add3A_361, %sub3A : i32
        %dma_wait3A_387 = arith.constant 0 : i32
        %dma_wait3A_388 = tpu.memref_slice %arg10[%sub3A_386, %dma_wait3A_387] : memref<80x125xi32, #tpu.memory_space<vmem>> -> memref<1x125xi32, #tpu.memory_space<vmem>>
        %dma_wait3A_389 = tpu.memref_squeeze %dma_wait3A_388 : memref<1x125xi32, #tpu.memory_space<vmem>> -> memref<125xi32, #tpu.memory_space<vmem>>
        %dma_wait3A_390 = arith.constant 0 : i32
        %dma_wait3A_391 = arith.constant 0 : i32
        %dma_wait3A_392 = tpu.memref_slice %arg12[%dma_wait3A_390, %dma_wait3A_391] : memref<10240x64xf32, #tpu.memory_space<vmem_shared>> -> memref<10240x64xf32, #tpu.memory_space<vmem_shared>>
        tpu.wait_indirect_dma semaphore(%arg22 : memref<!tpu.dma_semaphore, #tpu.memory_space<semaphore_mem>>) src(%arg14 : memref<125x64xf32, #tpu.memory_space<vmem>>) dst(%dma_wait3A_392 : memref<10240x64xf32, #tpu.memory_space<vmem_shared>>)
      } else {
      }
      %add3A_379 = arith.constant 2 : i32
      %add3A_380 = arith.addi %add3A_361, %add3A_379 : i32
      %lt3A_381 = arith.constant 80 : i32
      %lt3A_382 = arith.cmpi slt, %add3A_380, %lt3A_381 : i32
      %convert_element_type3A_383 = arith.extui %lt3A_382 : i1 to i32
      %cond3A_384 = arith.constant 0 : i32
      %cond3A_385 = arith.cmpi ne, %convert_element_type3A_383, %cond3A_384 : i32
      scf.if %cond3A_385 {
        %add3A_386 = arith.constant 2 : i32
        %add3A_387 = arith.addi %add3A_361, %add3A_386 : i32
        %dma_start3A_388 = arith.constant 0 : i32
        %dma_start3A_389 = tpu.memref_slice %arg9[%add3A_387, %dma_start3A_388] : memref<80x125xi32, #tpu.memory_space<vmem>> -> memref<1x125xi32, #tpu.memory_space<vmem>>
        %dma_start3A_390 = tpu.memref_squeeze %dma_start3A_389 : memref<1x125xi32, #tpu.memory_space<vmem>> -> memref<125xi32, #tpu.memory_space<vmem>>
        %dma_start3A_391 = arith.constant 0 : i32
        %dma_start3A_392 = arith.constant 0 : i32
        %dma_start3A_393 = tpu.memref_slice %arg2[%dma_start3A_391, %dma_start3A_392] : memref<10000x64xf32, #tpu.memory_space<hbm>> -> memref<10000x64xf32, #tpu.memory_space<hbm>>
        tpu.enqueue_indirect_dma source(%dma_start3A_393 : memref<10000x64xf32, #tpu.memory_space<hbm>>) target(%arg14 : memref<125x64xf32, #tpu.memory_space<vmem>>) offsets(%dma_start3A_390 : memref<125xi32, #tpu.memory_space<vmem>>) semaphore(%arg18 : memref<!tpu.dma_semaphore, #tpu.memory_space<semaphore_mem>>)
      } else {
      }
    }
    %scan3A_129 = arith.constant 20 : i32
    %dma_wait3A_130 = arith.constant 0 : i32
    %dma_wait3A_131 = arith.constant 0 : i32
    %dma_wait3A_132 = tpu.memref_slice %arg10[%dma_wait3A_130, %dma_wait3A_131] : memref<80x125xi32, #tpu.memory_space<vmem>> -> memref<1x125xi32, #tpu.memory_space<vmem>>
    %dma_wait3A_133 = tpu.memref_squeeze %dma_wait3A_132 : memref<1x125xi32, #tpu.memory_space<vmem>> -> memref<125xi32, #tpu.memory_space<vmem>>
    %dma_wait3A_134 = arith.constant 0 : i32
    %dma_wait3A_135 = arith.constant 0 : i32
    %dma_wait3A_136 = tpu.memref_slice %arg12[%dma_wait3A_134, %dma_wait3A_135] : memref<10240x64xf32, #tpu.memory_space<vmem_shared>> -> memref<10240x64xf32, #tpu.memory_space<vmem_shared>>
    tpu.wait_indirect_dma semaphore(%arg23 : memref<!tpu.dma_semaphore, #tpu.memory_space<semaphore_mem>>) src(%arg15 : memref<125x64xf32, #tpu.memory_space<vmem>>) dst(%dma_wait3A_136 : memref<10240x64xf32, #tpu.memory_space<vmem_shared>>)
    %dma_wait3A_137 = arith.constant 0 : i32
    %dma_wait3A_138 = arith.constant 0 : i32
    %dma_wait3A_139 = tpu.memref_slice %arg10[%dma_wait3A_137, %dma_wait3A_138] : memref<80x125xi32, #tpu.memory_space<vmem>> -> memref<1x125xi32, #tpu.memory_space<vmem>>
    %dma_wait3A_140 = tpu.memref_squeeze %dma_wait3A_139 : memref<1x125xi32, #tpu.memory_space<vmem>> -> memref<125xi32, #tpu.memory_space<vmem>>
    %dma_wait3A_141 = arith.constant 0 : i32
    %dma_wait3A_142 = arith.constant 0 : i32
    %dma_wait3A_143 = tpu.memref_slice %arg12[%dma_wait3A_141, %dma_wait3A_142] : memref<10240x64xf32, #tpu.memory_space<vmem_shared>> -> memref<10240x64xf32, #tpu.memory_space<vmem_shared>>
    tpu.wait_indirect_dma semaphore(%arg24 : memref<!tpu.dma_semaphore, #tpu.memory_space<semaphore_mem>>) src(%arg16 : memref<125x64xf32, #tpu.memory_space<vmem>>) dst(%dma_wait3A_143 : memref<10240x64xf32, #tpu.memory_space<vmem_shared>>)
    %barrier3A_144 = arith.constant 0 : index
    tpu.barrier barrier_id(%barrier3A_144)
    %mul3A_145 = arith.constant 640 : i32
    %mul3A_146 = arith.muli %arg1, %mul3A_145 : i32
    %mul3A_147 = arith.constant 10240 : i32
    %mul3A_148 = arith.muli %arg0, %mul3A_147 : i32
    %mul3A_149 = arith.constant 640 : i32
    %mul3A_150 = arith.muli %arg1, %mul3A_149 : i32
    %add3A_151 = arith.addi %mul3A_148, %mul3A_150 : i32
    "tpu.region"() ({
      %run_scoped3A = tpu.sem_alloc : memref<!tpu.dma_semaphore, #tpu.memory_space<semaphore_mem>>
      %dma_start3A_277 = arith.constant 0 : i32
      %dma_start3A_278 = tpu.memref_slice %arg7[%add3A_151, %dma_start3A_277] : memref<20480x64xf32, #tpu.memory_space<hbm>> -> memref<640x64xf32, #tpu.memory_space<hbm>>
      %dma_start3A_279 = arith.constant 0 : i32
      %dma_start3A_280 = tpu.memref_slice %arg12[%mul3A_146, %dma_start3A_279] : memref<10240x64xf32, #tpu.memory_space<vmem_shared>> -> memref<640x64xf32, #tpu.memory_space<vmem_shared>>
      tpu.enqueue_dma source(%dma_start3A_280 : memref<640x64xf32, #tpu.memory_space<vmem_shared>>) target(%dma_start3A_278 : memref<640x64xf32, #tpu.memory_space<hbm>>) target_semaphore(%run_scoped3A : memref<!tpu.dma_semaphore, #tpu.memory_space<semaphore_mem>>)
      %dma_wait3A_281 = arith.constant 0 : i32
      %dma_wait3A_282 = tpu.memref_slice %arg7[%add3A_151, %dma_wait3A_281] : memref<20480x64xf32, #tpu.memory_space<hbm>> -> memref<640x64xf32, #tpu.memory_space<hbm>>
      %dma_wait3A_283 = arith.constant 0 : i32
      %dma_wait3A_284 = tpu.memref_slice %arg12[%mul3A_146, %dma_wait3A_283] : memref<10240x64xf32, #tpu.memory_space<vmem_shared>> -> memref<640x64xf32, #tpu.memory_space<vmem_shared>>
      tpu.wait_dma2 semaphore(%run_scoped3A : memref<!tpu.dma_semaphore, #tpu.memory_space<semaphore_mem>>) src(%dma_wait3A_284 : memref<640x64xf32, #tpu.memory_space<vmem_shared>>) dst(%dma_wait3A_282 : memref<640x64xf32, #tpu.memory_space<hbm>>)
      tpu.yield
    }) : () -> ()
    %barrier3A_152 = arith.constant 0 : index
    tpu.barrier barrier_id(%barrier3A_152)
    %mul3A_153 = arith.constant 640 : i32
    %mul3A_154 = arith.muli %arg1, %mul3A_153 : i32
    %add3A_155 = arith.constant 0 : i32
    %add3A_156 = arith.addi %mul3A_154, %add3A_155 : i32
    %dma_start3A_157 = arith.constant 0 : i32
    %dma_start3A_158 = tpu.memref_slice %arg12[%add3A_156, %dma_start3A_157] : memref<10240x64xf32, #tpu.memory_space<vmem_shared>> -> memref<128x64xf32, #tpu.memory_space<vmem_shared>>
    %dma_start3A_159 = arith.constant 0 : i32
    %dma_start3A_160 = tpu.memref_slice %arg12[%add3A_156, %dma_start3A_159] : memref<10240x64xf32, #tpu.memory_space<vmem_shared>> -> memref<128x64xf32, #tpu.memory_space<vmem_shared>>
    tpu.enqueue_dma source(%arg11 : memref<128x64xf32, #tpu.memory_space<vmem>>) target(%dma_start3A_160 : memref<128x64xf32, #tpu.memory_space<vmem_shared>>) target_semaphore(%arg17 : memref<!tpu.dma_semaphore, #tpu.memory_space<semaphore_mem>>)
    %mul3A_161 = arith.constant 640 : i32
    %mul3A_162 = arith.muli %arg1, %mul3A_161 : i32
    %add3A_163 = arith.constant 128 : i32
    %add3A_164 = arith.addi %mul3A_162, %add3A_163 : i32
    %dma_start3A_165 = arith.constant 0 : i32
    %dma_start3A_166 = tpu.memref_slice %arg12[%add3A_164, %dma_start3A_165] : memref<10240x64xf32, #tpu.memory_space<vmem_shared>> -> memref<128x64xf32, #tpu.memory_space<vmem_shared>>
    %dma_start3A_167 = arith.constant 0 : i32
    %dma_start3A_168 = tpu.memref_slice %arg12[%add3A_164, %dma_start3A_167] : memref<10240x64xf32, #tpu.memory_space<vmem_shared>> -> memref<128x64xf32, #tpu.memory_space<vmem_shared>>
    tpu.enqueue_dma source(%arg11 : memref<128x64xf32, #tpu.memory_space<vmem>>) target(%dma_start3A_168 : memref<128x64xf32, #tpu.memory_space<vmem_shared>>) target_semaphore(%arg18 : memref<!tpu.dma_semaphore, #tpu.memory_space<semaphore_mem>>)
    %mul3A_169 = arith.constant 640 : i32
    %mul3A_170 = arith.muli %arg1, %mul3A_169 : i32
    %add3A_171 = arith.constant 256 : i32
    %add3A_172 = arith.addi %mul3A_170, %add3A_171 : i32
    %dma_start3A_173 = arith.constant 0 : i32
    %dma_start3A_174 = tpu.memref_slice %arg12[%add3A_172, %dma_start3A_173] : memref<10240x64xf32, #tpu.memory_space<vmem_shared>> -> memref<128x64xf32, #tpu.memory_space<vmem_shared>>
    %dma_start3A_175 = arith.constant 0 : i32
    %dma_start3A_176 = tpu.memref_slice %arg12[%add3A_172, %dma_start3A_175] : memref<10240x64xf32, #tpu.memory_space<vmem_shared>> -> memref<128x64xf32, #tpu.memory_space<vmem_shared>>
    tpu.enqueue_dma source(%arg11 : memref<128x64xf32, #tpu.memory_space<vmem>>) target(%dma_start3A_176 : memref<128x64xf32, #tpu.memory_space<vmem_shared>>) target_semaphore(%arg19 : memref<!tpu.dma_semaphore, #tpu.memory_space<semaphore_mem>>)
    %mul3A_177 = arith.constant 640 : i32
    %mul3A_178 = arith.muli %arg1, %mul3A_177 : i32
    %add3A_179 = arith.constant 384 : i32
    %add3A_180 = arith.addi %mul3A_178, %add3A_179 : i32
    %dma_start3A_181 = arith.constant 0 : i32
    %dma_start3A_182 = tpu.memref_slice %arg12[%add3A_180, %dma_start3A_181] : memref<10240x64xf32, #tpu.memory_space<vmem_shared>> -> memref<128x64xf32, #tpu.memory_space<vmem_shared>>
    %dma_start3A_183 = arith.constant 0 : i32
    %dma_start3A_184 = tpu.memref_slice %arg12[%add3A_180, %dma_start3A_183] : memref<10240x64xf32, #tpu.memory_space<vmem_shared>> -> memref<128x64xf32, #tpu.memory_space<vmem_shared>>
    tpu.enqueue_dma source(%arg11 : memref<128x64xf32, #tpu.memory_space<vmem>>) target(%dma_start3A_184 : memref<128x64xf32, #tpu.memory_space<vmem_shared>>) target_semaphore(%arg20 : memref<!tpu.dma_semaphore, #tpu.memory_space<semaphore_mem>>)
    %mul3A_185 = arith.constant 640 : i32
    %mul3A_186 = arith.muli %arg1, %mul3A_185 : i32
    %add3A_187 = arith.constant 512 : i32
    %add3A_188 = arith.addi %mul3A_186, %add3A_187 : i32
    %dma_start3A_189 = arith.constant 0 : i32
    %dma_start3A_190 = tpu.memref_slice %arg12[%add3A_188, %dma_start3A_189] : memref<10240x64xf32, #tpu.memory_space<vmem_shared>> -> memref<128x64xf32, #tpu.memory_space<vmem_shared>>
    %dma_start3A_191 = arith.constant 0 : i32
    %dma_start3A_192 = tpu.memref_slice %arg12[%add3A_188, %dma_start3A_191] : memref<10240x64xf32, #tpu.memory_space<vmem_shared>> -> memref<128x64xf32, #tpu.memory_space<vmem_shared>>
    tpu.enqueue_dma source(%arg11 : memref<128x64xf32, #tpu.memory_space<vmem>>) target(%dma_start3A_192 : memref<128x64xf32, #tpu.memory_space<vmem_shared>>) target_semaphore(%arg17 : memref<!tpu.dma_semaphore, #tpu.memory_space<semaphore_mem>>)
    %mul3A_193 = arith.constant 640 : i32
    %mul3A_194 = arith.muli %arg1, %mul3A_193 : i32
    %add3A_195 = arith.constant 0 : i32
    %add3A_196 = arith.addi %mul3A_194, %add3A_195 : i32
    %dma_wait3A_197 = arith.constant 0 : i32
    %dma_wait3A_198 = tpu.memref_slice %arg12[%add3A_196, %dma_wait3A_197] : memref<10240x64xf32, #tpu.memory_space<vmem_shared>> -> memref<128x64xf32, #tpu.memory_space<vmem_shared>>
    %dma_wait3A_199 = arith.constant 0 : i32
    %dma_wait3A_200 = tpu.memref_slice %arg12[%add3A_196, %dma_wait3A_199] : memref<10240x64xf32, #tpu.memory_space<vmem_shared>> -> memref<128x64xf32, #tpu.memory_space<vmem_shared>>
    tpu.wait_dma2 semaphore(%arg17 : memref<!tpu.dma_semaphore, #tpu.memory_space<semaphore_mem>>) src(%arg11 : memref<128x64xf32, #tpu.memory_space<vmem>>) dst(%dma_wait3A_200 : memref<128x64xf32, #tpu.memory_space<vmem_shared>>)
    %mul3A_201 = arith.constant 640 : i32
    %mul3A_202 = arith.muli %arg1, %mul3A_201 : i32
    %add3A_203 = arith.constant 128 : i32
    %add3A_204 = arith.addi %mul3A_202, %add3A_203 : i32
    %dma_wait3A_205 = arith.constant 0 : i32
    %dma_wait3A_206 = tpu.memref_slice %arg12[%add3A_204, %dma_wait3A_205] : memref<10240x64xf32, #tpu.memory_space<vmem_shared>> -> memref<128x64xf32, #tpu.memory_space<vmem_shared>>
    %dma_wait3A_207 = arith.constant 0 : i32
    %dma_wait3A_208 = tpu.memref_slice %arg12[%add3A_204, %dma_wait3A_207] : memref<10240x64xf32, #tpu.memory_space<vmem_shared>> -> memref<128x64xf32, #tpu.memory_space<vmem_shared>>
    tpu.wait_dma2 semaphore(%arg18 : memref<!tpu.dma_semaphore, #tpu.memory_space<semaphore_mem>>) src(%arg11 : memref<128x64xf32, #tpu.memory_space<vmem>>) dst(%dma_wait3A_208 : memref<128x64xf32, #tpu.memory_space<vmem_shared>>)
    %mul3A_209 = arith.constant 640 : i32
    %mul3A_210 = arith.muli %arg1, %mul3A_209 : i32
    %add3A_211 = arith.constant 256 : i32
    %add3A_212 = arith.addi %mul3A_210, %add3A_211 : i32
    %dma_wait3A_213 = arith.constant 0 : i32
    %dma_wait3A_214 = tpu.memref_slice %arg12[%add3A_212, %dma_wait3A_213] : memref<10240x64xf32, #tpu.memory_space<vmem_shared>> -> memref<128x64xf32, #tpu.memory_space<vmem_shared>>
    %dma_wait3A_215 = arith.constant 0 : i32
    %dma_wait3A_216 = tpu.memref_slice %arg12[%add3A_212, %dma_wait3A_215] : memref<10240x64xf32, #tpu.memory_space<vmem_shared>> -> memref<128x64xf32, #tpu.memory_space<vmem_shared>>
    tpu.wait_dma2 semaphore(%arg19 : memref<!tpu.dma_semaphore, #tpu.memory_space<semaphore_mem>>) src(%arg11 : memref<128x64xf32, #tpu.memory_space<vmem>>) dst(%dma_wait3A_216 : memref<128x64xf32, #tpu.memory_space<vmem_shared>>)
    %mul3A_217 = arith.constant 640 : i32
    %mul3A_218 = arith.muli %arg1, %mul3A_217 : i32
    %add3A_219 = arith.constant 384 : i32
    %add3A_220 = arith.addi %mul3A_218, %add3A_219 : i32
    %dma_wait3A_221 = arith.constant 0 : i32
    %dma_wait3A_222 = tpu.memref_slice %arg12[%add3A_220, %dma_wait3A_221] : memref<10240x64xf32, #tpu.memory_space<vmem_shared>> -> memref<128x64xf32, #tpu.memory_space<vmem_shared>>
    %dma_wait3A_223 = arith.constant 0 : i32
    %dma_wait3A_224 = tpu.memref_slice %arg12[%add3A_220, %dma_wait3A_223] : memref<10240x64xf32, #tpu.memory_space<vmem_shared>> -> memref<128x64xf32, #tpu.memory_space<vmem_shared>>
    tpu.wait_dma2 semaphore(%arg20 : memref<!tpu.dma_semaphore, #tpu.memory_space<semaphore_mem>>) src(%arg11 : memref<128x64xf32, #tpu.memory_space<vmem>>) dst(%dma_wait3A_224 : memref<128x64xf32, #tpu.memory_space<vmem_shared>>)
    %mul3A_225 = arith.constant 640 : i32
    %mul3A_226 = arith.muli %arg1, %mul3A_225 : i32
    %add3A_227 = arith.constant 0 : i32
    %add3A_228 = arith.addi %mul3A_226, %add3A_227 : i32
    %dma_wait3A_229 = arith.constant 0 : i32
    %dma_wait3A_230 = tpu.memref_slice %arg12[%add3A_228, %dma_wait3A_229] : memref<10240x64xf32, #tpu.memory_space<vmem_shared>> -> memref<128x64xf32, #tpu.memory_space<vmem_shared>>
    %dma_wait3A_231 = arith.constant 0 : i32
    %dma_wait3A_232 = tpu.memref_slice %arg12[%add3A_228, %dma_wait3A_231] : memref<10240x64xf32, #tpu.memory_space<vmem_shared>> -> memref<128x64xf32, #tpu.memory_space<vmem_shared>>
    tpu.wait_dma2 semaphore(%arg17 : memref<!tpu.dma_semaphore, #tpu.memory_space<semaphore_mem>>) src(%arg11 : memref<128x64xf32, #tpu.memory_space<vmem>>) dst(%dma_wait3A_232 : memref<128x64xf32, #tpu.memory_space<vmem_shared>>)
    %barrier3A_233 = arith.constant 0 : index
    tpu.barrier barrier_id(%barrier3A_233)
    %dma_start3A_234 = arith.constant 0 : i32
    %dma_start3A_235 = arith.constant 0 : i32
    %dma_start3A_236 = tpu.memref_slice %arg9[%dma_start3A_234, %dma_start3A_235] : memref<80x125xi32, #tpu.memory_space<vmem>> -> memref<1x125xi32, #tpu.memory_space<vmem>>
    %dma_start3A_237 = tpu.memref_squeeze %dma_start3A_236 : memref<1x125xi32, #tpu.memory_space<vmem>> -> memref<125xi32, #tpu.memory_space<vmem>>
    %dma_start3A_238 = arith.constant 0 : i32
    %dma_start3A_239 = arith.constant 0 : i32
    %dma_start3A_240 = tpu.memref_slice %arg3[%dma_start3A_238, %dma_start3A_239] : memref<10000x64xf32, #tpu.memory_space<hbm>> -> memref<10000x64xf32, #tpu.memory_space<hbm>>
    tpu.enqueue_indirect_dma source(%dma_start3A_240 : memref<10000x64xf32, #tpu.memory_space<hbm>>) target(%arg13 : memref<125x64xf32, #tpu.memory_space<vmem>>) offsets(%dma_start3A_237 : memref<125xi32, #tpu.memory_space<vmem>>) semaphore(%arg17 : memref<!tpu.dma_semaphore, #tpu.memory_space<semaphore_mem>>)
    %dma_start3A_241 = arith.constant 1 : i32
    %dma_start3A_242 = arith.constant 0 : i32
    %dma_start3A_243 = tpu.memref_slice %arg9[%dma_start3A_241, %dma_start3A_242] : memref<80x125xi32, #tpu.memory_space<vmem>> -> memref<1x125xi32, #tpu.memory_space<vmem>>
    %dma_start3A_244 = tpu.memref_squeeze %dma_start3A_243 : memref<1x125xi32, #tpu.memory_space<vmem>> -> memref<125xi32, #tpu.memory_space<vmem>>
    %dma_start3A_245 = arith.constant 0 : i32
    %dma_start3A_246 = arith.constant 0 : i32
    %dma_start3A_247 = tpu.memref_slice %arg3[%dma_start3A_245, %dma_start3A_246] : memref<10000x64xf32, #tpu.memory_space<hbm>> -> memref<10000x64xf32, #tpu.memory_space<hbm>>
    tpu.enqueue_indirect_dma source(%dma_start3A_247 : memref<10000x64xf32, #tpu.memory_space<hbm>>) target(%arg14 : memref<125x64xf32, #tpu.memory_space<vmem>>) offsets(%dma_start3A_244 : memref<125xi32, #tpu.memory_space<vmem>>) semaphore(%arg18 : memref<!tpu.dma_semaphore, #tpu.memory_space<semaphore_mem>>)
    %scan3A_248 = arith.constant 0 : i32
    %scan3A_249 = arith.constant 0 : i32
    %scan3A_250 = arith.constant 20 : i32
    %scan3A_251 = arith.addi %scan3A_249, %scan3A_250 : i32
    %scan3A_252 = arith.constant 1 : i32
    scf.for %scan3A_277 = %scan3A_249 to %scan3A_251 step %scan3A_252  : i32 {
      %mul3A_278 = arith.constant 4 : i32
      %mul3A_279 = arith.muli %scan3A_277, %mul3A_278 : i32
      %add3A_280 = arith.constant 0 : i32
      %add3A_281 = arith.addi %mul3A_279, %add3A_280 : i32
      %dma_wait3A_282 = arith.constant 0 : i32
      %dma_wait3A_283 = tpu.memref_slice %arg9[%add3A_281, %dma_wait3A_282] : memref<80x125xi32, #tpu.memory_space<vmem>> -> memref<1x125xi32, #tpu.memory_space<vmem>>
      %dma_wait3A_284 = tpu.memref_squeeze %dma_wait3A_283 : memref<1x125xi32, #tpu.memory_space<vmem>> -> memref<125xi32, #tpu.memory_space<vmem>>
      %dma_wait3A_285 = arith.constant 0 : i32
      %dma_wait3A_286 = arith.constant 0 : i32
      %dma_wait3A_287 = tpu.memref_slice %arg3[%dma_wait3A_285, %dma_wait3A_286] : memref<10000x64xf32, #tpu.memory_space<hbm>> -> memref<10000x64xf32, #tpu.memory_space<hbm>>
      tpu.wait_indirect_dma semaphore(%arg17 : memref<!tpu.dma_semaphore, #tpu.memory_space<semaphore_mem>>) src(%dma_wait3A_287 : memref<10000x64xf32, #tpu.memory_space<hbm>>) dst(%arg13 : memref<125x64xf32, #tpu.memory_space<vmem>>)
      %dma_start3A_288 = arith.constant 0 : i32
      %dma_start3A_289 = tpu.memref_slice %arg10[%add3A_281, %dma_start3A_288] : memref<80x125xi32, #tpu.memory_space<vmem>> -> memref<1x125xi32, #tpu.memory_space<vmem>>
      %dma_start3A_290 = tpu.memref_squeeze %dma_start3A_289 : memref<1x125xi32, #tpu.memory_space<vmem>> -> memref<125xi32, #tpu.memory_space<vmem>>
      %dma_start3A_291 = arith.constant 0 : i32
      %dma_start3A_292 = arith.constant 0 : i32
      %dma_start3A_293 = tpu.memref_slice %arg12[%dma_start3A_291, %dma_start3A_292] : memref<10240x64xf32, #tpu.memory_space<vmem_shared>> -> memref<10240x64xf32, #tpu.memory_space<vmem_shared>>
      tpu.enqueue_indirect_dma source(%arg13 : memref<125x64xf32, #tpu.memory_space<vmem>>) target(%dma_start3A_293 : memref<10240x64xf32, #tpu.memory_space<vmem_shared>>) offsets(%dma_start3A_290 : memref<125xi32, #tpu.memory_space<vmem>>) semaphore(%arg21 : memref<!tpu.dma_semaphore, #tpu.memory_space<semaphore_mem>>) {add = true}
      %ge3A = arith.constant 2 : i32
      %ge3A_294 = arith.cmpi sge, %add3A_281, %ge3A : i32
      %convert_element_type3A = arith.extui %ge3A_294 : i1 to i32
      %cond3A = arith.constant 0 : i32
      %cond3A_295 = arith.cmpi ne, %convert_element_type3A, %cond3A : i32
      scf.if %cond3A_295 {
        %sub3A = arith.constant 2 : i32
        %sub3A_386 = arith.subi %add3A_281, %sub3A : i32
        %dma_wait3A_387 = arith.constant 0 : i32
        %dma_wait3A_388 = tpu.memref_slice %arg10[%sub3A_386, %dma_wait3A_387] : memref<80x125xi32, #tpu.memory_space<vmem>> -> memref<1x125xi32, #tpu.memory_space<vmem>>
        %dma_wait3A_389 = tpu.memref_squeeze %dma_wait3A_388 : memref<1x125xi32, #tpu.memory_space<vmem>> -> memref<125xi32, #tpu.memory_space<vmem>>
        %dma_wait3A_390 = arith.constant 0 : i32
        %dma_wait3A_391 = arith.constant 0 : i32
        %dma_wait3A_392 = tpu.memref_slice %arg12[%dma_wait3A_390, %dma_wait3A_391] : memref<10240x64xf32, #tpu.memory_space<vmem_shared>> -> memref<10240x64xf32, #tpu.memory_space<vmem_shared>>
        tpu.wait_indirect_dma semaphore(%arg23 : memref<!tpu.dma_semaphore, #tpu.memory_space<semaphore_mem>>) src(%arg15 : memref<125x64xf32, #tpu.memory_space<vmem>>) dst(%dma_wait3A_392 : memref<10240x64xf32, #tpu.memory_space<vmem_shared>>)
      } else {
      }
      %add3A_296 = arith.constant 2 : i32
      %add3A_297 = arith.addi %add3A_281, %add3A_296 : i32
      %lt3A = arith.constant 80 : i32
      %lt3A_298 = arith.cmpi slt, %add3A_297, %lt3A : i32
      %convert_element_type3A_299 = arith.extui %lt3A_298 : i1 to i32
      %cond3A_300 = arith.constant 0 : i32
      %cond3A_301 = arith.cmpi ne, %convert_element_type3A_299, %cond3A_300 : i32
      scf.if %cond3A_301 {
        %add3A_386 = arith.constant 2 : i32
        %add3A_387 = arith.addi %add3A_281, %add3A_386 : i32
        %dma_start3A_388 = arith.constant 0 : i32
        %dma_start3A_389 = tpu.memref_slice %arg9[%add3A_387, %dma_start3A_388] : memref<80x125xi32, #tpu.memory_space<vmem>> -> memref<1x125xi32, #tpu.memory_space<vmem>>
        %dma_start3A_390 = tpu.memref_squeeze %dma_start3A_389 : memref<1x125xi32, #tpu.memory_space<vmem>> -> memref<125xi32, #tpu.memory_space<vmem>>
        %dma_start3A_391 = arith.constant 0 : i32
        %dma_start3A_392 = arith.constant 0 : i32
        %dma_start3A_393 = tpu.memref_slice %arg3[%dma_start3A_391, %dma_start3A_392] : memref<10000x64xf32, #tpu.memory_space<hbm>> -> memref<10000x64xf32, #tpu.memory_space<hbm>>
        tpu.enqueue_indirect_dma source(%dma_start3A_393 : memref<10000x64xf32, #tpu.memory_space<hbm>>) target(%arg15 : memref<125x64xf32, #tpu.memory_space<vmem>>) offsets(%dma_start3A_390 : memref<125xi32, #tpu.memory_space<vmem>>) semaphore(%arg19 : memref<!tpu.dma_semaphore, #tpu.memory_space<semaphore_mem>>)
      } else {
      }
      %mul3A_302 = arith.constant 4 : i32
      %mul3A_303 = arith.muli %scan3A_277, %mul3A_302 : i32
      %add3A_304 = arith.constant 1 : i32
      %add3A_305 = arith.addi %mul3A_303, %add3A_304 : i32
      %dma_wait3A_306 = arith.constant 0 : i32
      %dma_wait3A_307 = tpu.memref_slice %arg9[%add3A_305, %dma_wait3A_306] : memref<80x125xi32, #tpu.memory_space<vmem>> -> memref<1x125xi32, #tpu.memory_space<vmem>>
      %dma_wait3A_308 = tpu.memref_squeeze %dma_wait3A_307 : memref<1x125xi32, #tpu.memory_space<vmem>> -> memref<125xi32, #tpu.memory_space<vmem>>
      %dma_wait3A_309 = arith.constant 0 : i32
      %dma_wait3A_310 = arith.constant 0 : i32
      %dma_wait3A_311 = tpu.memref_slice %arg3[%dma_wait3A_309, %dma_wait3A_310] : memref<10000x64xf32, #tpu.memory_space<hbm>> -> memref<10000x64xf32, #tpu.memory_space<hbm>>
      tpu.wait_indirect_dma semaphore(%arg18 : memref<!tpu.dma_semaphore, #tpu.memory_space<semaphore_mem>>) src(%dma_wait3A_311 : memref<10000x64xf32, #tpu.memory_space<hbm>>) dst(%arg14 : memref<125x64xf32, #tpu.memory_space<vmem>>)
      %dma_start3A_312 = arith.constant 0 : i32
      %dma_start3A_313 = tpu.memref_slice %arg10[%add3A_305, %dma_start3A_312] : memref<80x125xi32, #tpu.memory_space<vmem>> -> memref<1x125xi32, #tpu.memory_space<vmem>>
      %dma_start3A_314 = tpu.memref_squeeze %dma_start3A_313 : memref<1x125xi32, #tpu.memory_space<vmem>> -> memref<125xi32, #tpu.memory_space<vmem>>
      %dma_start3A_315 = arith.constant 0 : i32
      %dma_start3A_316 = arith.constant 0 : i32
      %dma_start3A_317 = tpu.memref_slice %arg12[%dma_start3A_315, %dma_start3A_316] : memref<10240x64xf32, #tpu.memory_space<vmem_shared>> -> memref<10240x64xf32, #tpu.memory_space<vmem_shared>>
      tpu.enqueue_indirect_dma source(%arg14 : memref<125x64xf32, #tpu.memory_space<vmem>>) target(%dma_start3A_317 : memref<10240x64xf32, #tpu.memory_space<vmem_shared>>) offsets(%dma_start3A_314 : memref<125xi32, #tpu.memory_space<vmem>>) semaphore(%arg22 : memref<!tpu.dma_semaphore, #tpu.memory_space<semaphore_mem>>) {add = true}
      %ge3A_318 = arith.constant 2 : i32
      %ge3A_319 = arith.cmpi sge, %add3A_305, %ge3A_318 : i32
      %convert_element_type3A_320 = arith.extui %ge3A_319 : i1 to i32
      %cond3A_321 = arith.constant 0 : i32
      %cond3A_322 = arith.cmpi ne, %convert_element_type3A_320, %cond3A_321 : i32
      scf.if %cond3A_322 {
        %sub3A = arith.constant 2 : i32
        %sub3A_386 = arith.subi %add3A_305, %sub3A : i32
        %dma_wait3A_387 = arith.constant 0 : i32
        %dma_wait3A_388 = tpu.memref_slice %arg10[%sub3A_386, %dma_wait3A_387] : memref<80x125xi32, #tpu.memory_space<vmem>> -> memref<1x125xi32, #tpu.memory_space<vmem>>
        %dma_wait3A_389 = tpu.memref_squeeze %dma_wait3A_388 : memref<1x125xi32, #tpu.memory_space<vmem>> -> memref<125xi32, #tpu.memory_space<vmem>>
        %dma_wait3A_390 = arith.constant 0 : i32
        %dma_wait3A_391 = arith.constant 0 : i32
        %dma_wait3A_392 = tpu.memref_slice %arg12[%dma_wait3A_390, %dma_wait3A_391] : memref<10240x64xf32, #tpu.memory_space<vmem_shared>> -> memref<10240x64xf32, #tpu.memory_space<vmem_shared>>
        tpu.wait_indirect_dma semaphore(%arg24 : memref<!tpu.dma_semaphore, #tpu.memory_space<semaphore_mem>>) src(%arg16 : memref<125x64xf32, #tpu.memory_space<vmem>>) dst(%dma_wait3A_392 : memref<10240x64xf32, #tpu.memory_space<vmem_shared>>)
      } else {
      }
      %add3A_323 = arith.constant 2 : i32
      %add3A_324 = arith.addi %add3A_305, %add3A_323 : i32
      %lt3A_325 = arith.constant 80 : i32
      %lt3A_326 = arith.cmpi slt, %add3A_324, %lt3A_325 : i32
      %convert_element_type3A_327 = arith.extui %lt3A_326 : i1 to i32
      %cond3A_328 = arith.constant 0 : i32
      %cond3A_329 = arith.cmpi ne, %convert_element_type3A_327, %cond3A_328 : i32
      scf.if %cond3A_329 {
        %add3A_386 = arith.constant 2 : i32
        %add3A_387 = arith.addi %add3A_305, %add3A_386 : i32
        %dma_start3A_388 = arith.constant 0 : i32
        %dma_start3A_389 = tpu.memref_slice %arg9[%add3A_387, %dma_start3A_388] : memref<80x125xi32, #tpu.memory_space<vmem>> -> memref<1x125xi32, #tpu.memory_space<vmem>>
        %dma_start3A_390 = tpu.memref_squeeze %dma_start3A_389 : memref<1x125xi32, #tpu.memory_space<vmem>> -> memref<125xi32, #tpu.memory_space<vmem>>
        %dma_start3A_391 = arith.constant 0 : i32
        %dma_start3A_392 = arith.constant 0 : i32
        %dma_start3A_393 = tpu.memref_slice %arg3[%dma_start3A_391, %dma_start3A_392] : memref<10000x64xf32, #tpu.memory_space<hbm>> -> memref<10000x64xf32, #tpu.memory_space<hbm>>
        tpu.enqueue_indirect_dma source(%dma_start3A_393 : memref<10000x64xf32, #tpu.memory_space<hbm>>) target(%arg16 : memref<125x64xf32, #tpu.memory_space<vmem>>) offsets(%dma_start3A_390 : memref<125xi32, #tpu.memory_space<vmem>>) semaphore(%arg20 : memref<!tpu.dma_semaphore, #tpu.memory_space<semaphore_mem>>)
      } else {
      }
      %mul3A_330 = arith.constant 4 : i32
      %mul3A_331 = arith.muli %scan3A_277, %mul3A_330 : i32
      %add3A_332 = arith.constant 2 : i32
      %add3A_333 = arith.addi %mul3A_331, %add3A_332 : i32
      %dma_wait3A_334 = arith.constant 0 : i32
      %dma_wait3A_335 = tpu.memref_slice %arg9[%add3A_333, %dma_wait3A_334] : memref<80x125xi32, #tpu.memory_space<vmem>> -> memref<1x125xi32, #tpu.memory_space<vmem>>
      %dma_wait3A_336 = tpu.memref_squeeze %dma_wait3A_335 : memref<1x125xi32, #tpu.memory_space<vmem>> -> memref<125xi32, #tpu.memory_space<vmem>>
      %dma_wait3A_337 = arith.constant 0 : i32
      %dma_wait3A_338 = arith.constant 0 : i32
      %dma_wait3A_339 = tpu.memref_slice %arg3[%dma_wait3A_337, %dma_wait3A_338] : memref<10000x64xf32, #tpu.memory_space<hbm>> -> memref<10000x64xf32, #tpu.memory_space<hbm>>
      tpu.wait_indirect_dma semaphore(%arg19 : memref<!tpu.dma_semaphore, #tpu.memory_space<semaphore_mem>>) src(%dma_wait3A_339 : memref<10000x64xf32, #tpu.memory_space<hbm>>) dst(%arg15 : memref<125x64xf32, #tpu.memory_space<vmem>>)
      %dma_start3A_340 = arith.constant 0 : i32
      %dma_start3A_341 = tpu.memref_slice %arg10[%add3A_333, %dma_start3A_340] : memref<80x125xi32, #tpu.memory_space<vmem>> -> memref<1x125xi32, #tpu.memory_space<vmem>>
      %dma_start3A_342 = tpu.memref_squeeze %dma_start3A_341 : memref<1x125xi32, #tpu.memory_space<vmem>> -> memref<125xi32, #tpu.memory_space<vmem>>
      %dma_start3A_343 = arith.constant 0 : i32
      %dma_start3A_344 = arith.constant 0 : i32
      %dma_start3A_345 = tpu.memref_slice %arg12[%dma_start3A_343, %dma_start3A_344] : memref<10240x64xf32, #tpu.memory_space<vmem_shared>> -> memref<10240x64xf32, #tpu.memory_space<vmem_shared>>
      tpu.enqueue_indirect_dma source(%arg15 : memref<125x64xf32, #tpu.memory_space<vmem>>) target(%dma_start3A_345 : memref<10240x64xf32, #tpu.memory_space<vmem_shared>>) offsets(%dma_start3A_342 : memref<125xi32, #tpu.memory_space<vmem>>) semaphore(%arg23 : memref<!tpu.dma_semaphore, #tpu.memory_space<semaphore_mem>>) {add = true}
      %ge3A_346 = arith.constant 2 : i32
      %ge3A_347 = arith.cmpi sge, %add3A_333, %ge3A_346 : i32
      %convert_element_type3A_348 = arith.extui %ge3A_347 : i1 to i32
      %cond3A_349 = arith.constant 0 : i32
      %cond3A_350 = arith.cmpi ne, %convert_element_type3A_348, %cond3A_349 : i32
      scf.if %cond3A_350 {
        %sub3A = arith.constant 2 : i32
        %sub3A_386 = arith.subi %add3A_333, %sub3A : i32
        %dma_wait3A_387 = arith.constant 0 : i32
        %dma_wait3A_388 = tpu.memref_slice %arg10[%sub3A_386, %dma_wait3A_387] : memref<80x125xi32, #tpu.memory_space<vmem>> -> memref<1x125xi32, #tpu.memory_space<vmem>>
        %dma_wait3A_389 = tpu.memref_squeeze %dma_wait3A_388 : memref<1x125xi32, #tpu.memory_space<vmem>> -> memref<125xi32, #tpu.memory_space<vmem>>
        %dma_wait3A_390 = arith.constant 0 : i32
        %dma_wait3A_391 = arith.constant 0 : i32
        %dma_wait3A_392 = tpu.memref_slice %arg12[%dma_wait3A_390, %dma_wait3A_391] : memref<10240x64xf32, #tpu.memory_space<vmem_shared>> -> memref<10240x64xf32, #tpu.memory_space<vmem_shared>>
        tpu.wait_indirect_dma semaphore(%arg21 : memref<!tpu.dma_semaphore, #tpu.memory_space<semaphore_mem>>) src(%arg13 : memref<125x64xf32, #tpu.memory_space<vmem>>) dst(%dma_wait3A_392 : memref<10240x64xf32, #tpu.memory_space<vmem_shared>>)
      } else {
      }
      %add3A_351 = arith.constant 2 : i32
      %add3A_352 = arith.addi %add3A_333, %add3A_351 : i32
      %lt3A_353 = arith.constant 80 : i32
      %lt3A_354 = arith.cmpi slt, %add3A_352, %lt3A_353 : i32
      %convert_element_type3A_355 = arith.extui %lt3A_354 : i1 to i32
      %cond3A_356 = arith.constant 0 : i32
      %cond3A_357 = arith.cmpi ne, %convert_element_type3A_355, %cond3A_356 : i32
      scf.if %cond3A_357 {
        %add3A_386 = arith.constant 2 : i32
        %add3A_387 = arith.addi %add3A_333, %add3A_386 : i32
        %dma_start3A_388 = arith.constant 0 : i32
        %dma_start3A_389 = tpu.memref_slice %arg9[%add3A_387, %dma_start3A_388] : memref<80x125xi32, #tpu.memory_space<vmem>> -> memref<1x125xi32, #tpu.memory_space<vmem>>
        %dma_start3A_390 = tpu.memref_squeeze %dma_start3A_389 : memref<1x125xi32, #tpu.memory_space<vmem>> -> memref<125xi32, #tpu.memory_space<vmem>>
        %dma_start3A_391 = arith.constant 0 : i32
        %dma_start3A_392 = arith.constant 0 : i32
        %dma_start3A_393 = tpu.memref_slice %arg3[%dma_start3A_391, %dma_start3A_392] : memref<10000x64xf32, #tpu.memory_space<hbm>> -> memref<10000x64xf32, #tpu.memory_space<hbm>>
        tpu.enqueue_indirect_dma source(%dma_start3A_393 : memref<10000x64xf32, #tpu.memory_space<hbm>>) target(%arg13 : memref<125x64xf32, #tpu.memory_space<vmem>>) offsets(%dma_start3A_390 : memref<125xi32, #tpu.memory_space<vmem>>) semaphore(%arg17 : memref<!tpu.dma_semaphore, #tpu.memory_space<semaphore_mem>>)
      } else {
      }
      %mul3A_358 = arith.constant 4 : i32
      %mul3A_359 = arith.muli %scan3A_277, %mul3A_358 : i32
      %add3A_360 = arith.constant 3 : i32
      %add3A_361 = arith.addi %mul3A_359, %add3A_360 : i32
      %dma_wait3A_362 = arith.constant 0 : i32
      %dma_wait3A_363 = tpu.memref_slice %arg9[%add3A_361, %dma_wait3A_362] : memref<80x125xi32, #tpu.memory_space<vmem>> -> memref<1x125xi32, #tpu.memory_space<vmem>>
      %dma_wait3A_364 = tpu.memref_squeeze %dma_wait3A_363 : memref<1x125xi32, #tpu.memory_space<vmem>> -> memref<125xi32, #tpu.memory_space<vmem>>
      %dma_wait3A_365 = arith.constant 0 : i32
      %dma_wait3A_366 = arith.constant 0 : i32
      %dma_wait3A_367 = tpu.memref_slice %arg3[%dma_wait3A_365, %dma_wait3A_366] : memref<10000x64xf32, #tpu.memory_space<hbm>> -> memref<10000x64xf32, #tpu.memory_space<hbm>>
      tpu.wait_indirect_dma semaphore(%arg20 : memref<!tpu.dma_semaphore, #tpu.memory_space<semaphore_mem>>) src(%dma_wait3A_367 : memref<10000x64xf32, #tpu.memory_space<hbm>>) dst(%arg16 : memref<125x64xf32, #tpu.memory_space<vmem>>)
      %dma_start3A_368 = arith.constant 0 : i32
      %dma_start3A_369 = tpu.memref_slice %arg10[%add3A_361, %dma_start3A_368] : memref<80x125xi32, #tpu.memory_space<vmem>> -> memref<1x125xi32, #tpu.memory_space<vmem>>
      %dma_start3A_370 = tpu.memref_squeeze %dma_start3A_369 : memref<1x125xi32, #tpu.memory_space<vmem>> -> memref<125xi32, #tpu.memory_space<vmem>>
      %dma_start3A_371 = arith.constant 0 : i32
      %dma_start3A_372 = arith.constant 0 : i32
      %dma_start3A_373 = tpu.memref_slice %arg12[%dma_start3A_371, %dma_start3A_372] : memref<10240x64xf32, #tpu.memory_space<vmem_shared>> -> memref<10240x64xf32, #tpu.memory_space<vmem_shared>>
      tpu.enqueue_indirect_dma source(%arg16 : memref<125x64xf32, #tpu.memory_space<vmem>>) target(%dma_start3A_373 : memref<10240x64xf32, #tpu.memory_space<vmem_shared>>) offsets(%dma_start3A_370 : memref<125xi32, #tpu.memory_space<vmem>>) semaphore(%arg24 : memref<!tpu.dma_semaphore, #tpu.memory_space<semaphore_mem>>) {add = true}
      %ge3A_374 = arith.constant 2 : i32
      %ge3A_375 = arith.cmpi sge, %add3A_361, %ge3A_374 : i32
      %convert_element_type3A_376 = arith.extui %ge3A_375 : i1 to i32
      %cond3A_377 = arith.constant 0 : i32
      %cond3A_378 = arith.cmpi ne, %convert_element_type3A_376, %cond3A_377 : i32
      scf.if %cond3A_378 {
        %sub3A = arith.constant 2 : i32
        %sub3A_386 = arith.subi %add3A_361, %sub3A : i32
        %dma_wait3A_387 = arith.constant 0 : i32
        %dma_wait3A_388 = tpu.memref_slice %arg10[%sub3A_386, %dma_wait3A_387] : memref<80x125xi32, #tpu.memory_space<vmem>> -> memref<1x125xi32, #tpu.memory_space<vmem>>
        %dma_wait3A_389 = tpu.memref_squeeze %dma_wait3A_388 : memref<1x125xi32, #tpu.memory_space<vmem>> -> memref<125xi32, #tpu.memory_space<vmem>>
        %dma_wait3A_390 = arith.constant 0 : i32
        %dma_wait3A_391 = arith.constant 0 : i32
        %dma_wait3A_392 = tpu.memref_slice %arg12[%dma_wait3A_390, %dma_wait3A_391] : memref<10240x64xf32, #tpu.memory_space<vmem_shared>> -> memref<10240x64xf32, #tpu.memory_space<vmem_shared>>
        tpu.wait_indirect_dma semaphore(%arg22 : memref<!tpu.dma_semaphore, #tpu.memory_space<semaphore_mem>>) src(%arg14 : memref<125x64xf32, #tpu.memory_space<vmem>>) dst(%dma_wait3A_392 : memref<10240x64xf32, #tpu.memory_space<vmem_shared>>)
      } else {
      }
      %add3A_379 = arith.constant 2 : i32
      %add3A_380 = arith.addi %add3A_361, %add3A_379 : i32
      %lt3A_381 = arith.constant 80 : i32
      %lt3A_382 = arith.cmpi slt, %add3A_380, %lt3A_381 : i32
      %convert_element_type3A_383 = arith.extui %lt3A_382 : i1 to i32
      %cond3A_384 = arith.constant 0 : i32
      %cond3A_385 = arith.cmpi ne, %convert_element_type3A_383, %cond3A_384 : i32
      scf.if %cond3A_385 {
        %add3A_386 = arith.constant 2 : i32
        %add3A_387 = arith.addi %add3A_361, %add3A_386 : i32
        %dma_start3A_388 = arith.constant 0 : i32
        %dma_start3A_389 = tpu.memref_slice %arg9[%add3A_387, %dma_start3A_388] : memref<80x125xi32, #tpu.memory_space<vmem>> -> memref<1x125xi32, #tpu.memory_space<vmem>>
        %dma_start3A_390 = tpu.memref_squeeze %dma_start3A_389 : memref<1x125xi32, #tpu.memory_space<vmem>> -> memref<125xi32, #tpu.memory_space<vmem>>
        %dma_start3A_391 = arith.constant 0 : i32
        %dma_start3A_392 = arith.constant 0 : i32
        %dma_start3A_393 = tpu.memref_slice %arg3[%dma_start3A_391, %dma_start3A_392] : memref<10000x64xf32, #tpu.memory_space<hbm>> -> memref<10000x64xf32, #tpu.memory_space<hbm>>
        tpu.enqueue_indirect_dma source(%dma_start3A_393 : memref<10000x64xf32, #tpu.memory_space<hbm>>) target(%arg14 : memref<125x64xf32, #tpu.memory_space<vmem>>) offsets(%dma_start3A_390 : memref<125xi32, #tpu.memory_space<vmem>>) semaphore(%arg18 : memref<!tpu.dma_semaphore, #tpu.memory_space<semaphore_mem>>)
      } else {
      }
    }
    %scan3A_253 = arith.constant 20 : i32
    %dma_wait3A_254 = arith.constant 0 : i32
    %dma_wait3A_255 = arith.constant 0 : i32
    %dma_wait3A_256 = tpu.memref_slice %arg10[%dma_wait3A_254, %dma_wait3A_255] : memref<80x125xi32, #tpu.memory_space<vmem>> -> memref<1x125xi32, #tpu.memory_space<vmem>>
    %dma_wait3A_257 = tpu.memref_squeeze %dma_wait3A_256 : memref<1x125xi32, #tpu.memory_space<vmem>> -> memref<125xi32, #tpu.memory_space<vmem>>
    %dma_wait3A_258 = arith.constant 0 : i32
    %dma_wait3A_259 = arith.constant 0 : i32
    %dma_wait3A_260 = tpu.memref_slice %arg12[%dma_wait3A_258, %dma_wait3A_259] : memref<10240x64xf32, #tpu.memory_space<vmem_shared>> -> memref<10240x64xf32, #tpu.memory_space<vmem_shared>>
    tpu.wait_indirect_dma semaphore(%arg23 : memref<!tpu.dma_semaphore, #tpu.memory_space<semaphore_mem>>) src(%arg15 : memref<125x64xf32, #tpu.memory_space<vmem>>) dst(%dma_wait3A_260 : memref<10240x64xf32, #tpu.memory_space<vmem_shared>>)
    %dma_wait3A_261 = arith.constant 0 : i32
    %dma_wait3A_262 = arith.constant 0 : i32
    %dma_wait3A_263 = tpu.memref_slice %arg10[%dma_wait3A_261, %dma_wait3A_262] : memref<80x125xi32, #tpu.memory_space<vmem>> -> memref<1x125xi32, #tpu.memory_space<vmem>>
    %dma_wait3A_264 = tpu.memref_squeeze %dma_wait3A_263 : memref<1x125xi32, #tpu.memory_space<vmem>> -> memref<125xi32, #tpu.memory_space<vmem>>
    %dma_wait3A_265 = arith.constant 0 : i32
    %dma_wait3A_266 = arith.constant 0 : i32
    %dma_wait3A_267 = tpu.memref_slice %arg12[%dma_wait3A_265, %dma_wait3A_266] : memref<10240x64xf32, #tpu.memory_space<vmem_shared>> -> memref<10240x64xf32, #tpu.memory_space<vmem_shared>>
    tpu.wait_indirect_dma semaphore(%arg24 : memref<!tpu.dma_semaphore, #tpu.memory_space<semaphore_mem>>) src(%arg16 : memref<125x64xf32, #tpu.memory_space<vmem>>) dst(%dma_wait3A_267 : memref<10240x64xf32, #tpu.memory_space<vmem_shared>>)
    %barrier3A_268 = arith.constant 0 : index
    tpu.barrier barrier_id(%barrier3A_268)
    %mul3A_269 = arith.constant 640 : i32
    %mul3A_270 = arith.muli %arg1, %mul3A_269 : i32
    %mul3A_271 = arith.constant 10240 : i32
    %mul3A_272 = arith.muli %arg0, %mul3A_271 : i32
    %mul3A_273 = arith.constant 640 : i32
    %mul3A_274 = arith.muli %arg1, %mul3A_273 : i32
    %add3A_275 = arith.addi %mul3A_272, %mul3A_274 : i32
    "tpu.region"() ({
      %run_scoped3A = tpu.sem_alloc : memref<!tpu.dma_semaphore, #tpu.memory_space<semaphore_mem>>
      %dma_start3A_277 = arith.constant 0 : i32
      %dma_start3A_278 = tpu.memref_slice %arg8[%add3A_275, %dma_start3A_277] : memref<20480x64xf32, #tpu.memory_space<hbm>> -> memref<640x64xf32, #tpu.memory_space<hbm>>
      %dma_start3A_279 = arith.constant 0 : i32
      %dma_start3A_280 = tpu.memref_slice %arg12[%mul3A_270, %dma_start3A_279] : memref<10240x64xf32, #tpu.memory_space<vmem_shared>> -> memref<640x64xf32, #tpu.memory_space<vmem_shared>>
      tpu.enqueue_dma source(%dma_start3A_280 : memref<640x64xf32, #tpu.memory_space<vmem_shared>>) target(%dma_start3A_278 : memref<640x64xf32, #tpu.memory_space<hbm>>) target_semaphore(%run_scoped3A : memref<!tpu.dma_semaphore, #tpu.memory_space<semaphore_mem>>)
      %dma_wait3A_281 = arith.constant 0 : i32
      %dma_wait3A_282 = tpu.memref_slice %arg8[%add3A_275, %dma_wait3A_281] : memref<20480x64xf32, #tpu.memory_space<hbm>> -> memref<640x64xf32, #tpu.memory_space<hbm>>
      %dma_wait3A_283 = arith.constant 0 : i32
      %dma_wait3A_284 = tpu.memref_slice %arg12[%mul3A_270, %dma_wait3A_283] : memref<10240x64xf32, #tpu.memory_space<vmem_shared>> -> memref<640x64xf32, #tpu.memory_space<vmem_shared>>
      tpu.wait_dma2 semaphore(%run_scoped3A : memref<!tpu.dma_semaphore, #tpu.memory_space<semaphore_mem>>) src(%dma_wait3A_284 : memref<640x64xf32, #tpu.memory_space<vmem_shared>>) dst(%dma_wait3A_282 : memref<640x64xf32, #tpu.memory_space<hbm>>)
      tpu.yield
    }) : () -> ()
    %barrier3A_276 = arith.constant 0 : index
    tpu.barrier barrier_id(%barrier3A_276)
    return
  }
}

module attributes {stable_mosaic.version = 14 : i64} {
  func.func @_lin0_body(%arg0: i32, %arg1: memref<5000x128xf32, #tpu.memory_space<vmem>>, %arg2: memref<128x128xf32, #tpu.memory_space<vmem>>, %arg3: memref<1x128xf32, #tpu.memory_space<vmem>>, %arg4: memref<1x128xf32, #tpu.memory_space<vmem>>, %arg5: memref<1x128xf32, #tpu.memory_space<vmem>>, %arg6: memref<16384x128xf32, #tpu.memory_space<vmem>>, %arg7: memref<16384x1xf32, #tpu.memory_space<vmem>>, %arg8: memref<5000x128xf32, #tpu.memory_space<vmem>>, %arg9: memref<16384x1xf32, #tpu.memory_space<vmem>>) attributes {dimension_semantics = [#tpu.dimension_semantics<arbitrary>], iteration_bounds = array<i64: 2>, scalar_prefetch = 0 : i64, scratch_operands = 0 : i64, tpu.core_type = #tpu.core_type<tc>, window_params = [{transform_indices = @transform_0, window_bounds = array<i64: 5000, 128>}, {pipeline_mode = #tpu.pipeline_mode<synchronous>, transform_indices = @transform_1, window_bounds = array<i64: 128, 128>}, {pipeline_mode = #tpu.pipeline_mode<synchronous>, transform_indices = @transform_2, window_bounds = array<i64: 1, 128>}, {pipeline_mode = #tpu.pipeline_mode<synchronous>, transform_indices = @transform_3, window_bounds = array<i64: 1, 128>}, {pipeline_mode = #tpu.pipeline_mode<synchronous>, transform_indices = @transform_4, window_bounds = array<i64: 1, 128>}, {pipeline_mode = #tpu.pipeline_mode<synchronous>, transform_indices = @transform_5, window_bounds = array<i64: 16384, 128>}, {pipeline_mode = #tpu.pipeline_mode<synchronous>, transform_indices = @transform_6, window_bounds = array<i64: 16384, 1>}, {transform_indices = @transform_7, window_bounds = array<i64: 5000, 128>}, {pipeline_mode = #tpu.pipeline_mode<synchronous>, transform_indices = @transform_8, window_bounds = array<i64: 16384, 1>}]} {
    %get3A = arith.constant 0 : index
    %get3A_0 = arith.constant 0 : index
    %get3A_1 = vector.load %arg1[%get3A, %get3A_0] : memref<5000x128xf32, #tpu.memory_space<vmem>>, vector<5000x128xf32>
    %get3A_2 = arith.constant 0 : index
    %get3A_3 = arith.constant 0 : index
    %get3A_4 = vector.load %arg2[%get3A_2, %get3A_3] : memref<128x128xf32, #tpu.memory_space<vmem>>, vector<128x128xf32>
    %dot_general3A = arith.constant dense<0.000000e+00> : vector<5000x128xf32>
    %dot_general3A_5 = tpu.matmul %get3A_1, %get3A_4, %dot_general3A {dimension_numbers = #tpu.dot_dimension_numbers<[1], [0], [0], [1], [0, 0, 1, 1], [], []>, transpose_lhs_hint = false} : vector<5000x128xf32>, vector<128x128xf32>, vector<5000x128xf32> -> vector<5000x128xf32>
    %get3A_6 = arith.constant 0 : index
    %get3A_7 = arith.constant 0 : index
    %get3A_8 = vector.load %arg3[%get3A_6, %get3A_7] : memref<1x128xf32, #tpu.memory_space<vmem>>, vector<1x128xf32>
    %add3A = vector.broadcast %get3A_8 : vector<1x128xf32> to vector<5000x128xf32>
    %add3A_9 = arith.addf %dot_general3A_5, %add3A : vector<5000x128xf32>
    %max3A = arith.constant 0.000000e+00 : f32
    %max3A_10 = vector.broadcast %max3A : f32 to vector<5000x128xf32>
    %max3A_11 = arith.maximumf %add3A_9, %max3A_10 : vector<5000x128xf32>
    %swap3A = arith.constant 0 : index
    %swap3A_12 = arith.constant 0 : index
    %swap3A_13 = vector.load %arg8[%swap3A, %swap3A_12] : memref<5000x128xf32, #tpu.memory_space<vmem>>, vector<5000x128xf32>
    tpu.vector_store %arg8[%swap3A, %swap3A_12], %max3A_11 {strides = array<i32>} : memref<5000x128xf32, #tpu.memory_space<vmem>>, vector<5000x128xf32>,
    %eq3A = arith.constant 0 : i32
    %eq3A_14 = arith.cmpi eq, %arg0, %eq3A : i32
    %convert_element_type3A = arith.extui %eq3A_14 : i1 to i32
    %cond3A = arith.constant 0 : i32
    %cond3A_15 = arith.cmpi ne, %convert_element_type3A, %cond3A : i32
    scf.if %cond3A_15 {
      %get3A_16 = arith.constant 0 : index
      %get3A_17 = arith.constant 0 : index
      %get3A_18 = vector.load %arg4[%get3A_16, %get3A_17] : memref<1x128xf32, #tpu.memory_space<vmem>>, vector<1x128xf32>
      %get3A_19 = arith.constant 0 : index
      %get3A_20 = arith.constant 0 : index
      %get3A_21 = vector.load %arg5[%get3A_19, %get3A_20] : memref<1x128xf32, #tpu.memory_space<vmem>>, vector<1x128xf32>
      %add3A_22 = arith.addf %get3A_18, %get3A_21 : vector<1x128xf32>
      %max3A_23 = arith.constant 0.000000e+00 : f32
      %max3A_24 = vector.broadcast %max3A_23 : f32 to vector<1x128xf32>
      %max3A_25 = arith.maximumf %add3A_22, %max3A_24 : vector<1x128xf32>
      %get3A_26 = arith.constant 0 : index
      %get3A_27 = arith.constant 0 : index
      %get3A_28 = vector.load %arg6[%get3A_26, %get3A_27] : memref<16384x128xf32, #tpu.memory_space<vmem>>, vector<16384x128xf32>
      %reshape3A = vector.shape_cast %max3A_25 : vector<1x128xf32> to vector<128x1xf32>
      %dot_general3A_29 = arith.constant dense<0.000000e+00> : vector<16384x1xf32>
      %dot_general3A_30 = tpu.matmul %get3A_28, %reshape3A, %dot_general3A_29 {dimension_numbers = #tpu.dot_dimension_numbers<[1], [0], [0], [1], [0, 0, 1, 1], [], []>, transpose_lhs_hint = false} : vector<16384x128xf32>, vector<128x1xf32>, vector<16384x1xf32> -> vector<16384x1xf32>
      %get3A_31 = arith.constant 0 : index
      %get3A_32 = arith.constant 0 : index
      %get3A_33 = vector.load %arg7[%get3A_31, %get3A_32] : memref<16384x1xf32, #tpu.memory_space<vmem>>, vector<16384x1xf32>
      %add3A_34 = arith.addf %dot_general3A_30, %get3A_33 : vector<16384x1xf32>
      %swap3A_35 = arith.constant 0 : index
      %swap3A_36 = arith.constant 0 : index
      %swap3A_37 = vector.load %arg9[%swap3A_35, %swap3A_36] : memref<16384x1xf32, #tpu.memory_space<vmem>>, vector<16384x1xf32>
      tpu.vector_store %arg9[%swap3A_35, %swap3A_36], %add3A_34 {strides = array<i32>} : memref<16384x1xf32, #tpu.memory_space<vmem>>, vector<16384x1xf32>,
    } else {
    }
    return
  }
  func.func @transform_0(%arg0: i32) -> (i32, i32) {
    %c0_i32 = arith.constant 0 : i32
    %c0_i32_0 = arith.constant 0 : i32
    return %arg0, %c0_i32 : i32, i32
  }
  func.func @transform_1(%arg0: i32) -> (i32, i32) {
    %c0_i32 = arith.constant 0 : i32
    %c0_i32_0 = arith.constant 0 : i32
    %c0_i32_1 = arith.constant 0 : i32
    return %c0_i32, %c0_i32_0 : i32, i32
  }
  func.func @transform_2(%arg0: i32) -> (i32, i32) {
    %c0_i32 = arith.constant 0 : i32
    %c0_i32_0 = arith.constant 0 : i32
    %c0_i32_1 = arith.constant 0 : i32
    return %c0_i32, %c0_i32_0 : i32, i32
  }
  func.func @transform_3(%arg0: i32) -> (i32, i32) {
    %c0_i32 = arith.constant 0 : i32
    %c0_i32_0 = arith.constant 0 : i32
    %c0_i32_1 = arith.constant 0 : i32
    return %c0_i32, %c0_i32_0 : i32, i32
  }
  func.func @transform_4(%arg0: i32) -> (i32, i32) {
    %c0_i32 = arith.constant 0 : i32
    %c0_i32_0 = arith.constant 0 : i32
    %c0_i32_1 = arith.constant 0 : i32
    return %c0_i32, %c0_i32_0 : i32, i32
  }
  func.func @transform_5(%arg0: i32) -> (i32, i32) {
    %c0_i32 = arith.constant 0 : i32
    %c0_i32_0 = arith.constant 0 : i32
    %c0_i32_1 = arith.constant 0 : i32
    return %c0_i32, %c0_i32_0 : i32, i32
  }
  func.func @transform_6(%arg0: i32) -> (i32, i32) {
    %c0_i32 = arith.constant 0 : i32
    %c0_i32_0 = arith.constant 0 : i32
    %c0_i32_1 = arith.constant 0 : i32
    return %c0_i32, %c0_i32_0 : i32, i32
  }
  func.func @transform_7(%arg0: i32) -> (i32, i32) {
    %c0_i32 = arith.constant 0 : i32
    %c0_i32_0 = arith.constant 0 : i32
    return %arg0, %c0_i32 : i32, i32
  }
  func.func @transform_8(%arg0: i32) -> (i32, i32) {
    %c0_i32 = arith.constant 0 : i32
    %c0_i32_0 = arith.constant 0 : i32
    %c0_i32_1 = arith.constant 0 : i32
    return %c0_i32, %c0_i32_0 : i32, i32
  }
}

module attributes {stable_mosaic.version = 14 : i64} {
  func.func @_gru_body(%arg0: i32, %arg1: memref<5000x64xf32, #tpu.memory_space<vmem>>, %arg2: memref<5000x64xf32, #tpu.memory_space<vmem>>, %arg3: memref<5000x64xf32, #tpu.memory_space<vmem>>, %arg4: memref<5000x64xf32, #tpu.memory_space<vmem>>, %arg5: memref<5000x16xf32, #tpu.memory_space<vmem>>, %arg6: memref<5000x16xf32, #tpu.memory_space<vmem>>, %arg7: memref<5000x128xf32, #tpu.memory_space<vmem>>, %arg8: memref<128x128xf32, #tpu.memory_space<vmem>>, %arg9: memref<1x128xf32, #tpu.memory_space<vmem>>, %arg10: memref<128x384xf32, #tpu.memory_space<vmem>>, %arg11: memref<128x384xf32, #tpu.memory_space<vmem>>, %arg12: memref<1x384xf32, #tpu.memory_space<vmem>>, %arg13: memref<1x384xf32, #tpu.memory_space<vmem>>, %arg14: memref<5000x128xf32, #tpu.memory_space<vmem>>) attributes {dimension_semantics = [#tpu.dimension_semantics<arbitrary>], iteration_bounds = array<i64: 2>, scalar_prefetch = 0 : i64, scratch_operands = 0 : i64, tpu.core_type = #tpu.core_type<tc>, window_params = [{transform_indices = @transform_0, window_bounds = array<i64: 5000, 64>}, {transform_indices = @transform_1, window_bounds = array<i64: 5000, 64>}, {transform_indices = @transform_2, window_bounds = array<i64: 5000, 64>}, {transform_indices = @transform_3, window_bounds = array<i64: 5000, 64>}, {transform_indices = @transform_4, window_bounds = array<i64: 5000, 16>}, {transform_indices = @transform_5, window_bounds = array<i64: 5000, 16>}, {transform_indices = @transform_6, window_bounds = array<i64: 5000, 128>}, {pipeline_mode = #tpu.pipeline_mode<synchronous>, transform_indices = @transform_7, window_bounds = array<i64: 128, 128>}, {pipeline_mode = #tpu.pipeline_mode<synchronous>, transform_indices = @transform_8, window_bounds = array<i64: 1, 128>}, {pipeline_mode = #tpu.pipeline_mode<synchronous>, transform_indices = @transform_9, window_bounds = array<i64: 128, 384>}, {pipeline_mode = #tpu.pipeline_mode<synchronous>, transform_indices = @transform_10, window_bounds = array<i64: 128, 384>}, {pipeline_mode = #tpu.pipeline_mode<synchronous>, transform_indices = @transform_11, window_bounds = array<i64: 1, 384>}, {pipeline_mode = #tpu.pipeline_mode<synchronous>, transform_indices = @transform_12, window_bounds = array<i64: 1, 384>}, {transform_indices = @transform_13, window_bounds = array<i64: 5000, 128>}]} {
    %get3A = arith.constant 0 : index
    %get3A_0 = arith.constant 0 : index
    %get3A_1 = vector.load %arg5[%get3A, %get3A_0] : memref<5000x16xf32, #tpu.memory_space<vmem>>, vector<5000x1xf32>
    %get3A_2 = arith.constant 0 : index
    %get3A_3 = arith.constant 0 : index
    %get3A_4 = vector.load %arg6[%get3A_2, %get3A_3] : memref<5000x16xf32, #tpu.memory_space<vmem>>, vector<5000x1xf32>
    %add3A = arith.addf %get3A_1, %get3A_4 : vector<5000x1xf32>
    %max3A = arith.constant 1.000000e+00 : f32
    %max3A_5 = vector.broadcast %max3A : f32 to vector<5000x1xf32>
    %max3A_6 = arith.maximumf %add3A, %max3A_5 : vector<5000x1xf32>
    %get3A_7 = arith.constant 0 : index
    %get3A_8 = arith.constant 0 : index
    %get3A_9 = vector.load %arg1[%get3A_7, %get3A_8] : memref<5000x64xf32, #tpu.memory_space<vmem>>, vector<5000x64xf32>
    %get3A_10 = arith.constant 0 : index
    %get3A_11 = arith.constant 0 : index
    %get3A_12 = vector.load %arg2[%get3A_10, %get3A_11] : memref<5000x64xf32, #tpu.memory_space<vmem>>, vector<5000x64xf32>
    %add3A_13 = arith.addf %get3A_9, %get3A_12 : vector<5000x64xf32>
    %div3A = vector.broadcast %max3A_6 : vector<5000x1xf32> to vector<5000x64xf32>
    %div3A_14 = arith.divf %add3A_13, %div3A : vector<5000x64xf32>
    %get3A_15 = arith.constant 0 : index
    %get3A_16 = arith.constant 0 : index
    %get3A_17 = vector.load %arg3[%get3A_15, %get3A_16] : memref<5000x64xf32, #tpu.memory_space<vmem>>, vector<5000x64xf32>
    %get3A_18 = arith.constant 0 : index
    %get3A_19 = arith.constant 0 : index
    %get3A_20 = vector.load %arg4[%get3A_18, %get3A_19] : memref<5000x64xf32, #tpu.memory_space<vmem>>, vector<5000x64xf32>
    %add3A_21 = arith.addf %get3A_17, %get3A_20 : vector<5000x64xf32>
    %div3A_22 = vector.broadcast %max3A_6 : vector<5000x1xf32> to vector<5000x64xf32>
    %div3A_23 = arith.divf %add3A_21, %div3A_22 : vector<5000x64xf32>
    %get3A_24 = arith.constant 0 : index
    %get3A_25 = arith.constant 0 : index
    %get3A_26 = vector.load %arg8[%get3A_24, %get3A_25] : memref<128x128xf32, #tpu.memory_space<vmem>>, vector<64x128xf32>
    %dot_general3A = arith.constant dense<0.000000e+00> : vector<5000x128xf32>
    %dot_general3A_27 = tpu.matmul %div3A_14, %get3A_26, %dot_general3A {dimension_numbers = #tpu.dot_dimension_numbers<[1], [0], [0], [1], [0, 0, 1, 1], [], []>, transpose_lhs_hint = false} : vector<5000x64xf32>, vector<64x128xf32>, vector<5000x128xf32> -> vector<5000x128xf32>
    %get3A_28 = arith.constant 64 : index
    %get3A_29 = arith.constant 0 : index
    %get3A_30 = vector.load %arg8[%get3A_28, %get3A_29] : memref<128x128xf32, #tpu.memory_space<vmem>>, vector<64x128xf32>
    %dot_general3A_31 = arith.constant dense<0.000000e+00> : vector<5000x128xf32>
    %dot_general3A_32 = tpu.matmul %div3A_23, %get3A_30, %dot_general3A_31 {dimension_numbers = #tpu.dot_dimension_numbers<[1], [0], [0], [1], [0, 0, 1, 1], [], []>, transpose_lhs_hint = false} : vector<5000x64xf32>, vector<64x128xf32>, vector<5000x128xf32> -> vector<5000x128xf32>
    %add3A_33 = arith.addf %dot_general3A_27, %dot_general3A_32 : vector<5000x128xf32>
    %get3A_34 = arith.constant 0 : index
    %get3A_35 = arith.constant 0 : index
    %get3A_36 = vector.load %arg9[%get3A_34, %get3A_35] : memref<1x128xf32, #tpu.memory_space<vmem>>, vector<1x128xf32>
    %add3A_37 = vector.broadcast %get3A_36 : vector<1x128xf32> to vector<5000x128xf32>
    %add3A_38 = arith.addf %add3A_33, %add3A_37 : vector<5000x128xf32>
    %max3A_39 = arith.constant 0.000000e+00 : f32
    %max3A_40 = vector.broadcast %max3A_39 : f32 to vector<5000x128xf32>
    %max3A_41 = arith.maximumf %add3A_38, %max3A_40 : vector<5000x128xf32>
    %get3A_42 = arith.constant 0 : index
    %get3A_43 = arith.constant 0 : index
    %get3A_44 = vector.load %arg10[%get3A_42, %get3A_43] : memref<128x384xf32, #tpu.memory_space<vmem>>, vector<128x384xf32>
    %dot_general3A_45 = arith.constant dense<0.000000e+00> : vector<5000x384xf32>
    %dot_general3A_46 = tpu.matmul %max3A_41, %get3A_44, %dot_general3A_45 {dimension_numbers = #tpu.dot_dimension_numbers<[1], [0], [0], [1], [0, 0, 1, 1], [], []>, transpose_lhs_hint = false} : vector<5000x128xf32>, vector<128x384xf32>, vector<5000x384xf32> -> vector<5000x384xf32>
    %get3A_47 = arith.constant 0 : index
    %get3A_48 = arith.constant 0 : index
    %get3A_49 = vector.load %arg12[%get3A_47, %get3A_48] : memref<1x384xf32, #tpu.memory_space<vmem>>, vector<1x384xf32>
    %add3A_50 = vector.broadcast %get3A_49 : vector<1x384xf32> to vector<5000x384xf32>
    %add3A_51 = arith.addf %dot_general3A_46, %add3A_50 : vector<5000x384xf32>
    %get3A_52 = arith.constant 0 : index
    %get3A_53 = arith.constant 0 : index
    %get3A_54 = vector.load %arg7[%get3A_52, %get3A_53] : memref<5000x128xf32, #tpu.memory_space<vmem>>, vector<5000x128xf32>
    %get3A_55 = arith.constant 0 : index
    %get3A_56 = arith.constant 0 : index
    %get3A_57 = vector.load %arg11[%get3A_55, %get3A_56] : memref<128x384xf32, #tpu.memory_space<vmem>>, vector<128x384xf32>
    %dot_general3A_58 = arith.constant dense<0.000000e+00> : vector<5000x384xf32>
    %dot_general3A_59 = tpu.matmul %get3A_54, %get3A_57, %dot_general3A_58 {dimension_numbers = #tpu.dot_dimension_numbers<[1], [0], [0], [1], [0, 0, 1, 1], [], []>, transpose_lhs_hint = false} : vector<5000x128xf32>, vector<128x384xf32>, vector<5000x384xf32> -> vector<5000x384xf32>
    %get3A_60 = arith.constant 0 : index
    %get3A_61 = arith.constant 0 : index
    %get3A_62 = vector.load %arg13[%get3A_60, %get3A_61] : memref<1x384xf32, #tpu.memory_space<vmem>>, vector<1x384xf32>
    %add3A_63 = vector.broadcast %get3A_62 : vector<1x384xf32> to vector<5000x384xf32>
    %add3A_64 = arith.addf %dot_general3A_59, %add3A_63 : vector<5000x384xf32>
    %slice3A = vector.extract_strided_slice %add3A_51 {offsets = [0, 0], sizes = [5000, 128], strides = [1, 1]} : vector<5000x384xf32> to vector<5000x128xf32>
    %slice3A_65 = vector.extract_strided_slice %add3A_64 {offsets = [0, 0], sizes = [5000, 128], strides = [1, 1]} : vector<5000x384xf32> to vector<5000x128xf32>
    %add3A_66 = arith.addf %slice3A, %slice3A_65 : vector<5000x128xf32>
    %logistic3A = arith.negf %add3A_66 : vector<5000x128xf32>
    %logistic3A_67 = math.exp %logistic3A : vector<5000x128xf32>
    %logistic3A_68 = arith.constant 1.000000e+00 : f32
    %logistic3A_69 = vector.broadcast %logistic3A_68 : f32 to vector<5000x128xf32>
    %logistic3A_70 = arith.addf %logistic3A_69, %logistic3A_67 : vector<5000x128xf32>
    %logistic3A_71 = arith.divf %logistic3A_69, %logistic3A_70 : vector<5000x128xf32>
    %slice3A_72 = vector.extract_strided_slice %add3A_51 {offsets = [0, 128], sizes = [5000, 128], strides = [1, 1]} : vector<5000x384xf32> to vector<5000x128xf32>
    %slice3A_73 = vector.extract_strided_slice %add3A_64 {offsets = [0, 128], sizes = [5000, 128], strides = [1, 1]} : vector<5000x384xf32> to vector<5000x128xf32>
    %add3A_74 = arith.addf %slice3A_72, %slice3A_73 : vector<5000x128xf32>
    %logistic3A_75 = arith.negf %add3A_74 : vector<5000x128xf32>
    %logistic3A_76 = math.exp %logistic3A_75 : vector<5000x128xf32>
    %logistic3A_77 = arith.constant 1.000000e+00 : f32
    %logistic3A_78 = vector.broadcast %logistic3A_77 : f32 to vector<5000x128xf32>
    %logistic3A_79 = arith.addf %logistic3A_78, %logistic3A_76 : vector<5000x128xf32>
    %logistic3A_80 = arith.divf %logistic3A_78, %logistic3A_79 : vector<5000x128xf32>
    %slice3A_81 = vector.extract_strided_slice %add3A_51 {offsets = [0, 256], sizes = [5000, 128], strides = [1, 1]} : vector<5000x384xf32> to vector<5000x128xf32>
    %slice3A_82 = vector.extract_strided_slice %add3A_64 {offsets = [0, 256], sizes = [5000, 128], strides = [1, 1]} : vector<5000x384xf32> to vector<5000x128xf32>
    %mul3A = arith.mulf %logistic3A_71, %slice3A_82 : vector<5000x128xf32>
    %add3A_83 = arith.addf %slice3A_81, %mul3A : vector<5000x128xf32>
    %tanh3A = math.tanh %add3A_83 : vector<5000x128xf32>
    %sub3A = arith.constant 1.000000e+00 : f32
    %sub3A_84 = vector.broadcast %sub3A : f32 to vector<5000x128xf32>
    %sub3A_85 = arith.subf %sub3A_84, %logistic3A_80 : vector<5000x128xf32>
    %mul3A_86 = arith.mulf %sub3A_85, %tanh3A : vector<5000x128xf32>
    %get3A_87 = arith.constant 0 : index
    %get3A_88 = arith.constant 0 : index
    %get3A_89 = vector.load %arg7[%get3A_87, %get3A_88] : memref<5000x128xf32, #tpu.memory_space<vmem>>, vector<5000x128xf32>
    %mul3A_90 = arith.mulf %logistic3A_80, %get3A_89 : vector<5000x128xf32>
    %add3A_91 = arith.addf %mul3A_86, %mul3A_90 : vector<5000x128xf32>
    %swap3A = arith.constant 0 : index
    %swap3A_92 = arith.constant 0 : index
    %swap3A_93 = vector.load %arg14[%swap3A, %swap3A_92] : memref<5000x128xf32, #tpu.memory_space<vmem>>, vector<5000x128xf32>
    tpu.vector_store %arg14[%swap3A, %swap3A_92], %add3A_91 {strides = array<i32>} : memref<5000x128xf32, #tpu.memory_space<vmem>>, vector<5000x128xf32>,
    return
  }
  func.func @transform_0(%arg0: i32) -> (i32, i32) {
    %c0_i32 = arith.constant 0 : i32
    %c0_i32_0 = arith.constant 0 : i32
    return %arg0, %c0_i32 : i32, i32
  }
  func.func @transform_1(%arg0: i32) -> (i32, i32) {
    %c0_i32 = arith.constant 0 : i32
    %c0_i32_0 = arith.constant 0 : i32
    return %arg0, %c0_i32 : i32, i32
  }
  func.func @transform_2(%arg0: i32) -> (i32, i32) {
    %c0_i32 = arith.constant 0 : i32
    %c0_i32_0 = arith.constant 0 : i32
    return %arg0, %c0_i32 : i32, i32
  }
  func.func @transform_3(%arg0: i32) -> (i32, i32) {
    %c0_i32 = arith.constant 0 : i32
    %c0_i32_0 = arith.constant 0 : i32
    return %arg0, %c0_i32 : i32, i32
  }
  func.func @transform_4(%arg0: i32) -> (i32, i32) {
    %c0_i32 = arith.constant 0 : i32
    %c0_i32_0 = arith.constant 0 : i32
    return %arg0, %c0_i32 : i32, i32
  }
  func.func @transform_5(%arg0: i32) -> (i32, i32) {
    %c0_i32 = arith.constant 0 : i32
    %c0_i32_0 = arith.constant 0 : i32
    return %arg0, %c0_i32 : i32, i32
  }
  func.func @transform_6(%arg0: i32) -> (i32, i32) {
    %c0_i32 = arith.constant 0 : i32
    %c0_i32_0 = arith.constant 0 : i32
    return %arg0, %c0_i32 : i32, i32
  }
  func.func @transform_7(%arg0: i32) -> (i32, i32) {
    %c0_i32 = arith.constant 0 : i32
    %c0_i32_0 = arith.constant 0 : i32
    %c0_i32_1 = arith.constant 0 : i32
    return %c0_i32, %c0_i32_0 : i32, i32
  }
  func.func @transform_8(%arg0: i32) -> (i32, i32) {
    %c0_i32 = arith.constant 0 : i32
    %c0_i32_0 = arith.constant 0 : i32
    %c0_i32_1 = arith.constant 0 : i32
    return %c0_i32, %c0_i32_0 : i32, i32
  }
  func.func @transform_9(%arg0: i32) -> (i32, i32) {
    %c0_i32 = arith.constant 0 : i32
    %c0_i32_0 = arith.constant 0 : i32
    %c0_i32_1 = arith.constant 0 : i32
    return %c0_i32, %c0_i32_0 : i32, i32
  }
  func.func @transform_10(%arg0: i32) -> (i32, i32) {
    %c0_i32 = arith.constant 0 : i32
    %c0_i32_0 = arith.constant 0 : i32
    %c0_i32_1 = arith.constant 0 : i32
    return %c0_i32, %c0_i32_0 : i32, i32
  }
  func.func @transform_11(%arg0: i32) -> (i32, i32) {
    %c0_i32 = arith.constant 0 : i32
    %c0_i32_0 = arith.constant 0 : i32
    %c0_i32_1 = arith.constant 0 : i32
    return %c0_i32, %c0_i32_0 : i32, i32
  }
  func.func @transform_12(%arg0: i32) -> (i32, i32) {
    %c0_i32 = arith.constant 0 : i32
    %c0_i32_0 = arith.constant 0 : i32
    %c0_i32_1 = arith.constant 0 : i32
    return %c0_i32, %c0_i32_0 : i32, i32
  }
  func.func @transform_13(%arg0: i32) -> (i32, i32) {
    %c0_i32 = arith.constant 0 : i32
    %c0_i32_0 = arith.constant 0 : i32
    return %arg0, %c0_i32 : i32, i32
  }
}

module attributes {stable_mosaic.version = 14 : i64} {
  func.func @_s2s_body(%arg0: i32, %arg1: memref<10000x128xf32, #tpu.memory_space<vmem>>, %arg2: memref<10000x1xi32, #tpu.memory_space<vmem>>, %arg3: memref<128x512xf32, #tpu.memory_space<vmem>>, %arg4: memref<128x512xf32, #tpu.memory_space<vmem>>, %arg5: memref<128x512xf32, #tpu.memory_space<vmem>>, %arg6: memref<1x512xf32, #tpu.memory_space<vmem>>, %arg7: memref<128x128xf32, #tpu.memory_space<vmem>>, %arg8: memref<128x128xf32, #tpu.memory_space<vmem>>, %arg9: memref<1x128xf32, #tpu.memory_space<vmem>>, %arg10: memref<128x2xf32, #tpu.memory_space<vmem>>, %arg11: memref<1x2xf32, #tpu.memory_space<vmem>>, %arg12: memref<64x2xf32, #tpu.memory_space<vmem>>, %arg13: memref<64x128xf32, #tpu.memory_space<vmem>>, %arg14: memref<64x128xf32, #tpu.memory_space<vmem>>, %arg15: memref<64x128xf32, #tpu.memory_space<vmem>>, %arg16: memref<64x1xf32, #tpu.memory_space<vmem>>) attributes {dimension_semantics = [#tpu.dimension_semantics<arbitrary>], iteration_bounds = array<i64: 3>, scalar_prefetch = 0 : i64, scratch_operands = 4 : i64, tpu.core_type = #tpu.core_type<tc>, window_params = [{pipeline_mode = #tpu.pipeline_mode<synchronous>, transform_indices = @transform_0, window_bounds = array<i64: 10000, 128>}, {pipeline_mode = #tpu.pipeline_mode<synchronous>, transform_indices = @transform_1, window_bounds = array<i64: 10000, 1>}, {pipeline_mode = #tpu.pipeline_mode<synchronous>, transform_indices = @transform_2, window_bounds = array<i64: 128, 512>}, {pipeline_mode = #tpu.pipeline_mode<synchronous>, transform_indices = @transform_3, window_bounds = array<i64: 128, 512>}, {pipeline_mode = #tpu.pipeline_mode<synchronous>, transform_indices = @transform_4, window_bounds = array<i64: 128, 512>}, {pipeline_mode = #tpu.pipeline_mode<synchronous>, transform_indices = @transform_5, window_bounds = array<i64: 1, 512>}, {pipeline_mode = #tpu.pipeline_mode<synchronous>, transform_indices = @transform_6, window_bounds = array<i64: 128, 128>}, {pipeline_mode = #tpu.pipeline_mode<synchronous>, transform_indices = @transform_7, window_bounds = array<i64: 128, 128>}, {pipeline_mode = #tpu.pipeline_mode<synchronous>, transform_indices = @transform_8, window_bounds = array<i64: 1, 128>}, {pipeline_mode = #tpu.pipeline_mode<synchronous>, transform_indices = @transform_9, window_bounds = array<i64: 128, 2>}, {pipeline_mode = #tpu.pipeline_mode<synchronous>, transform_indices = @transform_10, window_bounds = array<i64: 1, 2>}, {pipeline_mode = #tpu.pipeline_mode<synchronous>, transform_indices = @transform_11, window_bounds = array<i64: 64, 2>}]} {
    %eq3A = arith.constant 0 : i32
    %eq3A_0 = arith.cmpi eq, %arg0, %eq3A : i32
    %convert_element_type3A = arith.extui %eq3A_0 : i1 to i32
    %cond3A = arith.constant 0 : i32
    %cond3A_1 = arith.cmpi ne, %convert_element_type3A, %cond3A : i32
    scf.if %cond3A_1 {
      %broadcast_in_dim3A_122 = arith.constant 0.000000e+00 : f32
      %broadcast_in_dim3A_123 = vector.broadcast %broadcast_in_dim3A_122 : f32 to vector<64x128xf32>
      %swap3A_124 = arith.constant 0 : index
      %swap3A_125 = arith.constant 0 : index
      %swap3A_126 = vector.load %arg13[%swap3A_124, %swap3A_125] : memref<64x128xf32, #tpu.memory_space<vmem>>, vector<64x128xf32>
      tpu.vector_store %arg13[%swap3A_124, %swap3A_125], %broadcast_in_dim3A_123 {strides = array<i32>} : memref<64x128xf32, #tpu.memory_space<vmem>>, vector<64x128xf32>,
      %broadcast_in_dim3A_127 = arith.constant 0.000000e+00 : f32
      %broadcast_in_dim3A_128 = vector.broadcast %broadcast_in_dim3A_127 : f32 to vector<64x128xf32>
      %swap3A_129 = arith.constant 0 : index
      %swap3A_130 = arith.constant 0 : index
      %swap3A_131 = vector.load %arg14[%swap3A_129, %swap3A_130] : memref<64x128xf32, #tpu.memory_space<vmem>>, vector<64x128xf32>
      tpu.vector_store %arg14[%swap3A_129, %swap3A_130], %broadcast_in_dim3A_128 {strides = array<i32>} : memref<64x128xf32, #tpu.memory_space<vmem>>, vector<64x128xf32>,
      %broadcast_in_dim3A_132 = arith.constant 0.000000e+00 : f32
      %broadcast_in_dim3A_133 = vector.broadcast %broadcast_in_dim3A_132 : f32 to vector<64x128xf32>
      %swap3A_134 = arith.constant 0 : index
      %swap3A_135 = arith.constant 0 : index
      %swap3A_136 = vector.load %arg15[%swap3A_134, %swap3A_135] : memref<64x128xf32, #tpu.memory_space<vmem>>, vector<64x128xf32>
      tpu.vector_store %arg15[%swap3A_134, %swap3A_135], %broadcast_in_dim3A_133 {strides = array<i32>} : memref<64x128xf32, #tpu.memory_space<vmem>>, vector<64x128xf32>,
      %broadcast_in_dim3A_137 = arith.constant 1.000000e+00 : f32
      %broadcast_in_dim3A_138 = vector.broadcast %broadcast_in_dim3A_137 : f32 to vector<64x1xf32>
      %swap3A_139 = arith.constant 0 : index
      %swap3A_140 = arith.constant 0 : index
      %swap3A_141 = vector.load %arg16[%swap3A_139, %swap3A_140] : memref<64x1xf32, #tpu.memory_space<vmem>>, vector<64x1xf32>
      tpu.vector_store %arg16[%swap3A_139, %swap3A_140], %broadcast_in_dim3A_138 {strides = array<i32>} : memref<64x1xf32, #tpu.memory_space<vmem>>, vector<64x1xf32>,
    } else {
    }
    %get3A = arith.constant 0 : index
    %get3A_2 = arith.constant 0 : index
    %get3A_3 = vector.load %arg15[%get3A, %get3A_2] : memref<64x128xf32, #tpu.memory_space<vmem>>, vector<64x128xf32>
    %get3A_4 = arith.constant 0 : index
    %get3A_5 = arith.constant 0 : index
    %get3A_6 = vector.load %arg16[%get3A_4, %get3A_5] : memref<64x1xf32, #tpu.memory_space<vmem>>, vector<64x1xf32>
    %add3A = arith.constant 1.000000e-16 : f32
    %add3A_7 = vector.broadcast %add3A : f32 to vector<64x1xf32>
    %add3A_8 = arith.addf %get3A_6, %add3A_7 : vector<64x1xf32>
    %div3A = vector.broadcast %add3A_8 : vector<64x1xf32> to vector<64x128xf32>
    %div3A_9 = arith.divf %get3A_3, %div3A : vector<64x128xf32>
    %get3A_10 = arith.constant 0 : index
    %get3A_11 = arith.constant 0 : index
    %get3A_12 = vector.load %arg13[%get3A_10, %get3A_11] : memref<64x128xf32, #tpu.memory_space<vmem>>, vector<64x128xf32>
    %get3A_13 = arith.constant 0 : index
    %get3A_14 = arith.constant 0 : index
    %get3A_15 = vector.load %arg3[%get3A_13, %get3A_14] : memref<128x512xf32, #tpu.memory_space<vmem>>, vector<128x512xf32>
    %dot_general3A = arith.constant dense<0.000000e+00> : vector<64x512xf32>
    %dot_general3A_16 = tpu.matmul %get3A_12, %get3A_15, %dot_general3A {dimension_numbers = #tpu.dot_dimension_numbers<[1], [0], [0], [1], [0, 0, 1, 1], [], []>, transpose_lhs_hint = false} : vector<64x128xf32>, vector<128x512xf32>, vector<64x512xf32> -> vector<64x512xf32>
    %get3A_17 = arith.constant 0 : index
    %get3A_18 = arith.constant 0 : index
    %get3A_19 = vector.load %arg4[%get3A_17, %get3A_18] : memref<128x512xf32, #tpu.memory_space<vmem>>, vector<128x512xf32>
    %dot_general3A_20 = arith.constant dense<0.000000e+00> : vector<64x512xf32>
    %dot_general3A_21 = tpu.matmul %div3A_9, %get3A_19, %dot_general3A_20 {dimension_numbers = #tpu.dot_dimension_numbers<[1], [0], [0], [1], [0, 0, 1, 1], [], []>, transpose_lhs_hint = false} : vector<64x128xf32>, vector<128x512xf32>, vector<64x512xf32> -> vector<64x512xf32>
    %add3A_22 = arith.addf %dot_general3A_16, %dot_general3A_21 : vector<64x512xf32>
    %get3A_23 = arith.constant 0 : index
    %get3A_24 = arith.constant 0 : index
    %get3A_25 = vector.load %arg13[%get3A_23, %get3A_24] : memref<64x128xf32, #tpu.memory_space<vmem>>, vector<64x128xf32>
    %get3A_26 = arith.constant 0 : index
    %get3A_27 = arith.constant 0 : index
    %get3A_28 = vector.load %arg5[%get3A_26, %get3A_27] : memref<128x512xf32, #tpu.memory_space<vmem>>, vector<128x512xf32>
    %dot_general3A_29 = arith.constant dense<0.000000e+00> : vector<64x512xf32>
    %dot_general3A_30 = tpu.matmul %get3A_25, %get3A_28, %dot_general3A_29 {dimension_numbers = #tpu.dot_dimension_numbers<[1], [0], [0], [1], [0, 0, 1, 1], [], []>, transpose_lhs_hint = false} : vector<64x128xf32>, vector<128x512xf32>, vector<64x512xf32> -> vector<64x512xf32>
    %add3A_31 = arith.addf %add3A_22, %dot_general3A_30 : vector<64x512xf32>
    %get3A_32 = arith.constant 0 : index
    %get3A_33 = arith.constant 0 : index
    %get3A_34 = vector.load %arg6[%get3A_32, %get3A_33] : memref<1x512xf32, #tpu.memory_space<vmem>>, vector<1x512xf32>
    %add3A_35 = vector.broadcast %get3A_34 : vector<1x512xf32> to vector<64x512xf32>
    %add3A_36 = arith.addf %add3A_31, %add3A_35 : vector<64x512xf32>
    %slice3A = vector.extract_strided_slice %add3A_36 {offsets = [0, 0], sizes = [64, 128], strides = [1, 1]} : vector<64x512xf32> to vector<64x128xf32>
    %logistic3A = arith.negf %slice3A : vector<64x128xf32>
    %logistic3A_37 = math.exp %logistic3A : vector<64x128xf32>
    %logistic3A_38 = arith.constant 1.000000e+00 : f32
    %logistic3A_39 = vector.broadcast %logistic3A_38 : f32 to vector<64x128xf32>
    %logistic3A_40 = arith.addf %logistic3A_39, %logistic3A_37 : vector<64x128xf32>
    %logistic3A_41 = arith.divf %logistic3A_39, %logistic3A_40 : vector<64x128xf32>
    %slice3A_42 = vector.extract_strided_slice %add3A_36 {offsets = [0, 128], sizes = [64, 128], strides = [1, 1]} : vector<64x512xf32> to vector<64x128xf32>
    %logistic3A_43 = arith.negf %slice3A_42 : vector<64x128xf32>
    %logistic3A_44 = math.exp %logistic3A_43 : vector<64x128xf32>
    %logistic3A_45 = arith.constant 1.000000e+00 : f32
    %logistic3A_46 = vector.broadcast %logistic3A_45 : f32 to vector<64x128xf32>
    %logistic3A_47 = arith.addf %logistic3A_46, %logistic3A_44 : vector<64x128xf32>
    %logistic3A_48 = arith.divf %logistic3A_46, %logistic3A_47 : vector<64x128xf32>
    %slice3A_49 = vector.extract_strided_slice %add3A_36 {offsets = [0, 256], sizes = [64, 128], strides = [1, 1]} : vector<64x512xf32> to vector<64x128xf32>
    %tanh3A = math.tanh %slice3A_49 : vector<64x128xf32>
    %slice3A_50 = vector.extract_strided_slice %add3A_36 {offsets = [0, 384], sizes = [64, 128], strides = [1, 1]} : vector<64x512xf32> to vector<64x128xf32>
    %logistic3A_51 = arith.negf %slice3A_50 : vector<64x128xf32>
    %logistic3A_52 = math.exp %logistic3A_51 : vector<64x128xf32>
    %logistic3A_53 = arith.constant 1.000000e+00 : f32
    %logistic3A_54 = vector.broadcast %logistic3A_53 : f32 to vector<64x128xf32>
    %logistic3A_55 = arith.addf %logistic3A_54, %logistic3A_52 : vector<64x128xf32>
    %logistic3A_56 = arith.divf %logistic3A_54, %logistic3A_55 : vector<64x128xf32>
    %get3A_57 = arith.constant 0 : index
    %get3A_58 = arith.constant 0 : index
    %get3A_59 = vector.load %arg14[%get3A_57, %get3A_58] : memref<64x128xf32, #tpu.memory_space<vmem>>, vector<64x128xf32>
    %mul3A = arith.mulf %logistic3A_48, %get3A_59 : vector<64x128xf32>
    %mul3A_60 = arith.mulf %logistic3A_41, %tanh3A : vector<64x128xf32>
    %add3A_61 = arith.addf %mul3A, %mul3A_60 : vector<64x128xf32>
    %tanh3A_62 = math.tanh %add3A_61 : vector<64x128xf32>
    %mul3A_63 = arith.mulf %logistic3A_56, %tanh3A_62 : vector<64x128xf32>
    %swap3A = arith.constant 0 : index
    %swap3A_64 = arith.constant 0 : index
    %swap3A_65 = vector.load %arg14[%swap3A, %swap3A_64] : memref<64x128xf32, #tpu.memory_space<vmem>>, vector<64x128xf32>
    tpu.vector_store %arg14[%swap3A, %swap3A_64], %add3A_61 {strides = array<i32>} : memref<64x128xf32, #tpu.memory_space<vmem>>, vector<64x128xf32>,
    %swap3A_66 = arith.constant 0 : index
    %swap3A_67 = arith.constant 0 : index
    %swap3A_68 = vector.load %arg13[%swap3A_66, %swap3A_67] : memref<64x128xf32, #tpu.memory_space<vmem>>, vector<64x128xf32>
    tpu.vector_store %arg13[%swap3A_66, %swap3A_67], %mul3A_63 {strides = array<i32>} : memref<64x128xf32, #tpu.memory_space<vmem>>, vector<64x128xf32>,
    %get3A_69 = arith.constant 0 : index
    %get3A_70 = arith.constant 0 : index
    %get3A_71 = vector.load %arg2[%get3A_69, %get3A_70] : memref<10000x1xi32, #tpu.memory_space<vmem>>, vector<10000x1xi32>
    %get3A_72 = vector.shape_cast %get3A_71 : vector<10000x1xi32> to vector<10000xi32>
    %broadcast_in_dim3A = vector.shape_cast %get3A_72 : vector<10000xi32> to vector<10000x1xi32>
    %iota3A = tpu.iota {dimensions = array<i32: 1>} : vector<10000x64xi32>
    %eq3A_73 = vector.broadcast %broadcast_in_dim3A : vector<10000x1xi32> to vector<10000x64xi32>
    %eq3A_74 = arith.cmpi eq, %eq3A_73, %iota3A : vector<10000x64xi32>
    %convert_element_type3A_75 = arith.extui %eq3A_74 : vector<10000x64xi1> to vector<10000x64xi32>
    %convert_element_type3A_76 = arith.sitofp %convert_element_type3A_75 : vector<10000x64xi32> to vector<10000x64xf32>
    %dot_general3A_77 = arith.constant dense<0.000000e+00> : vector<10000x128xf32>
    %dot_general3A_78 = tpu.matmul %convert_element_type3A_76, %mul3A_63, %dot_general3A_77 {dimension_numbers = #tpu.dot_dimension_numbers<[1], [0], [0], [1], [0, 0, 1, 1], [], []>, transpose_lhs_hint = false} : vector<10000x64xf32>, vector<64x128xf32>, vector<10000x128xf32> -> vector<10000x128xf32>
    %get3A_79 = arith.constant 0 : index
    %get3A_80 = arith.constant 0 : index
    %get3A_81 = vector.load %arg1[%get3A_79, %get3A_80] : memref<10000x128xf32, #tpu.memory_space<vmem>>, vector<10000x128xf32>
    %mul3A_82 = arith.mulf %get3A_81, %dot_general3A_78 : vector<10000x128xf32>
    %reduce_sum3A = arith.constant dense<0.000000e+00> : vector<10000xf32>
    %reduce_sum3A_83 = vector.multi_reduction <add>, %mul3A_82, %reduce_sum3A [1] : vector<10000x128xf32> to vector<10000xf32>
    %broadcast_in_dim3A_84 = vector.shape_cast %reduce_sum3A_83 : vector<10000xf32> to vector<10000x1xf32>
    %jit3A = arith.constant -1.000000e+30 : f32
    %broadcast_in_dim3A_85 = vector.shape_cast %broadcast_in_dim3A_84 : vector<10000x1xf32> to vector<10000x1xf32>
    %broadcast_in_dim3A_86 = vector.broadcast %broadcast_in_dim3A_85 : vector<10000x1xf32> to vector<10000x64xf32>
    %broadcast_in_dim3A_87 = vector.broadcast %jit3A : f32 to vector<10000x64xf32>
    %select_n3A = arith.select %eq3A_74, %broadcast_in_dim3A_86, %broadcast_in_dim3A_87 : vector<10000x64xi1>, vector<10000x64xf32>
    %reduce_max3A = arith.constant dense<0xFF800000> : vector<64xf32>
    %reduce_max3A_88 = vector.multi_reduction <maximumf>, %select_n3A, %reduce_max3A [0] : vector<10000x64xf32> to vector<64xf32>
    %broadcast_in_dim3A_89 = vector.shape_cast %reduce_max3A_88 : vector<64xf32> to vector<1x64xf32>
    %mul3A_90 = vector.broadcast %broadcast_in_dim3A_89 : vector<1x64xf32> to vector<10000x64xf32>
    %mul3A_91 = arith.mulf %convert_element_type3A_76, %mul3A_90 : vector<10000x64xf32>
    %reduce_sum3A_92 = arith.constant dense<0.000000e+00> : vector<10000xf32>
    %reduce_sum3A_93 = vector.multi_reduction <add>, %mul3A_91, %reduce_sum3A_92 [1] : vector<10000x64xf32> to vector<10000xf32>
    %sub3A = arith.subf %reduce_sum3A_83, %reduce_sum3A_93 : vector<10000xf32>
    %exp3A = math.exp %sub3A : vector<10000xf32>
    %iota3A_94 = tpu.iota {dimensions = array<i32: 0>} : vector<64x10000xi32>
    %broadcast_in_dim3A_95 = vector.shape_cast %get3A_72 : vector<10000xi32> to vector<1x10000xi32>
    %eq3A_96 = vector.broadcast %broadcast_in_dim3A_95 : vector<1x10000xi32> to vector<64x10000xi32>
    %eq3A_97 = arith.cmpi eq, %iota3A_94, %eq3A_96 : vector<64x10000xi32>
    %convert_element_type3A_98 = arith.extui %eq3A_97 : vector<64x10000xi1> to vector<64x10000xi32>
    %convert_element_type3A_99 = arith.sitofp %convert_element_type3A_98 : vector<64x10000xi32> to vector<64x10000xf32>
    %broadcast_in_dim3A_100 = vector.shape_cast %exp3A : vector<10000xf32> to vector<10000x1xf32>
    %get3A_101 = arith.constant 0 : index
    %get3A_102 = arith.constant 0 : index
    %get3A_103 = vector.load %arg1[%get3A_101, %get3A_102] : memref<10000x128xf32, #tpu.memory_space<vmem>>, vector<10000x128xf32>
    %mul3A_104 = vector.broadcast %broadcast_in_dim3A_100 : vector<10000x1xf32> to vector<10000x128xf32>
    %mul3A_105 = arith.mulf %mul3A_104, %get3A_103 : vector<10000x128xf32>
    %dot_general3A_106 = arith.constant dense<0.000000e+00> : vector<64x128xf32>
    %dot_general3A_107 = tpu.matmul %convert_element_type3A_99, %mul3A_105, %dot_general3A_106 {dimension_numbers = #tpu.dot_dimension_numbers<[1], [0], [0], [1], [0, 0, 1, 1], [], []>, transpose_lhs_hint = false} : vector<64x10000xf32>, vector<10000x128xf32>, vector<64x128xf32> -> vector<64x128xf32>
    %broadcast_in_dim3A_108 = vector.shape_cast %exp3A : vector<10000xf32> to vector<10000x1xf32>
    %dot_general3A_109 = arith.constant dense<0.000000e+00> : vector<64x1xf32>
    %dot_general3A_110 = tpu.matmul %convert_element_type3A_99, %broadcast_in_dim3A_108, %dot_general3A_109 {dimension_numbers = #tpu.dot_dimension_numbers<[1], [0], [0], [1], [0, 0, 1, 1], [], []>, transpose_lhs_hint = false} : vector<64x10000xf32>, vector<10000x1xf32>, vector<64x1xf32> -> vector<64x1xf32>
    %swap3A_111 = arith.constant 0 : index
    %swap3A_112 = arith.constant 0 : index
    %swap3A_113 = vector.load %arg15[%swap3A_111, %swap3A_112] : memref<64x128xf32, #tpu.memory_space<vmem>>, vector<64x128xf32>
    tpu.vector_store %arg15[%swap3A_111, %swap3A_112], %dot_general3A_107 {strides = array<i32>} : memref<64x128xf32, #tpu.memory_space<vmem>>, vector<64x128xf32>,
    %swap3A_114 = arith.constant 0 : index
    %swap3A_115 = arith.constant 0 : index
    %swap3A_116 = vector.load %arg16[%swap3A_114, %swap3A_115] : memref<64x1xf32, #tpu.memory_space<vmem>>, vector<64x1xf32>
    tpu.vector_store %arg16[%swap3A_114, %swap3A_115], %dot_general3A_110 {strides = array<i32>} : memref<64x1xf32, #tpu.memory_space<vmem>>, vector<64x1xf32>,
    %eq3A_117 = arith.constant 2 : i32
    %eq3A_118 = arith.cmpi eq, %arg0, %eq3A_117 : i32
    %convert_element_type3A_119 = arith.extui %eq3A_118 : i1 to i32
    %cond3A_120 = arith.constant 0 : i32
    %cond3A_121 = arith.cmpi ne, %convert_element_type3A_119, %cond3A_120 : i32
    scf.if %cond3A_121 {
      %add3A_122 = arith.constant 1.000000e-16 : f32
      %add3A_123 = vector.broadcast %add3A_122 : f32 to vector<64x1xf32>
      %add3A_124 = arith.addf %dot_general3A_110, %add3A_123 : vector<64x1xf32>
      %div3A_125 = vector.broadcast %add3A_124 : vector<64x1xf32> to vector<64x128xf32>
      %div3A_126 = arith.divf %dot_general3A_107, %div3A_125 : vector<64x128xf32>
      %get3A_127 = arith.constant 0 : index
      %get3A_128 = arith.constant 0 : index
      %get3A_129 = vector.load %arg7[%get3A_127, %get3A_128] : memref<128x128xf32, #tpu.memory_space<vmem>>, vector<128x128xf32>
      %dot_general3A_130 = arith.constant dense<0.000000e+00> : vector<64x128xf32>
      %dot_general3A_131 = tpu.matmul %mul3A_63, %get3A_129, %dot_general3A_130 {dimension_numbers = #tpu.dot_dimension_numbers<[1], [0], [0], [1], [0, 0, 1, 1], [], []>, transpose_lhs_hint = false} : vector<64x128xf32>, vector<128x128xf32>, vector<64x128xf32> -> vector<64x128xf32>
      %get3A_132 = arith.constant 0 : index
      %get3A_133 = arith.constant 0 : index
      %get3A_134 = vector.load %arg8[%get3A_132, %get3A_133] : memref<128x128xf32, #tpu.memory_space<vmem>>, vector<128x128xf32>
      %dot_general3A_135 = arith.constant dense<0.000000e+00> : vector<64x128xf32>
      %dot_general3A_136 = tpu.matmul %div3A_126, %get3A_134, %dot_general3A_135 {dimension_numbers = #tpu.dot_dimension_numbers<[1], [0], [0], [1], [0, 0, 1, 1], [], []>, transpose_lhs_hint = false} : vector<64x128xf32>, vector<128x128xf32>, vector<64x128xf32> -> vector<64x128xf32>
      %add3A_137 = arith.addf %dot_general3A_131, %dot_general3A_136 : vector<64x128xf32>
      %get3A_138 = arith.constant 0 : index
      %get3A_139 = arith.constant 0 : index
      %get3A_140 = vector.load %arg9[%get3A_138, %get3A_139] : memref<1x128xf32, #tpu.memory_space<vmem>>, vector<1x128xf32>
      %add3A_141 = vector.broadcast %get3A_140 : vector<1x128xf32> to vector<64x128xf32>
      %add3A_142 = arith.addf %add3A_137, %add3A_141 : vector<64x128xf32>
      %max3A = arith.constant 0.000000e+00 : f32
      %max3A_143 = vector.broadcast %max3A : f32 to vector<64x128xf32>
      %max3A_144 = arith.maximumf %add3A_142, %max3A_143 : vector<64x128xf32>
      %get3A_145 = arith.constant 0 : index
      %get3A_146 = arith.constant 0 : index
      %get3A_147 = vector.load %arg10[%get3A_145, %get3A_146] : memref<128x2xf32, #tpu.memory_space<vmem>>, vector<128x2xf32>
      %dot_general3A_148 = arith.constant dense<0.000000e+00> : vector<64x2xf32>
      %dot_general3A_149 = tpu.matmul %max3A_144, %get3A_147, %dot_general3A_148 {dimension_numbers = #tpu.dot_dimension_numbers<[1], [0], [0], [1], [0, 0, 1, 1], [], []>, transpose_lhs_hint = false} : vector<64x128xf32>, vector<128x2xf32>, vector<64x2xf32> -> vector<64x2xf32>
      %get3A_150 = arith.constant 0 : index
      %get3A_151 = arith.constant 0 : index
      %get3A_152 = vector.load %arg11[%get3A_150, %get3A_151] : memref<1x2xf32, #tpu.memory_space<vmem>>, vector<1x2xf32>
      %add3A_153 = vector.broadcast %get3A_152 : vector<1x2xf32> to vector<64x2xf32>
      %add3A_154 = arith.addf %dot_general3A_149, %add3A_153 : vector<64x2xf32>
      %reduce_max3A_155 = arith.constant dense<0xFF800000> : vector<64xf32>
      %reduce_max3A_156 = vector.multi_reduction <maximumf>, %add3A_154, %reduce_max3A_155 [1] : vector<64x2xf32> to vector<64xf32>
      %broadcast_in_dim3A_157 = vector.shape_cast %reduce_max3A_156 : vector<64xf32> to vector<64x1xf32>
      %sub3A_158 = vector.broadcast %broadcast_in_dim3A_157 : vector<64x1xf32> to vector<64x2xf32>
      %sub3A_159 = arith.subf %add3A_154, %sub3A_158 : vector<64x2xf32>
      %exp3A_160 = math.exp %sub3A_159 : vector<64x2xf32>
      %reduce_sum3A_161 = arith.constant dense<0.000000e+00> : vector<64xf32>
      %reduce_sum3A_162 = vector.multi_reduction <add>, %exp3A_160, %reduce_sum3A_161 [1] : vector<64x2xf32> to vector<64xf32>
      %broadcast_in_dim3A_163 = vector.shape_cast %reduce_sum3A_162 : vector<64xf32> to vector<64x1xf32>
      %log3A = math.log %broadcast_in_dim3A_163 : vector<64x1xf32>
      %add3A_164 = arith.addf %broadcast_in_dim3A_157, %log3A : vector<64x1xf32>
      %sub3A_165 = vector.broadcast %add3A_164 : vector<64x1xf32> to vector<64x2xf32>
      %sub3A_166 = arith.subf %add3A_154, %sub3A_165 : vector<64x2xf32>
      %swap3A_167 = arith.constant 0 : index
      %swap3A_168 = arith.constant 0 : index
      %swap3A_169 = vector.load %arg12[%swap3A_167, %swap3A_168] : memref<64x2xf32, #tpu.memory_space<vmem>>, vector<64x2xf32>
      tpu.vector_store %arg12[%swap3A_167, %swap3A_168], %sub3A_166 {strides = array<i32>} : memref<64x2xf32, #tpu.memory_space<vmem>>, vector<64x2xf32>,
    } else {
    }
    return
  }
  func.func @transform_0(%arg0: i32) -> (i32, i32) {
    %c0_i32 = arith.constant 0 : i32
    %c0_i32_0 = arith.constant 0 : i32
    %c0_i32_1 = arith.constant 0 : i32
    return %c0_i32, %c0_i32_0 : i32, i32
  }
  func.func @transform_1(%arg0: i32) -> (i32, i32) {
    %c0_i32 = arith.constant 0 : i32
    %c0_i32_0 = arith.constant 0 : i32
    %c0_i32_1 = arith.constant 0 : i32
    return %c0_i32, %c0_i32_0 : i32, i32
  }
  func.func @transform_2(%arg0: i32) -> (i32, i32) {
    %c0_i32 = arith.constant 0 : i32
    %c0_i32_0 = arith.constant 0 : i32
    %c0_i32_1 = arith.constant 0 : i32
    return %c0_i32, %c0_i32_0 : i32, i32
  }
  func.func @transform_3(%arg0: i32) -> (i32, i32) {
    %c0_i32 = arith.constant 0 : i32
    %c0_i32_0 = arith.constant 0 : i32
    %c0_i32_1 = arith.constant 0 : i32
    return %c0_i32, %c0_i32_0 : i32, i32
  }
  func.func @transform_4(%arg0: i32) -> (i32, i32) {
    %c0_i32 = arith.constant 0 : i32
    %c0_i32_0 = arith.constant 0 : i32
    %c0_i32_1 = arith.constant 0 : i32
    return %c0_i32, %c0_i32_0 : i32, i32
  }
  func.func @transform_5(%arg0: i32) -> (i32, i32) {
    %c0_i32 = arith.constant 0 : i32
    %c0_i32_0 = arith.constant 0 : i32
    %c0_i32_1 = arith.constant 0 : i32
    return %c0_i32, %c0_i32_0 : i32, i32
  }
  func.func @transform_6(%arg0: i32) -> (i32, i32) {
    %c0_i32 = arith.constant 0 : i32
    %c0_i32_0 = arith.constant 0 : i32
    %c0_i32_1 = arith.constant 0 : i32
    return %c0_i32, %c0_i32_0 : i32, i32
  }
  func.func @transform_7(%arg0: i32) -> (i32, i32) {
    %c0_i32 = arith.constant 0 : i32
    %c0_i32_0 = arith.constant 0 : i32
    %c0_i32_1 = arith.constant 0 : i32
    return %c0_i32, %c0_i32_0 : i32, i32
  }
  func.func @transform_8(%arg0: i32) -> (i32, i32) {
    %c0_i32 = arith.constant 0 : i32
    %c0_i32_0 = arith.constant 0 : i32
    %c0_i32_1 = arith.constant 0 : i32
    return %c0_i32, %c0_i32_0 : i32, i32
  }
  func.func @transform_9(%arg0: i32) -> (i32, i32) {
    %c0_i32 = arith.constant 0 : i32
    %c0_i32_0 = arith.constant 0 : i32
    %c0_i32_1 = arith.constant 0 : i32
    return %c0_i32, %c0_i32_0 : i32, i32
  }
  func.func @transform_10(%arg0: i32) -> (i32, i32) {
    %c0_i32 = arith.constant 0 : i32
    %c0_i32_0 = arith.constant 0 : i32
    %c0_i32_1 = arith.constant 0 : i32
    return %c0_i32, %c0_i32_0 : i32, i32
  }
  func.func @transform_11(%arg0: i32) -> (i32, i32) {
    %c0_i32 = arith.constant 0 : i32
    %c0_i32_0 = arith.constant 0 : i32
    %c0_i32_1 = arith.constant 0 : i32
    return %c0_i32, %c0_i32_0 : i32, i32
  }
}

</mosaic_0001>

<sc_bundles>
// kernel: sc_segsum.4.cloned.1.call-start
scs
__scs_entry_jumppad:
0x0: {  	(pc) =	sbr.rel $0x88, $3  }
0x1: {  	(tag) =	ssettag $0x0;
	lr =	simm.s32 $0x1  }
0x2: {  	[smem:$0x3F8B] =	sst lr;
	_ =	strace $0xD0000000  }
0x3: {  	_ = 	snop  }
0x4: {  	_ = 	snop  }
0x5: {  	_ = 	snop  }
0x6: {  	_ = 	snop  }
0x7: {  	_ = 	snop  }
__scs_overlays_trampoline_lowered:
0x8: {  	[smem:$0x3F9A] =	sst s0  }
0x9: {  	[smem:$0x3F9B] =	sst s1  }
0xa: {  	[smem:$0x3F9C] =	sst s2  }
0xb: {  	[smem:$0x3F9D] =	sst s3  }
0xc: {  	[smem:$0x3F9E] =	sst s4  }
0xd: {  	[smem:$0x3F9F] =	sst s5  }
0xe: {  	[smem:$0x3FA0] =	sst s6  }
0xf: {  	[smem:$0x3FA1] =	sst s7  }
0x10: {  	[smem:$0x3FA2] =	sst s8  }
0x11: {  	[smem:$0x3FA3] =	sst s9;
	s0 =	simm.s32 @!p0 $0x0  }
0x12: {  	s1 =	sld [smem:$0x3F89];
	s0 =	simm.s32 @p0 $0x1  }
0x13: {  	[smem:$0x3FA4] =	sst s0;
	s0 =	simm.s32 @!p1 $0x0  }
0x14: {  	s2 =	sld [smem:$0x3F88];
	s0 =	simm.s32 @p1 $0x1  }
0x15: {  	[smem:$0x3FA5] =	sst s0;
	s0 =	simm.s32 @!p2 $0x0  }
0x16: {  	s3 =	sld [smem:$0x3FDB];
	s0 =	simm.s32 @p2 $0x1  }
0x17: {  	s4 =	simm.s32 $0x1BF5;
	[smem:$0x3FA7] =	sst s0  }
0x18: {  	s0 =	sld [smem:$0x3F8A];
	_ =	swait.ge [sflag:s4], $0x0  }
0x19: {  	s7 =	sld [smem:$0x3F8B]  }
0x1a: {  	s8 =	sadd.s32 $0xFFFFE003, lr  }
0x1b: {  	s9 =	sadd.s32 $0xFFFFFEF7, lr;
	s5 =	simm.s32 $0xFFFFFFFF;
	p2 =	slt.u32 s8, $0xFFFFF086  }
0x1c: {  	p1 =	slt.u32 s9, $0xF7A;
	s5 =	simm.s32 @!p2 $0x0  }
0x1d: {  	s5 =	simm.s32 @p1 $0x1;
	p0 =	seq.s32 s7, s2  }
0x1e: {  	s7 =	smul.u32 @!p0 $0xF7A, s2;
	p2 =	seq.s32 @!p0 s5, $0x0  }
0x1f: {  	s9 =	smul.u32 $0xF7A, s1;
	s8 =	simm.s32 @!p0 $0x1BF5;
	p2 =	por !p2, p0  }
0x20: {  	[sflag:s8] =	ssyncset.s32 @!p0 $0xFFFFF086;
	s6 =	sadd.s32 @!p0 s3, s7;
	s7 =	simm.s32 @!p0 $0x108  }
0x21: {  	s3 =	sadd.s32 s3, s9;
	s6 =	sadd.s32 @!p0 $0x88, s6;
	s7 =	simm.s32 @p2 $0x1082  }
0x22: {  	[simem:s7], [sflag:s8] =	dma.local @!p0 [hbm:s6], $0xF7A  }
0x23: {  	s9 =	sor.u32 $0xD0000000, s2;
	s6 =	simm.s32 $0x108;
	_ =	swait.ge @!p0 [sflag:s8], $0x0  }
0x24: {  	s3 =	sadd.s32 $0x88, s3;
	s6 =	simm.s32 @!p1 $0x1082;
	[sflag:s4] =	ssyncset.s32 $0xFFFFF086  }
0x25: {  	[simem:s6], [sflag:s4] =	dma.local [hbm:s3], $0xF7A  }
0x26: {  	[smem:$0x3F8B] =	sst s1;
	(tag) =	ssettag s2;
	_ =	strace s9  }
0x27: {  	s1 =	sld [smem:$0x3F9B]  }
0x28: {  	s2 =	sld [smem:$0x3F9C]  }
0x29: {  	s4 =	sld [smem:$0x3F9E]  }
0x2a: {  	p0 =	seq.s32 s5, $0x0;
	s5 =	sld [smem:$0x3F9F]  }
0x2b: {  	s6 =	sld [smem:$0x3FA0]  }
0x2c: {  	s7 =	sld [smem:$0x3FA1]  }
0x2d: {  	s3 =	simm.s32 $0x108;
	s8 =	sld [smem:$0x3FA2]  }
0x2e: {  	s3 =	simm.s32 @!p0 $0x1082;
	s9 =	sld [smem:$0x3FA3]  }
0x2f: {  	lr =	sadd.s32 s0, s3;
	s0 =	sld [smem:$0x3F9A]  }
0x30: {  	s3 =	sld [smem:$0x3F9D]  }
0x31: {  	[smem:$0x3FA6] =	sst s10  }
0x32: {  	s10 =	sld [smem:$0x3FA4];
	_ =	sdelay $0x3  }
0x33: {  	p0 =	seq.s32 s10, $0x1;
	s10 =	sld [smem:$0x3FA6];
	_ =	sdelay $0x3  }
0x34: {  	[smem:$0x3FA6] =	sst s10  }
0x35: {  	s10 =	sld [smem:$0x3FA5];
	_ =	sdelay $0x3  }
0x36: {  	p1 =	seq.s32 s10, $0x1;
	s10 =	sld [smem:$0x3FA6];
	_ =	sdelay $0x3  }
0x37: {  	[smem:$0x3FA6] =	sst s10  }
0x38: {  	s10 =	sld [smem:$0x3FA7]  }
0x39: {  	_ = 	snop;
	(pc) =	sbr.ind lr, $3  }
0x3a: {  	_ = 	snop  }
0x3b: {  	_ = 	snop  }
0x3c: {  	p2 =	seq.s32 s10, $0x1;
	s10 =	sld [smem:$0x3FA6]  }
0x3d: {  	_ =	shalt  }
0x3e: {  	_ =	shalt  }
0x3f: {  	_ =	shalt  }
0x40: {  	_ =	shalt  }
0x41: {  	_ =	shalt  }
0x42: {  	_ =	shalt  }
0x43: {  	_ =	shalt  }
0x44: {  	_ =	shalt  }
0x45: {  	_ =	shalt  }
0x46: {  	_ =	shalt  }
0x47: {  	_ =	shalt  }
0x48: {  	_ =	shalt  }
0x49: {  	_ =	shalt  }
0x4a: {  	_ =	shalt  }
0x4b: {  	_ =	shalt  }
0x4c: {  	_ =	shalt  }
0x4d: {  	_ =	shalt  }
0x4e: {  	_ =	shalt  }
0x4f: {  	_ =	shalt  }
0x50: {  	_ =	shalt  }
0x51: {  	_ =	shalt  }
0x52: {  	_ =	shalt  }
0x53: {  	_ =	shalt  }
0x54: {  	_ =	shalt  }
0x55: {  	_ =	shalt  }
0x56: {  	_ =	shalt  }
0x57: {  	_ =	shalt  }
0x58: {  	_ =	shalt  }
0x59: {  	_ =	shalt  }
0x5a: {  	_ =	shalt  }
0x5b: {  	_ =	shalt  }
0x5c: {  	_ =	shalt  }
0x5d: {  	_ =	shalt  }
0x5e: {  	_ =	shalt  }
0x5f: {  	_ =	shalt  }
0x60: {  	_ =	shalt  }
0x61: {  	_ =	shalt  }
0x62: {  	_ =	shalt  }
0x63: {  	_ =	shalt  }
0x64: {  	_ =	shalt  }
0x65: {  	_ =	shalt  }
0x66: {  	_ =	shalt  }
0x67: {  	_ =	shalt  }
0x68: {  	_ =	shalt  }
0x69: {  	_ =	shalt  }
0x6a: {  	_ =	shalt  }
0x6b: {  	_ =	shalt  }
0x6c: {  	_ =	shalt  }
0x6d: {  	_ =	shalt  }
0x6e: {  	_ =	shalt  }
0x6f: {  	_ =	shalt  }
0x70: {  	_ =	shalt  }
0x71: {  	_ =	shalt  }
0x72: {  	_ =	shalt  }
0x73: {  	_ =	shalt  }
0x74: {  	_ =	shalt  }
0x75: {  	_ =	shalt  }
0x76: {  	_ =	shalt  }
0x77: {  	_ =	shalt  }
0x78: {  	_ =	shalt  }
0x79: {  	_ =	shalt  }
0x7a: {  	_ =	shalt  }
0x7b: {  	_ =	shalt  }
0x7c: {  	_ =	shalt  }
0x7d: {  	_ =	shalt  }
0x7e: {  	_ =	shalt  }
0x7f: {  	_ =	shalt  }
0x80: {  	_ =	shalt  }
0x81: {  	_ =	shalt  }
0x82: {  	_ =	shalt  }
0x83: {  	_ =	shalt  }
0x84: {  	_ =	shalt  }
0x85: {  	_ =	shalt  }
0x86: {  	_ =	shalt  }
0x87: {  	_ =	shalt  }
.Lfunc_end0:
.L_simem_size_0:
called_computation.1_lowered:
.L_overlay_start_0:
0x88: {  	s2 =	sld [smem:$0x3FD9]  }
0x89: {  	s3 =	sld [smem:$0x3FFE];
	_ =	sdelay $0x1  }
0x8a: {  	s1 =	srdreg.scid  }
0x8b: {  	s0 =	sand.u32 $0x1, s1  }
0x8c: {  	s16 =	sshll.u32 s0, $0xA;
	s2 =	sadd.s32 s3, s2  }
0x8d: {  	s2 =	sadd.s32 s2, s16  }
0x8e: {  	[smem:$0x3FB2] =	sst s2  }
0x8f: {  	_ = 	snop  }
0x90: {  	(tm) =	ssettm $0x1  }
0x91: {  	s17 =	sld [smem:$0x3FFB];
	_ =	sdelay $0x3  }
0x92: {  	_ =	strace s17  }
0x93: {  	s2 =	sld [smem:$0x3FFC];
	_ =	sdelay $0x3  }
0x94: {  	_ =	strace s2  }
0x95: {  	s2 =	sld [smem:$0x3FFD];
	_ =	sdelay $0x3  }
0x96: {  	_ =	strace s2  }
0x97: {  	_ =	strace $0x8FFFFFFF  }
0x98: {  	s18 =	sld [smem:$0x3FDB];
	_ =	sdelay $0x1  }
0x99: {  	s19 =	simm.s32 $_scs_section_size  }
0x9a: {  	s4 =	simm.s32 $_size__tile_overlayer_lowered;
	s5 =	simm.s32 $_tile_overlayer_lowered  }
0x9b: {  	s22 =	simm.s32 $0x1BFF;
	s21 =	sshll.u32 s5, $0x1;
	s2 =	sadd.s32 s19, s18  }
0x9c: {  	s6 =	simm.s32 $0x0;
	s20 =	sshll.u32 s4, $0x1;
	s4 =	sadd.s32 s21, s2  }
0x9d: {  	[timem:s6], [sflag:s22] =	dma.local [hbm:s4], s20  }
0x9e: {  	_ =	swait.ge [sflag:s22], s20  }
0x9f: {  	s3 =	ssub.s32 $0x0, s20;
	[sflag:s22] =	ssyncset.done $0x0  }
0xa0: {  	[sflag:s22] =	ssyncadd.s32 s3;
	_ =	sdelay $0x1  }
0xa1: {  	s23 =	simm.s32 $0x1B8B  }
0xa2: {  	_ =	swait.ge [sflag:s23], $0x1  }
0xa3: {  	[sflag:s23] =	ssyncset.done $0x0  }
0xa4: {  	s25 =	simm.s32 $0x1B8E;
	s24 =	sld [smem:$0x3FFE];
	[sflag:s23] =	ssyncadd.s32 $0xFFFFFFFF  }
0xa5: {  	s26 =	simm.s32 $execute0_lowered;
	[smem:$0x3FD2] =	sst s25  }
0xa6: {  	s4 =	sshll.u32 s26, $0x1;
	_ =	strace $0x80000049;
	[dreg:$0x1] =	wrdreg $0xFFFFFFFF  }
0xa7: {  	s28 =	simm.s32 $_size_execute0_lowered;
	s2 =	sadd.s32 s2, s4;
	[dreg:$0x0] =	wrdreg $0x0  }
0xa8: {  	s4 =	sshll.u32 s28, $0x1;
	[dreg:$0x2] =	wrdreg s2  }
0xa9: {  	[dreg:$0x3] =	wrdreg s4  }
0xaa: {  	[dreg:$0x4] =	wrdreg $0xC0  }
0xab: {  	_ =	task [dreg:s6], $0x5FFFF  }
0xac: {  	[dreg:$0x1] =	wrdreg $0xFFFFFFFF  }
0xad: {  	[dreg:$0x0] =	wrdreg $0x60  }
0xae: {  	[dreg:$0x2] =	wrdreg s24  }
0xaf: {  	[dreg:$0x3] =	wrdreg $0x70000  }
0xb0: {  	[dreg:$0x4] =	wrdreg $0x9  }
0xb1: {  	_ =	task.clear_ibuf [dreg:s6], $0x5FFFF;
	_ =	strace $0x90000049  }
0xb2: {  	s29 =	simm.s32 $0x9;
	_ =	strace $0x8000004B  }
0xb3: {  	_ =	swait.ge [sflag:s29], $0x1  }
0xb4: {  	[sflag:s29] =	ssyncadd.s32 $0xFFFFFFFF  }
0xb5: {  	_ =	strace $0x9000004B  }
0xb6: {  	_ =	sfence  }
0xb7: {  	s30 =	sld [smem:$0x0];
	_ =	sdelay $0x2  }
0xb8: {  	s31 =	sshll.u32 s1, $0xD;
	s1 =	sshrl.u32 s1, $0x2  }
0xb9: {  	s3 =	sand.u32 $0x4000, s31;
	s1 =	sadd.s32 s1, s30  }
0xba: {  	s0 =	sor.u32 s3, s0;
	s1 =	sshll.u32 s1, $0x11  }
0xbb: {  	s0 =	sor.u32 s1, s0  }
0xbc: {  	s0 =	sadd.s32 $0x8F2B, s0  }
0xbd: {  	[sflag:s0] =	ssyncadd.remote.s32 $0x1  }
0xbe: {  	_ =	sfence.sel $0xFFFF  }
0xbf: {  	[dreg:$0x0] =	wrdreg $0xFFFFFFFF;
	(pc) =	sbr.abs _section_cstart, $3  }
0xc0: {  	[dreg:$0x1] =	wrdreg $0xFFFFFFFF  }
0xc1: {  	_ =	task.clear_ibuf [dreg:s6], $0x2FFFF;
	_ =	strace $0x9FFFFFFF  }
0xc2: {  	(tm) =	ssettm $0x7FFFFFFF  }
0xc3: {  	_ =	shalt  }
tec
execute0_lowered:
.L_overlay_start_1:
0x0: {  	(tag) =	ssettag $0x1  }
0x1: {  	s0 =	srdreg.scid;
	s6 =	rddreg [dreg:$0x0]  }
0x2: {  	s9 =	stileid.u32;
	s2 =	rddreg [dreg:$0x1];
	s3 =	simm.s32 $0x0  }
0x3: {  	s16 =	simm.s32 $0x2800;
	s18 =	simm.s32 $0x5000;
	s19 =	simm.s32 $0x9  }
0x4: {  	s20 =	simm.s32 $0x1;
	s28 =	simm.s32 $0x12F40;
	s30 =	simm.s32 $0x14E80  }
0x5: {  	s15 =	simm.s32 $0x6;
	s29 =	simm.s32 $0x8;
	s31 =	simm.s32 $0x0  }
0x6: {  	s0 =	sand.u32 $0x1, s0;
	s1 =	sshll.u32 s9, $0x1;
	s7 =	smul.u32 $0x280, s9  }
0x7: {  	[smem:$0x7FF] =	sst s3;
	s4 =	sadd.s32 $0x7C400, s6;
	s5 =	sadd.s32 $0x68A00, s6  }
0x8: {  	s21 =	smul.u32 $0x28000, s9;
	s22 =	sadd.s32 $0x68600, s6;
	s1 =	sor.u32 s0, s1  }
0x9: {  	s8 =	smul.u32 $0x2800, s0;
	_ =	strace $0x8000004A;
	[dreg:$0x3] =	wrdreg s22  }
0xa: {  	s0 =	ssub.s32 $0x2, s0;
	s22 =	simm.s32 $0x3;
	s1 =	smul.u32 $0x500, s1  }
0xb: {  	s23 =	sshrl.u32 s0, $0x1;
	s7 =	sadd.s32 s7, s8;
	s8 =	sshrl.u32 s21, $0x2  }
0xc: {  	s0 =	ssub.s32 s0, s23;
	s21 =	simm.s32 $0x2;
	s23 =	simm.s32 $0x4  }
0xd: {  	s1 =	sadd.s32 s1, s6;
	s7 =	sshll.u32 s7, $0x3;
	s8 =	sadd.s32 s8, s2  }
0xe: {  	s0 =	smax.u32 s0, $0x1;
	s6 =	sadd.s32 s7, s6;
	s24 =	sadd.s32 $0xFC00, s1  }
0xf: {  	s1 =	sadd.s32 $0x5C00, s1;
	s10 =	sadd.s32 $0x2000, s8;
	s11 =	sadd.s32 $0x4000, s8  }
.Ltmp0:
0x10: {  	s12 =	sadd.s32 $0x6000, s8;
	[dreg:$0x8] =	wrdreg s0;
	(pc) =	sbr.rel .LBB2_1-.Ltmp0, $4  }
0x11: {  	s13 =	sadd.s32 $0x8000, s8;
	s0 =	simm.s32 $0x16DC0;
	[dreg:$0x4] =	wrdreg s24  }
0x12: {  	s7 =	simm.s32 $0x5;
	[dreg:$0x5] =	wrdreg s1;
	s25 =	sadd.s32 $0xDFC00, s6  }
0x13: {  	s26 =	sadd.s32 $0x8FE00, s6;
	s24 =	simm.s32 $0x7D;
	[dreg:$0x6] =	wrdreg s25  }
0x14: {  	[dreg:$0x7] =	wrdreg s26;
	s25 =	simm.s32 $0x11000;
	s26 =	simm.s32 $0x7  }
.LBB2_7:
0x15: {  	_ =	swait.ge [sflag:s23], $0x1F40  }
0x16: {  	[sflag:s23] =	ssyncset.done $0x0  }
0x17: {  	[sflag:s23] =	ssyncadd.s32 $0xFFFFE0C0  }
0x18: {  	[spmem:s2] =	stream.indirect.scatter.add.f32 [tilespmem:s0], [sflag:$0x8], $0x40, s16, s24, $0xb8;
	[tilespmem:$0x18D00] =	vst v63  }
0x19: {  	_ =	swait.ge [sflag:s15], $0x1F40  }
0x1a: {  	[sflag:s15] =	ssyncset.done $0x0  }
0x1b: {  	[sflag:s15] =	ssyncadd.s32 $0xFFFFE0C0  }
0x1c: {  	_ =	swait.ge [sflag:s26], $0x1F40  }
0x1d: {  	[sflag:s26] =	ssyncset.done $0x0  }
0x1e: {  	[sflag:s26] =	ssyncadd.s32 $0xFFFFE0C0  }
0x1f: {  	_ =	swait.ge [sflag:s29], $0x1F40  }
0x20: {  	[sflag:s29] =	ssyncset.done $0x0  }
0x21: {  	[sflag:s29] =	ssyncadd.s32 $0xFFFFE0C0  }
0x22: {  	[bflag:$0x0] =	sbarrier.arrive $0xFFFF  }
0x23: {  	s9 =	rddreg [dreg:$0x7]  }
0x24: {  	[hbm:s9], [sflag:s1] =	dma.local [spmem:s6], $0x1400  }
0x25: {  	_ =	swait.ge [sflag:s19], $0x1400  }
0x26: {  	s31 =	sadd.s32 $0x1, s31;
	s17 =	rddreg [dreg:$0x8]  }
0x27: {  	p0 =	sne.s32 s31, s17  }
.Ltmp1:
0x28: {  	_ = 	snop;
	(pc) =	sbr.rel @!p0 .LBB2_8-.Ltmp1, $4  }
0x29: {  	[sflag:s19] =	ssyncset.done $0x0  }
0x2a: {  	[sflag:s19] =	ssyncadd.s32 $0xFFFFEC00  }
0x2b: {  	[bflag:$0x0] =	sbarrier.arrive $0xFFFF  }
0x2c: {  	s16 =	simm.s32 $0x2800  }
.LBB2_1:
0x2d: {  	s1 =	rddreg [dreg:$0x4]  }
0x2e: {  	[tilespmem:s3], [sflag:$0x1] =	stream.linear.gather [hbm4b:s1+s3], $0x2800, $0x38;
	[tilespmem:$0x18D00] =	vst v63  }
0x2f: {  	s14 =	rddreg [dreg:$0x5]  }
0x30: {  	[tilespmem:s16], [sflag:$0x2] =	stream.linear.gather [hbm4b:s14+s3], $0x2800, $0x38;
	[tilespmem:$0x18D00] =	vst v63  }
0x31: {  	s17 =	rddreg [dreg:$0x3]  }
0x32: {  	[tilespmem:s18], [sflag:$0x9] =	stream.linear.gather [hbm4b:s17+s3], $0x2000, $0x38;
	[tilespmem:$0x18D00] =	vst v63  }
0x33: {  	_ =	swait.ge [sflag:s19], $0x2000  }
0x34: {  	[sflag:s19] =	ssyncset.done $0x0  }
0x35: {  	[sflag:s19] =	ssyncadd.s32 $0xFFFFE000  }
0x36: {  	_ =	swait.ge [sflag:s20], $0x2800  }
0x37: {  	[sflag:s20] =	ssyncset.done $0x0  }
0x38: {  	[sflag:s20] =	ssyncadd.s32 $0xFFFFD800  }
0x39: {  	_ =	swait.ge [sflag:s21], $0x2800  }
0x3a: {  	[sflag:s21] =	ssyncset.done $0x0  }
0x3b: {  	[sflag:s21] =	ssyncadd.s32 $0xFFFFD800  }
0x3c: {  	[spmem:s8] =	stream.linear.scatter [tilespmem:s18], [sflag:$0x1], $0x2000, $0x38;
	[tilespmem:$0x18D00] =	vst v63  }
0x3d: {  	_ = 	snop  }
0x3e: {  	[spmem:s10] =	stream.linear.scatter [tilespmem:s18], [sflag:$0x2], $0x2000, $0x38;
	[tilespmem:$0x18D00] =	vst v63  }
0x3f: {  	_ = 	snop  }
0x40: {  	[spmem:s11] =	stream.linear.scatter [tilespmem:s18], [sflag:$0x3], $0x2000, $0x38;
	[tilespmem:$0x18D00] =	vst v63  }
0x41: {  	_ = 	snop  }
0x42: {  	[spmem:s12] =	stream.linear.scatter [tilespmem:s18], [sflag:$0x4], $0x2000, $0x38;
	[tilespmem:$0x18D00] =	vst v63  }
0x43: {  	_ = 	snop  }
0x44: {  	[spmem:s13] =	stream.linear.scatter [tilespmem:s18], [sflag:$0x1], $0x2000, $0x38;
	[tilespmem:$0x18D00] =	vst v63  }
0x45: {  	_ =	swait.ge [sflag:s20], $0x2000  }
0x46: {  	[sflag:s20] =	ssyncset.done $0x0  }
0x47: {  	[sflag:s20] =	ssyncadd.s32 $0xFFFFE000  }
0x48: {  	_ =	swait.ge [sflag:s21], $0x2000  }
0x49: {  	[sflag:s21] =	ssyncset.done $0x0  }
0x4a: {  	[sflag:s21] =	ssyncadd.s32 $0xFFFFE000  }
0x4b: {  	_ =	swait.ge [sflag:s22], $0x2000  }
0x4c: {  	[sflag:s22] =	ssyncset.done $0x0  }
0x4d: {  	[sflag:s22] =	ssyncadd.s32 $0xFFFFE000  }
0x4e: {  	_ =	swait.ge [sflag:s23], $0x2000  }
0x4f: {  	[sflag:s23] =	ssyncset.done $0x0  }
0x50: {  	[sflag:s23] =	ssyncadd.s32 $0xFFFFE000  }
0x51: {  	_ =	swait.ge [sflag:s20], $0x2000  }
0x52: {  	[sflag:s20] =	ssyncset.done $0x0  }
0x53: {  	[sflag:s20] =	ssyncadd.s32 $0xFFFFE000  }
0x54: {  	[bflag:$0x0] =	sbarrier.arrive $0xFFFF  }
0x55: {  	[tilespmem:s25], [sflag:$0x1] =	stream.indirect.gather [hbm4b:s4+s24], $0x40, s3, s24, $0xb8;
	[tilespmem:$0x18D00] =	vst v63  }
0x56: {  	s6 =	simm.s32 $0x80  }
0x57: {  	[tilespmem:s28], [sflag:$0x2] =	stream.indirect.gather [hbm4b:s4+s24], $0x40, s6, s24, $0xb8;
	[tilespmem:$0x18D00] =	vst v63  }
0x58: {  	_ =	swait.ge [sflag:s20], $0x1F40  }
0x59: {  	[sflag:s20] =	ssyncset.done $0x0  }
0x5a: {  	[sflag:s20] =	ssyncadd.s32 $0xFFFFE0C0  }
0x5b: {  	[spmem:s2] =	stream.indirect.scatter.add.f32 [tilespmem:s25], [sflag:$0x5], $0x40, s16, s24, $0xb8;
	[tilespmem:$0x18D00] =	vst v63  }
0x5c: {  	s9 =	simm.s32 $0x100  }
0x5d: {  	[tilespmem:s30], [sflag:$0x3] =	stream.indirect.gather [hbm4b:s4+s24], $0x40, s9, s24, $0xb8;
	[tilespmem:$0x18D00] =	vst v63  }
0x5e: {  	_ =	swait.ge [sflag:s21], $0x1F40  }
0x5f: {  	[sflag:s21] =	ssyncset.done $0x0  }
0x60: {  	s14 =	simm.s32 $0x2880;
	[sflag:s21] =	ssyncadd.s32 $0xFFFFE0C0  }
0x61: {  	[spmem:s2] =	stream.indirect.scatter.add.f32 [tilespmem:s28], [sflag:$0x6], $0x40, s14, s24, $0xb8;
	[tilespmem:$0x18D00] =	vst v63  }
0x62: {  	s17 =	simm.s32 $0x180  }
0x63: {  	[tilespmem:s0], [sflag:$0x4] =	stream.indirect.gather [hbm4b:s4+s24], $0x40, s17, s24, $0xb8;
	[tilespmem:$0x18D00] =	vst v63  }
0x64: {  	_ =	swait.ge [sflag:s22], $0x1F40  }
0x65: {  	[sflag:s22] =	ssyncset.done $0x0  }
0x66: {  	s6 =	simm.s32 $0x2900;
	[sflag:s22] =	ssyncadd.s32 $0xFFFFE0C0  }
0x67: {  	[spmem:s2] =	stream.indirect.scatter.add.f32 [tilespmem:s30], [sflag:$0x7], $0x40, s6, s24, $0xb8;
	[tilespmem:$0x18D00] =	vst v63  }
0x68: {  	_ =	swait.ge [sflag:s7], $0x1F40  }
0x69: {  	[sflag:s7] =	ssyncset.done $0x0  }
0x6a: {  	s9 =	simm.s32 $0x200;
	[sflag:s7] =	ssyncadd.s32 $0xFFFFE0C0  }
0x6b: {  	[tilespmem:s25], [sflag:$0x1] =	stream.indirect.gather [hbm4b:s4+s24], $0x40, s9, s24, $0xb8;
	[tilespmem:$0x18D00] =	vst v63  }
0x6c: {  	_ =	swait.ge [sflag:s23], $0x1F40  }
0x6d: {  	[sflag:s23] =	ssyncset.done $0x0  }
0x6e: {  	s14 =	simm.s32 $0x2980;
	[sflag:s23] =	ssyncadd.s32 $0xFFFFE0C0  }
0x6f: {  	[spmem:s2] =	stream.indirect.scatter.add.f32 [tilespmem:s0], [sflag:$0x8], $0x40, s14, s24, $0xb8;
	[tilespmem:$0x18D00] =	vst v63  }
0x70: {  	_ =	swait.ge [sflag:s15], $0x1F40  }
0x71: {  	[sflag:s15] =	ssyncset.done $0x0  }
0x72: {  	s1 =	simm.s32 $0x0;
	s17 =	simm.s32 $0x280;
	[sflag:s15] =	ssyncadd.s32 $0xFFFFE0C0  }
0x73: {  	[tilespmem:s28], [sflag:$0x2] =	stream.indirect.gather [hbm4b:s4+s24], $0x40, s17, s24, $0xb8;
	[tilespmem:$0x18D00] =	vst v63  }
.LBB2_2:
0x74: {  	_ =	swait.ge [sflag:s20], $0x1F40  }
0x75: {  	s6 =	sshra.s32 s1, $0x2;
	[sflag:s20] =	ssyncset.done $0x0  }
0x76: {  	s9 =	sadd.s32 $0x2A00, s6;
	[sflag:s20] =	ssyncadd.s32 $0xFFFFE0C0  }
0x77: {  	[spmem:s2] =	stream.indirect.scatter.add.f32 [tilespmem:s25], [sflag:$0x5], $0x40, s9, s24, $0xb8;
	[tilespmem:$0x18D00] =	vst v63  }
0x78: {  	_ =	swait.ge [sflag:s26], $0x1F40  }
0x79: {  	[sflag:s26] =	ssyncset.done $0x0  }
0x7a: {  	s14 =	sadd.s32 $0x300, s6;
	[sflag:s26] =	ssyncadd.s32 $0xFFFFE0C0  }
0x7b: {  	[tilespmem:s30], [sflag:$0x3] =	stream.indirect.gather [hbm4b:s4+s24], $0x40, s14, s24, $0xb8;
	[tilespmem:$0x18D00] =	vst v63  }
0x7c: {  	_ =	swait.ge [sflag:s21], $0x1F40  }
0x7d: {  	[sflag:s21] =	ssyncset.done $0x0  }
0x7e: {  	s17 =	sadd.s32 $0x2A80, s6;
	[sflag:s21] =	ssyncadd.s32 $0xFFFFE0C0  }
0x7f: {  	[spmem:s2] =	stream.indirect.scatter.add.f32 [tilespmem:s28], [sflag:$0x6], $0x40, s17, s24, $0xb8;
	[tilespmem:$0x18D00] =	vst v63  }
0x80: {  	_ =	swait.ge [sflag:s29], $0x1F40  }
0x81: {  	[sflag:s29] =	ssyncset.done $0x0  }
0x82: {  	s14 =	sadd.s32 $0x380, s6;
	[sflag:s29] =	ssyncadd.s32 $0xFFFFE0C0  }
0x83: {  	[tilespmem:s0], [sflag:$0x4] =	stream.indirect.gather [hbm4b:s4+s24], $0x40, s14, s24, $0xb8;
	[tilespmem:$0x18D00] =	vst v63  }
0x84: {  	_ =	swait.ge [sflag:s22], $0x1F40  }
0x85: {  	p0 =	seq.s32 s1, $0x9000;
	[sflag:s22] =	ssyncset.done $0x0  }
.Ltmp2:
0x86: {  	s17 =	sadd.s32 $0x2B00, s6;
	[sflag:s22] =	ssyncadd.s32 $0xFFFFE0C0;
	(pc) =	sbr.rel @p0 .LBB2_4-.Ltmp2, $4  }
0x87: {  	[spmem:s2] =	stream.indirect.scatter.add.f32 [tilespmem:s30], [sflag:$0x7], $0x40, s17, s24, $0xb8;
	[tilespmem:$0x18D00] =	vst v63  }
0x88: {  	_ =	swait.ge [sflag:s7], $0x1F40  }
0x89: {  	[sflag:s7] =	ssyncset.done $0x0  }
0x8a: {  	s9 =	sadd.s32 $0x2B80, s6;
	[sflag:s7] =	ssyncadd.s32 $0xFFFFE0C0  }
0x8b: {  	s14 =	sadd.s32 $0x400, s6  }
0x8c: {  	[tilespmem:s25], [sflag:$0x1] =	stream.indirect.gather [hbm4b:s4+s24], $0x40, s14, s24, $0xb8;
	[tilespmem:$0x18D00] =	vst v63  }
0x8d: {  	_ =	swait.ge [sflag:s23], $0x1F40  }
0x8e: {  	[sflag:s23] =	ssyncset.done $0x0  }
0x8f: {  	[sflag:s23] =	ssyncadd.s32 $0xFFFFE0C0  }
0x90: {  	[spmem:s2] =	stream.indirect.scatter.add.f32 [tilespmem:s0], [sflag:$0x8], $0x40, s9, s24, $0xb8;
	[tilespmem:$0x18D00] =	vst v63  }
.Ltmp3:
0x91: {  	_ = 	snop;
	(pc) =	sbr.rel .LBB2_2-.Ltmp3, $4  }
0x92: {  	_ =	swait.ge [sflag:s15], $0x1F40  }
0x93: {  	[sflag:s15] =	ssyncset.done $0x0  }
0x94: {  	s17 =	sadd.s32 $0x480, s6;
	s1 =	sadd.s32 $0x800, s1;
	[sflag:s15] =	ssyncadd.s32 $0xFFFFE0C0  }
0x95: {  	[tilespmem:s28], [sflag:$0x2] =	stream.indirect.gather [hbm4b:s4+s24], $0x40, s17, s24, $0xb8;
	[tilespmem:$0x18D00] =	vst v63  }
.LBB2_4:
0x96: {  	_ =	swait.ge [sflag:s23], $0x1F40  }
0x97: {  	[sflag:s23] =	ssyncset.done $0x0  }
0x98: {  	[sflag:s23] =	ssyncadd.s32 $0xFFFFE0C0  }
0x99: {  	[spmem:s2] =	stream.indirect.scatter.add.f32 [tilespmem:s0], [sflag:$0x8], $0x40, s9, s24, $0xb8;
	[tilespmem:$0x18D00] =	vst v63  }
0x9a: {  	_ =	swait.ge [sflag:s15], $0x1F40  }
0x9b: {  	[sflag:s15] =	ssyncset.done $0x0  }
0x9c: {  	[sflag:s15] =	ssyncadd.s32 $0xFFFFE0C0  }
0x9d: {  	_ =	swait.ge [sflag:s26], $0x1F40  }
0x9e: {  	[sflag:s26] =	ssyncset.done $0x0  }
0x9f: {  	[sflag:s26] =	ssyncadd.s32 $0xFFFFE0C0  }
0xa0: {  	_ =	swait.ge [sflag:s29], $0x1F40  }
0xa1: {  	[sflag:s29] =	ssyncset.done $0x0  }
0xa2: {  	s1 =	stileid.u32;
	[sflag:s29] =	ssyncadd.s32 $0xFFFFE0C0  }
0xa3: {  	s1 =	sshll.u32 s1, $0x6;
	[bflag:$0x0] =	sbarrier.arrive $0xFFFF  }
0xa4: {  	s6 =	sshrl.u32 s8, $0x3;
	s1 =	sor.u32 $0x1C09, s1;
	s14 =	rddreg [dreg:$0x6]  }
0xa5: {  	[hbm:s14], [sflag:s1] =	dma.local [spmem:s6], $0x1400  }
0xa6: {  	_ =	swait.ge [sflag:s19], $0x1400  }
0xa7: {  	[sflag:s19] =	ssyncset.done $0x0  }
0xa8: {  	[sflag:s19] =	ssyncadd.s32 $0xFFFFEC00  }
0xa9: {  	[bflag:$0x0] =	sbarrier.arrive $0xFFFF  }
0xaa: {  	[spmem:s8] =	stream.linear.scatter [tilespmem:s18], [sflag:$0x1], $0x2000, $0x38;
	[tilespmem:$0x18D00] =	vst v63  }
0xab: {  	_ = 	snop  }
0xac: {  	[spmem:s10] =	stream.linear.scatter [tilespmem:s18], [sflag:$0x2], $0x2000, $0x38;
	[tilespmem:$0x18D00] =	vst v63  }
0xad: {  	_ = 	snop  }
0xae: {  	[spmem:s11] =	stream.linear.scatter [tilespmem:s18], [sflag:$0x3], $0x2000, $0x38;
	[tilespmem:$0x18D00] =	vst v63  }
0xaf: {  	_ = 	snop  }
0xb0: {  	[spmem:s12] =	stream.linear.scatter [tilespmem:s18], [sflag:$0x4], $0x2000, $0x38;
	[tilespmem:$0x18D00] =	vst v63  }
0xb1: {  	_ = 	snop  }
0xb2: {  	[spmem:s13] =	stream.linear.scatter [tilespmem:s18], [sflag:$0x1], $0x2000, $0x38;
	[tilespmem:$0x18D00] =	vst v63  }
0xb3: {  	_ =	swait.ge [sflag:s20], $0x2000  }
0xb4: {  	[sflag:s20] =	ssyncset.done $0x0  }
0xb5: {  	[sflag:s20] =	ssyncadd.s32 $0xFFFFE000  }
0xb6: {  	_ =	swait.ge [sflag:s21], $0x2000  }
0xb7: {  	[sflag:s21] =	ssyncset.done $0x0  }
0xb8: {  	[sflag:s21] =	ssyncadd.s32 $0xFFFFE000  }
0xb9: {  	_ =	swait.ge [sflag:s22], $0x2000  }
0xba: {  	[sflag:s22] =	ssyncset.done $0x0  }
0xbb: {  	[sflag:s22] =	ssyncadd.s32 $0xFFFFE000  }
0xbc: {  	_ =	swait.ge [sflag:s23], $0x2000  }
0xbd: {  	[sflag:s23] =	ssyncset.done $0x0  }
0xbe: {  	[sflag:s23] =	ssyncadd.s32 $0xFFFFE000  }
0xbf: {  	_ =	swait.ge [sflag:s20], $0x2000  }
0xc0: {  	[sflag:s20] =	ssyncset.done $0x0  }
0xc1: {  	[sflag:s20] =	ssyncadd.s32 $0xFFFFE000  }
0xc2: {  	s9 =	simm.s32 $0x0;
	[bflag:$0x0] =	sbarrier.arrive $0xFFFF  }
0xc3: {  	[tilespmem:s25], [sflag:$0x1] =	stream.indirect.gather [hbm4b:s5+s24], $0x40, s9, s24, $0xb8;
	[tilespmem:$0x18D00] =	vst v63  }
0xc4: {  	s14 =	simm.s32 $0x80  }
0xc5: {  	[tilespmem:s28], [sflag:$0x2] =	stream.indirect.gather [hbm4b:s5+s24], $0x40, s14, s24, $0xb8;
	[tilespmem:$0x18D00] =	vst v63  }
0xc6: {  	_ =	swait.ge [sflag:s20], $0x1F40  }
0xc7: {  	[sflag:s20] =	ssyncset.done $0x0  }
0xc8: {  	[sflag:s20] =	ssyncadd.s32 $0xFFFFE0C0  }
0xc9: {  	[spmem:s2] =	stream.indirect.scatter.add.f32 [tilespmem:s25], [sflag:$0x5], $0x40, s16, s24, $0xb8;
	[tilespmem:$0x18D00] =	vst v63  }
0xca: {  	s17 =	simm.s32 $0x100  }
0xcb: {  	[tilespmem:s30], [sflag:$0x3] =	stream.indirect.gather [hbm4b:s5+s24], $0x40, s17, s24, $0xb8;
	[tilespmem:$0x18D00] =	vst v63  }
0xcc: {  	_ =	swait.ge [sflag:s21], $0x1F40  }
0xcd: {  	[sflag:s21] =	ssyncset.done $0x0  }
0xce: {  	s16 =	simm.s32 $0x2880;
	[sflag:s21] =	ssyncadd.s32 $0xFFFFE0C0  }
0xcf: {  	[spmem:s2] =	stream.indirect.scatter.add.f32 [tilespmem:s28], [sflag:$0x6], $0x40, s16, s24, $0xb8;
	[tilespmem:$0x18D00] =	vst v63  }
0xd0: {  	s17 =	simm.s32 $0x180  }
0xd1: {  	[tilespmem:s0], [sflag:$0x4] =	stream.indirect.gather [hbm4b:s5+s24], $0x40, s17, s24, $0xb8;
	[tilespmem:$0x18D00] =	vst v63  }
0xd2: {  	_ =	swait.ge [sflag:s22], $0x1F40  }
0xd3: {  	[sflag:s22] =	ssyncset.done $0x0  }
0xd4: {  	s16 =	simm.s32 $0x2900;
	[sflag:s22] =	ssyncadd.s32 $0xFFFFE0C0  }
0xd5: {  	[spmem:s2] =	stream.indirect.scatter.add.f32 [tilespmem:s30], [sflag:$0x7], $0x40, s16, s24, $0xb8;
	[tilespmem:$0x18D00] =	vst v63  }
0xd6: {  	_ =	swait.ge [sflag:s7], $0x1F40  }
0xd7: {  	[sflag:s7] =	ssyncset.done $0x0  }
0xd8: {  	s17 =	simm.s32 $0x200;
	[sflag:s7] =	ssyncadd.s32 $0xFFFFE0C0  }
0xd9: {  	[tilespmem:s25], [sflag:$0x1] =	stream.indirect.gather [hbm4b:s5+s24], $0x40, s17, s24, $0xb8;
	[tilespmem:$0x18D00] =	vst v63  }
0xda: {  	_ =	swait.ge [sflag:s23], $0x1F40  }
0xdb: {  	[sflag:s23] =	ssyncset.done $0x0  }
0xdc: {  	s16 =	simm.s32 $0x2980;
	[sflag:s23] =	ssyncadd.s32 $0xFFFFE0C0  }
0xdd: {  	[spmem:s2] =	stream.indirect.scatter.add.f32 [tilespmem:s0], [sflag:$0x8], $0x40, s16, s24, $0xb8;
	[tilespmem:$0x18D00] =	vst v63  }
0xde: {  	_ =	swait.ge [sflag:s15], $0x1F40  }
0xdf: {  	[sflag:s15] =	ssyncset.done $0x0  }
0xe0: {  	s17 =	simm.s32 $0x280;
	[sflag:s15] =	ssyncadd.s32 $0xFFFFE0C0  }
0xe1: {  	[tilespmem:s28], [sflag:$0x2] =	stream.indirect.gather [hbm4b:s5+s24], $0x40, s17, s24, $0xb8;
	[tilespmem:$0x18D00] =	vst v63  }
.LBB2_5:
0xe2: {  	_ =	swait.ge [sflag:s20], $0x1F40  }
0xe3: {  	s14 =	sshra.s32 s9, $0x2;
	[sflag:s20] =	ssyncset.done $0x0  }
0xe4: {  	s16 =	sadd.s32 $0x2A00, s14;
	[sflag:s20] =	ssyncadd.s32 $0xFFFFE0C0  }
0xe5: {  	[spmem:s2] =	stream.indirect.scatter.add.f32 [tilespmem:s25], [sflag:$0x5], $0x40, s16, s24, $0xb8;
	[tilespmem:$0x18D00] =	vst v63  }
0xe6: {  	_ =	swait.ge [sflag:s26], $0x1F40  }
0xe7: {  	[sflag:s26] =	ssyncset.done $0x0  }
0xe8: {  	s17 =	sadd.s32 $0x300, s14;
	[sflag:s26] =	ssyncadd.s32 $0xFFFFE0C0  }
0xe9: {  	[tilespmem:s30], [sflag:$0x3] =	stream.indirect.gather [hbm4b:s5+s24], $0x40, s17, s24, $0xb8;
	[tilespmem:$0x18D00] =	vst v63  }
0xea: {  	_ =	swait.ge [sflag:s21], $0x1F40  }
0xeb: {  	[sflag:s21] =	ssyncset.done $0x0  }
0xec: {  	s17 =	sadd.s32 $0x2A80, s14;
	[sflag:s21] =	ssyncadd.s32 $0xFFFFE0C0  }
0xed: {  	[spmem:s2] =	stream.indirect.scatter.add.f32 [tilespmem:s28], [sflag:$0x6], $0x40, s17, s24, $0xb8;
	[tilespmem:$0x18D00] =	vst v63  }
0xee: {  	_ =	swait.ge [sflag:s29], $0x1F40  }
0xef: {  	[sflag:s29] =	ssyncset.done $0x0  }
0xf0: {  	s17 =	sadd.s32 $0x380, s14;
	[sflag:s29] =	ssyncadd.s32 $0xFFFFE0C0  }
0xf1: {  	[tilespmem:s0], [sflag:$0x4] =	stream.indirect.gather [hbm4b:s5+s24], $0x40, s17, s24, $0xb8;
	[tilespmem:$0x18D00] =	vst v63  }
0xf2: {  	_ =	swait.ge [sflag:s22], $0x1F40  }
0xf3: {  	p0 =	seq.s32 s9, $0x9000;
	[sflag:s22] =	ssyncset.done $0x0  }
.Ltmp4:
0xf4: {  	s17 =	sadd.s32 $0x2B00, s14;
	[sflag:s22] =	ssyncadd.s32 $0xFFFFE0C0;
	(pc) =	sbr.rel @p0 .LBB2_7-.Ltmp4, $4  }
0xf5: {  	[spmem:s2] =	stream.indirect.scatter.add.f32 [tilespmem:s30], [sflag:$0x7], $0x40, s17, s24, $0xb8;
	[tilespmem:$0x18D00] =	vst v63  }
0xf6: {  	_ =	swait.ge [sflag:s7], $0x1F40  }
0xf7: {  	[sflag:s7] =	ssyncset.done $0x0  }
0xf8: {  	s16 =	sadd.s32 $0x2B80, s14;
	[sflag:s7] =	ssyncadd.s32 $0xFFFFE0C0  }
0xf9: {  	s17 =	sadd.s32 $0x400, s14  }
0xfa: {  	[tilespmem:s25], [sflag:$0x1] =	stream.indirect.gather [hbm4b:s5+s24], $0x40, s17, s24, $0xb8;
	[tilespmem:$0x18D00] =	vst v63  }
0xfb: {  	_ =	swait.ge [sflag:s23], $0x1F40  }
0xfc: {  	[sflag:s23] =	ssyncset.done $0x0  }
0xfd: {  	[sflag:s23] =	ssyncadd.s32 $0xFFFFE0C0  }
0xfe: {  	[spmem:s2] =	stream.indirect.scatter.add.f32 [tilespmem:s0], [sflag:$0x8], $0x40, s16, s24, $0xb8;
	[tilespmem:$0x18D00] =	vst v63  }
.Ltmp5:
0xff: {  	_ = 	snop;
	(pc) =	sbr.rel .LBB2_5-.Ltmp5, $4  }
0x100: {  	_ =	swait.ge [sflag:s15], $0x1F40  }
0x101: {  	[sflag:s15] =	ssyncset.done $0x0  }
0x102: {  	s9 =	sadd.s32 $0x800, s9;
	s17 =	sadd.s32 $0x480, s14;
	[sflag:s15] =	ssyncadd.s32 $0xFFFFE0C0  }
0x103: {  	[tilespmem:s28], [sflag:$0x2] =	stream.indirect.gather [hbm4b:s5+s24], $0x40, s17, s24, $0xb8;
	[tilespmem:$0x18D00] =	vst v63  }
.LBB2_8:
0x104: {  	_ =	sfence.sel $0x180000  }
0x105: {  	[bflag:$0x0] =	sbarrier.arrive $0xFFFF  }
0x106: {  	_ =	strace $0x9000004A  }
0x107: {  	s0 =	stileid.u32;
	[bflag:$0x2] =	sbarrier.arrive $0xFFFF  }
0x108: {  	p0 =	sne.s32 s0, $0x0;
	s0 =	rddreg [dreg:$0x2]  }
0x109: {  	s0 =	sadd.s32 @!p0 $0x100000, s0  }
0x10a: {  	[sflag:s0] =	ssyncadd.tile.s32 @!p0 $0x1;
	_ =	shalt  }
.Lfunc_end2:
_tile_overlayer_lowered:
.L_overlay_start_2:
0x10b: {  	(tag) =	ssettag $0x2  }
0x10c: {  	s0 =	rddreg [dreg:$0x0];
	s2 =	stileid.u32  }
0x10d: {  	s1 =	rddreg [dreg:$0x1];
	p0 =	sne.s32 s2, $0x0  }
0x10e: {  	s3 =	rddreg [dreg:$0x2];
	[bflag:$0x3] =	sbarrier.arrive $0xFFFF;
	s2 =	simm.s32 @!p0 $0x1C09  }
0x10f: {  	[timem:s3], [sflag:s2] =	dma.local @!p0 [hbm:s0], s1  }
0x110: {  	s0 =	simm.s32 @!p0 $0x9  }
0x111: {  	_ =	swait.ge @!p0 [sflag:s0], s1  }
0x112: {  	s1 =	ssub.s32 @!p0 $0x0, s1;
	[sflag:s0] =	ssyncset.done @!p0 $0x0  }
0x113: {  	[sflag:s0] =	ssyncadd.s32 @!p0 s1  }
0x114: {  	[bflag:$0x3] =	sbarrier.arrive $0xFFFF  }
0x115: {  	_ =	shalt  }

// kernel: sc_segsum.7.cloned.1.call-start
scs
__scs_entry_jumppad:
0x0: {  	(pc) =	sbr.rel $0x88, $3  }
0x1: {  	(tag) =	ssettag $0x0;
	lr =	simm.s32 $0x1  }
0x2: {  	[smem:$0x3F8B] =	sst lr;
	_ =	strace $0xD0000000  }
0x3: {  	_ = 	snop  }
0x4: {  	_ = 	snop  }
0x5: {  	_ = 	snop  }
0x6: {  	_ = 	snop  }
0x7: {  	_ = 	snop  }
__scs_overlays_trampoline_lowered:
0x8: {  	[smem:$0x3F9A] =	sst s0  }
0x9: {  	[smem:$0x3F9B] =	sst s1  }
0xa: {  	[smem:$0x3F9C] =	sst s2  }
0xb: {  	[smem:$0x3F9D] =	sst s3  }
0xc: {  	[smem:$0x3F9E] =	sst s4  }
0xd: {  	[smem:$0x3F9F] =	sst s5  }
0xe: {  	[smem:$0x3FA0] =	sst s6  }
0xf: {  	[smem:$0x3FA1] =	sst s7  }
0x10: {  	[smem:$0x3FA2] =	sst s8  }
0x11: {  	[smem:$0x3FA3] =	sst s9;
	s0 =	simm.s32 @!p0 $0x0  }
0x12: {  	s1 =	sld [smem:$0x3F89];
	s0 =	simm.s32 @p0 $0x1  }
0x13: {  	[smem:$0x3FA4] =	sst s0;
	s0 =	simm.s32 @!p1 $0x0  }
0x14: {  	s2 =	sld [smem:$0x3F88];
	s0 =	simm.s32 @p1 $0x1  }
0x15: {  	[smem:$0x3FA5] =	sst s0;
	s0 =	simm.s32 @!p2 $0x0  }
0x16: {  	s3 =	sld [smem:$0x3FDB];
	s0 =	simm.s32 @p2 $0x1  }
0x17: {  	s4 =	simm.s32 $0x1BF5;
	[smem:$0x3FA7] =	sst s0  }
0x18: {  	s0 =	sld [smem:$0x3F8A];
	_ =	swait.ge [sflag:s4], $0x0  }
0x19: {  	s7 =	sld [smem:$0x3F8B]  }
0x1a: {  	s8 =	sadd.s32 $0xFFFFE003, lr  }
0x1b: {  	s9 =	sadd.s32 $0xFFFFFEF7, lr;
	s5 =	simm.s32 $0xFFFFFFFF;
	p2 =	slt.u32 s8, $0xFFFFF086  }
0x1c: {  	p1 =	slt.u32 s9, $0xF7A;
	s5 =	simm.s32 @!p2 $0x0  }
0x1d: {  	s5 =	simm.s32 @p1 $0x1;
	p0 =	seq.s32 s7, s2  }
0x1e: {  	s7 =	smul.u32 @!p0 $0xF7A, s2;
	p2 =	seq.s32 @!p0 s5, $0x0  }
0x1f: {  	s9 =	smul.u32 $0xF7A, s1;
	s8 =	simm.s32 @!p0 $0x1BF5;
	p2 =	por !p2, p0  }
0x20: {  	[sflag:s8] =	ssyncset.s32 @!p0 $0xFFFFF086;
	s6 =	sadd.s32 @!p0 s3, s7;
	s7 =	simm.s32 @!p0 $0x108  }
0x21: {  	s3 =	sadd.s32 s3, s9;
	s6 =	sadd.s32 @!p0 $0x88, s6;
	s7 =	simm.s32 @p2 $0x1082  }
0x22: {  	[simem:s7], [sflag:s8] =	dma.local @!p0 [hbm:s6], $0xF7A  }
0x23: {  	s9 =	sor.u32 $0xD0000000, s2;
	s6 =	simm.s32 $0x108;
	_ =	swait.ge @!p0 [sflag:s8], $0x0  }
0x24: {  	s3 =	sadd.s32 $0x88, s3;
	s6 =	simm.s32 @!p1 $0x1082;
	[sflag:s4] =	ssyncset.s32 $0xFFFFF086  }
0x25: {  	[simem:s6], [sflag:s4] =	dma.local [hbm:s3], $0xF7A  }
0x26: {  	[smem:$0x3F8B] =	sst s1;
	(tag) =	ssettag s2;
	_ =	strace s9  }
0x27: {  	s1 =	sld [smem:$0x3F9B]  }
0x28: {  	s2 =	sld [smem:$0x3F9C]  }
0x29: {  	s4 =	sld [smem:$0x3F9E]  }
0x2a: {  	p0 =	seq.s32 s5, $0x0;
	s5 =	sld [smem:$0x3F9F]  }
0x2b: {  	s6 =	sld [smem:$0x3FA0]  }
0x2c: {  	s7 =	sld [smem:$0x3FA1]  }
0x2d: {  	s3 =	simm.s32 $0x108;
	s8 =	sld [smem:$0x3FA2]  }
0x2e: {  	s3 =	simm.s32 @!p0 $0x1082;
	s9 =	sld [smem:$0x3FA3]  }
0x2f: {  	lr =	sadd.s32 s0, s3;
	s0 =	sld [smem:$0x3F9A]  }
0x30: {  	s3 =	sld [smem:$0x3F9D]  }
0x31: {  	[smem:$0x3FA6] =	sst s10  }
0x32: {  	s10 =	sld [smem:$0x3FA4];
	_ =	sdelay $0x3  }
0x33: {  	p0 =	seq.s32 s10, $0x1;
	s10 =	sld [smem:$0x3FA6];
	_ =	sdelay $0x3  }
0x34: {  	[smem:$0x3FA6] =	sst s10  }
0x35: {  	s10 =	sld [smem:$0x3FA5];
	_ =	sdelay $0x3  }
0x36: {  	p1 =	seq.s32 s10, $0x1;
	s10 =	sld [smem:$0x3FA6];
	_ =	sdelay $0x3  }
0x37: {  	[smem:$0x3FA6] =	sst s10  }
0x38: {  	s10 =	sld [smem:$0x3FA7]  }
0x39: {  	_ = 	snop;
	(pc) =	sbr.ind lr, $3  }
0x3a: {  	_ = 	snop  }
0x3b: {  	_ = 	snop  }
0x3c: {  	p2 =	seq.s32 s10, $0x1;
	s10 =	sld [smem:$0x3FA6]  }
0x3d: {  	_ =	shalt  }
0x3e: {  	_ =	shalt  }
0x3f: {  	_ =	shalt  }
0x40: {  	_ =	shalt  }
0x41: {  	_ =	shalt  }
0x42: {  	_ =	shalt  }
0x43: {  	_ =	shalt  }
0x44: {  	_ =	shalt  }
0x45: {  	_ =	shalt  }
0x46: {  	_ =	shalt  }
0x47: {  	_ =	shalt  }
0x48: {  	_ =	shalt  }
0x49: {  	_ =	shalt  }
0x4a: {  	_ =	shalt  }
0x4b: {  	_ =	shalt  }
0x4c: {  	_ =	shalt  }
0x4d: {  	_ =	shalt  }
0x4e: {  	_ =	shalt  }
0x4f: {  	_ =	shalt  }
0x50: {  	_ =	shalt  }
0x51: {  	_ =	shalt  }
0x52: {  	_ =	shalt  }
0x53: {  	_ =	shalt  }
0x54: {  	_ =	shalt  }
0x55: {  	_ =	shalt  }
0x56: {  	_ =	shalt  }
0x57: {  	_ =	shalt  }
0x58: {  	_ =	shalt  }
0x59: {  	_ =	shalt  }
0x5a: {  	_ =	shalt  }
0x5b: {  	_ =	shalt  }
0x5c: {  	_ =	shalt  }
0x5d: {  	_ =	shalt  }
0x5e: {  	_ =	shalt  }
0x5f: {  	_ =	shalt  }
0x60: {  	_ =	shalt  }
0x61: {  	_ =	shalt  }
0x62: {  	_ =	shalt  }
0x63: {  	_ =	shalt  }
0x64: {  	_ =	shalt  }
0x65: {  	_ =	shalt  }
0x66: {  	_ =	shalt  }
0x67: {  	_ =	shalt  }
0x68: {  	_ =	shalt  }
0x69: {  	_ =	shalt  }
0x6a: {  	_ =	shalt  }
0x6b: {  	_ =	shalt  }
0x6c: {  	_ =	shalt  }
0x6d: {  	_ =	shalt  }
0x6e: {  	_ =	shalt  }
0x6f: {  	_ =	shalt  }
0x70: {  	_ =	shalt  }
0x71: {  	_ =	shalt  }
0x72: {  	_ =	shalt  }
0x73: {  	_ =	shalt  }
0x74: {  	_ =	shalt  }
0x75: {  	_ =	shalt  }
0x76: {  	_ =	shalt  }
0x77: {  	_ =	shalt  }
0x78: {  	_ =	shalt  }
0x79: {  	_ =	shalt  }
0x7a: {  	_ =	shalt  }
0x7b: {  	_ =	shalt  }
0x7c: {  	_ =	shalt  }
0x7d: {  	_ =	shalt  }
0x7e: {  	_ =	shalt  }
0x7f: {  	_ =	shalt  }
0x80: {  	_ =	shalt  }
0x81: {  	_ =	shalt  }
0x82: {  	_ =	shalt  }
0x83: {  	_ =	shalt  }
0x84: {  	_ =	shalt  }
0x85: {  	_ =	shalt  }
0x86: {  	_ =	shalt  }
0x87: {  	_ =	shalt  }
.Lfunc_end0:
.L_simem_size_0:
called_computation.2_lowered:
.L_overlay_start_0:
0x88: {  	s2 =	sld [smem:$0x3FD9]  }
0x89: {  	s3 =	sld [smem:$0x3FFE];
	_ =	sdelay $0x1  }
0x8a: {  	s1 =	srdreg.scid  }
0x8b: {  	s0 =	sand.u32 $0x1, s1  }
0x8c: {  	s16 =	sshll.u32 s0, $0xA;
	s2 =	sadd.s32 s3, s2  }
0x8d: {  	s2 =	sadd.s32 s2, s16  }
0x8e: {  	[smem:$0x3FB2] =	sst s2  }
0x8f: {  	_ = 	snop  }
0x90: {  	(tm) =	ssettm $0x1  }
0x91: {  	s17 =	sld [smem:$0x3FFB];
	_ =	sdelay $0x3  }
0x92: {  	_ =	strace s17  }
0x93: {  	s2 =	sld [smem:$0x3FFC];
	_ =	sdelay $0x3  }
0x94: {  	_ =	strace s2  }
0x95: {  	s2 =	sld [smem:$0x3FFD];
	_ =	sdelay $0x3  }
0x96: {  	_ =	strace s2  }
0x97: {  	_ =	strace $0x8FFFFFFF  }
0x98: {  	s18 =	sld [smem:$0x3FDB];
	_ =	sdelay $0x1  }
0x99: {  	s19 =	simm.s32 $_scs_section_size  }
0x9a: {  	s4 =	simm.s32 $_size__tile_overlayer_lowered;
	s5 =	simm.s32 $_tile_overlayer_lowered  }
0x9b: {  	s22 =	simm.s32 $0x1BFF;
	s21 =	sshll.u32 s5, $0x1;
	s2 =	sadd.s32 s19, s18  }
0x9c: {  	s6 =	simm.s32 $0x0;
	s20 =	sshll.u32 s4, $0x1;
	s4 =	sadd.s32 s21, s2  }
0x9d: {  	[timem:s6], [sflag:s22] =	dma.local [hbm:s4], s20  }
0x9e: {  	_ =	swait.ge [sflag:s22], s20  }
0x9f: {  	s3 =	ssub.s32 $0x0, s20;
	[sflag:s22] =	ssyncset.done $0x0  }
0xa0: {  	[sflag:s22] =	ssyncadd.s32 s3;
	_ =	sdelay $0x1  }
0xa1: {  	s23 =	simm.s32 $0x1B8B  }
0xa2: {  	_ =	swait.ge [sflag:s23], $0x1  }
0xa3: {  	[sflag:s23] =	ssyncset.done $0x0  }
0xa4: {  	s25 =	simm.s32 $0x1B8E;
	s24 =	sld [smem:$0x3FFE];
	[sflag:s23] =	ssyncadd.s32 $0xFFFFFFFF  }
0xa5: {  	s26 =	simm.s32 $execute0_lowered;
	[smem:$0x3FD2] =	sst s25  }
0xa6: {  	s4 =	sshll.u32 s26, $0x1;
	_ =	strace $0x8000004C;
	[dreg:$0x1] =	wrdreg $0xFFFFFFFF  }
0xa7: {  	s28 =	simm.s32 $_size_execute0_lowered;
	s2 =	sadd.s32 s2, s4;
	[dreg:$0x0] =	wrdreg $0x0  }
0xa8: {  	s4 =	sshll.u32 s28, $0x1;
	[dreg:$0x2] =	wrdreg s2  }
0xa9: {  	[dreg:$0x3] =	wrdreg s4  }
0xaa: {  	[dreg:$0x4] =	wrdreg $0xC0  }
0xab: {  	_ =	task [dreg:s6], $0x5FFFF  }
0xac: {  	[dreg:$0x1] =	wrdreg $0xFFFFFFFF  }
0xad: {  	[dreg:$0x0] =	wrdreg $0x60  }
0xae: {  	[dreg:$0x2] =	wrdreg s24  }
0xaf: {  	[dreg:$0x3] =	wrdreg $0x70000  }
0xb0: {  	[dreg:$0x4] =	wrdreg $0x9  }
0xb1: {  	_ =	task.clear_ibuf [dreg:s6], $0x5FFFF;
	_ =	strace $0x9000004C  }
0xb2: {  	s29 =	simm.s32 $0x9;
	_ =	strace $0x8000004E  }
0xb3: {  	_ =	swait.ge [sflag:s29], $0x1  }
0xb4: {  	[sflag:s29] =	ssyncadd.s32 $0xFFFFFFFF  }
0xb5: {  	_ =	strace $0x9000004E  }
0xb6: {  	_ =	sfence  }
0xb7: {  	s30 =	sld [smem:$0x0];
	_ =	sdelay $0x2  }
0xb8: {  	s31 =	sshll.u32 s1, $0xD;
	s1 =	sshrl.u32 s1, $0x2  }
0xb9: {  	s3 =	sand.u32 $0x4000, s31;
	s1 =	sadd.s32 s1, s30  }
0xba: {  	s0 =	sor.u32 s3, s0;
	s1 =	sshll.u32 s1, $0x11  }
0xbb: {  	s0 =	sor.u32 s1, s0  }
0xbc: {  	s0 =	sadd.s32 $0x8F2B, s0  }
0xbd: {  	[sflag:s0] =	ssyncadd.remote.s32 $0x1  }
0xbe: {  	_ =	sfence.sel $0xFFFF  }
0xbf: {  	[dreg:$0x0] =	wrdreg $0xFFFFFFFF;
	(pc) =	sbr.abs _section_cstart, $3  }
0xc0: {  	[dreg:$0x1] =	wrdreg $0xFFFFFFFF  }
0xc1: {  	_ =	task.clear_ibuf [dreg:s6], $0x2FFFF;
	_ =	strace $0x9FFFFFFF  }
0xc2: {  	(tm) =	ssettm $0x7FFFFFFF  }
0xc3: {  	_ =	shalt  }
tec
execute0_lowered:
.L_overlay_start_1:
0x0: {  	(tag) =	ssettag $0x1  }
0x1: {  	s0 =	srdreg.scid;
	s6 =	rddreg [dreg:$0x0]  }
0x2: {  	s9 =	stileid.u32;
	s2 =	rddreg [dreg:$0x1];
	s3 =	simm.s32 $0x0  }
0x3: {  	s16 =	simm.s32 $0x2800;
	s18 =	simm.s32 $0x5000;
	s19 =	simm.s32 $0x9  }
0x4: {  	s20 =	simm.s32 $0x1;
	s28 =	simm.s32 $0x12F40;
	s30 =	simm.s32 $0x14E80  }
0x5: {  	s15 =	simm.s32 $0x6;
	s29 =	simm.s32 $0x8;
	s31 =	simm.s32 $0x0  }
0x6: {  	s0 =	sand.u32 $0x1, s0;
	s1 =	sshll.u32 s9, $0x1;
	s7 =	smul.u32 $0x280, s9  }
0x7: {  	[smem:$0x7FF] =	sst s3;
	s4 =	sadd.s32 $0x7C400, s6;
	s5 =	sadd.s32 $0x68A00, s6  }
0x8: {  	s21 =	smul.u32 $0x28000, s9;
	s22 =	sadd.s32 $0x68600, s6;
	s1 =	sor.u32 s0, s1  }
0x9: {  	s8 =	smul.u32 $0x2800, s0;
	_ =	strace $0x8000004D;
	[dreg:$0x3] =	wrdreg s22  }
0xa: {  	s0 =	ssub.s32 $0x2, s0;
	s22 =	simm.s32 $0x3;
	s1 =	smul.u32 $0x500, s1  }
0xb: {  	s23 =	sshrl.u32 s0, $0x1;
	s7 =	sadd.s32 s7, s8;
	s8 =	sshrl.u32 s21, $0x2  }
0xc: {  	s0 =	ssub.s32 s0, s23;
	s21 =	simm.s32 $0x2;
	s23 =	simm.s32 $0x4  }
0xd: {  	s1 =	sadd.s32 s1, s6;
	s7 =	sshll.u32 s7, $0x3;
	s8 =	sadd.s32 s8, s2  }
0xe: {  	s0 =	smax.u32 s0, $0x1;
	s6 =	sadd.s32 s7, s6;
	s24 =	sadd.s32 $0xFC00, s1  }
0xf: {  	s1 =	sadd.s32 $0x5C00, s1;
	s10 =	sadd.s32 $0x2000, s8;
	s11 =	sadd.s32 $0x4000, s8  }
.Ltmp0:
0x10: {  	s12 =	sadd.s32 $0x6000, s8;
	[dreg:$0x8] =	wrdreg s0;
	(pc) =	sbr.rel .LBB2_1-.Ltmp0, $4  }
0x11: {  	s13 =	sadd.s32 $0x8000, s8;
	s0 =	simm.s32 $0x16DC0;
	[dreg:$0x4] =	wrdreg s24  }
0x12: {  	s7 =	simm.s32 $0x5;
	[dreg:$0x5] =	wrdreg s1;
	s25 =	sadd.s32 $0xDFC00, s6  }
0x13: {  	s26 =	sadd.s32 $0x8FE00, s6;
	s24 =	simm.s32 $0x7D;
	[dreg:$0x6] =	wrdreg s25  }
0x14: {  	[dreg:$0x7] =	wrdreg s26;
	s25 =	simm.s32 $0x11000;
	s26 =	simm.s32 $0x7  }
.LBB2_7:
0x15: {  	_ =	swait.ge [sflag:s23], $0x1F40  }
0x16: {  	[sflag:s23] =	ssyncset.done $0x0  }
0x17: {  	[sflag:s23] =	ssyncadd.s32 $0xFFFFE0C0  }
0x18: {  	[spmem:s2] =	stream.indirect.scatter.add.f32 [tilespmem:s0], [sflag:$0x8], $0x40, s16, s24, $0xb8;
	[tilespmem:$0x18D00] =	vst v63  }
0x19: {  	_ =	swait.ge [sflag:s15], $0x1F40  }
0x1a: {  	[sflag:s15] =	ssyncset.done $0x0  }
0x1b: {  	[sflag:s15] =	ssyncadd.s32 $0xFFFFE0C0  }
0x1c: {  	_ =	swait.ge [sflag:s26], $0x1F40  }
0x1d: {  	[sflag:s26] =	ssyncset.done $0x0  }
0x1e: {  	[sflag:s26] =	ssyncadd.s32 $0xFFFFE0C0  }
0x1f: {  	_ =	swait.ge [sflag:s29], $0x1F40  }
0x20: {  	[sflag:s29] =	ssyncset.done $0x0  }
0x21: {  	[sflag:s29] =	ssyncadd.s32 $0xFFFFE0C0  }
0x22: {  	[bflag:$0x0] =	sbarrier.arrive $0xFFFF  }
0x23: {  	s9 =	rddreg [dreg:$0x7]  }
0x24: {  	[hbm:s9], [sflag:s1] =	dma.local [spmem:s6], $0x1400  }
0x25: {  	_ =	swait.ge [sflag:s19], $0x1400  }
0x26: {  	s31 =	sadd.s32 $0x1, s31;
	s17 =	rddreg [dreg:$0x8]  }
0x27: {  	p0 =	sne.s32 s31, s17  }
.Ltmp1:
0x28: {  	_ = 	snop;
	(pc) =	sbr.rel @!p0 .LBB2_8-.Ltmp1, $4  }
0x29: {  	[sflag:s19] =	ssyncset.done $0x0  }
0x2a: {  	[sflag:s19] =	ssyncadd.s32 $0xFFFFEC00  }
0x2b: {  	[bflag:$0x0] =	sbarrier.arrive $0xFFFF  }
0x2c: {  	s16 =	simm.s32 $0x2800  }
.LBB2_1:
0x2d: {  	s1 =	rddreg [dreg:$0x4]  }
0x2e: {  	[tilespmem:s3], [sflag:$0x1] =	stream.linear.gather [hbm4b:s1+s3], $0x2800, $0x38;
	[tilespmem:$0x18D00] =	vst v63  }
0x2f: {  	s14 =	rddreg [dreg:$0x5]  }
0x30: {  	[tilespmem:s16], [sflag:$0x2] =	stream.linear.gather [hbm4b:s14+s3], $0x2800, $0x38;
	[tilespmem:$0x18D00] =	vst v63  }
0x31: {  	s17 =	rddreg [dreg:$0x3]  }
0x32: {  	[tilespmem:s18], [sflag:$0x9] =	stream.linear.gather [hbm4b:s17+s3], $0x2000, $0x38;
	[tilespmem:$0x18D00] =	vst v63  }
0x33: {  	_ =	swait.ge [sflag:s19], $0x2000  }
0x34: {  	[sflag:s19] =	ssyncset.done $0x0  }
0x35: {  	[sflag:s19] =	ssyncadd.s32 $0xFFFFE000  }
0x36: {  	_ =	swait.ge [sflag:s20], $0x2800  }
0x37: {  	[sflag:s20] =	ssyncset.done $0x0  }
0x38: {  	[sflag:s20] =	ssyncadd.s32 $0xFFFFD800  }
0x39: {  	_ =	swait.ge [sflag:s21], $0x2800  }
0x3a: {  	[sflag:s21] =	ssyncset.done $0x0  }
0x3b: {  	[sflag:s21] =	ssyncadd.s32 $0xFFFFD800  }
0x3c: {  	[spmem:s8] =	stream.linear.scatter [tilespmem:s18], [sflag:$0x1], $0x2000, $0x38;
	[tilespmem:$0x18D00] =	vst v63  }
0x3d: {  	_ = 	snop  }
0x3e: {  	[spmem:s10] =	stream.linear.scatter [tilespmem:s18], [sflag:$0x2], $0x2000, $0x38;
	[tilespmem:$0x18D00] =	vst v63  }
0x3f: {  	_ = 	snop  }
0x40: {  	[spmem:s11] =	stream.linear.scatter [tilespmem:s18], [sflag:$0x3], $0x2000, $0x38;
	[tilespmem:$0x18D00] =	vst v63  }
0x41: {  	_ = 	snop  }
0x42: {  	[spmem:s12] =	stream.linear.scatter [tilespmem:s18], [sflag:$0x4], $0x2000, $0x38;
	[tilespmem:$0x18D00] =	vst v63  }
0x43: {  	_ = 	snop  }
0x44: {  	[spmem:s13] =	stream.linear.scatter [tilespmem:s18], [sflag:$0x1], $0x2000, $0x38;
	[tilespmem:$0x18D00] =	vst v63  }
0x45: {  	_ =	swait.ge [sflag:s20], $0x2000  }
0x46: {  	[sflag:s20] =	ssyncset.done $0x0  }
0x47: {  	[sflag:s20] =	ssyncadd.s32 $0xFFFFE000  }
0x48: {  	_ =	swait.ge [sflag:s21], $0x2000  }
0x49: {  	[sflag:s21] =	ssyncset.done $0x0  }
0x4a: {  	[sflag:s21] =	ssyncadd.s32 $0xFFFFE000  }
0x4b: {  	_ =	swait.ge [sflag:s22], $0x2000  }
0x4c: {  	[sflag:s22] =	ssyncset.done $0x0  }
0x4d: {  	[sflag:s22] =	ssyncadd.s32 $0xFFFFE000  }
0x4e: {  	_ =	swait.ge [sflag:s23], $0x2000  }
0x4f: {  	[sflag:s23] =	ssyncset.done $0x0  }
0x50: {  	[sflag:s23] =	ssyncadd.s32 $0xFFFFE000  }
0x51: {  	_ =	swait.ge [sflag:s20], $0x2000  }
0x52: {  	[sflag:s20] =	ssyncset.done $0x0  }
0x53: {  	[sflag:s20] =	ssyncadd.s32 $0xFFFFE000  }
0x54: {  	[bflag:$0x0] =	sbarrier.arrive $0xFFFF  }
0x55: {  	[tilespmem:s25], [sflag:$0x1] =	stream.indirect.gather [hbm4b:s4+s24], $0x40, s3, s24, $0xb8;
	[tilespmem:$0x18D00] =	vst v63  }
0x56: {  	s6 =	simm.s32 $0x80  }
0x57: {  	[tilespmem:s28], [sflag:$0x2] =	stream.indirect.gather [hbm4b:s4+s24], $0x40, s6, s24, $0xb8;
	[tilespmem:$0x18D00] =	vst v63  }
0x58: {  	_ =	swait.ge [sflag:s20], $0x1F40  }
0x59: {  	[sflag:s20] =	ssyncset.done $0x0  }
0x5a: {  	[sflag:s20] =	ssyncadd.s32 $0xFFFFE0C0  }
0x5b: {  	[spmem:s2] =	stream.indirect.scatter.add.f32 [tilespmem:s25], [sflag:$0x5], $0x40, s16, s24, $0xb8;
	[tilespmem:$0x18D00] =	vst v63  }
0x5c: {  	s9 =	simm.s32 $0x100  }
0x5d: {  	[tilespmem:s30], [sflag:$0x3] =	stream.indirect.gather [hbm4b:s4+s24], $0x40, s9, s24, $0xb8;
	[tilespmem:$0x18D00] =	vst v63  }
0x5e: {  	_ =	swait.ge [sflag:s21], $0x1F40  }
0x5f: {  	[sflag:s21] =	ssyncset.done $0x0  }
0x60: {  	s14 =	simm.s32 $0x2880;
	[sflag:s21] =	ssyncadd.s32 $0xFFFFE0C0  }
0x61: {  	[spmem:s2] =	stream.indirect.scatter.add.f32 [tilespmem:s28], [sflag:$0x6], $0x40, s14, s24, $0xb8;
	[tilespmem:$0x18D00] =	vst v63  }
0x62: {  	s17 =	simm.s32 $0x180  }
0x63: {  	[tilespmem:s0], [sflag:$0x4] =	stream.indirect.gather [hbm4b:s4+s24], $0x40, s17, s24, $0xb8;
	[tilespmem:$0x18D00] =	vst v63  }
0x64: {  	_ =	swait.ge [sflag:s22], $0x1F40  }
0x65: {  	[sflag:s22] =	ssyncset.done $0x0  }
0x66: {  	s6 =	simm.s32 $0x2900;
	[sflag:s22] =	ssyncadd.s32 $0xFFFFE0C0  }
0x67: {  	[spmem:s2] =	stream.indirect.scatter.add.f32 [tilespmem:s30], [sflag:$0x7], $0x40, s6, s24, $0xb8;
	[tilespmem:$0x18D00] =	vst v63  }
0x68: {  	_ =	swait.ge [sflag:s7], $0x1F40  }
0x69: {  	[sflag:s7] =	ssyncset.done $0x0  }
0x6a: {  	s9 =	simm.s32 $0x200;
	[sflag:s7] =	ssyncadd.s32 $0xFFFFE0C0  }
0x6b: {  	[tilespmem:s25], [sflag:$0x1] =	stream.indirect.gather [hbm4b:s4+s24], $0x40, s9, s24, $0xb8;
	[tilespmem:$0x18D00] =	vst v63  }
0x6c: {  	_ =	swait.ge [sflag:s23], $0x1F40  }
0x6d: {  	[sflag:s23] =	ssyncset.done $0x0  }
0x6e: {  	s14 =	simm.s32 $0x2980;
	[sflag:s23] =	ssyncadd.s32 $0xFFFFE0C0  }
0x6f: {  	[spmem:s2] =	stream.indirect.scatter.add.f32 [tilespmem:s0], [sflag:$0x8], $0x40, s14, s24, $0xb8;
	[tilespmem:$0x18D00] =	vst v63  }
0x70: {  	_ =	swait.ge [sflag:s15], $0x1F40  }
0x71: {  	[sflag:s15] =	ssyncset.done $0x0  }
0x72: {  	s1 =	simm.s32 $0x0;
	s17 =	simm.s32 $0x280;
	[sflag:s15] =	ssyncadd.s32 $0xFFFFE0C0  }
0x73: {  	[tilespmem:s28], [sflag:$0x2] =	stream.indirect.gather [hbm4b:s4+s24], $0x40, s17, s24, $0xb8;
	[tilespmem:$0x18D00] =	vst v63  }
.LBB2_2:
0x74: {  	_ =	swait.ge [sflag:s20], $0x1F40  }
0x75: {  	s6 =	sshra.s32 s1, $0x2;
	[sflag:s20] =	ssyncset.done $0x0  }
0x76: {  	s9 =	sadd.s32 $0x2A00, s6;
	[sflag:s20] =	ssyncadd.s32 $0xFFFFE0C0  }
0x77: {  	[spmem:s2] =	stream.indirect.scatter.add.f32 [tilespmem:s25], [sflag:$0x5], $0x40, s9, s24, $0xb8;
	[tilespmem:$0x18D00] =	vst v63  }
0x78: {  	_ =	swait.ge [sflag:s26], $0x1F40  }
0x79: {  	[sflag:s26] =	ssyncset.done $0x0  }
0x7a: {  	s14 =	sadd.s32 $0x300, s6;
	[sflag:s26] =	ssyncadd.s32 $0xFFFFE0C0  }
0x7b: {  	[tilespmem:s30], [sflag:$0x3] =	stream.indirect.gather [hbm4b:s4+s24], $0x40, s14, s24, $0xb8;
	[tilespmem:$0x18D00] =	vst v63  }
0x7c: {  	_ =	swait.ge [sflag:s21], $0x1F40  }
0x7d: {  	[sflag:s21] =	ssyncset.done $0x0  }
0x7e: {  	s17 =	sadd.s32 $0x2A80, s6;
	[sflag:s21] =	ssyncadd.s32 $0xFFFFE0C0  }
0x7f: {  	[spmem:s2] =	stream.indirect.scatter.add.f32 [tilespmem:s28], [sflag:$0x6], $0x40, s17, s24, $0xb8;
	[tilespmem:$0x18D00] =	vst v63  }
0x80: {  	_ =	swait.ge [sflag:s29], $0x1F40  }
0x81: {  	[sflag:s29] =	ssyncset.done $0x0  }
0x82: {  	s14 =	sadd.s32 $0x380, s6;
	[sflag:s29] =	ssyncadd.s32 $0xFFFFE0C0  }
0x83: {  	[tilespmem:s0], [sflag:$0x4] =	stream.indirect.gather [hbm4b:s4+s24], $0x40, s14, s24, $0xb8;
	[tilespmem:$0x18D00] =	vst v63  }
0x84: {  	_ =	swait.ge [sflag:s22], $0x1F40  }
0x85: {  	p0 =	seq.s32 s1, $0x9000;
	[sflag:s22] =	ssyncset.done $0x0  }
.Ltmp2:
0x86: {  	s17 =	sadd.s32 $0x2B00, s6;
	[sflag:s22] =	ssyncadd.s32 $0xFFFFE0C0;
	(pc) =	sbr.rel @p0 .LBB2_4-.Ltmp2, $4  }
0x87: {  	[spmem:s2] =	stream.indirect.scatter.add.f32 [tilespmem:s30], [sflag:$0x7], $0x40, s17, s24, $0xb8;
	[tilespmem:$0x18D00] =	vst v63  }
0x88: {  	_ =	swait.ge [sflag:s7], $0x1F40  }
0x89: {  	[sflag:s7] =	ssyncset.done $0x0  }
0x8a: {  	s9 =	sadd.s32 $0x2B80, s6;
	[sflag:s7] =	ssyncadd.s32 $0xFFFFE0C0  }
0x8b: {  	s14 =	sadd.s32 $0x400, s6  }
0x8c: {  	[tilespmem:s25], [sflag:$0x1] =	stream.indirect.gather [hbm4b:s4+s24], $0x40, s14, s24, $0xb8;
	[tilespmem:$0x18D00] =	vst v63  }
0x8d: {  	_ =	swait.ge [sflag:s23], $0x1F40  }
0x8e: {  	[sflag:s23] =	ssyncset.done $0x0  }
0x8f: {  	[sflag:s23] =	ssyncadd.s32 $0xFFFFE0C0  }
0x90: {  	[spmem:s2] =	stream.indirect.scatter.add.f32 [tilespmem:s0], [sflag:$0x8], $0x40, s9, s24, $0xb8;
	[tilespmem:$0x18D00] =	vst v63  }
.Ltmp3:
0x91: {  	_ = 	snop;
	(pc) =	sbr.rel .LBB2_2-.Ltmp3, $4  }
0x92: {  	_ =	swait.ge [sflag:s15], $0x1F40  }
0x93: {  	[sflag:s15] =	ssyncset.done $0x0  }
0x94: {  	s17 =	sadd.s32 $0x480, s6;
	s1 =	sadd.s32 $0x800, s1;
	[sflag:s15] =	ssyncadd.s32 $0xFFFFE0C0  }
0x95: {  	[tilespmem:s28], [sflag:$0x2] =	stream.indirect.gather [hbm4b:s4+s24], $0x40, s17, s24, $0xb8;
	[tilespmem:$0x18D00] =	vst v63  }
.LBB2_4:
0x96: {  	_ =	swait.ge [sflag:s23], $0x1F40  }
0x97: {  	[sflag:s23] =	ssyncset.done $0x0  }
0x98: {  	[sflag:s23] =	ssyncadd.s32 $0xFFFFE0C0  }
0x99: {  	[spmem:s2] =	stream.indirect.scatter.add.f32 [tilespmem:s0], [sflag:$0x8], $0x40, s9, s24, $0xb8;
	[tilespmem:$0x18D00] =	vst v63  }
0x9a: {  	_ =	swait.ge [sflag:s15], $0x1F40  }
0x9b: {  	[sflag:s15] =	ssyncset.done $0x0  }
0x9c: {  	[sflag:s15] =	ssyncadd.s32 $0xFFFFE0C0  }
0x9d: {  	_ =	swait.ge [sflag:s26], $0x1F40  }
0x9e: {  	[sflag:s26] =	ssyncset.done $0x0  }
0x9f: {  	[sflag:s26] =	ssyncadd.s32 $0xFFFFE0C0  }
0xa0: {  	_ =	swait.ge [sflag:s29], $0x1F40  }
0xa1: {  	[sflag:s29] =	ssyncset.done $0x0  }
0xa2: {  	s1 =	stileid.u32;
	[sflag:s29] =	ssyncadd.s32 $0xFFFFE0C0  }
0xa3: {  	s1 =	sshll.u32 s1, $0x6;
	[bflag:$0x0] =	sbarrier.arrive $0xFFFF  }
0xa4: {  	s6 =	sshrl.u32 s8, $0x3;
	s1 =	sor.u32 $0x1C09, s1;
	s14 =	rddreg [dreg:$0x6]  }
0xa5: {  	[hbm:s14], [sflag:s1] =	dma.local [spmem:s6], $0x1400  }
0xa6: {  	_ =	swait.ge [sflag:s19], $0x1400  }
0xa7: {  	[sflag:s19] =	ssyncset.done $0x0  }
0xa8: {  	[sflag:s19] =	ssyncadd.s32 $0xFFFFEC00  }
0xa9: {  	[bflag:$0x0] =	sbarrier.arrive $0xFFFF  }
0xaa: {  	[spmem:s8] =	stream.linear.scatter [tilespmem:s18], [sflag:$0x1], $0x2000, $0x38;
	[tilespmem:$0x18D00] =	vst v63  }
0xab: {  	_ = 	snop  }
0xac: {  	[spmem:s10] =	stream.linear.scatter [tilespmem:s18], [sflag:$0x2], $0x2000, $0x38;
	[tilespmem:$0x18D00] =	vst v63  }
0xad: {  	_ = 	snop  }
0xae: {  	[spmem:s11] =	stream.linear.scatter [tilespmem:s18], [sflag:$0x3], $0x2000, $0x38;
	[tilespmem:$0x18D00] =	vst v63  }
0xaf: {  	_ = 	snop  }
0xb0: {  	[spmem:s12] =	stream.linear.scatter [tilespmem:s18], [sflag:$0x4], $0x2000, $0x38;
	[tilespmem:$0x18D00] =	vst v63  }
0xb1: {  	_ = 	snop  }
0xb2: {  	[spmem:s13] =	stream.linear.scatter [tilespmem:s18], [sflag:$0x1], $0x2000, $0x38;
	[tilespmem:$0x18D00] =	vst v63  }
0xb3: {  	_ =	swait.ge [sflag:s20], $0x2000  }
0xb4: {  	[sflag:s20] =	ssyncset.done $0x0  }
0xb5: {  	[sflag:s20] =	ssyncadd.s32 $0xFFFFE000  }
0xb6: {  	_ =	swait.ge [sflag:s21], $0x2000  }
0xb7: {  	[sflag:s21] =	ssyncset.done $0x0  }
0xb8: {  	[sflag:s21] =	ssyncadd.s32 $0xFFFFE000  }
0xb9: {  	_ =	swait.ge [sflag:s22], $0x2000  }
0xba: {  	[sflag:s22] =	ssyncset.done $0x0  }
0xbb: {  	[sflag:s22] =	ssyncadd.s32 $0xFFFFE000  }
0xbc: {  	_ =	swait.ge [sflag:s23], $0x2000  }
0xbd: {  	[sflag:s23] =	ssyncset.done $0x0  }
0xbe: {  	[sflag:s23] =	ssyncadd.s32 $0xFFFFE000  }
0xbf: {  	_ =	swait.ge [sflag:s20], $0x2000  }
0xc0: {  	[sflag:s20] =	ssyncset.done $0x0  }
0xc1: {  	[sflag:s20] =	ssyncadd.s32 $0xFFFFE000  }
0xc2: {  	s9 =	simm.s32 $0x0;
	[bflag:$0x0] =	sbarrier.arrive $0xFFFF  }
0xc3: {  	[tilespmem:s25], [sflag:$0x1] =	stream.indirect.gather [hbm4b:s5+s24], $0x40, s9, s24, $0xb8;
	[tilespmem:$0x18D00] =	vst v63  }
0xc4: {  	s14 =	simm.s32 $0x80  }
0xc5: {  	[tilespmem:s28], [sflag:$0x2] =	stream.indirect.gather [hbm4b:s5+s24], $0x40, s14, s24, $0xb8;
	[tilespmem:$0x18D00] =	vst v63  }
0xc6: {  	_ =	swait.ge [sflag:s20], $0x1F40  }
0xc7: {  	[sflag:s20] =	ssyncset.done $0x0  }
0xc8: {  	[sflag:s20] =	ssyncadd.s32 $0xFFFFE0C0  }
0xc9: {  	[spmem:s2] =	stream.indirect.scatter.add.f32 [tilespmem:s25], [sflag:$0x5], $0x40, s16, s24, $0xb8;
	[tilespmem:$0x18D00] =	vst v63  }
0xca: {  	s17 =	simm.s32 $0x100  }
0xcb: {  	[tilespmem:s30], [sflag:$0x3] =	stream.indirect.gather [hbm4b:s5+s24], $0x40, s17, s24, $0xb8;
	[tilespmem:$0x18D00] =	vst v63  }
0xcc: {  	_ =	swait.ge [sflag:s21], $0x1F40  }
0xcd: {  	[sflag:s21] =	ssyncset.done $0x0  }
0xce: {  	s16 =	simm.s32 $0x2880;
	[sflag:s21] =	ssyncadd.s32 $0xFFFFE0C0  }
0xcf: {  	[spmem:s2] =	stream.indirect.scatter.add.f32 [tilespmem:s28], [sflag:$0x6], $0x40, s16, s24, $0xb8;
	[tilespmem:$0x18D00] =	vst v63  }
0xd0: {  	s17 =	simm.s32 $0x180  }
0xd1: {  	[tilespmem:s0], [sflag:$0x4] =	stream.indirect.gather [hbm4b:s5+s24], $0x40, s17, s24, $0xb8;
	[tilespmem:$0x18D00] =	vst v63  }
0xd2: {  	_ =	swait.ge [sflag:s22], $0x1F40  }
0xd3: {  	[sflag:s22] =	ssyncset.done $0x0  }
0xd4: {  	s16 =	simm.s32 $0x2900;
	[sflag:s22] =	ssyncadd.s32 $0xFFFFE0C0  }
0xd5: {  	[spmem:s2] =	stream.indirect.scatter.add.f32 [tilespmem:s30], [sflag:$0x7], $0x40, s16, s24, $0xb8;
	[tilespmem:$0x18D00] =	vst v63  }
0xd6: {  	_ =	swait.ge [sflag:s7], $0x1F40  }
0xd7: {  	[sflag:s7] =	ssyncset.done $0x0  }
0xd8: {  	s17 =	simm.s32 $0x200;
	[sflag:s7] =	ssyncadd.s32 $0xFFFFE0C0  }
0xd9: {  	[tilespmem:s25], [sflag:$0x1] =	stream.indirect.gather [hbm4b:s5+s24], $0x40, s17, s24, $0xb8;
	[tilespmem:$0x18D00] =	vst v63  }
0xda: {  	_ =	swait.ge [sflag:s23], $0x1F40  }
0xdb: {  	[sflag:s23] =	ssyncset.done $0x0  }
0xdc: {  	s16 =	simm.s32 $0x2980;
	[sflag:s23] =	ssyncadd.s32 $0xFFFFE0C0  }
0xdd: {  	[spmem:s2] =	stream.indirect.scatter.add.f32 [tilespmem:s0], [sflag:$0x8], $0x40, s16, s24, $0xb8;
	[tilespmem:$0x18D00] =	vst v63  }
0xde: {  	_ =	swait.ge [sflag:s15], $0x1F40  }
0xdf: {  	[sflag:s15] =	ssyncset.done $0x0  }
0xe0: {  	s17 =	simm.s32 $0x280;
	[sflag:s15] =	ssyncadd.s32 $0xFFFFE0C0  }
0xe1: {  	[tilespmem:s28], [sflag:$0x2] =	stream.indirect.gather [hbm4b:s5+s24], $0x40, s17, s24, $0xb8;
	[tilespmem:$0x18D00] =	vst v63  }
.LBB2_5:
0xe2: {  	_ =	swait.ge [sflag:s20], $0x1F40  }
0xe3: {  	s14 =	sshra.s32 s9, $0x2;
	[sflag:s20] =	ssyncset.done $0x0  }
0xe4: {  	s16 =	sadd.s32 $0x2A00, s14;
	[sflag:s20] =	ssyncadd.s32 $0xFFFFE0C0  }
0xe5: {  	[spmem:s2] =	stream.indirect.scatter.add.f32 [tilespmem:s25], [sflag:$0x5], $0x40, s16, s24, $0xb8;
	[tilespmem:$0x18D00] =	vst v63  }
0xe6: {  	_ =	swait.ge [sflag:s26], $0x1F40  }
0xe7: {  	[sflag:s26] =	ssyncset.done $0x0  }
0xe8: {  	s17 =	sadd.s32 $0x300, s14;
	[sflag:s26] =	ssyncadd.s32 $0xFFFFE0C0  }
0xe9: {  	[tilespmem:s30], [sflag:$0x3] =	stream.indirect.gather [hbm4b:s5+s24], $0x40, s17, s24, $0xb8;
	[tilespmem:$0x18D00] =	vst v63  }
0xea: {  	_ =	swait.ge [sflag:s21], $0x1F40  }
0xeb: {  	[sflag:s21] =	ssyncset.done $0x0  }
0xec: {  	s17 =	sadd.s32 $0x2A80, s14;
	[sflag:s21] =	ssyncadd.s32 $0xFFFFE0C0  }
0xed: {  	[spmem:s2] =	stream.indirect.scatter.add.f32 [tilespmem:s28], [sflag:$0x6], $0x40, s17, s24, $0xb8;
	[tilespmem:$0x18D00] =	vst v63  }
0xee: {  	_ =	swait.ge [sflag:s29], $0x1F40  }
0xef: {  	[sflag:s29] =	ssyncset.done $0x0  }
0xf0: {  	s17 =	sadd.s32 $0x380, s14;
	[sflag:s29] =	ssyncadd.s32 $0xFFFFE0C0  }
0xf1: {  	[tilespmem:s0], [sflag:$0x4] =	stream.indirect.gather [hbm4b:s5+s24], $0x40, s17, s24, $0xb8;
	[tilespmem:$0x18D00] =	vst v63  }
0xf2: {  	_ =	swait.ge [sflag:s22], $0x1F40  }
0xf3: {  	p0 =	seq.s32 s9, $0x9000;
	[sflag:s22] =	ssyncset.done $0x0  }
.Ltmp4:
0xf4: {  	s17 =	sadd.s32 $0x2B00, s14;
	[sflag:s22] =	ssyncadd.s32 $0xFFFFE0C0;
	(pc) =	sbr.rel @p0 .LBB2_7-.Ltmp4, $4  }
0xf5: {  	[spmem:s2] =	stream.indirect.scatter.add.f32 [tilespmem:s30], [sflag:$0x7], $0x40, s17, s24, $0xb8;
	[tilespmem:$0x18D00] =	vst v63  }
0xf6: {  	_ =	swait.ge [sflag:s7], $0x1F40  }
0xf7: {  	[sflag:s7] =	ssyncset.done $0x0  }
0xf8: {  	s16 =	sadd.s32 $0x2B80, s14;
	[sflag:s7] =	ssyncadd.s32 $0xFFFFE0C0  }
0xf9: {  	s17 =	sadd.s32 $0x400, s14  }
0xfa: {  	[tilespmem:s25], [sflag:$0x1] =	stream.indirect.gather [hbm4b:s5+s24], $0x40, s17, s24, $0xb8;
	[tilespmem:$0x18D00] =	vst v63  }
0xfb: {  	_ =	swait.ge [sflag:s23], $0x1F40  }
0xfc: {  	[sflag:s23] =	ssyncset.done $0x0  }
0xfd: {  	[sflag:s23] =	ssyncadd.s32 $0xFFFFE0C0  }
0xfe: {  	[spmem:s2] =	stream.indirect.scatter.add.f32 [tilespmem:s0], [sflag:$0x8], $0x40, s16, s24, $0xb8;
	[tilespmem:$0x18D00] =	vst v63  }
.Ltmp5:
0xff: {  	_ = 	snop;
	(pc) =	sbr.rel .LBB2_5-.Ltmp5, $4  }
0x100: {  	_ =	swait.ge [sflag:s15], $0x1F40  }
0x101: {  	[sflag:s15] =	ssyncset.done $0x0  }
0x102: {  	s9 =	sadd.s32 $0x800, s9;
	s17 =	sadd.s32 $0x480, s14;
	[sflag:s15] =	ssyncadd.s32 $0xFFFFE0C0  }
0x103: {  	[tilespmem:s28], [sflag:$0x2] =	stream.indirect.gather [hbm4b:s5+s24], $0x40, s17, s24, $0xb8;
	[tilespmem:$0x18D00] =	vst v63  }
.LBB2_8:
0x104: {  	_ =	sfence.sel $0x180000  }
0x105: {  	[bflag:$0x0] =	sbarrier.arrive $0xFFFF  }
0x106: {  	_ =	strace $0x9000004D  }
0x107: {  	s0 =	stileid.u32;
	[bflag:$0x2] =	sbarrier.arrive $0xFFFF  }
0x108: {  	p0 =	sne.s32 s0, $0x0;
	s0 =	rddreg [dreg:$0x2]  }
0x109: {  	s0 =	sadd.s32 @!p0 $0x100000, s0  }
0x10a: {  	[sflag:s0] =	ssyncadd.tile.s32 @!p0 $0x1;
	_ =	shalt  }
.Lfunc_end2:
_tile_overlayer_lowered:
.L_overlay_start_2:
0x10b: {  	(tag) =	ssettag $0x2  }
0x10c: {  	s0 =	rddreg [dreg:$0x0];
	s2 =	stileid.u32  }
0x10d: {  	s1 =	rddreg [dreg:$0x1];
	p0 =	sne.s32 s2, $0x0  }
0x10e: {  	s3 =	rddreg [dreg:$0x2];
	[bflag:$0x3] =	sbarrier.arrive $0xFFFF;
	s2 =	simm.s32 @!p0 $0x1C09  }
0x10f: {  	[timem:s3], [sflag:s2] =	dma.local @!p0 [hbm:s0], s1  }
0x110: {  	s0 =	simm.s32 @!p0 $0x9  }
0x111: {  	_ =	swait.ge @!p0 [sflag:s0], s1  }
0x112: {  	s1 =	ssub.s32 @!p0 $0x0, s1;
	[sflag:s0] =	ssyncset.done @!p0 $0x0  }
0x113: {  	[sflag:s0] =	ssyncadd.s32 @!p0 s1  }
0x114: {  	[bflag:$0x3] =	sbarrier.arrive $0xFFFF  }
0x115: {  	_ =	shalt  }

// kernel: sc_segsum_deg.3.cloned.1.call-start
scs
__scs_entry_jumppad:
0x0: {  	(pc) =	sbr.rel $0x88, $3  }
0x1: {  	(tag) =	ssettag $0x0;
	lr =	simm.s32 $0x1  }
0x2: {  	[smem:$0x3F8B] =	sst lr;
	_ =	strace $0xD0000000  }
0x3: {  	_ = 	snop  }
0x4: {  	_ = 	snop  }
0x5: {  	_ = 	snop  }
0x6: {  	_ = 	snop  }
0x7: {  	_ = 	snop  }
__scs_overlays_trampoline_lowered:
0x8: {  	[smem:$0x3F9A] =	sst s0  }
0x9: {  	[smem:$0x3F9B] =	sst s1  }
0xa: {  	[smem:$0x3F9C] =	sst s2  }
0xb: {  	[smem:$0x3F9D] =	sst s3  }
0xc: {  	[smem:$0x3F9E] =	sst s4  }
0xd: {  	[smem:$0x3F9F] =	sst s5  }
0xe: {  	[smem:$0x3FA0] =	sst s6  }
0xf: {  	[smem:$0x3FA1] =	sst s7  }
0x10: {  	[smem:$0x3FA2] =	sst s8  }
0x11: {  	[smem:$0x3FA3] =	sst s9;
	s0 =	simm.s32 @!p0 $0x0  }
0x12: {  	s1 =	sld [smem:$0x3F89];
	s0 =	simm.s32 @p0 $0x1  }
0x13: {  	[smem:$0x3FA4] =	sst s0;
	s0 =	simm.s32 @!p1 $0x0  }
0x14: {  	s2 =	sld [smem:$0x3F88];
	s0 =	simm.s32 @p1 $0x1  }
0x15: {  	[smem:$0x3FA5] =	sst s0;
	s0 =	simm.s32 @!p2 $0x0  }
0x16: {  	s3 =	sld [smem:$0x3FDB];
	s0 =	simm.s32 @p2 $0x1  }
0x17: {  	s4 =	simm.s32 $0x1BF5;
	[smem:$0x3FA7] =	sst s0  }
0x18: {  	s0 =	sld [smem:$0x3F8A];
	_ =	swait.ge [sflag:s4], $0x0  }
0x19: {  	s7 =	sld [smem:$0x3F8B]  }
0x1a: {  	s8 =	sadd.s32 $0xFFFFE003, lr  }
0x1b: {  	s9 =	sadd.s32 $0xFFFFFEF7, lr;
	s5 =	simm.s32 $0xFFFFFFFF;
	p2 =	slt.u32 s8, $0xFFFFF086  }
0x1c: {  	p1 =	slt.u32 s9, $0xF7A;
	s5 =	simm.s32 @!p2 $0x0  }
0x1d: {  	s5 =	simm.s32 @p1 $0x1;
	p0 =	seq.s32 s7, s2  }
0x1e: {  	s7 =	smul.u32 @!p0 $0xF7A, s2;
	p2 =	seq.s32 @!p0 s5, $0x0  }
0x1f: {  	s9 =	smul.u32 $0xF7A, s1;
	s8 =	simm.s32 @!p0 $0x1BF5;
	p2 =	por !p2, p0  }
0x20: {  	[sflag:s8] =	ssyncset.s32 @!p0 $0xFFFFF086;
	s6 =	sadd.s32 @!p0 s3, s7;
	s7 =	simm.s32 @!p0 $0x108  }
0x21: {  	s3 =	sadd.s32 s3, s9;
	s6 =	sadd.s32 @!p0 $0x88, s6;
	s7 =	simm.s32 @p2 $0x1082  }
0x22: {  	[simem:s7], [sflag:s8] =	dma.local @!p0 [hbm:s6], $0xF7A  }
0x23: {  	s9 =	sor.u32 $0xD0000000, s2;
	s6 =	simm.s32 $0x108;
	_ =	swait.ge @!p0 [sflag:s8], $0x0  }
0x24: {  	s3 =	sadd.s32 $0x88, s3;
	s6 =	simm.s32 @!p1 $0x1082;
	[sflag:s4] =	ssyncset.s32 $0xFFFFF086  }
0x25: {  	[simem:s6], [sflag:s4] =	dma.local [hbm:s3], $0xF7A  }
0x26: {  	[smem:$0x3F8B] =	sst s1;
	(tag) =	ssettag s2;
	_ =	strace s9  }
0x27: {  	s1 =	sld [smem:$0x3F9B]  }
0x28: {  	s2 =	sld [smem:$0x3F9C]  }
0x29: {  	s4 =	sld [smem:$0x3F9E]  }
0x2a: {  	p0 =	seq.s32 s5, $0x0;
	s5 =	sld [smem:$0x3F9F]  }
0x2b: {  	s6 =	sld [smem:$0x3FA0]  }
0x2c: {  	s7 =	sld [smem:$0x3FA1]  }
0x2d: {  	s3 =	simm.s32 $0x108;
	s8 =	sld [smem:$0x3FA2]  }
0x2e: {  	s3 =	simm.s32 @!p0 $0x1082;
	s9 =	sld [smem:$0x3FA3]  }
0x2f: {  	lr =	sadd.s32 s0, s3;
	s0 =	sld [smem:$0x3F9A]  }
0x30: {  	s3 =	sld [smem:$0x3F9D]  }
0x31: {  	[smem:$0x3FA6] =	sst s10  }
0x32: {  	s10 =	sld [smem:$0x3FA4];
	_ =	sdelay $0x3  }
0x33: {  	p0 =	seq.s32 s10, $0x1;
	s10 =	sld [smem:$0x3FA6];
	_ =	sdelay $0x3  }
0x34: {  	[smem:$0x3FA6] =	sst s10  }
0x35: {  	s10 =	sld [smem:$0x3FA5];
	_ =	sdelay $0x3  }
0x36: {  	p1 =	seq.s32 s10, $0x1;
	s10 =	sld [smem:$0x3FA6];
	_ =	sdelay $0x3  }
0x37: {  	[smem:$0x3FA6] =	sst s10  }
0x38: {  	s10 =	sld [smem:$0x3FA7]  }
0x39: {  	_ = 	snop;
	(pc) =	sbr.ind lr, $3  }
0x3a: {  	_ = 	snop  }
0x3b: {  	_ = 	snop  }
0x3c: {  	p2 =	seq.s32 s10, $0x1;
	s10 =	sld [smem:$0x3FA6]  }
0x3d: {  	_ =	shalt  }
0x3e: {  	_ =	shalt  }
0x3f: {  	_ =	shalt  }
0x40: {  	_ =	shalt  }
0x41: {  	_ =	shalt  }
0x42: {  	_ =	shalt  }
0x43: {  	_ =	shalt  }
0x44: {  	_ =	shalt  }
0x45: {  	_ =	shalt  }
0x46: {  	_ =	shalt  }
0x47: {  	_ =	shalt  }
0x48: {  	_ =	shalt  }
0x49: {  	_ =	shalt  }
0x4a: {  	_ =	shalt  }
0x4b: {  	_ =	shalt  }
0x4c: {  	_ =	shalt  }
0x4d: {  	_ =	shalt  }
0x4e: {  	_ =	shalt  }
0x4f: {  	_ =	shalt  }
0x50: {  	_ =	shalt  }
0x51: {  	_ =	shalt  }
0x52: {  	_ =	shalt  }
0x53: {  	_ =	shalt  }
0x54: {  	_ =	shalt  }
0x55: {  	_ =	shalt  }
0x56: {  	_ =	shalt  }
0x57: {  	_ =	shalt  }
0x58: {  	_ =	shalt  }
0x59: {  	_ =	shalt  }
0x5a: {  	_ =	shalt  }
0x5b: {  	_ =	shalt  }
0x5c: {  	_ =	shalt  }
0x5d: {  	_ =	shalt  }
0x5e: {  	_ =	shalt  }
0x5f: {  	_ =	shalt  }
0x60: {  	_ =	shalt  }
0x61: {  	_ =	shalt  }
0x62: {  	_ =	shalt  }
0x63: {  	_ =	shalt  }
0x64: {  	_ =	shalt  }
0x65: {  	_ =	shalt  }
0x66: {  	_ =	shalt  }
0x67: {  	_ =	shalt  }
0x68: {  	_ =	shalt  }
0x69: {  	_ =	shalt  }
0x6a: {  	_ =	shalt  }
0x6b: {  	_ =	shalt  }
0x6c: {  	_ =	shalt  }
0x6d: {  	_ =	shalt  }
0x6e: {  	_ =	shalt  }
0x6f: {  	_ =	shalt  }
0x70: {  	_ =	shalt  }
0x71: {  	_ =	shalt  }
0x72: {  	_ =	shalt  }
0x73: {  	_ =	shalt  }
0x74: {  	_ =	shalt  }
0x75: {  	_ =	shalt  }
0x76: {  	_ =	shalt  }
0x77: {  	_ =	shalt  }
0x78: {  	_ =	shalt  }
0x79: {  	_ =	shalt  }
0x7a: {  	_ =	shalt  }
0x7b: {  	_ =	shalt  }
0x7c: {  	_ =	shalt  }
0x7d: {  	_ =	shalt  }
0x7e: {  	_ =	shalt  }
0x7f: {  	_ =	shalt  }
0x80: {  	_ =	shalt  }
0x81: {  	_ =	shalt  }
0x82: {  	_ =	shalt  }
0x83: {  	_ =	shalt  }
0x84: {  	_ =	shalt  }
0x85: {  	_ =	shalt  }
0x86: {  	_ =	shalt  }
0x87: {  	_ =	shalt  }
.Lfunc_end0:
.L_simem_size_0:
called_computation_lowered:
.L_overlay_start_0:
0x88: {  	s2 =	sld [smem:$0x3FD9]  }
0x89: {  	s3 =	sld [smem:$0x3FFE];
	_ =	sdelay $0x1  }
0x8a: {  	s1 =	srdreg.scid  }
0x8b: {  	s0 =	sand.u32 $0x1, s1  }
0x8c: {  	s16 =	sshll.u32 s0, $0xA;
	s2 =	sadd.s32 s3, s2  }
0x8d: {  	s2 =	sadd.s32 s2, s16  }
0x8e: {  	[smem:$0x3FB2] =	sst s2  }
0x8f: {  	_ = 	snop  }
0x90: {  	(tm) =	ssettm $0x1  }
0x91: {  	s17 =	sld [smem:$0x3FFB];
	_ =	sdelay $0x3  }
0x92: {  	_ =	strace s17  }
0x93: {  	s2 =	sld [smem:$0x3FFC];
	_ =	sdelay $0x3  }
0x94: {  	_ =	strace s2  }
0x95: {  	s2 =	sld [smem:$0x3FFD];
	_ =	sdelay $0x3  }
0x96: {  	_ =	strace s2  }
0x97: {  	_ =	strace $0x8FFFFFFF  }
0x98: {  	s18 =	sld [smem:$0x3FDB];
	_ =	sdelay $0x1  }
0x99: {  	s19 =	simm.s32 $_scs_section_size  }
0x9a: {  	s4 =	simm.s32 $_size__tile_overlayer_lowered;
	s5 =	simm.s32 $_tile_overlayer_lowered  }
0x9b: {  	s22 =	simm.s32 $0x1BFF;
	s21 =	sshll.u32 s5, $0x1;
	s2 =	sadd.s32 s19, s18  }
0x9c: {  	s6 =	simm.s32 $0x0;
	s20 =	sshll.u32 s4, $0x1;
	s4 =	sadd.s32 s21, s2  }
0x9d: {  	[timem:s6], [sflag:s22] =	dma.local [hbm:s4], s20  }
0x9e: {  	_ =	swait.ge [sflag:s22], s20  }
0x9f: {  	s3 =	ssub.s32 $0x0, s20;
	[sflag:s22] =	ssyncset.done $0x0  }
0xa0: {  	[sflag:s22] =	ssyncadd.s32 s3;
	_ =	sdelay $0x1  }
0xa1: {  	s23 =	simm.s32 $0x1B8B  }
0xa2: {  	_ =	swait.ge [sflag:s23], $0x1  }
0xa3: {  	[sflag:s23] =	ssyncset.done $0x0  }
0xa4: {  	s25 =	simm.s32 $0x1B8E;
	s24 =	sld [smem:$0x3FFE];
	[sflag:s23] =	ssyncadd.s32 $0xFFFFFFFF  }
0xa5: {  	s26 =	simm.s32 $execute0_lowered;
	[smem:$0x3FD2] =	sst s25  }
0xa6: {  	s4 =	sshll.u32 s26, $0x1;
	_ =	strace $0x80000046;
	[dreg:$0x1] =	wrdreg $0xFFFFFFFF  }
0xa7: {  	s28 =	simm.s32 $_size_execute0_lowered;
	s2 =	sadd.s32 s2, s4;
	[dreg:$0x0] =	wrdreg $0x0  }
0xa8: {  	s4 =	sshll.u32 s28, $0x1;
	[dreg:$0x2] =	wrdreg s2  }
0xa9: {  	[dreg:$0x3] =	wrdreg s4  }
0xaa: {  	[dreg:$0x4] =	wrdreg $0xC0  }
0xab: {  	_ =	task [dreg:s6], $0x5FFFF  }
0xac: {  	[dreg:$0x1] =	wrdreg $0xFFFFFFFF  }
0xad: {  	[dreg:$0x0] =	wrdreg $0x60  }
0xae: {  	[dreg:$0x2] =	wrdreg s24  }
0xaf: {  	[dreg:$0x3] =	wrdreg $0x11FD00  }
0xb0: {  	[dreg:$0x4] =	wrdreg $0x7FD00  }
0xb1: {  	[dreg:$0x5] =	wrdreg $0x9  }
0xb2: {  	_ =	task.clear_ibuf [dreg:s6], $0x6FFFF;
	_ =	strace $0x90000046  }
0xb3: {  	s29 =	simm.s32 $0x9;
	_ =	strace $0x80000048  }
0xb4: {  	_ =	swait.ge [sflag:s29], $0x1  }
0xb5: {  	[sflag:s29] =	ssyncadd.s32 $0xFFFFFFFF  }
0xb6: {  	_ =	strace $0x90000048  }
0xb7: {  	_ =	sfence  }
0xb8: {  	s30 =	sld [smem:$0x0];
	_ =	sdelay $0x2  }
0xb9: {  	s31 =	sshll.u32 s1, $0xD;
	s1 =	sshrl.u32 s1, $0x2  }
0xba: {  	s3 =	sand.u32 $0x4000, s31;
	s1 =	sadd.s32 s1, s30  }
0xbb: {  	s0 =	sor.u32 s3, s0;
	s1 =	sshll.u32 s1, $0x11  }
0xbc: {  	s0 =	sor.u32 s1, s0  }
0xbd: {  	s0 =	sadd.s32 $0x8F2B, s0  }
0xbe: {  	[sflag:s0] =	ssyncadd.remote.s32 $0x1  }
0xbf: {  	_ =	sfence.sel $0xFFFF  }
0xc0: {  	[dreg:$0x0] =	wrdreg $0xFFFFFFFF;
	(pc) =	sbr.abs _section_cstart, $3  }
0xc1: {  	[dreg:$0x1] =	wrdreg $0xFFFFFFFF  }
0xc2: {  	_ =	task.clear_ibuf [dreg:s6], $0x2FFFF;
	_ =	strace $0x9FFFFFFF  }
0xc3: {  	(tm) =	ssettm $0x7FFFFFFF  }
tec
execute0_lowered:
.L_overlay_start_1:
0x0: {  	(tag) =	ssettag $0x1  }
0x1: {  	s0 =	rddreg [dreg:$0x0]  }
0x2: {  	s1 =	srdreg.scid;
	s2 =	rddreg [dreg:$0x1]  }
0x3: {  	s13 =	stileid.u32;
	s3 =	rddreg [dreg:$0x2]  }
0x4: {  	s28 =	simm.s32 $0x7000;
	s29 =	simm.s32 $0x9;
	s30 =	simm.s32 $0x77D0  }
0x5: {  	s31 =	simm.s32 $0x5;
	s1 =	sand.u32 $0x1, s1;
	s4 =	sshll.u32 s13, $0x1  }
0x6: {  	s8 =	smul.u32 $0x280, s13;
	s6 =	sadd.s32 $0x40E00, s0;
	s10 =	sadd.s32 $0x68600, s0  }
0x7: {  	s20 =	sadd.s32 $0x68400, s0;
	s21 =	sadd.s32 $0x68200, s0;
	s24 =	smul.u32 $0xA000, s13  }
0x8: {  	s13 =	smul.u32 $0x28000, s13;
	s5 =	sor.u32 s1, s4;
	s4 =	simm.s32 $0x0  }
0x9: {  	s9 =	smul.u32 $0x2800, s1;
	s1 =	ssub.s32 $0x2, s1;
	[smem:$0x7FF] =	sst s4  }
0xa: {  	s7 =	smul.u32 $0x500, s5;
	_ =	strace $0x80000047;
	[dreg:$0x4] =	wrdreg s10  }
0xb: {  	s5 =	sadd.s32 $0x54800, s0;
	s23 =	sshrl.u32 s1, $0x1;
	[dreg:$0x5] =	wrdreg s20  }
0xc: {  	[dreg:$0x6] =	wrdreg s21;
	s9 =	sadd.s32 s8, s9;
	s1 =	ssub.s32 s1, s23  }
0xd: {  	s8 =	sshll.u32 s8, $0x6;
	s20 =	sshrl.u32 s13, $0x2;
	s13 =	simm.s32 $0x4  }
0xe: {  	s7 =	sadd.s32 s7, s0;
	s22 =	sshll.u32 s9, $0x3;
	s9 =	sshll.u32 s9, $0x1  }
0xf: {  	s25 =	sadd.s32 $0x2000, s8;
	s12 =	sadd.s32 $0x4000, s8;
	s16 =	sadd.s32 $0x6000, s8  }
0x10: {  	s8 =	sadd.s32 $0x8000, s8;
	s17 =	sadd.s32 s20, s3;
	s10 =	sadd.s32 s22, s0  }
0x11: {  	s0 =	sadd.s32 s9, s0;
	s11 =	sadd.s32 $0xFC00, s7;
	s7 =	sadd.s32 $0x5C00, s7  }
0x12: {  	s9 =	sshrl.u32 s24, $0x2;
	s26 =	sshrl.u32 s25, $0x2;
	[dreg:$0x7] =	wrdreg s11  }
0x13: {  	s15 =	sshrl.u32 s12, $0x2;
	s21 =	sadd.s32 s12, s3;
	[dreg:$0x8] =	wrdreg s7  }
0x14: {  	s18 =	sshrl.u32 s16, $0x2;
	s22 =	sadd.s32 s16, s3;
	[dreg:$0xf] =	wrdreg s21  }
0x15: {  	s23 =	sadd.s32 s8, s3;
	s16 =	simm.s32 $0x0;
	[dreg:$0x10] =	wrdreg s22  }
0x16: {  	s9 =	sadd.s32 s9, s2;
	s14 =	sadd.s32 s26, s2;
	[dreg:$0x11] =	wrdreg s23  }
0x17: {  	s7 =	sadd.s32 s25, s3;
	s24 =	sadd.s32 $0x90A00, s10;
	[dreg:$0x9] =	wrdreg s9  }
0x18: {  	s0 =	sadd.s32 $0xB8A00, s0;
	s25 =	sadd.s32 $0x68A00, s10;
	[dreg:$0xa] =	wrdreg s14  }
0x19: {  	s26 =	smax.u32 s1, $0x1;
	s1 =	simm.s32 $0x6;
	[dreg:$0xe] =	wrdreg s7  }
0x1a: {  	s10 =	simm.s32 $0x2;
	s11 =	simm.s32 $0x3;
	[dreg:$0x12] =	wrdreg s24  }
0x1b: {  	s22 =	simm.s32 $0x16710;
	s23 =	simm.s32 $0x1A590;
	[dreg:$0x13] =	wrdreg s0  }
0x1c: {  	s9 =	sadd.s32 s15, s2;
	s14 =	sshrl.u32 s8, $0x2;
	[dreg:$0x14] =	wrdreg s25  }
.Ltmp0:
0x1d: {  	[dreg:$0x15] =	wrdreg s26;
	s0 =	simm.s32 $0x7;
	(pc) =	sbr.rel .LBB2_1-.Ltmp0, $4  }
0x1e: {  	s7 =	simm.s32 $0x8;
	s8 =	simm.s32 $0x5000;
	s15 =	simm.s32 $0x147D0  }
0x1f: {  	s24 =	simm.s32 $0x18650;
	[dreg:$0xb] =	wrdreg s9;
	s9 =	sadd.s32 s18, s2  }
0x20: {  	s26 =	simm.s32 $0x2900;
	s19 =	sadd.s32 s14, s2;
	[dreg:$0xc] =	wrdreg s9  }
0x21: {  	s14 =	simm.s32 $0x7D;
	[dreg:$0xd] =	wrdreg s19;
	s9 =	simm.s32 $0x1  }
.LBB2_7:
0x22: {  	_ =	swait.ge [sflag:s13], $0x1F40  }
0x23: {  	[sflag:s13] =	ssyncset.done $0x0  }
0x24: {  	[sflag:s13] =	ssyncadd.s32 $0xFFFFE0C0  }
0x25: {  	[spmem:s3] =	stream.indirect.scatter.add.f32 [tilespmem:s23], [sflag:$0x8], $0x40, s20, s14, $0xb8;
	[tilespmem:$0x1C4D0] =	vst v63  }
0x26: {  	_ =	swait.ge [sflag:s1], $0x1F40  }
0x27: {  	[sflag:s1] =	ssyncset.done $0x0  }
0x28: {  	[sflag:s1] =	ssyncadd.s32 $0xFFFFE0C0  }
0x29: {  	_ =	swait.ge [sflag:s0], $0x1F40  }
0x2a: {  	[sflag:s0] =	ssyncset.done $0x0  }
0x2b: {  	[sflag:s0] =	ssyncadd.s32 $0xFFFFE0C0  }
0x2c: {  	_ =	swait.ge [sflag:s7], $0x1F40  }
0x2d: {  	[sflag:s7] =	ssyncset.done $0x0  }
0x2e: {  	[sflag:s7] =	ssyncadd.s32 $0xFFFFE0C0  }
0x2f: {  	[bflag:$0x0] =	sbarrier.arrive $0xFFFF  }
0x30: {  	s18 =	rddreg [dreg:$0x14]  }
0x31: {  	[hbm:s18], [sflag:s25] =	dma.local [spmem:s12], $0x1400  }
0x32: {  	_ =	swait.ge [sflag:s29], $0x1400  }
0x33: {  	s16 =	sadd.s32 $0x1, s16;
	s25 =	rddreg [dreg:$0x15]  }
0x34: {  	p0 =	sne.s32 s16, s25  }
.Ltmp1:
0x35: {  	_ = 	snop;
	(pc) =	sbr.rel @!p0 .LBB2_8-.Ltmp1, $3  }
0x36: {  	[sflag:s29] =	ssyncset.done $0x0  }
0x37: {  	[sflag:s29] =	ssyncadd.s32 $0xFFFFEC00  }
0x38: {  	[bflag:$0x0] =	sbarrier.arrive $0xFFFF;
	_ =	sdelay $0x1  }
.LBB2_1:
0x39: {  	s12 =	rddreg [dreg:$0x7]  }
0x3a: {  	[tilespmem:s4], [sflag:$0x1] =	stream.linear.gather [hbm4b:s12+s4], $0x2800, $0x38;
	[tilespmem:$0x1C4D0] =	vst v63  }
0x3b: {  	s25 =	rddreg [dreg:$0x8];
	s18 =	simm.s32 $0x2800  }
0x3c: {  	[tilespmem:s18], [sflag:$0x2] =	stream.linear.gather [hbm4b:s25+s4], $0x2800, $0x38;
	[tilespmem:$0x1C4D0] =	vst v63  }
0x3d: {  	s19 =	rddreg [dreg:$0x6]  }
0x3e: {  	[tilespmem:s28], [sflag:$0x9] =	stream.linear.gather [hbm4b:s19+s4], $0x7D0, $0x38;
	[tilespmem:$0x1C4D0] =	vst v63  }
0x3f: {  	_ =	swait.ge [sflag:s29], $0x7D0  }
0x40: {  	[sflag:s29] =	ssyncset.done $0x0  }
0x41: {  	s20 =	rddreg [dreg:$0x5];
	[sflag:s29] =	ssyncadd.s32 $0xFFFFF830  }
0x42: {  	[tilespmem:s30], [sflag:$0x9] =	stream.linear.gather [hbm4b:s20+s4], $0x800, $0x38;
	[tilespmem:$0x1C4D0] =	vst v63  }
0x43: {  	_ =	swait.ge [sflag:s29], $0x800  }
0x44: {  	[sflag:s29] =	ssyncset.done $0x0  }
0x45: {  	s21 =	rddreg [dreg:$0x9];
	[sflag:s29] =	ssyncadd.s32 $0xFFFFF800  }
0x46: {  	[spmem:s21] =	stream.linear.scatter [tilespmem:s30], [sflag:$0x5], $0x800, $0x38;
	[tilespmem:$0x1C4D0] =	vst v63  }
0x47: {  	s25 =	rddreg [dreg:$0xa]  }
0x48: {  	[spmem:s25] =	stream.linear.scatter [tilespmem:s30], [sflag:$0x6], $0x800, $0x38;
	[tilespmem:$0x1C4D0] =	vst v63  }
0x49: {  	s19 =	rddreg [dreg:$0xb]  }
0x4a: {  	[spmem:s19] =	stream.linear.scatter [tilespmem:s30], [sflag:$0x7], $0x800, $0x38;
	[tilespmem:$0x1C4D0] =	vst v63  }
0x4b: {  	s20 =	rddreg [dreg:$0xc]  }
0x4c: {  	[spmem:s20] =	stream.linear.scatter [tilespmem:s30], [sflag:$0x8], $0x800, $0x38;
	[tilespmem:$0x1C4D0] =	vst v63  }
0x4d: {  	s21 =	rddreg [dreg:$0xd]  }
0x4e: {  	[spmem:s21] =	stream.linear.scatter [tilespmem:s30], [sflag:$0x5], $0x800, $0x38;
	[tilespmem:$0x1C4D0] =	vst v63  }
0x4f: {  	_ =	swait.ge [sflag:s31], $0x800  }
0x50: {  	[sflag:s31] =	ssyncset.done $0x0  }
0x51: {  	[sflag:s31] =	ssyncadd.s32 $0xFFFFF800  }
0x52: {  	_ =	swait.ge [sflag:s1], $0x800  }
0x53: {  	[sflag:s1] =	ssyncset.done $0x0  }
0x54: {  	[sflag:s1] =	ssyncadd.s32 $0xFFFFF800  }
0x55: {  	_ =	swait.ge [sflag:s0], $0x800  }
0x56: {  	[sflag:s0] =	ssyncset.done $0x0  }
0x57: {  	[sflag:s0] =	ssyncadd.s32 $0xFFFFF800  }
0x58: {  	_ =	swait.ge [sflag:s7], $0x800  }
0x59: {  	[sflag:s7] =	ssyncset.done $0x0  }
0x5a: {  	[sflag:s7] =	ssyncadd.s32 $0xFFFFF800  }
0x5b: {  	_ =	swait.ge [sflag:s31], $0x800  }
0x5c: {  	[sflag:s31] =	ssyncset.done $0x0  }
0x5d: {  	s25 =	rddreg [dreg:$0x4];
	[sflag:s31] =	ssyncadd.s32 $0xFFFFF800  }
0x5e: {  	[tilespmem:s8], [sflag:$0x9] =	stream.linear.gather [hbm4b:s25+s4], $0x2000, $0x38;
	[tilespmem:$0x1C4D0] =	vst v63  }
0x5f: {  	_ =	swait.ge [sflag:s29], $0x2000  }
0x60: {  	[sflag:s29] =	ssyncset.done $0x0  }
0x61: {  	[sflag:s29] =	ssyncadd.s32 $0xFFFFE000  }
0x62: {  	_ =	swait.ge [sflag:s9], $0x2800  }
0x63: {  	[sflag:s9] =	ssyncset.done $0x0  }
0x64: {  	[sflag:s9] =	ssyncadd.s32 $0xFFFFD800  }
0x65: {  	_ =	swait.ge [sflag:s10], $0x2800  }
0x66: {  	[sflag:s10] =	ssyncset.done $0x0  }
0x67: {  	[sflag:s10] =	ssyncadd.s32 $0xFFFFD800  }
0x68: {  	[spmem:s17] =	stream.linear.scatter [tilespmem:s8], [sflag:$0x1], $0x2000, $0x38;
	[tilespmem:$0x1C4D0] =	vst v63  }
0x69: {  	s19 =	rddreg [dreg:$0xe]  }
0x6a: {  	[spmem:s19] =	stream.linear.scatter [tilespmem:s8], [sflag:$0x2], $0x2000, $0x38;
	[tilespmem:$0x1C4D0] =	vst v63  }
0x6b: {  	s20 =	rddreg [dreg:$0xf]  }
0x6c: {  	[spmem:s20] =	stream.linear.scatter [tilespmem:s8], [sflag:$0x3], $0x2000, $0x38;
	[tilespmem:$0x1C4D0] =	vst v63  }
0x6d: {  	s21 =	rddreg [dreg:$0x10]  }
0x6e: {  	[spmem:s21] =	stream.linear.scatter [tilespmem:s8], [sflag:$0x4], $0x2000, $0x38;
	[tilespmem:$0x1C4D0] =	vst v63  }
0x6f: {  	s25 =	rddreg [dreg:$0x11]  }
0x70: {  	[spmem:s25] =	stream.linear.scatter [tilespmem:s8], [sflag:$0x1], $0x2000, $0x38;
	[tilespmem:$0x1C4D0] =	vst v63  }
0x71: {  	_ =	swait.ge [sflag:s9], $0x2000  }
0x72: {  	[sflag:s9] =	ssyncset.done $0x0  }
0x73: {  	[sflag:s9] =	ssyncadd.s32 $0xFFFFE000  }
0x74: {  	_ =	swait.ge [sflag:s10], $0x2000  }
0x75: {  	[sflag:s10] =	ssyncset.done $0x0  }
0x76: {  	[sflag:s10] =	ssyncadd.s32 $0xFFFFE000  }
0x77: {  	_ =	swait.ge [sflag:s11], $0x2000  }
0x78: {  	[sflag:s11] =	ssyncset.done $0x0  }
0x79: {  	[sflag:s11] =	ssyncadd.s32 $0xFFFFE000  }
0x7a: {  	_ =	swait.ge [sflag:s13], $0x2000  }
0x7b: {  	[sflag:s13] =	ssyncset.done $0x0  }
0x7c: {  	[sflag:s13] =	ssyncadd.s32 $0xFFFFE000  }
0x7d: {  	_ =	swait.ge [sflag:s9], $0x2000  }
0x7e: {  	[sflag:s9] =	ssyncset.done $0x0  }
0x7f: {  	[sflag:s9] =	ssyncadd.s32 $0xFFFFE000  }
0x80: {  	[bflag:$0x0] =	sbarrier.arrive $0xFFFF  }
0x81: {  	[tilespmem:s15], [sflag:$0x1] =	stream.indirect.gather [hbm4b:s5+s14], $0x40, s4, s14, $0xb8;
	[tilespmem:$0x1C4D0] =	vst v63  }
0x82: {  	s19 =	simm.s32 $0x80  }
0x83: {  	[tilespmem:s22], [sflag:$0x2] =	stream.indirect.gather [hbm4b:s5+s14], $0x40, s19, s14, $0xb8;
	[tilespmem:$0x1C4D0] =	vst v63  }
0x84: {  	_ =	swait.ge [sflag:s9], $0x1F40  }
0x85: {  	[sflag:s9] =	ssyncset.done $0x0  }
0x86: {  	[sflag:s9] =	ssyncadd.s32 $0xFFFFE0C0  }
0x87: {  	[spmem:s3] =	stream.indirect.scatter.add.f32 [tilespmem:s15], [sflag:$0x5], $0x40, s18, s14, $0xb8;
	[tilespmem:$0x1C4D0] =	vst v63  }
0x88: {  	_ = 	snop  }
0x89: {  	[spmem:s2] =	stream.indirect.scatter.add.f32 [tilespmem:s28], [sflag:$0x9], $0x10, s18, s14, $0xb8;
	[tilespmem:$0x1C4D0] =	vst v63  }
0x8a: {  	_ =	swait.ge [sflag:s29], $0x7D0  }
0x8b: {  	[sflag:s29] =	ssyncset.done $0x0  }
0x8c: {  	s20 =	simm.s32 $0x100;
	[sflag:s29] =	ssyncadd.s32 $0xFFFFF830  }
0x8d: {  	[tilespmem:s24], [sflag:$0x3] =	stream.indirect.gather [hbm4b:s5+s14], $0x40, s20, s14, $0xb8;
	[tilespmem:$0x1C4D0] =	vst v63  }
0x8e: {  	_ =	swait.ge [sflag:s10], $0x1F40  }
0x8f: {  	[sflag:s10] =	ssyncset.done $0x0  }
0x90: {  	s21 =	simm.s32 $0x2880;
	[sflag:s10] =	ssyncadd.s32 $0xFFFFE0C0  }
0x91: {  	[spmem:s3] =	stream.indirect.scatter.add.f32 [tilespmem:s22], [sflag:$0x6], $0x40, s21, s14, $0xb8;
	[tilespmem:$0x1C4D0] =	vst v63  }
0x92: {  	_ = 	snop  }
0x93: {  	[spmem:s2] =	stream.indirect.scatter.add.f32 [tilespmem:s28], [sflag:$0x9], $0x10, s21, s14, $0xb8;
	[tilespmem:$0x1C4D0] =	vst v63  }
0x94: {  	_ =	swait.ge [sflag:s29], $0x7D0  }
0x95: {  	[sflag:s29] =	ssyncset.done $0x0  }
0x96: {  	s25 =	simm.s32 $0x180;
	[sflag:s29] =	ssyncadd.s32 $0xFFFFF830  }
0x97: {  	[tilespmem:s23], [sflag:$0x4] =	stream.indirect.gather [hbm4b:s5+s14], $0x40, s25, s14, $0xb8;
	[tilespmem:$0x1C4D0] =	vst v63  }
0x98: {  	_ =	swait.ge [sflag:s11], $0x1F40  }
0x99: {  	[sflag:s11] =	ssyncset.done $0x0  }
0x9a: {  	s18 =	simm.s32 $0x2900;
	[sflag:s11] =	ssyncadd.s32 $0xFFFFE0C0  }
0x9b: {  	[spmem:s3] =	stream.indirect.scatter.add.f32 [tilespmem:s24], [sflag:$0x7], $0x40, s18, s14, $0xb8;
	[tilespmem:$0x1C4D0] =	vst v63  }
0x9c: {  	_ = 	snop  }
0x9d: {  	[spmem:s2] =	stream.indirect.scatter.add.f32 [tilespmem:s28], [sflag:$0x9], $0x10, s18, s14, $0xb8;
	[tilespmem:$0x1C4D0] =	vst v63  }
0x9e: {  	_ =	swait.ge [sflag:s29], $0x7D0  }
0x9f: {  	[sflag:s29] =	ssyncset.done $0x0  }
0xa0: {  	[sflag:s29] =	ssyncadd.s32 $0xFFFFF830  }
0xa1: {  	_ =	swait.ge [sflag:s31], $0x1F40  }
0xa2: {  	[sflag:s31] =	ssyncset.done $0x0  }
0xa3: {  	s19 =	simm.s32 $0x200;
	[sflag:s31] =	ssyncadd.s32 $0xFFFFE0C0  }
0xa4: {  	[tilespmem:s15], [sflag:$0x1] =	stream.indirect.gather [hbm4b:s5+s14], $0x40, s19, s14, $0xb8;
	[tilespmem:$0x1C4D0] =	vst v63  }
0xa5: {  	_ =	swait.ge [sflag:s13], $0x1F40  }
0xa6: {  	[sflag:s13] =	ssyncset.done $0x0  }
0xa7: {  	s20 =	simm.s32 $0x2980;
	[sflag:s13] =	ssyncadd.s32 $0xFFFFE0C0  }
0xa8: {  	[spmem:s3] =	stream.indirect.scatter.add.f32 [tilespmem:s23], [sflag:$0x8], $0x40, s20, s14, $0xb8;
	[tilespmem:$0x1C4D0] =	vst v63  }
0xa9: {  	_ = 	snop  }
0xaa: {  	[spmem:s2] =	stream.indirect.scatter.add.f32 [tilespmem:s28], [sflag:$0x9], $0x10, s20, s14, $0xb8;
	[tilespmem:$0x1C4D0] =	vst v63  }
0xab: {  	_ =	swait.ge [sflag:s29], $0x7D0  }
0xac: {  	[sflag:s29] =	ssyncset.done $0x0  }
0xad: {  	[sflag:s29] =	ssyncadd.s32 $0xFFFFF830  }
0xae: {  	_ =	swait.ge [sflag:s1], $0x1F40  }
0xaf: {  	s12 =	simm.s32 $0x0;
	[sflag:s1] =	ssyncset.done $0x0  }
0xb0: {  	s21 =	simm.s32 $0x2980;
	s25 =	simm.s32 $0x280;
	[sflag:s1] =	ssyncadd.s32 $0xFFFFE0C0  }
0xb1: {  	[tilespmem:s22], [sflag:$0x2] =	stream.indirect.gather [hbm4b:s5+s14], $0x40, s25, s14, $0xb8;
	[tilespmem:$0x1C4D0] =	vst v63  }
.LBB2_2:
0xb2: {  	_ =	swait.ge [sflag:s9], $0x1F40  }
0xb3: {  	s18 =	sshra.s32 s12, $0x2;
	[sflag:s9] =	ssyncset.done $0x0  }
0xb4: {  	s19 =	sadd.s32 $0x2A00, s18;
	[sflag:s9] =	ssyncadd.s32 $0xFFFFE0C0  }
0xb5: {  	[spmem:s3] =	stream.indirect.scatter.add.f32 [tilespmem:s15], [sflag:$0x5], $0x40, s19, s14, $0xb8;
	[tilespmem:$0x1C4D0] =	vst v63  }
0xb6: {  	_ = 	snop  }
0xb7: {  	[spmem:s2] =	stream.indirect.scatter.add.f32 [tilespmem:s28], [sflag:$0x9], $0x10, s19, s14, $0xb8;
	[tilespmem:$0x1C4D0] =	vst v63  }
0xb8: {  	_ =	swait.ge [sflag:s29], $0x7D0  }
0xb9: {  	[sflag:s29] =	ssyncset.done $0x0  }
0xba: {  	[sflag:s29] =	ssyncadd.s32 $0xFFFFF830  }
0xbb: {  	_ =	swait.ge [sflag:s0], $0x1F40  }
0xbc: {  	[sflag:s0] =	ssyncset.done $0x0  }
0xbd: {  	s25 =	sadd.s32 $0x300, s18;
	[sflag:s0] =	ssyncadd.s32 $0xFFFFE0C0  }
0xbe: {  	[tilespmem:s24], [sflag:$0x3] =	stream.indirect.gather [hbm4b:s5+s14], $0x40, s25, s14, $0xb8;
	[tilespmem:$0x1C4D0] =	vst v63  }
0xbf: {  	_ =	swait.ge [sflag:s10], $0x1F40  }
0xc0: {  	[sflag:s10] =	ssyncset.done $0x0  }
0xc1: {  	s20 =	sadd.s32 $0x2A80, s18;
	[sflag:s10] =	ssyncadd.s32 $0xFFFFE0C0  }
0xc2: {  	[spmem:s3] =	stream.indirect.scatter.add.f32 [tilespmem:s22], [sflag:$0x6], $0x40, s20, s14, $0xb8;
	[tilespmem:$0x1C4D0] =	vst v63  }
0xc3: {  	_ = 	snop  }
0xc4: {  	[spmem:s2] =	stream.indirect.scatter.add.f32 [tilespmem:s28], [sflag:$0x9], $0x10, s20, s14, $0xb8;
	[tilespmem:$0x1C4D0] =	vst v63  }
0xc5: {  	_ =	swait.ge [sflag:s29], $0x7D0  }
0xc6: {  	[sflag:s29] =	ssyncset.done $0x0  }
0xc7: {  	[sflag:s29] =	ssyncadd.s32 $0xFFFFF830  }
0xc8: {  	_ =	swait.ge [sflag:s7], $0x1F40  }
0xc9: {  	[sflag:s7] =	ssyncset.done $0x0  }
0xca: {  	s25 =	sadd.s32 $0x380, s18;
	[sflag:s7] =	ssyncadd.s32 $0xFFFFE0C0  }
0xcb: {  	[tilespmem:s23], [sflag:$0x4] =	stream.indirect.gather [hbm4b:s5+s14], $0x40, s25, s14, $0xb8;
	[tilespmem:$0x1C4D0] =	vst v63  }
0xcc: {  	_ =	swait.ge [sflag:s11], $0x1F40  }
0xcd: {  	[sflag:s11] =	ssyncset.done $0x0  }
0xce: {  	s20 =	sadd.s32 $0x2B00, s18;
	[sflag:s11] =	ssyncadd.s32 $0xFFFFE0C0  }
0xcf: {  	[spmem:s3] =	stream.indirect.scatter.add.f32 [tilespmem:s24], [sflag:$0x7], $0x40, s20, s14, $0xb8;
	[tilespmem:$0x1C4D0] =	vst v63  }
0xd0: {  	_ = 	snop  }
0xd1: {  	[spmem:s2] =	stream.indirect.scatter.add.f32 [tilespmem:s28], [sflag:$0x9], $0x10, s20, s14, $0xb8;
	[tilespmem:$0x1C4D0] =	vst v63  }
0xd2: {  	_ =	swait.ge [sflag:s29], $0x7D0  }
0xd3: {  	[sflag:s29] =	ssyncset.done $0x0  }
0xd4: {  	p0 =	seq.s32 s12, $0x9000;
	[sflag:s29] =	ssyncadd.s32 $0xFFFFF830  }
0xd5: {  	s19 =	sshra.s32 @!p0 s12, $0x2;
	_ =	swait.ge [sflag:s31], $0x1F40  }
0xd6: {  	s19 =	sadd.s32 @!p0 $0x400, s19;
	[sflag:s31] =	ssyncset.done $0x0  }
0xd7: {  	s25 =	simm.s32 @!p0 $0x147D0;
	s20 =	simm.s32 @!p0 $0x7D;
	[sflag:s31] =	ssyncadd.s32 $0xFFFFE0C0  }
0xd8: {  	[tilespmem:s25], [sflag:$0x1] =	stream.indirect.gather @!p0 [hbm4b:s5+s20], $0x40, s19, s20, $0xb8;
	[tilespmem:$0x1C4D0] =	vst v63  }
0xd9: {  	_ =	swait.ge [sflag:s13], $0x1F40  }
0xda: {  	[sflag:s13] =	ssyncset.done $0x0  }
0xdb: {  	s25 =	sadd.s32 $0x2B80, s18;
	[sflag:s13] =	ssyncadd.s32 $0xFFFFE0C0  }
0xdc: {  	[spmem:s3] =	stream.indirect.scatter.add.f32 [tilespmem:s23], [sflag:$0x8], $0x40, s25, s14, $0xb8;
	[tilespmem:$0x1C4D0] =	vst v63  }
0xdd: {  	_ = 	snop  }
0xde: {  	[spmem:s2] =	stream.indirect.scatter.add.f32 [tilespmem:s28], [sflag:$0x9], $0x10, s25, s14, $0xb8;
	[tilespmem:$0x1C4D0] =	vst v63  }
0xdf: {  	_ =	swait.ge [sflag:s29], $0x7D0  }
.Ltmp2:
0xe0: {  	[sflag:s29] =	ssyncset.done $0x0;
	(pc) =	sbr.rel @p0 .LBB2_4-.Ltmp2, $4  }
0xe1: {  	[sflag:s29] =	ssyncadd.s32 $0xFFFFF830  }
0xe2: {  	_ =	swait.ge [sflag:s1], $0x1F40  }
0xe3: {  	[sflag:s1] =	ssyncset.done $0x0  }
0xe4: {  	[sflag:s1] =	ssyncadd.s32 $0xFFFFE0C0  }
.Ltmp3:
0xe5: {  	(pc) =	sbr.rel .LBB2_2-.Ltmp3, $3  }
0xe6: {  	_ =	sdelay $0x1  }
0xe7: {  	s18 =	sadd.s32 $0x480, s18;
	s12 =	sadd.s32 $0x800, s12  }
0xe8: {  	[tilespmem:s22], [sflag:$0x2] =	stream.indirect.gather [hbm4b:s5+s14], $0x40, s18, s14, $0xb8;
	[tilespmem:$0x1C4D0] =	vst v63  }
.LBB2_4:
0xe9: {  	_ =	swait.ge [sflag:s0], $0x1F40  }
0xea: {  	[sflag:s0] =	ssyncset.done $0x0  }
0xeb: {  	[sflag:s0] =	ssyncadd.s32 $0xFFFFE0C0  }
0xec: {  	_ =	swait.ge [sflag:s7], $0x1F40  }
0xed: {  	[sflag:s7] =	ssyncset.done $0x0  }
0xee: {  	s12 =	stileid.u32;
	[sflag:s7] =	ssyncadd.s32 $0xFFFFE0C0  }
0xef: {  	s12 =	sshll.u32 s12, $0x6;
	[bflag:$0x0] =	sbarrier.arrive $0xFFFF  }
0xf0: {  	s25 =	sor.u32 $0x1C09, s12;
	s12 =	sshrl.u32 s17, $0x3;
	s18 =	rddreg [dreg:$0x12]  }
0xf1: {  	[hbm:s18], [sflag:s25] =	dma.local [spmem:s12], $0x1400  }
0xf2: {  	_ =	swait.ge [sflag:s29], $0x1400  }
0xf3: {  	[sflag:s29] =	ssyncset.done $0x0;
	s19 =	rddreg [dreg:$0x9]  }
0xf4: {  	[sflag:s29] =	ssyncadd.s32 $0xFFFFEC00;
	s18 =	sshrl.u32 s19, $0x3;
	s19 =	rddreg [dreg:$0x13]  }
0xf5: {  	[hbm:s19], [sflag:s25] =	dma.local [spmem:s18], $0x500  }
0xf6: {  	_ =	swait.ge [sflag:s29], $0x500  }
0xf7: {  	[sflag:s29] =	ssyncset.done $0x0  }
0xf8: {  	[sflag:s29] =	ssyncadd.s32 $0xFFFFFB00  }
0xf9: {  	[bflag:$0x0] =	sbarrier.arrive $0xFFFF  }
0xfa: {  	[spmem:s17] =	stream.linear.scatter [tilespmem:s8], [sflag:$0x1], $0x2000, $0x38;
	[tilespmem:$0x1C4D0] =	vst v63  }
0xfb: {  	s20 =	rddreg [dreg:$0xe]  }
0xfc: {  	[spmem:s20] =	stream.linear.scatter [tilespmem:s8], [sflag:$0x2], $0x2000, $0x38;
	[tilespmem:$0x1C4D0] =	vst v63  }
0xfd: {  	s19 =	rddreg [dreg:$0xf]  }
0xfe: {  	[spmem:s19] =	stream.linear.scatter [tilespmem:s8], [sflag:$0x3], $0x2000, $0x38;
	[tilespmem:$0x1C4D0] =	vst v63  }
0xff: {  	s20 =	rddreg [dreg:$0x10]  }
0x100: {  	[spmem:s20] =	stream.linear.scatter [tilespmem:s8], [sflag:$0x4], $0x2000, $0x38;
	[tilespmem:$0x1C4D0] =	vst v63  }
0x101: {  	s19 =	rddreg [dreg:$0x11]  }
0x102: {  	[spmem:s19] =	stream.linear.scatter [tilespmem:s8], [sflag:$0x1], $0x2000, $0x38;
	[tilespmem:$0x1C4D0] =	vst v63  }
0x103: {  	_ =	swait.ge [sflag:s9], $0x2000  }
0x104: {  	[sflag:s9] =	ssyncset.done $0x0  }
0x105: {  	[sflag:s9] =	ssyncadd.s32 $0xFFFFE000  }
0x106: {  	_ =	swait.ge [sflag:s10], $0x2000  }
0x107: {  	[sflag:s10] =	ssyncset.done $0x0  }
0x108: {  	[sflag:s10] =	ssyncadd.s32 $0xFFFFE000  }
0x109: {  	_ =	swait.ge [sflag:s11], $0x2000  }
0x10a: {  	[sflag:s11] =	ssyncset.done $0x0  }
0x10b: {  	[sflag:s11] =	ssyncadd.s32 $0xFFFFE000  }
0x10c: {  	_ =	swait.ge [sflag:s13], $0x2000  }
0x10d: {  	[sflag:s13] =	ssyncset.done $0x0  }
0x10e: {  	[sflag:s13] =	ssyncadd.s32 $0xFFFFE000  }
0x10f: {  	_ =	swait.ge [sflag:s9], $0x2000  }
0x110: {  	[sflag:s9] =	ssyncset.done $0x0  }
0x111: {  	[sflag:s9] =	ssyncadd.s32 $0xFFFFE000  }
0x112: {  	s18 =	simm.s32 $0x0;
	[bflag:$0x0] =	sbarrier.arrive $0xFFFF  }
0x113: {  	[tilespmem:s15], [sflag:$0x1] =	stream.indirect.gather [hbm4b:s6+s14], $0x40, s18, s14, $0xb8;
	[tilespmem:$0x1C4D0] =	vst v63  }
0x114: {  	s20 =	simm.s32 $0x80  }
0x115: {  	[tilespmem:s22], [sflag:$0x2] =	stream.indirect.gather [hbm4b:s6+s14], $0x40, s20, s14, $0xb8;
	[tilespmem:$0x1C4D0] =	vst v63  }
0x116: {  	_ =	swait.ge [sflag:s9], $0x1F40  }
0x117: {  	[sflag:s9] =	ssyncset.done $0x0  }
0x118: {  	s20 =	simm.s32 $0x2800;
	[sflag:s9] =	ssyncadd.s32 $0xFFFFE0C0  }
0x119: {  	[spmem:s3] =	stream.indirect.scatter.add.f32 [tilespmem:s15], [sflag:$0x5], $0x40, s20, s14, $0xb8;
	[tilespmem:$0x1C4D0] =	vst v63  }
0x11a: {  	s20 =	simm.s32 $0x100  }
0x11b: {  	[tilespmem:s24], [sflag:$0x3] =	stream.indirect.gather [hbm4b:s6+s14], $0x40, s20, s14, $0xb8;
	[tilespmem:$0x1C4D0] =	vst v63  }
0x11c: {  	_ =	swait.ge [sflag:s10], $0x1F40  }
0x11d: {  	[sflag:s10] =	ssyncset.done $0x0  }
0x11e: {  	s20 =	simm.s32 $0x2880;
	[sflag:s10] =	ssyncadd.s32 $0xFFFFE0C0  }
0x11f: {  	[spmem:s3] =	stream.indirect.scatter.add.f32 [tilespmem:s22], [sflag:$0x6], $0x40, s20, s14, $0xb8;
	[tilespmem:$0x1C4D0] =	vst v63  }
0x120: {  	s20 =	simm.s32 $0x180  }
0x121: {  	[tilespmem:s23], [sflag:$0x4] =	stream.indirect.gather [hbm4b:s6+s14], $0x40, s20, s14, $0xb8;
	[tilespmem:$0x1C4D0] =	vst v63  }
0x122: {  	_ =	swait.ge [sflag:s11], $0x1F40  }
0x123: {  	[sflag:s11] =	ssyncset.done $0x0  }
0x124: {  	[sflag:s11] =	ssyncadd.s32 $0xFFFFE0C0  }
0x125: {  	[spmem:s3] =	stream.indirect.scatter.add.f32 [tilespmem:s24], [sflag:$0x7], $0x40, s26, s14, $0xb8;
	[tilespmem:$0x1C4D0] =	vst v63  }
0x126: {  	_ =	swait.ge [sflag:s31], $0x1F40  }
0x127: {  	[sflag:s31] =	ssyncset.done $0x0  }
0x128: {  	s20 =	simm.s32 $0x200;
	[sflag:s31] =	ssyncadd.s32 $0xFFFFE0C0  }
0x129: {  	[tilespmem:s15], [sflag:$0x1] =	stream.indirect.gather [hbm4b:s6+s14], $0x40, s20, s14, $0xb8;
	[tilespmem:$0x1C4D0] =	vst v63  }
0x12a: {  	_ =	swait.ge [sflag:s13], $0x1F40  }
0x12b: {  	[sflag:s13] =	ssyncset.done $0x0  }
0x12c: {  	[sflag:s13] =	ssyncadd.s32 $0xFFFFE0C0  }
0x12d: {  	[spmem:s3] =	stream.indirect.scatter.add.f32 [tilespmem:s23], [sflag:$0x8], $0x40, s21, s14, $0xb8;
	[tilespmem:$0x1C4D0] =	vst v63  }
0x12e: {  	_ =	swait.ge [sflag:s1], $0x1F40  }
0x12f: {  	[sflag:s1] =	ssyncset.done $0x0  }
0x130: {  	s21 =	simm.s32 $0x280;
	[sflag:s1] =	ssyncadd.s32 $0xFFFFE0C0  }
0x131: {  	[tilespmem:s22], [sflag:$0x2] =	stream.indirect.gather [hbm4b:s6+s14], $0x40, s21, s14, $0xb8;
	[tilespmem:$0x1C4D0] =	vst v63  }
.LBB2_5:
0x132: {  	_ =	swait.ge [sflag:s9], $0x1F40  }
0x133: {  	s19 =	sshra.s32 s18, $0x2;
	[sflag:s9] =	ssyncset.done $0x0  }
0x134: {  	s20 =	sadd.s32 $0x2A00, s19;
	[sflag:s9] =	ssyncadd.s32 $0xFFFFE0C0  }
0x135: {  	[spmem:s3] =	stream.indirect.scatter.add.f32 [tilespmem:s15], [sflag:$0x5], $0x40, s20, s14, $0xb8;
	[tilespmem:$0x1C4D0] =	vst v63  }
0x136: {  	_ =	swait.ge [sflag:s0], $0x1F40  }
0x137: {  	[sflag:s0] =	ssyncset.done $0x0  }
0x138: {  	s21 =	sadd.s32 $0x300, s19;
	[sflag:s0] =	ssyncadd.s32 $0xFFFFE0C0  }
0x139: {  	[tilespmem:s24], [sflag:$0x3] =	stream.indirect.gather [hbm4b:s6+s14], $0x40, s21, s14, $0xb8;
	[tilespmem:$0x1C4D0] =	vst v63  }
0x13a: {  	_ =	swait.ge [sflag:s10], $0x1F40  }
0x13b: {  	[sflag:s10] =	ssyncset.done $0x0  }
0x13c: {  	s21 =	sadd.s32 $0x2A80, s19;
	[sflag:s10] =	ssyncadd.s32 $0xFFFFE0C0  }
0x13d: {  	[spmem:s3] =	stream.indirect.scatter.add.f32 [tilespmem:s22], [sflag:$0x6], $0x40, s21, s14, $0xb8;
	[tilespmem:$0x1C4D0] =	vst v63  }
0x13e: {  	_ =	swait.ge [sflag:s7], $0x1F40  }
0x13f: {  	[sflag:s7] =	ssyncset.done $0x0  }
0x140: {  	s21 =	sadd.s32 $0x380, s19;
	[sflag:s7] =	ssyncadd.s32 $0xFFFFE0C0  }
0x141: {  	[tilespmem:s23], [sflag:$0x4] =	stream.indirect.gather [hbm4b:s6+s14], $0x40, s21, s14, $0xb8;
	[tilespmem:$0x1C4D0] =	vst v63  }
0x142: {  	_ =	swait.ge [sflag:s11], $0x1F40  }
0x143: {  	p0 =	seq.s32 s18, $0x9000;
	[sflag:s11] =	ssyncset.done $0x0  }
.Ltmp4:
0x144: {  	s21 =	sadd.s32 $0x2B00, s19;
	[sflag:s11] =	ssyncadd.s32 $0xFFFFE0C0;
	(pc) =	sbr.rel @p0 .LBB2_7-.Ltmp4, $4  }
0x145: {  	[spmem:s3] =	stream.indirect.scatter.add.f32 [tilespmem:s24], [sflag:$0x7], $0x40, s21, s14, $0xb8;
	[tilespmem:$0x1C4D0] =	vst v63  }
0x146: {  	_ =	swait.ge [sflag:s31], $0x1F40  }
0x147: {  	[sflag:s31] =	ssyncset.done $0x0  }
0x148: {  	s20 =	sadd.s32 $0x2B80, s19;
	[sflag:s31] =	ssyncadd.s32 $0xFFFFE0C0  }
0x149: {  	s21 =	sadd.s32 $0x400, s19  }
0x14a: {  	[tilespmem:s15], [sflag:$0x1] =	stream.indirect.gather [hbm4b:s6+s14], $0x40, s21, s14, $0xb8;
	[tilespmem:$0x1C4D0] =	vst v63  }
0x14b: {  	_ =	swait.ge [sflag:s13], $0x1F40  }
0x14c: {  	[sflag:s13] =	ssyncset.done $0x0  }
0x14d: {  	[sflag:s13] =	ssyncadd.s32 $0xFFFFE0C0  }
0x14e: {  	[spmem:s3] =	stream.indirect.scatter.add.f32 [tilespmem:s23], [sflag:$0x8], $0x40, s20, s14, $0xb8;
	[tilespmem:$0x1C4D0] =	vst v63  }
.Ltmp5:
0x14f: {  	_ = 	snop;
	(pc) =	sbr.rel .LBB2_5-.Ltmp5, $4  }
0x150: {  	_ =	swait.ge [sflag:s1], $0x1F40  }
0x151: {  	[sflag:s1] =	ssyncset.done $0x0  }
0x152: {  	s18 =	sadd.s32 $0x800, s18;
	s21 =	sadd.s32 $0x480, s19;
	[sflag:s1] =	ssyncadd.s32 $0xFFFFE0C0  }
0x153: {  	[tilespmem:s22], [sflag:$0x2] =	stream.indirect.gather [hbm4b:s6+s14], $0x40, s21, s14, $0xb8;
	[tilespmem:$0x1C4D0] =	vst v63  }
.LBB2_8:
0x154: {  	_ =	sfence.sel $0x180000  }
0x155: {  	[bflag:$0x0] =	sbarrier.arrive $0xFFFF  }
0x156: {  	_ =	strace $0x90000047  }
0x157: {  	s0 =	stileid.u32;
	[bflag:$0x2] =	sbarrier.arrive $0xFFFF  }
0x158: {  	p0 =	sne.s32 s0, $0x0;
	s0 =	rddreg [dreg:$0x3]  }
0x159: {  	s0 =	sadd.s32 @!p0 $0x100000, s0  }
0x15a: {  	[sflag:s0] =	ssyncadd.tile.s32 @!p0 $0x1;
	_ =	shalt  }
.Lfunc_end2:
_tile_overlayer_lowered:
.L_overlay_start_2:
0x15b: {  	(tag) =	ssettag $0x2  }
0x15c: {  	s0 =	rddreg [dreg:$0x0];
	s2 =	stileid.u32  }
0x15d: {  	s1 =	rddreg [dreg:$0x1];
	p0 =	sne.s32 s2, $0x0  }
0x15e: {  	s3 =	rddreg [dreg:$0x2];
	[bflag:$0x3] =	sbarrier.arrive $0xFFFF;
	s2 =	simm.s32 @!p0 $0x1C09  }
0x15f: {  	[timem:s3], [sflag:s2] =	dma.local @!p0 [hbm:s0], s1  }
0x160: {  	s0 =	simm.s32 @!p0 $0x9  }
0x161: {  	_ =	swait.ge @!p0 [sflag:s0], s1  }
0x162: {  	s1 =	ssub.s32 @!p0 $0x0, s1;
	[sflag:s0] =	ssyncset.done @!p0 $0x0  }
0x163: {  	[sflag:s0] =	ssyncadd.s32 @!p0 s1  }
0x164: {  	[bflag:$0x3] =	sbarrier.arrive $0xFFFF  }
0x165: {  	_ =	shalt  }

</sc_bundles>
